<compile_context>
chip_gen: v7x
topology: tpu7x:2x2x1
jax: 0.10.2.dev20260603
libtpu: 0.0.44.dev20260713+nightly
codegen_flags: <defaults>
</compile_context>

<pallas_src>
import functools

import jax
import jax.numpy as jnp
from jax import lax
from jax.experimental import pallas as pl
from jax.experimental.pallas import tpu as pltpu
from jax.experimental.pallas import tpu_sc as plsc

NW = 32
SPW = 512
NT = 50
NB = SPW // 128
K = NT * NB
P = 129


@functools.cache
def _build(S, T, V, D):
    mesh = plsc.VectorSubcoreMesh(core_axis_name="c", subcore_axis_name="s")

    @functools.partial(
        pl.kernel,
        out_type=jax.ShapeDtypeStruct((T, D // 8, S // 128, 8, 128), jnp.float32),
        mesh=mesh,
        scratch_types=[
            pltpu.VMEM((NT, SPW), jnp.int32),
            pltpu.VMEM((128, 32), jnp.float32),
            pltpu.VMEM((128, 32), jnp.float32),
            pltpu.VMEM((4, 8, P), jnp.float32),
            pltpu.VMEM((4, 8, P), jnp.float32),
            pltpu.SemaphoreType.DMA((2,)),
            pltpu.SemaphoreType.DMA((2,)),
        ],
        compiler_params=pltpu.CompilerParams(
            use_tc_tiling_on_sc=False, needs_layout_passes=False
        ),
    )
    def k(tbl, iT, y5, idxv, rows0, rows1, tr0, tr1, gsem, wsem):
        wid = lax.axis_index("s") * 2 + lax.axis_index("c")
        s0 = wid * SPW
        pltpu.sync_copy(iT.at[:, pl.ds(s0, SPW)], idxv)
        rows = (rows0, rows1)
        tr = (tr0, tr1)
        lane = lax.iota(jnp.int32, 16)
        dt_lo = lane // 8
        dt_hi = dt_lo + 2
        ds_v = lane % 8

        def fire_gather(kk, p):
            t = kk // NB
            b = kk % NB
            pltpu.async_copy(
                tbl.at[idxv.at[t, pl.ds(b * 128, 128)]], rows[p], gsem.at[p]
            )

        def wait_gather(p):
            pltpu.make_async_copy(tbl.at[pl.ds(0, 128)], rows[p], gsem.at[p]).wait()

        def transpose(p):
            for sl in range(128):
                slv = jnp.full((16,), sl, jnp.int32)
                v0 = rows[p][sl, pl.ds(0, 16)]
                v1 = rows[p][sl, pl.ds(16, 16)]
                plsc.store_scatter(tr[p], [dt_lo, ds_v, slv], v0)
                plsc.store_scatter(tr[p], [dt_hi, ds_v, slv], v1)

        def fire_out(kk, p):
            t = kk // NB
            b = kk % NB
            stg = wid * NB + b
            pltpu.async_copy(
                tr[p].at[:, :, pl.ds(0, 128)], y5.at[t, :, stg], wsem.at[p]
            )

        def wait_out(p):
            pltpu.make_async_copy(
                y5.at[0, :, 0], tr[p].at[:, :, pl.ds(0, 128)], wsem.at[p]
            ).wait()

        fire_gather(0, 0)
        fire_gather(1, 1)

        @pl.loop(0, K // 2)
        def _i(i):
            for p in range(2):
                kk = 2 * i + p
                wait_gather(p)

                @pl.when(i > 0)
                def _():
                    wait_out(p)

                transpose(p)

                @pl.when(kk + 2 < K)
                def _():
                    fire_gather(kk + 2, p)

                fire_out(kk, p)

        wait_out(0)
        wait_out(1)

    return k


def kernel(token_ids, embedding_matrix):
    S, T = token_ids.shape
    V, D = embedding_matrix.shape
    iT = token_ids.T.astype(jnp.int32)
    y5 = _build(S, T, V, D)(embedding_matrix, iT)
    return y5.transpose(2, 4, 0, 1, 3).reshape(S, T, D)

# --- scband reference (transcript-rebuilt; emitter-appended) ---
"""Pipeline reference for scband-embedding-7559142441482 (READ-ONLY COPY).

The authoritative reference and input builder live on the scoring server;
editing this copy changes nothing except your own understanding.
"""

import jax, jax.numpy as jnp
import numpy as np

NUM_EMBEDDINGS = 1000000
EMBEDDING_DIM = 32

def _trunc_normal(key, shape, mean=0.0, std=1.0, a=-3.0, b=3.0):
    # truncated normal in [a, b] (std=1), matching nn.init.trunc_normal_
    u = jax.random.truncated_normal(key, a, b, shape, dtype=jnp.float32)
    return u * std + mean

def setup_inputs(seed: int = 0) -> dict:
    key = jax.random.key(seed)
    k_idx, k_w = jax.random.split(key)
    token_ids = jax.random.randint(k_idx, (16384, 50), 0, NUM_EMBEDDINGS, dtype=jnp.int64 if jax.config.jax_enable_x64 else jnp.int32)
    embedding_matrix = _trunc_normal(k_w, (NUM_EMBEDDINGS, EMBEDDING_DIM))
    return {"token_ids": token_ids, "embedding_matrix": embedding_matrix}

def reference(token_ids, embedding_matrix):
    # Faithful to: self.embedding_matrix[token_ids]
    return jnp.take(embedding_matrix, token_ids, axis=0)

if __name__ == "__main__":
    import jax
    _d = setup_inputs()
    print(jax.jit(kernel)(*tuple(_d.values())))

</pallas_src>

<mosaic_0001>
#map = affine_map<(d0, d1) -> (0, 0)>
#map1 = affine_map<(d0, d1) -> (0, 0, 0, 0, 0)>
module attributes {stable_mosaic.version = 14 : i64} {
  func.func @k(%arg0: i32, %arg1: i32, %arg2: memref<1000000x32xf32, #tpu.memory_space<hbm>>, %arg3: memref<50x16384xi32, #tpu.memory_space<hbm>>, %arg4: memref<50x4x128x8x128xf32, #tpu.memory_space<hbm>>, %arg5: memref<50x512xi32, #tpu.memory_space<vmem>>, %arg6: memref<128x32xf32, #tpu.memory_space<vmem>>, %arg7: memref<128x32xf32, #tpu.memory_space<vmem>>, %arg8: memref<4x8x129xf32, #tpu.memory_space<vmem>>, %arg9: memref<4x8x129xf32, #tpu.memory_space<vmem>>, %arg10: memref<2x!tpu.dma_semaphore, #tpu.memory_space<semaphore_mem>>, %arg11: memref<2x!tpu.dma_semaphore, #tpu.memory_space<semaphore_mem>>) attributes {dimension_semantics = [#tpu.dimension_semantics<core_parallel>, #tpu.dimension_semantics<subcore_parallel>], iteration_bounds = array<i64: 2, 16>, scalar_prefetch = 0 : i64, scratch_operands = 7 : i64, tpu.core_type = #tpu.core_type<sc_vector_subcore>, window_params = [{transform_indices = #map}, {transform_indices = #map}, {transform_indices = #map1}]} {
    %mul3A = arith.constant 2 : i32
    %mul3A_0 = arith.muli %arg1, %mul3A : i32
    %add3A = arith.addi %mul3A_0, %arg0 : i32
    %mul3A_1 = arith.constant 512 : i32
    %mul3A_2 = arith.muli %add3A, %mul3A_1 : i32
    "tpu.region"() ({
      %run_scoped3A = tpu.sem_alloc : memref<!tpu.dma_semaphore, #tpu.memory_space<semaphore_mem>>
      %dma_start3A_117 = arith.constant 0 : i32
      %dma_start3A_118 = tpu.memref_slice %arg3[%dma_start3A_117, %mul3A_2] : memref<50x16384xi32, #tpu.memory_space<hbm>> -> memref<50x512xi32, #tpu.memory_space<hbm>>
      %dma_start3A_119 = arith.constant 0 : i32
      %dma_start3A_120 = tpu.memref_slice %arg3[%dma_start3A_119, %mul3A_2] : memref<50x16384xi32, #tpu.memory_space<hbm>> -> memref<50x512xi32, #tpu.memory_space<hbm>>
      tpu.enqueue_dma source(%dma_start3A_120 : memref<50x512xi32, #tpu.memory_space<hbm>>) target(%arg5 : memref<50x512xi32, #tpu.memory_space<vmem>>) target_semaphore(%run_scoped3A : memref<!tpu.dma_semaphore, #tpu.memory_space<semaphore_mem>>)
      %dma_wait3A_121 = arith.constant 0 : i32
      %dma_wait3A_122 = tpu.memref_slice %arg3[%dma_wait3A_121, %mul3A_2] : memref<50x16384xi32, #tpu.memory_space<hbm>> -> memref<50x512xi32, #tpu.memory_space<hbm>>
      %dma_wait3A_123 = arith.constant 0 : i32
      %dma_wait3A_124 = tpu.memref_slice %arg3[%dma_wait3A_123, %mul3A_2] : memref<50x16384xi32, #tpu.memory_space<hbm>> -> memref<50x512xi32, #tpu.memory_space<hbm>>
      tpu.wait_dma2 semaphore(%run_scoped3A : memref<!tpu.dma_semaphore, #tpu.memory_space<semaphore_mem>>) src(%dma_wait3A_124 : memref<50x512xi32, #tpu.memory_space<hbm>>) dst(%arg5 : memref<50x512xi32, #tpu.memory_space<vmem>>)
      tpu.yield
    }) : () -> ()
    %iota3A = tpu.iota {dimensions = array<i32: 0>} : vector<16xi32>
    %jit3A = arith.constant 8 : i32
    %div3A = vector.broadcast %jit3A : i32 to vector<16xi32>
    %div3A_3 = arith.divsi %iota3A, %div3A : vector<16xi32>
    %sign3A = arith.constant 0 : i32
    %sign3A_4 = vector.broadcast %sign3A : i32 to vector<16xi32>
    %sign3A_5 = arith.cmpi sgt, %iota3A, %sign3A_4 : vector<16xi32>
    %sign3A_6 = arith.extui %sign3A_5 : vector<16xi1> to vector<16xi32>
    %sign3A_7 = arith.constant 0 : i32
    %sign3A_8 = vector.broadcast %sign3A_7 : i32 to vector<16xi32>
    %sign3A_9 = arith.cmpi slt, %iota3A, %sign3A_8 : vector<16xi32>
    %sign3A_10 = arith.extui %sign3A_9 : vector<16xi1> to vector<16xi32>
    %sign3A_11 = arith.subi %sign3A_6, %sign3A_10 : vector<16xi32>
    %sign3A_12 = arith.constant 0 : i32
    %sign3A_13 = arith.cmpi sgt, %jit3A, %sign3A_12 : i32
    %sign3A_14 = arith.extui %sign3A_13 : i1 to i32
    %sign3A_15 = arith.constant 0 : i32
    %sign3A_16 = arith.cmpi slt, %jit3A, %sign3A_15 : i32
    %sign3A_17 = arith.extui %sign3A_16 : i1 to i32
    %sign3A_18 = arith.subi %sign3A_14, %sign3A_17 : i32
    %ne3A = vector.broadcast %sign3A_18 : i32 to vector<16xi32>
    %ne3A_19 = arith.cmpi ne, %sign3A_11, %ne3A : vector<16xi32>
    %rem3A = vector.broadcast %jit3A : i32 to vector<16xi32>
    %rem3A_20 = arith.remsi %iota3A, %rem3A : vector<16xi32>
    %ne3A_21 = arith.constant 0 : i32
    %ne3A_22 = vector.broadcast %ne3A_21 : i32 to vector<16xi32>
    %ne3A_23 = arith.cmpi ne, %rem3A_20, %ne3A_22 : vector<16xi32>
    %and3A = arith.andi %ne3A_19, %ne3A_23 : vector<16xi1>
    %sub3A = arith.constant 1 : i32
    %sub3A_24 = vector.broadcast %sub3A : i32 to vector<16xi32>
    %sub3A_25 = arith.subi %div3A_3, %sub3A_24 : vector<16xi32>
    %select_n3A = arith.select %and3A, %sub3A_25, %div3A_3 : vector<16xi1>, vector<16xi32>
    %add3A_26 = arith.constant 2 : i32
    %add3A_27 = vector.broadcast %add3A_26 : i32 to vector<16xi32>
    %add3A_28 = arith.addi %select_n3A, %add3A_27 : vector<16xi32>
    %jit3A_29 = arith.constant 8 : i32
    %eq3A = arith.constant 0 : i32
    %eq3A_30 = arith.cmpi eq, %jit3A_29, %eq3A : i32
    %jit3A_31 = arith.constant 1 : i32
    %select_n3A_32 = arith.select %eq3A_30, %jit3A_31, %jit3A_29 : i32
    %rem3A_33 = vector.broadcast %select_n3A_32 : i32 to vector<16xi32>
    %rem3A_34 = arith.remsi %iota3A, %rem3A_33 : vector<16xi32>
    %ne3A_35 = arith.constant 0 : i32
    %ne3A_36 = vector.broadcast %ne3A_35 : i32 to vector<16xi32>
    %ne3A_37 = arith.cmpi ne, %rem3A_34, %ne3A_36 : vector<16xi32>
    %lt3A = arith.constant 0 : i32
    %lt3A_38 = vector.broadcast %lt3A : i32 to vector<16xi32>
    %lt3A_39 = arith.cmpi slt, %rem3A_34, %lt3A_38 : vector<16xi32>
    %lt3A_40 = arith.constant 0 : i32
    %lt3A_41 = arith.cmpi slt, %select_n3A_32, %lt3A_40 : i32
    %ne3A_42 = vector.broadcast %lt3A_41 : i1 to vector<16xi1>
    %ne3A_43 = vector.broadcast %ne3A_42 : vector<16xi1> to vector<16xi1>
    %ne3A_44 = arith.xori %lt3A_39, %ne3A_43 : vector<16xi1>
    %and3A_45 = arith.andi %ne3A_44, %ne3A_37 : vector<16xi1>
    %add3A_46 = vector.broadcast %select_n3A_32 : i32 to vector<16xi32>
    %add3A_47 = arith.addi %rem3A_34, %add3A_46 : vector<16xi32>
    %select_n3A_48 = arith.select %and3A_45, %add3A_47, %rem3A_34 : vector<16xi1>, vector<16xi32>
    %dma_start3A = arith.constant 0 : i32
    %dma_start3A_49 = arith.constant 0 : i32
    %dma_start3A_50 = arith.constant 0 : i32
    %dma_start3A_51 = tpu.memref_slice %arg5[%dma_start3A, %dma_start3A_50] : memref<50x512xi32, #tpu.memory_space<vmem>> -> memref<1x128xi32, #tpu.memory_space<vmem>>
    %dma_start3A_52 = tpu.memref_squeeze %dma_start3A_51 : memref<1x128xi32, #tpu.memory_space<vmem>> -> memref<128xi32, #tpu.memory_space<vmem>>
    %dma_start3A_53 = arith.constant 0 : i32
    %dma_start3A_54 = arith.constant 0 : i32
    %dma_start3A_55 = tpu.memref_slice %arg2[%dma_start3A_53, %dma_start3A_54] : memref<1000000x32xf32, #tpu.memory_space<hbm>> -> memref<1000000x32xf32, #tpu.memory_space<hbm>>
    %dma_start3A_56 = tpu.memref_slice %arg10[%dma_start3A_49] : memref<2x!tpu.dma_semaphore, #tpu.memory_space<semaphore_mem>> -> memref<1x!tpu.dma_semaphore, #tpu.memory_space<semaphore_mem>>
    %dma_start3A_57 = tpu.memref_squeeze %dma_start3A_56 : memref<1x!tpu.dma_semaphore, #tpu.memory_space<semaphore_mem>> -> memref<!tpu.dma_semaphore, #tpu.memory_space<semaphore_mem>>
    tpu.enqueue_indirect_dma source(%dma_start3A_55 : memref<1000000x32xf32, #tpu.memory_space<hbm>>) target(%arg6 : memref<128x32xf32, #tpu.memory_space<vmem>>) offsets(%dma_start3A_52 : memref<128xi32, #tpu.memory_space<vmem>>) semaphore(%dma_start3A_57 : memref<!tpu.dma_semaphore, #tpu.memory_space<semaphore_mem>>)
    %dma_start3A_58 = arith.constant 0 : i32
    %dma_start3A_59 = arith.constant 1 : i32
    %dma_start3A_60 = arith.constant 128 : i32
    %dma_start3A_61 = tpu.memref_slice %arg5[%dma_start3A_58, %dma_start3A_60] : memref<50x512xi32, #tpu.memory_space<vmem>> -> memref<1x128xi32, #tpu.memory_space<vmem>>
    %dma_start3A_62 = tpu.memref_squeeze %dma_start3A_61 : memref<1x128xi32, #tpu.memory_space<vmem>> -> memref<128xi32, #tpu.memory_space<vmem>>
    %dma_start3A_63 = arith.constant 0 : i32
    %dma_start3A_64 = arith.constant 0 : i32
    %dma_start3A_65 = tpu.memref_slice %arg2[%dma_start3A_63, %dma_start3A_64] : memref<1000000x32xf32, #tpu.memory_space<hbm>> -> memref<1000000x32xf32, #tpu.memory_space<hbm>>
    %dma_start3A_66 = tpu.memref_slice %arg10[%dma_start3A_59] : memref<2x!tpu.dma_semaphore, #tpu.memory_space<semaphore_mem>> -> memref<1x!tpu.dma_semaphore, #tpu.memory_space<semaphore_mem>>
    %dma_start3A_67 = tpu.memref_squeeze %dma_start3A_66 : memref<1x!tpu.dma_semaphore, #tpu.memory_space<semaphore_mem>> -> memref<!tpu.dma_semaphore, #tpu.memory_space<semaphore_mem>>
    tpu.enqueue_indirect_dma source(%dma_start3A_65 : memref<1000000x32xf32, #tpu.memory_space<hbm>>) target(%arg7 : memref<128x32xf32, #tpu.memory_space<vmem>>) offsets(%dma_start3A_62 : memref<128xi32, #tpu.memory_space<vmem>>) semaphore(%dma_start3A_67 : memref<!tpu.dma_semaphore, #tpu.memory_space<semaphore_mem>>)
    %scan3A = arith.constant 0 : i32
    %scan3A_68 = arith.constant 100 : i32
    %scan3A_69 = arith.addi %scan3A, %scan3A_68 : i32
    %scan3A_70 = arith.constant 1 : i32
    scf.for %scan3A_117 = %scan3A to %scan3A_69 step %scan3A_70  : i32 {
      %mul3A_118 = arith.constant 1 : i32
      %mul3A_119 = arith.muli %scan3A_117, %mul3A_118 : i32
      %add3A_120 = arith.constant 0 : i32
      %add3A_121 = arith.addi %add3A_120, %mul3A_119 : i32
      %mul3A_122 = arith.constant 2 : i32
      %mul3A_123 = arith.muli %mul3A_122, %add3A_121 : i32
      %add3A_124 = arith.constant 0 : i32
      %add3A_125 = arith.addi %mul3A_123, %add3A_124 : i32
      %dma_wait3A_126 = arith.constant 0 : i32
      %dma_wait3A_127 = arith.constant 0 : i32
      %dma_wait3A_128 = arith.constant 0 : i32
      %dma_wait3A_129 = tpu.memref_slice %arg2[%dma_wait3A_127, %dma_wait3A_128] : memref<1000000x32xf32, #tpu.memory_space<hbm>> -> memref<128x32xf32, #tpu.memory_space<hbm>>
      %dma_wait3A_130 = tpu.memref_slice %arg10[%dma_wait3A_126] : memref<2x!tpu.dma_semaphore, #tpu.memory_space<semaphore_mem>> -> memref<1x!tpu.dma_semaphore, #tpu.memory_space<semaphore_mem>>
      %dma_wait3A_131 = tpu.memref_squeeze %dma_wait3A_130 : memref<1x!tpu.dma_semaphore, #tpu.memory_space<semaphore_mem>> -> memref<!tpu.dma_semaphore, #tpu.memory_space<semaphore_mem>>
      %dma_wait3A_132 = arith.constant 0 : i32
      %dma_wait3A_133 = arith.constant 0 : i32
      %dma_wait3A_134 = tpu.memref_slice %arg2[%dma_wait3A_132, %dma_wait3A_133] : memref<1000000x32xf32, #tpu.memory_space<hbm>> -> memref<128x32xf32, #tpu.memory_space<hbm>>
      tpu.wait_dma2 semaphore(%dma_wait3A_131 : memref<!tpu.dma_semaphore, #tpu.memory_space<semaphore_mem>>) src(%dma_wait3A_134 : memref<128x32xf32, #tpu.memory_space<hbm>>) dst(%arg6 : memref<128x32xf32, #tpu.memory_space<vmem>>)
      %gt3A = arith.constant 0 : i32
      %gt3A_135 = arith.cmpi sgt, %add3A_121, %gt3A : i32
      %convert_element_type3A = arith.extui %gt3A_135 : i1 to i32
      %cond3A = arith.constant 0 : i32
      %cond3A_136 = arith.cmpi ne, %convert_element_type3A, %cond3A : i32
      scf.if %cond3A_136 {
        %dma_wait3A_2855 = arith.constant 0 : i32
        %dma_wait3A_2856 = arith.constant 0 : i32
        %dma_wait3A_2857 = arith.constant 0 : i32
        %dma_wait3A_2858 = arith.constant 0 : i32
        %dma_wait3A_2859 = arith.constant 0 : i32
        %dma_wait3A_2860 = arith.constant 0 : i32
        %dma_wait3A_2861 = tpu.memref_slice %arg8[%dma_wait3A_2858, %dma_wait3A_2859, %dma_wait3A_2860] : memref<4x8x129xf32, #tpu.memory_space<vmem>> -> memref<4x8x128xf32, #tpu.memory_space<vmem>>
        %dma_wait3A_2862 = arith.constant 0 : i32
        %dma_wait3A_2863 = arith.constant 0 : i32
        %dma_wait3A_2864 = arith.constant 0 : i32
        %dma_wait3A_2865 = tpu.memref_slice %arg4[%dma_wait3A_2855, %dma_wait3A_2862, %dma_wait3A_2856, %dma_wait3A_2863, %dma_wait3A_2864] : memref<50x4x128x8x128xf32, #tpu.memory_space<hbm>> -> memref<1x4x1x8x128xf32, #tpu.memory_space<hbm>>
        %dma_wait3A_2866 = tpu.memref_squeeze %dma_wait3A_2865 : memref<1x4x1x8x128xf32, #tpu.memory_space<hbm>> -> memref<4x8x128xf32, #tpu.memory_space<hbm>>
        %dma_wait3A_2867 = tpu.memref_slice %arg11[%dma_wait3A_2857] : memref<2x!tpu.dma_semaphore, #tpu.memory_space<semaphore_mem>> -> memref<1x!tpu.dma_semaphore, #tpu.memory_space<semaphore_mem>>
        %dma_wait3A_2868 = tpu.memref_squeeze %dma_wait3A_2867 : memref<1x!tpu.dma_semaphore, #tpu.memory_space<semaphore_mem>> -> memref<!tpu.dma_semaphore, #tpu.memory_space<semaphore_mem>>
        %dma_wait3A_2869 = arith.constant 0 : i32
        %dma_wait3A_2870 = arith.constant 0 : i32
        %dma_wait3A_2871 = arith.constant 0 : i32
        %dma_wait3A_2872 = tpu.memref_slice %arg8[%dma_wait3A_2869, %dma_wait3A_2870, %dma_wait3A_2871] : memref<4x8x129xf32, #tpu.memory_space<vmem>> -> memref<4x8x128xf32, #tpu.memory_space<vmem>>
        %dma_wait3A_2873 = arith.constant 0 : i32
        %dma_wait3A_2874 = arith.constant 0 : i32
        %dma_wait3A_2875 = arith.constant 0 : i32
        %dma_wait3A_2876 = tpu.memref_slice %arg4[%dma_wait3A_2855, %dma_wait3A_2873, %dma_wait3A_2856, %dma_wait3A_2874, %dma_wait3A_2875] : memref<50x4x128x8x128xf32, #tpu.memory_space<hbm>> -> memref<1x4x1x8x128xf32, #tpu.memory_space<hbm>>
        %dma_wait3A_2877 = tpu.memref_squeeze %dma_wait3A_2876 : memref<1x4x1x8x128xf32, #tpu.memory_space<hbm>> -> memref<4x8x128xf32, #tpu.memory_space<hbm>>
        tpu.wait_dma2 semaphore(%dma_wait3A_2868 : memref<!tpu.dma_semaphore, #tpu.memory_space<semaphore_mem>>) src(%dma_wait3A_2877 : memref<4x8x128xf32, #tpu.memory_space<hbm>>) dst(%dma_wait3A_2872 : memref<4x8x128xf32, #tpu.memory_space<vmem>>)
      } else {
      }
      %broadcast_in_dim3A = arith.constant 0 : i32
      %broadcast_in_dim3A_137 = vector.broadcast %broadcast_in_dim3A : i32 to vector<16xi32>
      %get3A = arith.constant 0 : i32
      %get3A_138 = arith.index_cast %get3A : i32 to index
      %get3A_139 = arith.constant 0 : index
      %get3A_140 = tpu.vector_load %arg6[%get3A_138, %get3A_139] {strides = array<i32>} : memref<128x32xf32, #tpu.memory_space<vmem>>, vector<16xf32>,
      %get3A_141 = arith.constant 0 : i32
      %get3A_142 = arith.index_cast %get3A_141 : i32 to index
      %get3A_143 = arith.constant 16 : index
      %get3A_144 = tpu.vector_load %arg6[%get3A_142, %get3A_143] {strides = array<i32>} : memref<128x32xf32, #tpu.memory_space<vmem>>, vector<16xf32>,
      tpu.vector_store_idx %arg8[%select_n3A, %select_n3A_48, %broadcast_in_dim3A_137], %get3A_140 : memref<4x8x129xf32, #tpu.memory_space<vmem>>[vector<16xi32>, vector<16xi32>, vector<16xi32>], vector<16xf32>,
      tpu.vector_store_idx %arg8[%add3A_28, %select_n3A_48, %broadcast_in_dim3A_137], %get3A_144 : memref<4x8x129xf32, #tpu.memory_space<vmem>>[vector<16xi32>, vector<16xi32>, vector<16xi32>], vector<16xf32>,
      %broadcast_in_dim3A_145 = arith.constant 1 : i32
      %broadcast_in_dim3A_146 = vector.broadcast %broadcast_in_dim3A_145 : i32 to vector<16xi32>
      %get3A_147 = arith.constant 1 : i32
      %get3A_148 = arith.index_cast %get3A_147 : i32 to index
      %get3A_149 = arith.constant 0 : index
      %get3A_150 = tpu.vector_load %arg6[%get3A_148, %get3A_149] {strides = array<i32>} : memref<128x32xf32, #tpu.memory_space<vmem>>, vector<16xf32>,
      %get3A_151 = arith.constant 1 : i32
      %get3A_152 = arith.index_cast %get3A_151 : i32 to index
      %get3A_153 = arith.constant 16 : index
      %get3A_154 = tpu.vector_load %arg6[%get3A_152, %get3A_153] {strides = array<i32>} : memref<128x32xf32, #tpu.memory_space<vmem>>, vector<16xf32>,
      tpu.vector_store_idx %arg8[%select_n3A, %select_n3A_48, %broadcast_in_dim3A_146], %get3A_150 : memref<4x8x129xf32, #tpu.memory_space<vmem>>[vector<16xi32>, vector<16xi32>, vector<16xi32>], vector<16xf32>,
      tpu.vector_store_idx %arg8[%add3A_28, %select_n3A_48, %broadcast_in_dim3A_146], %get3A_154 : memref<4x8x129xf32, #tpu.memory_space<vmem>>[vector<16xi32>, vector<16xi32>, vector<16xi32>], vector<16xf32>,
      %broadcast_in_dim3A_155 = arith.constant 2 : i32
      %broadcast_in_dim3A_156 = vector.broadcast %broadcast_in_dim3A_155 : i32 to vector<16xi32>
      %get3A_157 = arith.constant 2 : i32
      %get3A_158 = arith.index_cast %get3A_157 : i32 to index
      %get3A_159 = arith.constant 0 : index
      %get3A_160 = tpu.vector_load %arg6[%get3A_158, %get3A_159] {strides = array<i32>} : memref<128x32xf32, #tpu.memory_space<vmem>>, vector<16xf32>,
      %get3A_161 = arith.constant 2 : i32
      %get3A_162 = arith.index_cast %get3A_161 : i32 to index
      %get3A_163 = arith.constant 16 : index
      %get3A_164 = tpu.vector_load %arg6[%get3A_162, %get3A_163] {strides = array<i32>} : memref<128x32xf32, #tpu.memory_space<vmem>>, vector<16xf32>,
      tpu.vector_store_idx %arg8[%select_n3A, %select_n3A_48, %broadcast_in_dim3A_156], %get3A_160 : memref<4x8x129xf32, #tpu.memory_space<vmem>>[vector<16xi32>, vector<16xi32>, vector<16xi32>], vector<16xf32>,
      tpu.vector_store_idx %arg8[%add3A_28, %select_n3A_48, %broadcast_in_dim3A_156], %get3A_164 : memref<4x8x129xf32, #tpu.memory_space<vmem>>[vector<16xi32>, vector<16xi32>, vector<16xi32>], vector<16xf32>,
      %broadcast_in_dim3A_165 = arith.constant 3 : i32
      %broadcast_in_dim3A_166 = vector.broadcast %broadcast_in_dim3A_165 : i32 to vector<16xi32>
      %get3A_167 = arith.constant 3 : i32
      %get3A_168 = arith.index_cast %get3A_167 : i32 to index
      %get3A_169 = arith.constant 0 : index
      %get3A_170 = tpu.vector_load %arg6[%get3A_168, %get3A_169] {strides = array<i32>} : memref<128x32xf32, #tpu.memory_space<vmem>>, vector<16xf32>,
      %get3A_171 = arith.constant 3 : i32
      %get3A_172 = arith.index_cast %get3A_171 : i32 to index
      %get3A_173 = arith.constant 16 : index
      %get3A_174 = tpu.vector_load %arg6[%get3A_172, %get3A_173] {strides = array<i32>} : memref<128x32xf32, #tpu.memory_space<vmem>>, vector<16xf32>,
      tpu.vector_store_idx %arg8[%select_n3A, %select_n3A_48, %broadcast_in_dim3A_166], %get3A_170 : memref<4x8x129xf32, #tpu.memory_space<vmem>>[vector<16xi32>, vector<16xi32>, vector<16xi32>], vector<16xf32>,
      tpu.vector_store_idx %arg8[%add3A_28, %select_n3A_48, %broadcast_in_dim3A_166], %get3A_174 : memref<4x8x129xf32, #tpu.memory_space<vmem>>[vector<16xi32>, vector<16xi32>, vector<16xi32>], vector<16xf32>,
      %broadcast_in_dim3A_175 = arith.constant 4 : i32
      %broadcast_in_dim3A_176 = vector.broadcast %broadcast_in_dim3A_175 : i32 to vector<16xi32>
      %get3A_177 = arith.constant 4 : i32
      %get3A_178 = arith.index_cast %get3A_177 : i32 to index
      %get3A_179 = arith.constant 0 : index
      %get3A_180 = tpu.vector_load %arg6[%get3A_178, %get3A_179] {strides = array<i32>} : memref<128x32xf32, #tpu.memory_space<vmem>>, vector<16xf32>,
      %get3A_181 = arith.constant 4 : i32
      %get3A_182 = arith.index_cast %get3A_181 : i32 to index
      %get3A_183 = arith.constant 16 : index
      %get3A_184 = tpu.vector_load %arg6[%get3A_182, %get3A_183] {strides = array<i32>} : memref<128x32xf32, #tpu.memory_space<vmem>>, vector<16xf32>,
      tpu.vector_store_idx %arg8[%select_n3A, %select_n3A_48, %broadcast_in_dim3A_176], %get3A_180 : memref<4x8x129xf32, #tpu.memory_space<vmem>>[vector<16xi32>, vector<16xi32>, vector<16xi32>], vector<16xf32>,
      tpu.vector_store_idx %arg8[%add3A_28, %select_n3A_48, %broadcast_in_dim3A_176], %get3A_184 : memref<4x8x129xf32, #tpu.memory_space<vmem>>[vector<16xi32>, vector<16xi32>, vector<16xi32>], vector<16xf32>,
      %broadcast_in_dim3A_185 = arith.constant 5 : i32
      %broadcast_in_dim3A_186 = vector.broadcast %broadcast_in_dim3A_185 : i32 to vector<16xi32>
      %get3A_187 = arith.constant 5 : i32
      %get3A_188 = arith.index_cast %get3A_187 : i32 to index
      %get3A_189 = arith.constant 0 : index
      %get3A_190 = tpu.vector_load %arg6[%get3A_188, %get3A_189] {strides = array<i32>} : memref<128x32xf32, #tpu.memory_space<vmem>>, vector<16xf32>,
      %get3A_191 = arith.constant 5 : i32
      %get3A_192 = arith.index_cast %get3A_191 : i32 to index
      %get3A_193 = arith.constant 16 : index
      %get3A_194 = tpu.vector_load %arg6[%get3A_192, %get3A_193] {strides = array<i32>} : memref<128x32xf32, #tpu.memory_space<vmem>>, vector<16xf32>,
      tpu.vector_store_idx %arg8[%select_n3A, %select_n3A_48, %broadcast_in_dim3A_186], %get3A_190 : memref<4x8x129xf32, #tpu.memory_space<vmem>>[vector<16xi32>, vector<16xi32>, vector<16xi32>], vector<16xf32>,
      tpu.vector_store_idx %arg8[%add3A_28, %select_n3A_48, %broadcast_in_dim3A_186], %get3A_194 : memref<4x8x129xf32, #tpu.memory_space<vmem>>[vector<16xi32>, vector<16xi32>, vector<16xi32>], vector<16xf32>,
      %broadcast_in_dim3A_195 = arith.constant 6 : i32
      %broadcast_in_dim3A_196 = vector.broadcast %broadcast_in_dim3A_195 : i32 to vector<16xi32>
      %get3A_197 = arith.constant 6 : i32
      %get3A_198 = arith.index_cast %get3A_197 : i32 to index
      %get3A_199 = arith.constant 0 : index
      %get3A_200 = tpu.vector_load %arg6[%get3A_198, %get3A_199] {strides = array<i32>} : memref<128x32xf32, #tpu.memory_space<vmem>>, vector<16xf32>,
      %get3A_201 = arith.constant 6 : i32
      %get3A_202 = arith.index_cast %get3A_201 : i32 to index
      %get3A_203 = arith.constant 16 : index
      %get3A_204 = tpu.vector_load %arg6[%get3A_202, %get3A_203] {strides = array<i32>} : memref<128x32xf32, #tpu.memory_space<vmem>>, vector<16xf32>,
      tpu.vector_store_idx %arg8[%select_n3A, %select_n3A_48, %broadcast_in_dim3A_196], %get3A_200 : memref<4x8x129xf32, #tpu.memory_space<vmem>>[vector<16xi32>, vector<16xi32>, vector<16xi32>], vector<16xf32>,
      tpu.vector_store_idx %arg8[%add3A_28, %select_n3A_48, %broadcast_in_dim3A_196], %get3A_204 : memref<4x8x129xf32, #tpu.memory_space<vmem>>[vector<16xi32>, vector<16xi32>, vector<16xi32>], vector<16xf32>,
      %broadcast_in_dim3A_205 = arith.constant 7 : i32
      %broadcast_in_dim3A_206 = vector.broadcast %broadcast_in_dim3A_205 : i32 to vector<16xi32>
      %get3A_207 = arith.constant 7 : i32
      %get3A_208 = arith.index_cast %get3A_207 : i32 to index
      %get3A_209 = arith.constant 0 : index
      %get3A_210 = tpu.vector_load %arg6[%get3A_208, %get3A_209] {strides = array<i32>} : memref<128x32xf32, #tpu.memory_space<vmem>>, vector<16xf32>,
      %get3A_211 = arith.constant 7 : i32
      %get3A_212 = arith.index_cast %get3A_211 : i32 to index
      %get3A_213 = arith.constant 16 : index
      %get3A_214 = tpu.vector_load %arg6[%get3A_212, %get3A_213] {strides = array<i32>} : memref<128x32xf32, #tpu.memory_space<vmem>>, vector<16xf32>,
      tpu.vector_store_idx %arg8[%select_n3A, %select_n3A_48, %broadcast_in_dim3A_206], %get3A_210 : memref<4x8x129xf32, #tpu.memory_space<vmem>>[vector<16xi32>, vector<16xi32>, vector<16xi32>], vector<16xf32>,
      tpu.vector_store_idx %arg8[%add3A_28, %select_n3A_48, %broadcast_in_dim3A_206], %get3A_214 : memref<4x8x129xf32, #tpu.memory_space<vmem>>[vector<16xi32>, vector<16xi32>, vector<16xi32>], vector<16xf32>,
      %broadcast_in_dim3A_215 = arith.constant 8 : i32
      %broadcast_in_dim3A_216 = vector.broadcast %broadcast_in_dim3A_215 : i32 to vector<16xi32>
      %get3A_217 = arith.constant 8 : i32
      %get3A_218 = arith.index_cast %get3A_217 : i32 to index
      %get3A_219 = arith.constant 0 : index
      %get3A_220 = tpu.vector_load %arg6[%get3A_218, %get3A_219] {strides = array<i32>} : memref<128x32xf32, #tpu.memory_space<vmem>>, vector<16xf32>,
      %get3A_221 = arith.constant 8 : i32
      %get3A_222 = arith.index_cast %get3A_221 : i32 to index
      %get3A_223 = arith.constant 16 : index
      %get3A_224 = tpu.vector_load %arg6[%get3A_222, %get3A_223] {strides = array<i32>} : memref<128x32xf32, #tpu.memory_space<vmem>>, vector<16xf32>,
      tpu.vector_store_idx %arg8[%select_n3A, %select_n3A_48, %broadcast_in_dim3A_216], %get3A_220 : memref<4x8x129xf32, #tpu.memory_space<vmem>>[vector<16xi32>, vector<16xi32>, vector<16xi32>], vector<16xf32>,
      tpu.vector_store_idx %arg8[%add3A_28, %select_n3A_48, %broadcast_in_dim3A_216], %get3A_224 : memref<4x8x129xf32, #tpu.memory_space<vmem>>[vector<16xi32>, vector<16xi32>, vector<16xi32>], vector<16xf32>,
      %broadcast_in_dim3A_225 = arith.constant 9 : i32
      %broadcast_in_dim3A_226 = vector.broadcast %broadcast_in_dim3A_225 : i32 to vector<16xi32>
      %get3A_227 = arith.constant 9 : i32
      %get3A_228 = arith.index_cast %get3A_227 : i32 to index
      %get3A_229 = arith.constant 0 : index
      %get3A_230 = tpu.vector_load %arg6[%get3A_228, %get3A_229] {strides = array<i32>} : memref<128x32xf32, #tpu.memory_space<vmem>>, vector<16xf32>,
      %get3A_231 = arith.constant 9 : i32
      %get3A_232 = arith.index_cast %get3A_231 : i32 to index
      %get3A_233 = arith.constant 16 : index
      %get3A_234 = tpu.vector_load %arg6[%get3A_232, %get3A_233] {strides = array<i32>} : memref<128x32xf32, #tpu.memory_space<vmem>>, vector<16xf32>,
      tpu.vector_store_idx %arg8[%select_n3A, %select_n3A_48, %broadcast_in_dim3A_226], %get3A_230 : memref<4x8x129xf32, #tpu.memory_space<vmem>>[vector<16xi32>, vector<16xi32>, vector<16xi32>], vector<16xf32>,
      tpu.vector_store_idx %arg8[%add3A_28, %select_n3A_48, %broadcast_in_dim3A_226], %get3A_234 : memref<4x8x129xf32, #tpu.memory_space<vmem>>[vector<16xi32>, vector<16xi32>, vector<16xi32>], vector<16xf32>,
      %broadcast_in_dim3A_235 = arith.constant 10 : i32
      %broadcast_in_dim3A_236 = vector.broadcast %broadcast_in_dim3A_235 : i32 to vector<16xi32>
      %get3A_237 = arith.constant 10 : i32
      %get3A_238 = arith.index_cast %get3A_237 : i32 to index
      %get3A_239 = arith.constant 0 : index
      %get3A_240 = tpu.vector_load %arg6[%get3A_238, %get3A_239] {strides = array<i32>} : memref<128x32xf32, #tpu.memory_space<vmem>>, vector<16xf32>,
      %get3A_241 = arith.constant 10 : i32
      %get3A_242 = arith.index_cast %get3A_241 : i32 to index
      %get3A_243 = arith.constant 16 : index
      %get3A_244 = tpu.vector_load %arg6[%get3A_242, %get3A_243] {strides = array<i32>} : memref<128x32xf32, #tpu.memory_space<vmem>>, vector<16xf32>,
      tpu.vector_store_idx %arg8[%select_n3A, %select_n3A_48, %broadcast_in_dim3A_236], %get3A_240 : memref<4x8x129xf32, #tpu.memory_space<vmem>>[vector<16xi32>, vector<16xi32>, vector<16xi32>], vector<16xf32>,
      tpu.vector_store_idx %arg8[%add3A_28, %select_n3A_48, %broadcast_in_dim3A_236], %get3A_244 : memref<4x8x129xf32, #tpu.memory_space<vmem>>[vector<16xi32>, vector<16xi32>, vector<16xi32>], vector<16xf32>,
      %broadcast_in_dim3A_245 = arith.constant 11 : i32
      %broadcast_in_dim3A_246 = vector.broadcast %broadcast_in_dim3A_245 : i32 to vector<16xi32>
      %get3A_247 = arith.constant 11 : i32
      %get3A_248 = arith.index_cast %get3A_247 : i32 to index
      %get3A_249 = arith.constant 0 : index
      %get3A_250 = tpu.vector_load %arg6[%get3A_248, %get3A_249] {strides = array<i32>} : memref<128x32xf32, #tpu.memory_space<vmem>>, vector<16xf32>,
      %get3A_251 = arith.constant 11 : i32
      %get3A_252 = arith.index_cast %get3A_251 : i32 to index
      %get3A_253 = arith.constant 16 : index
      %get3A_254 = tpu.vector_load %arg6[%get3A_252, %get3A_253] {strides = array<i32>} : memref<128x32xf32, #tpu.memory_space<vmem>>, vector<16xf32>,
      tpu.vector_store_idx %arg8[%select_n3A, %select_n3A_48, %broadcast_in_dim3A_246], %get3A_250 : memref<4x8x129xf32, #tpu.memory_space<vmem>>[vector<16xi32>, vector<16xi32>, vector<16xi32>], vector<16xf32>,
      tpu.vector_store_idx %arg8[%add3A_28, %select_n3A_48, %broadcast_in_dim3A_246], %get3A_254 : memref<4x8x129xf32, #tpu.memory_space<vmem>>[vector<16xi32>, vector<16xi32>, vector<16xi32>], vector<16xf32>,
      %broadcast_in_dim3A_255 = arith.constant 12 : i32
      %broadcast_in_dim3A_256 = vector.broadcast %broadcast_in_dim3A_255 : i32 to vector<16xi32>
      %get3A_257 = arith.constant 12 : i32
      %get3A_258 = arith.index_cast %get3A_257 : i32 to index
      %get3A_259 = arith.constant 0 : index
      %get3A_260 = tpu.vector_load %arg6[%get3A_258, %get3A_259] {strides = array<i32>} : memref<128x32xf32, #tpu.memory_space<vmem>>, vector<16xf32>,
      %get3A_261 = arith.constant 12 : i32
      %get3A_262 = arith.index_cast %get3A_261 : i32 to index
      %get3A_263 = arith.constant 16 : index
      %get3A_264 = tpu.vector_load %arg6[%get3A_262, %get3A_263] {strides = array<i32>} : memref<128x32xf32, #tpu.memory_space<vmem>>, vector<16xf32>,
      tpu.vector_store_idx %arg8[%select_n3A, %select_n3A_48, %broadcast_in_dim3A_256], %get3A_260 : memref<4x8x129xf32, #tpu.memory_space<vmem>>[vector<16xi32>, vector<16xi32>, vector<16xi32>], vector<16xf32>,
      tpu.vector_store_idx %arg8[%add3A_28, %select_n3A_48, %broadcast_in_dim3A_256], %get3A_264 : memref<4x8x129xf32, #tpu.memory_space<vmem>>[vector<16xi32>, vector<16xi32>, vector<16xi32>], vector<16xf32>,
      %broadcast_in_dim3A_265 = arith.constant 13 : i32
      %broadcast_in_dim3A_266 = vector.broadcast %broadcast_in_dim3A_265 : i32 to vector<16xi32>
      %get3A_267 = arith.constant 13 : i32
      %get3A_268 = arith.index_cast %get3A_267 : i32 to index
      %get3A_269 = arith.constant 0 : index
      %get3A_270 = tpu.vector_load %arg6[%get3A_268, %get3A_269] {strides = array<i32>} : memref<128x32xf32, #tpu.memory_space<vmem>>, vector<16xf32>,
      %get3A_271 = arith.constant 13 : i32
      %get3A_272 = arith.index_cast %get3A_271 : i32 to index
      %get3A_273 = arith.constant 16 : index
      %get3A_274 = tpu.vector_load %arg6[%get3A_272, %get3A_273] {strides = array<i32>} : memref<128x32xf32, #tpu.memory_space<vmem>>, vector<16xf32>,
      tpu.vector_store_idx %arg8[%select_n3A, %select_n3A_48, %broadcast_in_dim3A_266], %get3A_270 : memref<4x8x129xf32, #tpu.memory_space<vmem>>[vector<16xi32>, vector<16xi32>, vector<16xi32>], vector<16xf32>,
      tpu.vector_store_idx %arg8[%add3A_28, %select_n3A_48, %broadcast_in_dim3A_266], %get3A_274 : memref<4x8x129xf32, #tpu.memory_space<vmem>>[vector<16xi32>, vector<16xi32>, vector<16xi32>], vector<16xf32>,
      %broadcast_in_dim3A_275 = arith.constant 14 : i32
      %broadcast_in_dim3A_276 = vector.broadcast %broadcast_in_dim3A_275 : i32 to vector<16xi32>
      %get3A_277 = arith.constant 14 : i32
      %get3A_278 = arith.index_cast %get3A_277 : i32 to index
      %get3A_279 = arith.constant 0 : index
      %get3A_280 = tpu.vector_load %arg6[%get3A_278, %get3A_279] {strides = array<i32>} : memref<128x32xf32, #tpu.memory_space<vmem>>, vector<16xf32>,
      %get3A_281 = arith.constant 14 : i32
      %get3A_282 = arith.index_cast %get3A_281 : i32 to index
      %get3A_283 = arith.constant 16 : index
      %get3A_284 = tpu.vector_load %arg6[%get3A_282, %get3A_283] {strides = array<i32>} : memref<128x32xf32, #tpu.memory_space<vmem>>, vector<16xf32>,
      tpu.vector_store_idx %arg8[%select_n3A, %select_n3A_48, %broadcast_in_dim3A_276], %get3A_280 : memref<4x8x129xf32, #tpu.memory_space<vmem>>[vector<16xi32>, vector<16xi32>, vector<16xi32>], vector<16xf32>,
      tpu.vector_store_idx %arg8[%add3A_28, %select_n3A_48, %broadcast_in_dim3A_276], %get3A_284 : memref<4x8x129xf32, #tpu.memory_space<vmem>>[vector<16xi32>, vector<16xi32>, vector<16xi32>], vector<16xf32>,
      %broadcast_in_dim3A_285 = arith.constant 15 : i32
      %broadcast_in_dim3A_286 = vector.broadcast %broadcast_in_dim3A_285 : i32 to vector<16xi32>
      %get3A_287 = arith.constant 15 : i32
      %get3A_288 = arith.index_cast %get3A_287 : i32 to index
      %get3A_289 = arith.constant 0 : index
      %get3A_290 = tpu.vector_load %arg6[%get3A_288, %get3A_289] {strides = array<i32>} : memref<128x32xf32, #tpu.memory_space<vmem>>, vector<16xf32>,
      %get3A_291 = arith.constant 15 : i32
      %get3A_292 = arith.index_cast %get3A_291 : i32 to index
      %get3A_293 = arith.constant 16 : index
      %get3A_294 = tpu.vector_load %arg6[%get3A_292, %get3A_293] {strides = array<i32>} : memref<128x32xf32, #tpu.memory_space<vmem>>, vector<16xf32>,
      tpu.vector_store_idx %arg8[%select_n3A, %select_n3A_48, %broadcast_in_dim3A_286], %get3A_290 : memref<4x8x129xf32, #tpu.memory_space<vmem>>[vector<16xi32>, vector<16xi32>, vector<16xi32>], vector<16xf32>,
      tpu.vector_store_idx %arg8[%add3A_28, %select_n3A_48, %broadcast_in_dim3A_286], %get3A_294 : memref<4x8x129xf32, #tpu.memory_space<vmem>>[vector<16xi32>, vector<16xi32>, vector<16xi32>], vector<16xf32>,
      %broadcast_in_dim3A_295 = arith.constant 16 : i32
      %broadcast_in_dim3A_296 = vector.broadcast %broadcast_in_dim3A_295 : i32 to vector<16xi32>
      %get3A_297 = arith.constant 16 : i32
      %get3A_298 = arith.index_cast %get3A_297 : i32 to index
      %get3A_299 = arith.constant 0 : index
      %get3A_300 = tpu.vector_load %arg6[%get3A_298, %get3A_299] {strides = array<i32>} : memref<128x32xf32, #tpu.memory_space<vmem>>, vector<16xf32>,
      %get3A_301 = arith.constant 16 : i32
      %get3A_302 = arith.index_cast %get3A_301 : i32 to index
      %get3A_303 = arith.constant 16 : index
      %get3A_304 = tpu.vector_load %arg6[%get3A_302, %get3A_303] {strides = array<i32>} : memref<128x32xf32, #tpu.memory_space<vmem>>, vector<16xf32>,
      tpu.vector_store_idx %arg8[%select_n3A, %select_n3A_48, %broadcast_in_dim3A_296], %get3A_300 : memref<4x8x129xf32, #tpu.memory_space<vmem>>[vector<16xi32>, vector<16xi32>, vector<16xi32>], vector<16xf32>,
      tpu.vector_store_idx %arg8[%add3A_28, %select_n3A_48, %broadcast_in_dim3A_296], %get3A_304 : memref<4x8x129xf32, #tpu.memory_space<vmem>>[vector<16xi32>, vector<16xi32>, vector<16xi32>], vector<16xf32>,
      %broadcast_in_dim3A_305 = arith.constant 17 : i32
      %broadcast_in_dim3A_306 = vector.broadcast %broadcast_in_dim3A_305 : i32 to vector<16xi32>
      %get3A_307 = arith.constant 17 : i32
      %get3A_308 = arith.index_cast %get3A_307 : i32 to index
      %get3A_309 = arith.constant 0 : index
      %get3A_310 = tpu.vector_load %arg6[%get3A_308, %get3A_309] {strides = array<i32>} : memref<128x32xf32, #tpu.memory_space<vmem>>, vector<16xf32>,
      %get3A_311 = arith.constant 17 : i32
      %get3A_312 = arith.index_cast %get3A_311 : i32 to index
      %get3A_313 = arith.constant 16 : index
      %get3A_314 = tpu.vector_load %arg6[%get3A_312, %get3A_313] {strides = array<i32>} : memref<128x32xf32, #tpu.memory_space<vmem>>, vector<16xf32>,
      tpu.vector_store_idx %arg8[%select_n3A, %select_n3A_48, %broadcast_in_dim3A_306], %get3A_310 : memref<4x8x129xf32, #tpu.memory_space<vmem>>[vector<16xi32>, vector<16xi32>, vector<16xi32>], vector<16xf32>,
      tpu.vector_store_idx %arg8[%add3A_28, %select_n3A_48, %broadcast_in_dim3A_306], %get3A_314 : memref<4x8x129xf32, #tpu.memory_space<vmem>>[vector<16xi32>, vector<16xi32>, vector<16xi32>], vector<16xf32>,
      %broadcast_in_dim3A_315 = arith.constant 18 : i32
      %broadcast_in_dim3A_316 = vector.broadcast %broadcast_in_dim3A_315 : i32 to vector<16xi32>
      %get3A_317 = arith.constant 18 : i32
      %get3A_318 = arith.index_cast %get3A_317 : i32 to index
      %get3A_319 = arith.constant 0 : index
      %get3A_320 = tpu.vector_load %arg6[%get3A_318, %get3A_319] {strides = array<i32>} : memref<128x32xf32, #tpu.memory_space<vmem>>, vector<16xf32>,
      %get3A_321 = arith.constant 18 : i32
      %get3A_322 = arith.index_cast %get3A_321 : i32 to index
      %get3A_323 = arith.constant 16 : index
      %get3A_324 = tpu.vector_load %arg6[%get3A_322, %get3A_323] {strides = array<i32>} : memref<128x32xf32, #tpu.memory_space<vmem>>, vector<16xf32>,
      tpu.vector_store_idx %arg8[%select_n3A, %select_n3A_48, %broadcast_in_dim3A_316], %get3A_320 : memref<4x8x129xf32, #tpu.memory_space<vmem>>[vector<16xi32>, vector<16xi32>, vector<16xi32>], vector<16xf32>,
      tpu.vector_store_idx %arg8[%add3A_28, %select_n3A_48, %broadcast_in_dim3A_316], %get3A_324 : memref<4x8x129xf32, #tpu.memory_space<vmem>>[vector<16xi32>, vector<16xi32>, vector<16xi32>], vector<16xf32>,
      %broadcast_in_dim3A_325 = arith.constant 19 : i32
      %broadcast_in_dim3A_326 = vector.broadcast %broadcast_in_dim3A_325 : i32 to vector<16xi32>
      %get3A_327 = arith.constant 19 : i32
      %get3A_328 = arith.index_cast %get3A_327 : i32 to index
      %get3A_329 = arith.constant 0 : index
      %get3A_330 = tpu.vector_load %arg6[%get3A_328, %get3A_329] {strides = array<i32>} : memref<128x32xf32, #tpu.memory_space<vmem>>, vector<16xf32>,
      %get3A_331 = arith.constant 19 : i32
      %get3A_332 = arith.index_cast %get3A_331 : i32 to index
      %get3A_333 = arith.constant 16 : index
      %get3A_334 = tpu.vector_load %arg6[%get3A_332, %get3A_333] {strides = array<i32>} : memref<128x32xf32, #tpu.memory_space<vmem>>, vector<16xf32>,
      tpu.vector_store_idx %arg8[%select_n3A, %select_n3A_48, %broadcast_in_dim3A_326], %get3A_330 : memref<4x8x129xf32, #tpu.memory_space<vmem>>[vector<16xi32>, vector<16xi32>, vector<16xi32>], vector<16xf32>,
      tpu.vector_store_idx %arg8[%add3A_28, %select_n3A_48, %broadcast_in_dim3A_326], %get3A_334 : memref<4x8x129xf32, #tpu.memory_space<vmem>>[vector<16xi32>, vector<16xi32>, vector<16xi32>], vector<16xf32>,
      %broadcast_in_dim3A_335 = arith.constant 20 : i32
      %broadcast_in_dim3A_336 = vector.broadcast %broadcast_in_dim3A_335 : i32 to vector<16xi32>
      %get3A_337 = arith.constant 20 : i32
      %get3A_338 = arith.index_cast %get3A_337 : i32 to index
      %get3A_339 = arith.constant 0 : index
      %get3A_340 = tpu.vector_load %arg6[%get3A_338, %get3A_339] {strides = array<i32>} : memref<128x32xf32, #tpu.memory_space<vmem>>, vector<16xf32>,
      %get3A_341 = arith.constant 20 : i32
      %get3A_342 = arith.index_cast %get3A_341 : i32 to index
      %get3A_343 = arith.constant 16 : index
      %get3A_344 = tpu.vector_load %arg6[%get3A_342, %get3A_343] {strides = array<i32>} : memref<128x32xf32, #tpu.memory_space<vmem>>, vector<16xf32>,
      tpu.vector_store_idx %arg8[%select_n3A, %select_n3A_48, %broadcast_in_dim3A_336], %get3A_340 : memref<4x8x129xf32, #tpu.memory_space<vmem>>[vector<16xi32>, vector<16xi32>, vector<16xi32>], vector<16xf32>,
      tpu.vector_store_idx %arg8[%add3A_28, %select_n3A_48, %broadcast_in_dim3A_336], %get3A_344 : memref<4x8x129xf32, #tpu.memory_space<vmem>>[vector<16xi32>, vector<16xi32>, vector<16xi32>], vector<16xf32>,
      %broadcast_in_dim3A_345 = arith.constant 21 : i32
      %broadcast_in_dim3A_346 = vector.broadcast %broadcast_in_dim3A_345 : i32 to vector<16xi32>
      %get3A_347 = arith.constant 21 : i32
      %get3A_348 = arith.index_cast %get3A_347 : i32 to index
      %get3A_349 = arith.constant 0 : index
      %get3A_350 = tpu.vector_load %arg6[%get3A_348, %get3A_349] {strides = array<i32>} : memref<128x32xf32, #tpu.memory_space<vmem>>, vector<16xf32>,
      %get3A_351 = arith.constant 21 : i32
      %get3A_352 = arith.index_cast %get3A_351 : i32 to index
      %get3A_353 = arith.constant 16 : index
      %get3A_354 = tpu.vector_load %arg6[%get3A_352, %get3A_353] {strides = array<i32>} : memref<128x32xf32, #tpu.memory_space<vmem>>, vector<16xf32>,
      tpu.vector_store_idx %arg8[%select_n3A, %select_n3A_48, %broadcast_in_dim3A_346], %get3A_350 : memref<4x8x129xf32, #tpu.memory_space<vmem>>[vector<16xi32>, vector<16xi32>, vector<16xi32>], vector<16xf32>,
      tpu.vector_store_idx %arg8[%add3A_28, %select_n3A_48, %broadcast_in_dim3A_346], %get3A_354 : memref<4x8x129xf32, #tpu.memory_space<vmem>>[vector<16xi32>, vector<16xi32>, vector<16xi32>], vector<16xf32>,
      %broadcast_in_dim3A_355 = arith.constant 22 : i32
      %broadcast_in_dim3A_356 = vector.broadcast %broadcast_in_dim3A_355 : i32 to vector<16xi32>
      %get3A_357 = arith.constant 22 : i32
      %get3A_358 = arith.index_cast %get3A_357 : i32 to index
      %get3A_359 = arith.constant 0 : index
      %get3A_360 = tpu.vector_load %arg6[%get3A_358, %get3A_359] {strides = array<i32>} : memref<128x32xf32, #tpu.memory_space<vmem>>, vector<16xf32>,
      %get3A_361 = arith.constant 22 : i32
      %get3A_362 = arith.index_cast %get3A_361 : i32 to index
      %get3A_363 = arith.constant 16 : index
      %get3A_364 = tpu.vector_load %arg6[%get3A_362, %get3A_363] {strides = array<i32>} : memref<128x32xf32, #tpu.memory_space<vmem>>, vector<16xf32>,
      tpu.vector_store_idx %arg8[%select_n3A, %select_n3A_48, %broadcast_in_dim3A_356], %get3A_360 : memref<4x8x129xf32, #tpu.memory_space<vmem>>[vector<16xi32>, vector<16xi32>, vector<16xi32>], vector<16xf32>,
      tpu.vector_store_idx %arg8[%add3A_28, %select_n3A_48, %broadcast_in_dim3A_356], %get3A_364 : memref<4x8x129xf32, #tpu.memory_space<vmem>>[vector<16xi32>, vector<16xi32>, vector<16xi32>], vector<16xf32>,
      %broadcast_in_dim3A_365 = arith.constant 23 : i32
      %broadcast_in_dim3A_366 = vector.broadcast %broadcast_in_dim3A_365 : i32 to vector<16xi32>
      %get3A_367 = arith.constant 23 : i32
      %get3A_368 = arith.index_cast %get3A_367 : i32 to index
      %get3A_369 = arith.constant 0 : index
      %get3A_370 = tpu.vector_load %arg6[%get3A_368, %get3A_369] {strides = array<i32>} : memref<128x32xf32, #tpu.memory_space<vmem>>, vector<16xf32>,
      %get3A_371 = arith.constant 23 : i32
      %get3A_372 = arith.index_cast %get3A_371 : i32 to index
      %get3A_373 = arith.constant 16 : index
      %get3A_374 = tpu.vector_load %arg6[%get3A_372, %get3A_373] {strides = array<i32>} : memref<128x32xf32, #tpu.memory_space<vmem>>, vector<16xf32>,
      tpu.vector_store_idx %arg8[%select_n3A, %select_n3A_48, %broadcast_in_dim3A_366], %get3A_370 : memref<4x8x129xf32, #tpu.memory_space<vmem>>[vector<16xi32>, vector<16xi32>, vector<16xi32>], vector<16xf32>,
      tpu.vector_store_idx %arg8[%add3A_28, %select_n3A_48, %broadcast_in_dim3A_366], %get3A_374 : memref<4x8x129xf32, #tpu.memory_space<vmem>>[vector<16xi32>, vector<16xi32>, vector<16xi32>], vector<16xf32>,
      %broadcast_in_dim3A_375 = arith.constant 24 : i32
      %broadcast_in_dim3A_376 = vector.broadcast %broadcast_in_dim3A_375 : i32 to vector<16xi32>
      %get3A_377 = arith.constant 24 : i32
      %get3A_378 = arith.index_cast %get3A_377 : i32 to index
      %get3A_379 = arith.constant 0 : index
      %get3A_380 = tpu.vector_load %arg6[%get3A_378, %get3A_379] {strides = array<i32>} : memref<128x32xf32, #tpu.memory_space<vmem>>, vector<16xf32>,
      %get3A_381 = arith.constant 24 : i32
      %get3A_382 = arith.index_cast %get3A_381 : i32 to index
      %get3A_383 = arith.constant 16 : index
      %get3A_384 = tpu.vector_load %arg6[%get3A_382, %get3A_383] {strides = array<i32>} : memref<128x32xf32, #tpu.memory_space<vmem>>, vector<16xf32>,
      tpu.vector_store_idx %arg8[%select_n3A, %select_n3A_48, %broadcast_in_dim3A_376], %get3A_380 : memref<4x8x129xf32, #tpu.memory_space<vmem>>[vector<16xi32>, vector<16xi32>, vector<16xi32>], vector<16xf32>,
      tpu.vector_store_idx %arg8[%add3A_28, %select_n3A_48, %broadcast_in_dim3A_376], %get3A_384 : memref<4x8x129xf32, #tpu.memory_space<vmem>>[vector<16xi32>, vector<16xi32>, vector<16xi32>], vector<16xf32>,
      %broadcast_in_dim3A_385 = arith.constant 25 : i32
      %broadcast_in_dim3A_386 = vector.broadcast %broadcast_in_dim3A_385 : i32 to vector<16xi32>
      %get3A_387 = arith.constant 25 : i32
      %get3A_388 = arith.index_cast %get3A_387 : i32 to index
      %get3A_389 = arith.constant 0 : index
      %get3A_390 = tpu.vector_load %arg6[%get3A_388, %get3A_389] {strides = array<i32>} : memref<128x32xf32, #tpu.memory_space<vmem>>, vector<16xf32>,
      %get3A_391 = arith.constant 25 : i32
      %get3A_392 = arith.index_cast %get3A_391 : i32 to index
      %get3A_393 = arith.constant 16 : index
      %get3A_394 = tpu.vector_load %arg6[%get3A_392, %get3A_393] {strides = array<i32>} : memref<128x32xf32, #tpu.memory_space<vmem>>, vector<16xf32>,
      tpu.vector_store_idx %arg8[%select_n3A, %select_n3A_48, %broadcast_in_dim3A_386], %get3A_390 : memref<4x8x129xf32, #tpu.memory_space<vmem>>[vector<16xi32>, vector<16xi32>, vector<16xi32>], vector<16xf32>,
      tpu.vector_store_idx %arg8[%add3A_28, %select_n3A_48, %broadcast_in_dim3A_386], %get3A_394 : memref<4x8x129xf32, #tpu.memory_space<vmem>>[vector<16xi32>, vector<16xi32>, vector<16xi32>], vector<16xf32>,
      %broadcast_in_dim3A_395 = arith.constant 26 : i32
      %broadcast_in_dim3A_396 = vector.broadcast %broadcast_in_dim3A_395 : i32 to vector<16xi32>
      %get3A_397 = arith.constant 26 : i32
      %get3A_398 = arith.index_cast %get3A_397 : i32 to index
      %get3A_399 = arith.constant 0 : index
      %get3A_400 = tpu.vector_load %arg6[%get3A_398, %get3A_399] {strides = array<i32>} : memref<128x32xf32, #tpu.memory_space<vmem>>, vector<16xf32>,
      %get3A_401 = arith.constant 26 : i32
      %get3A_402 = arith.index_cast %get3A_401 : i32 to index
      %get3A_403 = arith.constant 16 : index
      %get3A_404 = tpu.vector_load %arg6[%get3A_402, %get3A_403] {strides = array<i32>} : memref<128x32xf32, #tpu.memory_space<vmem>>, vector<16xf32>,
      tpu.vector_store_idx %arg8[%select_n3A, %select_n3A_48, %broadcast_in_dim3A_396], %get3A_400 : memref<4x8x129xf32, #tpu.memory_space<vmem>>[vector<16xi32>, vector<16xi32>, vector<16xi32>], vector<16xf32>,
      tpu.vector_store_idx %arg8[%add3A_28, %select_n3A_48, %broadcast_in_dim3A_396], %get3A_404 : memref<4x8x129xf32, #tpu.memory_space<vmem>>[vector<16xi32>, vector<16xi32>, vector<16xi32>], vector<16xf32>,
      %broadcast_in_dim3A_405 = arith.constant 27 : i32
      %broadcast_in_dim3A_406 = vector.broadcast %broadcast_in_dim3A_405 : i32 to vector<16xi32>
      %get3A_407 = arith.constant 27 : i32
      %get3A_408 = arith.index_cast %get3A_407 : i32 to index
      %get3A_409 = arith.constant 0 : index
      %get3A_410 = tpu.vector_load %arg6[%get3A_408, %get3A_409] {strides = array<i32>} : memref<128x32xf32, #tpu.memory_space<vmem>>, vector<16xf32>,
      %get3A_411 = arith.constant 27 : i32
      %get3A_412 = arith.index_cast %get3A_411 : i32 to index
      %get3A_413 = arith.constant 16 : index
      %get3A_414 = tpu.vector_load %arg6[%get3A_412, %get3A_413] {strides = array<i32>} : memref<128x32xf32, #tpu.memory_space<vmem>>, vector<16xf32>,
      tpu.vector_store_idx %arg8[%select_n3A, %select_n3A_48, %broadcast_in_dim3A_406], %get3A_410 : memref<4x8x129xf32, #tpu.memory_space<vmem>>[vector<16xi32>, vector<16xi32>, vector<16xi32>], vector<16xf32>,
      tpu.vector_store_idx %arg8[%add3A_28, %select_n3A_48, %broadcast_in_dim3A_406], %get3A_414 : memref<4x8x129xf32, #tpu.memory_space<vmem>>[vector<16xi32>, vector<16xi32>, vector<16xi32>], vector<16xf32>,
      %broadcast_in_dim3A_415 = arith.constant 28 : i32
      %broadcast_in_dim3A_416 = vector.broadcast %broadcast_in_dim3A_415 : i32 to vector<16xi32>
      %get3A_417 = arith.constant 28 : i32
      %get3A_418 = arith.index_cast %get3A_417 : i32 to index
      %get3A_419 = arith.constant 0 : index
      %get3A_420 = tpu.vector_load %arg6[%get3A_418, %get3A_419] {strides = array<i32>} : memref<128x32xf32, #tpu.memory_space<vmem>>, vector<16xf32>,
      %get3A_421 = arith.constant 28 : i32
      %get3A_422 = arith.index_cast %get3A_421 : i32 to index
      %get3A_423 = arith.constant 16 : index
      %get3A_424 = tpu.vector_load %arg6[%get3A_422, %get3A_423] {strides = array<i32>} : memref<128x32xf32, #tpu.memory_space<vmem>>, vector<16xf32>,
      tpu.vector_store_idx %arg8[%select_n3A, %select_n3A_48, %broadcast_in_dim3A_416], %get3A_420 : memref<4x8x129xf32, #tpu.memory_space<vmem>>[vector<16xi32>, vector<16xi32>, vector<16xi32>], vector<16xf32>,
      tpu.vector_store_idx %arg8[%add3A_28, %select_n3A_48, %broadcast_in_dim3A_416], %get3A_424 : memref<4x8x129xf32, #tpu.memory_space<vmem>>[vector<16xi32>, vector<16xi32>, vector<16xi32>], vector<16xf32>,
      %broadcast_in_dim3A_425 = arith.constant 29 : i32
      %broadcast_in_dim3A_426 = vector.broadcast %broadcast_in_dim3A_425 : i32 to vector<16xi32>
      %get3A_427 = arith.constant 29 : i32
      %get3A_428 = arith.index_cast %get3A_427 : i32 to index
      %get3A_429 = arith.constant 0 : index
      %get3A_430 = tpu.vector_load %arg6[%get3A_428, %get3A_429] {strides = array<i32>} : memref<128x32xf32, #tpu.memory_space<vmem>>, vector<16xf32>,
      %get3A_431 = arith.constant 29 : i32
      %get3A_432 = arith.index_cast %get3A_431 : i32 to index
      %get3A_433 = arith.constant 16 : index
      %get3A_434 = tpu.vector_load %arg6[%get3A_432, %get3A_433] {strides = array<i32>} : memref<128x32xf32, #tpu.memory_space<vmem>>, vector<16xf32>,
      tpu.vector_store_idx %arg8[%select_n3A, %select_n3A_48, %broadcast_in_dim3A_426], %get3A_430 : memref<4x8x129xf32, #tpu.memory_space<vmem>>[vector<16xi32>, vector<16xi32>, vector<16xi32>], vector<16xf32>,
      tpu.vector_store_idx %arg8[%add3A_28, %select_n3A_48, %broadcast_in_dim3A_426], %get3A_434 : memref<4x8x129xf32, #tpu.memory_space<vmem>>[vector<16xi32>, vector<16xi32>, vector<16xi32>], vector<16xf32>,
      %broadcast_in_dim3A_435 = arith.constant 30 : i32
      %broadcast_in_dim3A_436 = vector.broadcast %broadcast_in_dim3A_435 : i32 to vector<16xi32>
      %get3A_437 = arith.constant 30 : i32
      %get3A_438 = arith.index_cast %get3A_437 : i32 to index
      %get3A_439 = arith.constant 0 : index
      %get3A_440 = tpu.vector_load %arg6[%get3A_438, %get3A_439] {strides = array<i32>} : memref<128x32xf32, #tpu.memory_space<vmem>>, vector<16xf32>,
      %get3A_441 = arith.constant 30 : i32
      %get3A_442 = arith.index_cast %get3A_441 : i32 to index
      %get3A_443 = arith.constant 16 : index
      %get3A_444 = tpu.vector_load %arg6[%get3A_442, %get3A_443] {strides = array<i32>} : memref<128x32xf32, #tpu.memory_space<vmem>>, vector<16xf32>,
      tpu.vector_store_idx %arg8[%select_n3A, %select_n3A_48, %broadcast_in_dim3A_436], %get3A_440 : memref<4x8x129xf32, #tpu.memory_space<vmem>>[vector<16xi32>, vector<16xi32>, vector<16xi32>], vector<16xf32>,
      tpu.vector_store_idx %arg8[%add3A_28, %select_n3A_48, %broadcast_in_dim3A_436], %get3A_444 : memref<4x8x129xf32, #tpu.memory_space<vmem>>[vector<16xi32>, vector<16xi32>, vector<16xi32>], vector<16xf32>,
      %broadcast_in_dim3A_445 = arith.constant 31 : i32
      %broadcast_in_dim3A_446 = vector.broadcast %broadcast_in_dim3A_445 : i32 to vector<16xi32>
      %get3A_447 = arith.constant 31 : i32
      %get3A_448 = arith.index_cast %get3A_447 : i32 to index
      %get3A_449 = arith.constant 0 : index
      %get3A_450 = tpu.vector_load %arg6[%get3A_448, %get3A_449] {strides = array<i32>} : memref<128x32xf32, #tpu.memory_space<vmem>>, vector<16xf32>,
      %get3A_451 = arith.constant 31 : i32
      %get3A_452 = arith.index_cast %get3A_451 : i32 to index
      %get3A_453 = arith.constant 16 : index
      %get3A_454 = tpu.vector_load %arg6[%get3A_452, %get3A_453] {strides = array<i32>} : memref<128x32xf32, #tpu.memory_space<vmem>>, vector<16xf32>,
      tpu.vector_store_idx %arg8[%select_n3A, %select_n3A_48, %broadcast_in_dim3A_446], %get3A_450 : memref<4x8x129xf32, #tpu.memory_space<vmem>>[vector<16xi32>, vector<16xi32>, vector<16xi32>], vector<16xf32>,
      tpu.vector_store_idx %arg8[%add3A_28, %select_n3A_48, %broadcast_in_dim3A_446], %get3A_454 : memref<4x8x129xf32, #tpu.memory_space<vmem>>[vector<16xi32>, vector<16xi32>, vector<16xi32>], vector<16xf32>,
      %broadcast_in_dim3A_455 = arith.constant 32 : i32
      %broadcast_in_dim3A_456 = vector.broadcast %broadcast_in_dim3A_455 : i32 to vector<16xi32>
      %get3A_457 = arith.constant 32 : i32
      %get3A_458 = arith.index_cast %get3A_457 : i32 to index
      %get3A_459 = arith.constant 0 : index
      %get3A_460 = tpu.vector_load %arg6[%get3A_458, %get3A_459] {strides = array<i32>} : memref<128x32xf32, #tpu.memory_space<vmem>>, vector<16xf32>,
      %get3A_461 = arith.constant 32 : i32
      %get3A_462 = arith.index_cast %get3A_461 : i32 to index
      %get3A_463 = arith.constant 16 : index
      %get3A_464 = tpu.vector_load %arg6[%get3A_462, %get3A_463] {strides = array<i32>} : memref<128x32xf32, #tpu.memory_space<vmem>>, vector<16xf32>,
      tpu.vector_store_idx %arg8[%select_n3A, %select_n3A_48, %broadcast_in_dim3A_456], %get3A_460 : memref<4x8x129xf32, #tpu.memory_space<vmem>>[vector<16xi32>, vector<16xi32>, vector<16xi32>], vector<16xf32>,
      tpu.vector_store_idx %arg8[%add3A_28, %select_n3A_48, %broadcast_in_dim3A_456], %get3A_464 : memref<4x8x129xf32, #tpu.memory_space<vmem>>[vector<16xi32>, vector<16xi32>, vector<16xi32>], vector<16xf32>,
      %broadcast_in_dim3A_465 = arith.constant 33 : i32
      %broadcast_in_dim3A_466 = vector.broadcast %broadcast_in_dim3A_465 : i32 to vector<16xi32>
      %get3A_467 = arith.constant 33 : i32
      %get3A_468 = arith.index_cast %get3A_467 : i32 to index
      %get3A_469 = arith.constant 0 : index
      %get3A_470 = tpu.vector_load %arg6[%get3A_468, %get3A_469] {strides = array<i32>} : memref<128x32xf32, #tpu.memory_space<vmem>>, vector<16xf32>,
      %get3A_471 = arith.constant 33 : i32
      %get3A_472 = arith.index_cast %get3A_471 : i32 to index
      %get3A_473 = arith.constant 16 : index
      %get3A_474 = tpu.vector_load %arg6[%get3A_472, %get3A_473] {strides = array<i32>} : memref<128x32xf32, #tpu.memory_space<vmem>>, vector<16xf32>,
      tpu.vector_store_idx %arg8[%select_n3A, %select_n3A_48, %broadcast_in_dim3A_466], %get3A_470 : memref<4x8x129xf32, #tpu.memory_space<vmem>>[vector<16xi32>, vector<16xi32>, vector<16xi32>], vector<16xf32>,
      tpu.vector_store_idx %arg8[%add3A_28, %select_n3A_48, %broadcast_in_dim3A_466], %get3A_474 : memref<4x8x129xf32, #tpu.memory_space<vmem>>[vector<16xi32>, vector<16xi32>, vector<16xi32>], vector<16xf32>,
      %broadcast_in_dim3A_475 = arith.constant 34 : i32
      %broadcast_in_dim3A_476 = vector.broadcast %broadcast_in_dim3A_475 : i32 to vector<16xi32>
      %get3A_477 = arith.constant 34 : i32
      %get3A_478 = arith.index_cast %get3A_477 : i32 to index
      %get3A_479 = arith.constant 0 : index
      %get3A_480 = tpu.vector_load %arg6[%get3A_478, %get3A_479] {strides = array<i32>} : memref<128x32xf32, #tpu.memory_space<vmem>>, vector<16xf32>,
      %get3A_481 = arith.constant 34 : i32
      %get3A_482 = arith.index_cast %get3A_481 : i32 to index
      %get3A_483 = arith.constant 16 : index
      %get3A_484 = tpu.vector_load %arg6[%get3A_482, %get3A_483] {strides = array<i32>} : memref<128x32xf32, #tpu.memory_space<vmem>>, vector<16xf32>,
      tpu.vector_store_idx %arg8[%select_n3A, %select_n3A_48, %broadcast_in_dim3A_476], %get3A_480 : memref<4x8x129xf32, #tpu.memory_space<vmem>>[vector<16xi32>, vector<16xi32>, vector<16xi32>], vector<16xf32>,
      tpu.vector_store_idx %arg8[%add3A_28, %select_n3A_48, %broadcast_in_dim3A_476], %get3A_484 : memref<4x8x129xf32, #tpu.memory_space<vmem>>[vector<16xi32>, vector<16xi32>, vector<16xi32>], vector<16xf32>,
      %broadcast_in_dim3A_485 = arith.constant 35 : i32
      %broadcast_in_dim3A_486 = vector.broadcast %broadcast_in_dim3A_485 : i32 to vector<16xi32>
      %get3A_487 = arith.constant 35 : i32
      %get3A_488 = arith.index_cast %get3A_487 : i32 to index
      %get3A_489 = arith.constant 0 : index
      %get3A_490 = tpu.vector_load %arg6[%get3A_488, %get3A_489] {strides = array<i32>} : memref<128x32xf32, #tpu.memory_space<vmem>>, vector<16xf32>,
      %get3A_491 = arith.constant 35 : i32
      %get3A_492 = arith.index_cast %get3A_491 : i32 to index
      %get3A_493 = arith.constant 16 : index
      %get3A_494 = tpu.vector_load %arg6[%get3A_492, %get3A_493] {strides = array<i32>} : memref<128x32xf32, #tpu.memory_space<vmem>>, vector<16xf32>,
      tpu.vector_store_idx %arg8[%select_n3A, %select_n3A_48, %broadcast_in_dim3A_486], %get3A_490 : memref<4x8x129xf32, #tpu.memory_space<vmem>>[vector<16xi32>, vector<16xi32>, vector<16xi32>], vector<16xf32>,
      tpu.vector_store_idx %arg8[%add3A_28, %select_n3A_48, %broadcast_in_dim3A_486], %get3A_494 : memref<4x8x129xf32, #tpu.memory_space<vmem>>[vector<16xi32>, vector<16xi32>, vector<16xi32>], vector<16xf32>,
      %broadcast_in_dim3A_495 = arith.constant 36 : i32
      %broadcast_in_dim3A_496 = vector.broadcast %broadcast_in_dim3A_495 : i32 to vector<16xi32>
      %get3A_497 = arith.constant 36 : i32
      %get3A_498 = arith.index_cast %get3A_497 : i32 to index
      %get3A_499 = arith.constant 0 : index
      %get3A_500 = tpu.vector_load %arg6[%get3A_498, %get3A_499] {strides = array<i32>} : memref<128x32xf32, #tpu.memory_space<vmem>>, vector<16xf32>,
      %get3A_501 = arith.constant 36 : i32
      %get3A_502 = arith.index_cast %get3A_501 : i32 to index
      %get3A_503 = arith.constant 16 : index
      %get3A_504 = tpu.vector_load %arg6[%get3A_502, %get3A_503] {strides = array<i32>} : memref<128x32xf32, #tpu.memory_space<vmem>>, vector<16xf32>,
      tpu.vector_store_idx %arg8[%select_n3A, %select_n3A_48, %broadcast_in_dim3A_496], %get3A_500 : memref<4x8x129xf32, #tpu.memory_space<vmem>>[vector<16xi32>, vector<16xi32>, vector<16xi32>], vector<16xf32>,
      tpu.vector_store_idx %arg8[%add3A_28, %select_n3A_48, %broadcast_in_dim3A_496], %get3A_504 : memref<4x8x129xf32, #tpu.memory_space<vmem>>[vector<16xi32>, vector<16xi32>, vector<16xi32>], vector<16xf32>,
      %broadcast_in_dim3A_505 = arith.constant 37 : i32
      %broadcast_in_dim3A_506 = vector.broadcast %broadcast_in_dim3A_505 : i32 to vector<16xi32>
      %get3A_507 = arith.constant 37 : i32
      %get3A_508 = arith.index_cast %get3A_507 : i32 to index
      %get3A_509 = arith.constant 0 : index
      %get3A_510 = tpu.vector_load %arg6[%get3A_508, %get3A_509] {strides = array<i32>} : memref<128x32xf32, #tpu.memory_space<vmem>>, vector<16xf32>,
      %get3A_511 = arith.constant 37 : i32
      %get3A_512 = arith.index_cast %get3A_511 : i32 to index
      %get3A_513 = arith.constant 16 : index
      %get3A_514 = tpu.vector_load %arg6[%get3A_512, %get3A_513] {strides = array<i32>} : memref<128x32xf32, #tpu.memory_space<vmem>>, vector<16xf32>,
      tpu.vector_store_idx %arg8[%select_n3A, %select_n3A_48, %broadcast_in_dim3A_506], %get3A_510 : memref<4x8x129xf32, #tpu.memory_space<vmem>>[vector<16xi32>, vector<16xi32>, vector<16xi32>], vector<16xf32>,
      tpu.vector_store_idx %arg8[%add3A_28, %select_n3A_48, %broadcast_in_dim3A_506], %get3A_514 : memref<4x8x129xf32, #tpu.memory_space<vmem>>[vector<16xi32>, vector<16xi32>, vector<16xi32>], vector<16xf32>,
      %broadcast_in_dim3A_515 = arith.constant 38 : i32
      %broadcast_in_dim3A_516 = vector.broadcast %broadcast_in_dim3A_515 : i32 to vector<16xi32>
      %get3A_517 = arith.constant 38 : i32
      %get3A_518 = arith.index_cast %get3A_517 : i32 to index
      %get3A_519 = arith.constant 0 : index
      %get3A_520 = tpu.vector_load %arg6[%get3A_518, %get3A_519] {strides = array<i32>} : memref<128x32xf32, #tpu.memory_space<vmem>>, vector<16xf32>,
      %get3A_521 = arith.constant 38 : i32
      %get3A_522 = arith.index_cast %get3A_521 : i32 to index
      %get3A_523 = arith.constant 16 : index
      %get3A_524 = tpu.vector_load %arg6[%get3A_522, %get3A_523] {strides = array<i32>} : memref<128x32xf32, #tpu.memory_space<vmem>>, vector<16xf32>,
      tpu.vector_store_idx %arg8[%select_n3A, %select_n3A_48, %broadcast_in_dim3A_516], %get3A_520 : memref<4x8x129xf32, #tpu.memory_space<vmem>>[vector<16xi32>, vector<16xi32>, vector<16xi32>], vector<16xf32>,
      tpu.vector_store_idx %arg8[%add3A_28, %select_n3A_48, %broadcast_in_dim3A_516], %get3A_524 : memref<4x8x129xf32, #tpu.memory_space<vmem>>[vector<16xi32>, vector<16xi32>, vector<16xi32>], vector<16xf32>,
      %broadcast_in_dim3A_525 = arith.constant 39 : i32
      %broadcast_in_dim3A_526 = vector.broadcast %broadcast_in_dim3A_525 : i32 to vector<16xi32>
      %get3A_527 = arith.constant 39 : i32
      %get3A_528 = arith.index_cast %get3A_527 : i32 to index
      %get3A_529 = arith.constant 0 : index
      %get3A_530 = tpu.vector_load %arg6[%get3A_528, %get3A_529] {strides = array<i32>} : memref<128x32xf32, #tpu.memory_space<vmem>>, vector<16xf32>,
      %get3A_531 = arith.constant 39 : i32
      %get3A_532 = arith.index_cast %get3A_531 : i32 to index
      %get3A_533 = arith.constant 16 : index
      %get3A_534 = tpu.vector_load %arg6[%get3A_532, %get3A_533] {strides = array<i32>} : memref<128x32xf32, #tpu.memory_space<vmem>>, vector<16xf32>,
      tpu.vector_store_idx %arg8[%select_n3A, %select_n3A_48, %broadcast_in_dim3A_526], %get3A_530 : memref<4x8x129xf32, #tpu.memory_space<vmem>>[vector<16xi32>, vector<16xi32>, vector<16xi32>], vector<16xf32>,
      tpu.vector_store_idx %arg8[%add3A_28, %select_n3A_48, %broadcast_in_dim3A_526], %get3A_534 : memref<4x8x129xf32, #tpu.memory_space<vmem>>[vector<16xi32>, vector<16xi32>, vector<16xi32>], vector<16xf32>,
      %broadcast_in_dim3A_535 = arith.constant 40 : i32
      %broadcast_in_dim3A_536 = vector.broadcast %broadcast_in_dim3A_535 : i32 to vector<16xi32>
      %get3A_537 = arith.constant 40 : i32
      %get3A_538 = arith.index_cast %get3A_537 : i32 to index
      %get3A_539 = arith.constant 0 : index
      %get3A_540 = tpu.vector_load %arg6[%get3A_538, %get3A_539] {strides = array<i32>} : memref<128x32xf32, #tpu.memory_space<vmem>>, vector<16xf32>,
      %get3A_541 = arith.constant 40 : i32
      %get3A_542 = arith.index_cast %get3A_541 : i32 to index
      %get3A_543 = arith.constant 16 : index
      %get3A_544 = tpu.vector_load %arg6[%get3A_542, %get3A_543] {strides = array<i32>} : memref<128x32xf32, #tpu.memory_space<vmem>>, vector<16xf32>,
      tpu.vector_store_idx %arg8[%select_n3A, %select_n3A_48, %broadcast_in_dim3A_536], %get3A_540 : memref<4x8x129xf32, #tpu.memory_space<vmem>>[vector<16xi32>, vector<16xi32>, vector<16xi32>], vector<16xf32>,
      tpu.vector_store_idx %arg8[%add3A_28, %select_n3A_48, %broadcast_in_dim3A_536], %get3A_544 : memref<4x8x129xf32, #tpu.memory_space<vmem>>[vector<16xi32>, vector<16xi32>, vector<16xi32>], vector<16xf32>,
      %broadcast_in_dim3A_545 = arith.constant 41 : i32
      %broadcast_in_dim3A_546 = vector.broadcast %broadcast_in_dim3A_545 : i32 to vector<16xi32>
      %get3A_547 = arith.constant 41 : i32
      %get3A_548 = arith.index_cast %get3A_547 : i32 to index
      %get3A_549 = arith.constant 0 : index
      %get3A_550 = tpu.vector_load %arg6[%get3A_548, %get3A_549] {strides = array<i32>} : memref<128x32xf32, #tpu.memory_space<vmem>>, vector<16xf32>,
      %get3A_551 = arith.constant 41 : i32
      %get3A_552 = arith.index_cast %get3A_551 : i32 to index
      %get3A_553 = arith.constant 16 : index
      %get3A_554 = tpu.vector_load %arg6[%get3A_552, %get3A_553] {strides = array<i32>} : memref<128x32xf32, #tpu.memory_space<vmem>>, vector<16xf32>,
      tpu.vector_store_idx %arg8[%select_n3A, %select_n3A_48, %broadcast_in_dim3A_546], %get3A_550 : memref<4x8x129xf32, #tpu.memory_space<vmem>>[vector<16xi32>, vector<16xi32>, vector<16xi32>], vector<16xf32>,
      tpu.vector_store_idx %arg8[%add3A_28, %select_n3A_48, %broadcast_in_dim3A_546], %get3A_554 : memref<4x8x129xf32, #tpu.memory_space<vmem>>[vector<16xi32>, vector<16xi32>, vector<16xi32>], vector<16xf32>,
      %broadcast_in_dim3A_555 = arith.constant 42 : i32
      %broadcast_in_dim3A_556 = vector.broadcast %broadcast_in_dim3A_555 : i32 to vector<16xi32>
      %get3A_557 = arith.constant 42 : i32
      %get3A_558 = arith.index_cast %get3A_557 : i32 to index
      %get3A_559 = arith.constant 0 : index
      %get3A_560 = tpu.vector_load %arg6[%get3A_558, %get3A_559] {strides = array<i32>} : memref<128x32xf32, #tpu.memory_space<vmem>>, vector<16xf32>,
      %get3A_561 = arith.constant 42 : i32
      %get3A_562 = arith.index_cast %get3A_561 : i32 to index
      %get3A_563 = arith.constant 16 : index
      %get3A_564 = tpu.vector_load %arg6[%get3A_562, %get3A_563] {strides = array<i32>} : memref<128x32xf32, #tpu.memory_space<vmem>>, vector<16xf32>,
      tpu.vector_store_idx %arg8[%select_n3A, %select_n3A_48, %broadcast_in_dim3A_556], %get3A_560 : memref<4x8x129xf32, #tpu.memory_space<vmem>>[vector<16xi32>, vector<16xi32>, vector<16xi32>], vector<16xf32>,
      tpu.vector_store_idx %arg8[%add3A_28, %select_n3A_48, %broadcast_in_dim3A_556], %get3A_564 : memref<4x8x129xf32, #tpu.memory_space<vmem>>[vector<16xi32>, vector<16xi32>, vector<16xi32>], vector<16xf32>,
      %broadcast_in_dim3A_565 = arith.constant 43 : i32
      %broadcast_in_dim3A_566 = vector.broadcast %broadcast_in_dim3A_565 : i32 to vector<16xi32>
      %get3A_567 = arith.constant 43 : i32
      %get3A_568 = arith.index_cast %get3A_567 : i32 to index
      %get3A_569 = arith.constant 0 : index
      %get3A_570 = tpu.vector_load %arg6[%get3A_568, %get3A_569] {strides = array<i32>} : memref<128x32xf32, #tpu.memory_space<vmem>>, vector<16xf32>,
      %get3A_571 = arith.constant 43 : i32
      %get3A_572 = arith.index_cast %get3A_571 : i32 to index
      %get3A_573 = arith.constant 16 : index
      %get3A_574 = tpu.vector_load %arg6[%get3A_572, %get3A_573] {strides = array<i32>} : memref<128x32xf32, #tpu.memory_space<vmem>>, vector<16xf32>,
      tpu.vector_store_idx %arg8[%select_n3A, %select_n3A_48, %broadcast_in_dim3A_566], %get3A_570 : memref<4x8x129xf32, #tpu.memory_space<vmem>>[vector<16xi32>, vector<16xi32>, vector<16xi32>], vector<16xf32>,
      tpu.vector_store_idx %arg8[%add3A_28, %select_n3A_48, %broadcast_in_dim3A_566], %get3A_574 : memref<4x8x129xf32, #tpu.memory_space<vmem>>[vector<16xi32>, vector<16xi32>, vector<16xi32>], vector<16xf32>,
      %broadcast_in_dim3A_575 = arith.constant 44 : i32
      %broadcast_in_dim3A_576 = vector.broadcast %broadcast_in_dim3A_575 : i32 to vector<16xi32>
      %get3A_577 = arith.constant 44 : i32
      %get3A_578 = arith.index_cast %get3A_577 : i32 to index
      %get3A_579 = arith.constant 0 : index
      %get3A_580 = tpu.vector_load %arg6[%get3A_578, %get3A_579] {strides = array<i32>} : memref<128x32xf32, #tpu.memory_space<vmem>>, vector<16xf32>,
      %get3A_581 = arith.constant 44 : i32
      %get3A_582 = arith.index_cast %get3A_581 : i32 to index
      %get3A_583 = arith.constant 16 : index
      %get3A_584 = tpu.vector_load %arg6[%get3A_582, %get3A_583] {strides = array<i32>} : memref<128x32xf32, #tpu.memory_space<vmem>>, vector<16xf32>,
      tpu.vector_store_idx %arg8[%select_n3A, %select_n3A_48, %broadcast_in_dim3A_576], %get3A_580 : memref<4x8x129xf32, #tpu.memory_space<vmem>>[vector<16xi32>, vector<16xi32>, vector<16xi32>], vector<16xf32>,
      tpu.vector_store_idx %arg8[%add3A_28, %select_n3A_48, %broadcast_in_dim3A_576], %get3A_584 : memref<4x8x129xf32, #tpu.memory_space<vmem>>[vector<16xi32>, vector<16xi32>, vector<16xi32>], vector<16xf32>,
      %broadcast_in_dim3A_585 = arith.constant 45 : i32
      %broadcast_in_dim3A_586 = vector.broadcast %broadcast_in_dim3A_585 : i32 to vector<16xi32>
      %get3A_587 = arith.constant 45 : i32
      %get3A_588 = arith.index_cast %get3A_587 : i32 to index
      %get3A_589 = arith.constant 0 : index
      %get3A_590 = tpu.vector_load %arg6[%get3A_588, %get3A_589] {strides = array<i32>} : memref<128x32xf32, #tpu.memory_space<vmem>>, vector<16xf32>,
      %get3A_591 = arith.constant 45 : i32
      %get3A_592 = arith.index_cast %get3A_591 : i32 to index
      %get3A_593 = arith.constant 16 : index
      %get3A_594 = tpu.vector_load %arg6[%get3A_592, %get3A_593] {strides = array<i32>} : memref<128x32xf32, #tpu.memory_space<vmem>>, vector<16xf32>,
      tpu.vector_store_idx %arg8[%select_n3A, %select_n3A_48, %broadcast_in_dim3A_586], %get3A_590 : memref<4x8x129xf32, #tpu.memory_space<vmem>>[vector<16xi32>, vector<16xi32>, vector<16xi32>], vector<16xf32>,
      tpu.vector_store_idx %arg8[%add3A_28, %select_n3A_48, %broadcast_in_dim3A_586], %get3A_594 : memref<4x8x129xf32, #tpu.memory_space<vmem>>[vector<16xi32>, vector<16xi32>, vector<16xi32>], vector<16xf32>,
      %broadcast_in_dim3A_595 = arith.constant 46 : i32
      %broadcast_in_dim3A_596 = vector.broadcast %broadcast_in_dim3A_595 : i32 to vector<16xi32>
      %get3A_597 = arith.constant 46 : i32
      %get3A_598 = arith.index_cast %get3A_597 : i32 to index
      %get3A_599 = arith.constant 0 : index
      %get3A_600 = tpu.vector_load %arg6[%get3A_598, %get3A_599] {strides = array<i32>} : memref<128x32xf32, #tpu.memory_space<vmem>>, vector<16xf32>,
      %get3A_601 = arith.constant 46 : i32
      %get3A_602 = arith.index_cast %get3A_601 : i32 to index
      %get3A_603 = arith.constant 16 : index
      %get3A_604 = tpu.vector_load %arg6[%get3A_602, %get3A_603] {strides = array<i32>} : memref<128x32xf32, #tpu.memory_space<vmem>>, vector<16xf32>,
      tpu.vector_store_idx %arg8[%select_n3A, %select_n3A_48, %broadcast_in_dim3A_596], %get3A_600 : memref<4x8x129xf32, #tpu.memory_space<vmem>>[vector<16xi32>, vector<16xi32>, vector<16xi32>], vector<16xf32>,
      tpu.vector_store_idx %arg8[%add3A_28, %select_n3A_48, %broadcast_in_dim3A_596], %get3A_604 : memref<4x8x129xf32, #tpu.memory_space<vmem>>[vector<16xi32>, vector<16xi32>, vector<16xi32>], vector<16xf32>,
      %broadcast_in_dim3A_605 = arith.constant 47 : i32
      %broadcast_in_dim3A_606 = vector.broadcast %broadcast_in_dim3A_605 : i32 to vector<16xi32>
      %get3A_607 = arith.constant 47 : i32
      %get3A_608 = arith.index_cast %get3A_607 : i32 to index
      %get3A_609 = arith.constant 0 : index
      %get3A_610 = tpu.vector_load %arg6[%get3A_608, %get3A_609] {strides = array<i32>} : memref<128x32xf32, #tpu.memory_space<vmem>>, vector<16xf32>,
      %get3A_611 = arith.constant 47 : i32
      %get3A_612 = arith.index_cast %get3A_611 : i32 to index
      %get3A_613 = arith.constant 16 : index
      %get3A_614 = tpu.vector_load %arg6[%get3A_612, %get3A_613] {strides = array<i32>} : memref<128x32xf32, #tpu.memory_space<vmem>>, vector<16xf32>,
      tpu.vector_store_idx %arg8[%select_n3A, %select_n3A_48, %broadcast_in_dim3A_606], %get3A_610 : memref<4x8x129xf32, #tpu.memory_space<vmem>>[vector<16xi32>, vector<16xi32>, vector<16xi32>], vector<16xf32>,
      tpu.vector_store_idx %arg8[%add3A_28, %select_n3A_48, %broadcast_in_dim3A_606], %get3A_614 : memref<4x8x129xf32, #tpu.memory_space<vmem>>[vector<16xi32>, vector<16xi32>, vector<16xi32>], vector<16xf32>,
      %broadcast_in_dim3A_615 = arith.constant 48 : i32
      %broadcast_in_dim3A_616 = vector.broadcast %broadcast_in_dim3A_615 : i32 to vector<16xi32>
      %get3A_617 = arith.constant 48 : i32
      %get3A_618 = arith.index_cast %get3A_617 : i32 to index
      %get3A_619 = arith.constant 0 : index
      %get3A_620 = tpu.vector_load %arg6[%get3A_618, %get3A_619] {strides = array<i32>} : memref<128x32xf32, #tpu.memory_space<vmem>>, vector<16xf32>,
      %get3A_621 = arith.constant 48 : i32
      %get3A_622 = arith.index_cast %get3A_621 : i32 to index
      %get3A_623 = arith.constant 16 : index
      %get3A_624 = tpu.vector_load %arg6[%get3A_622, %get3A_623] {strides = array<i32>} : memref<128x32xf32, #tpu.memory_space<vmem>>, vector<16xf32>,
      tpu.vector_store_idx %arg8[%select_n3A, %select_n3A_48, %broadcast_in_dim3A_616], %get3A_620 : memref<4x8x129xf32, #tpu.memory_space<vmem>>[vector<16xi32>, vector<16xi32>, vector<16xi32>], vector<16xf32>,
      tpu.vector_store_idx %arg8[%add3A_28, %select_n3A_48, %broadcast_in_dim3A_616], %get3A_624 : memref<4x8x129xf32, #tpu.memory_space<vmem>>[vector<16xi32>, vector<16xi32>, vector<16xi32>], vector<16xf32>,
      %broadcast_in_dim3A_625 = arith.constant 49 : i32
      %broadcast_in_dim3A_626 = vector.broadcast %broadcast_in_dim3A_625 : i32 to vector<16xi32>
      %get3A_627 = arith.constant 49 : i32
      %get3A_628 = arith.index_cast %get3A_627 : i32 to index
      %get3A_629 = arith.constant 0 : index
      %get3A_630 = tpu.vector_load %arg6[%get3A_628, %get3A_629] {strides = array<i32>} : memref<128x32xf32, #tpu.memory_space<vmem>>, vector<16xf32>,
      %get3A_631 = arith.constant 49 : i32
      %get3A_632 = arith.index_cast %get3A_631 : i32 to index
      %get3A_633 = arith.constant 16 : index
      %get3A_634 = tpu.vector_load %arg6[%get3A_632, %get3A_633] {strides = array<i32>} : memref<128x32xf32, #tpu.memory_space<vmem>>, vector<16xf32>,
      tpu.vector_store_idx %arg8[%select_n3A, %select_n3A_48, %broadcast_in_dim3A_626], %get3A_630 : memref<4x8x129xf32, #tpu.memory_space<vmem>>[vector<16xi32>, vector<16xi32>, vector<16xi32>], vector<16xf32>,
      tpu.vector_store_idx %arg8[%add3A_28, %select_n3A_48, %broadcast_in_dim3A_626], %get3A_634 : memref<4x8x129xf32, #tpu.memory_space<vmem>>[vector<16xi32>, vector<16xi32>, vector<16xi32>], vector<16xf32>,
      %broadcast_in_dim3A_635 = arith.constant 50 : i32
      %broadcast_in_dim3A_636 = vector.broadcast %broadcast_in_dim3A_635 : i32 to vector<16xi32>
      %get3A_637 = arith.constant 50 : i32
      %get3A_638 = arith.index_cast %get3A_637 : i32 to index
      %get3A_639 = arith.constant 0 : index
      %get3A_640 = tpu.vector_load %arg6[%get3A_638, %get3A_639] {strides = array<i32>} : memref<128x32xf32, #tpu.memory_space<vmem>>, vector<16xf32>,
      %get3A_641 = arith.constant 50 : i32
      %get3A_642 = arith.index_cast %get3A_641 : i32 to index
      %get3A_643 = arith.constant 16 : index
      %get3A_644 = tpu.vector_load %arg6[%get3A_642, %get3A_643] {strides = array<i32>} : memref<128x32xf32, #tpu.memory_space<vmem>>, vector<16xf32>,
      tpu.vector_store_idx %arg8[%select_n3A, %select_n3A_48, %broadcast_in_dim3A_636], %get3A_640 : memref<4x8x129xf32, #tpu.memory_space<vmem>>[vector<16xi32>, vector<16xi32>, vector<16xi32>], vector<16xf32>,
      tpu.vector_store_idx %arg8[%add3A_28, %select_n3A_48, %broadcast_in_dim3A_636], %get3A_644 : memref<4x8x129xf32, #tpu.memory_space<vmem>>[vector<16xi32>, vector<16xi32>, vector<16xi32>], vector<16xf32>,
      %broadcast_in_dim3A_645 = arith.constant 51 : i32
      %broadcast_in_dim3A_646 = vector.broadcast %broadcast_in_dim3A_645 : i32 to vector<16xi32>
      %get3A_647 = arith.constant 51 : i32
      %get3A_648 = arith.index_cast %get3A_647 : i32 to index
      %get3A_649 = arith.constant 0 : index
      %get3A_650 = tpu.vector_load %arg6[%get3A_648, %get3A_649] {strides = array<i32>} : memref<128x32xf32, #tpu.memory_space<vmem>>, vector<16xf32>,
      %get3A_651 = arith.constant 51 : i32
      %get3A_652 = arith.index_cast %get3A_651 : i32 to index
      %get3A_653 = arith.constant 16 : index
      %get3A_654 = tpu.vector_load %arg6[%get3A_652, %get3A_653] {strides = array<i32>} : memref<128x32xf32, #tpu.memory_space<vmem>>, vector<16xf32>,
      tpu.vector_store_idx %arg8[%select_n3A, %select_n3A_48, %broadcast_in_dim3A_646], %get3A_650 : memref<4x8x129xf32, #tpu.memory_space<vmem>>[vector<16xi32>, vector<16xi32>, vector<16xi32>], vector<16xf32>,
      tpu.vector_store_idx %arg8[%add3A_28, %select_n3A_48, %broadcast_in_dim3A_646], %get3A_654 : memref<4x8x129xf32, #tpu.memory_space<vmem>>[vector<16xi32>, vector<16xi32>, vector<16xi32>], vector<16xf32>,
      %broadcast_in_dim3A_655 = arith.constant 52 : i32
      %broadcast_in_dim3A_656 = vector.broadcast %broadcast_in_dim3A_655 : i32 to vector<16xi32>
      %get3A_657 = arith.constant 52 : i32
      %get3A_658 = arith.index_cast %get3A_657 : i32 to index
      %get3A_659 = arith.constant 0 : index
      %get3A_660 = tpu.vector_load %arg6[%get3A_658, %get3A_659] {strides = array<i32>} : memref<128x32xf32, #tpu.memory_space<vmem>>, vector<16xf32>,
      %get3A_661 = arith.constant 52 : i32
      %get3A_662 = arith.index_cast %get3A_661 : i32 to index
      %get3A_663 = arith.constant 16 : index
      %get3A_664 = tpu.vector_load %arg6[%get3A_662, %get3A_663] {strides = array<i32>} : memref<128x32xf32, #tpu.memory_space<vmem>>, vector<16xf32>,
      tpu.vector_store_idx %arg8[%select_n3A, %select_n3A_48, %broadcast_in_dim3A_656], %get3A_660 : memref<4x8x129xf32, #tpu.memory_space<vmem>>[vector<16xi32>, vector<16xi32>, vector<16xi32>], vector<16xf32>,
      tpu.vector_store_idx %arg8[%add3A_28, %select_n3A_48, %broadcast_in_dim3A_656], %get3A_664 : memref<4x8x129xf32, #tpu.memory_space<vmem>>[vector<16xi32>, vector<16xi32>, vector<16xi32>], vector<16xf32>,
      %broadcast_in_dim3A_665 = arith.constant 53 : i32
      %broadcast_in_dim3A_666 = vector.broadcast %broadcast_in_dim3A_665 : i32 to vector<16xi32>
      %get3A_667 = arith.constant 53 : i32
      %get3A_668 = arith.index_cast %get3A_667 : i32 to index
      %get3A_669 = arith.constant 0 : index
      %get3A_670 = tpu.vector_load %arg6[%get3A_668, %get3A_669] {strides = array<i32>} : memref<128x32xf32, #tpu.memory_space<vmem>>, vector<16xf32>,
      %get3A_671 = arith.constant 53 : i32
      %get3A_672 = arith.index_cast %get3A_671 : i32 to index
      %get3A_673 = arith.constant 16 : index
      %get3A_674 = tpu.vector_load %arg6[%get3A_672, %get3A_673] {strides = array<i32>} : memref<128x32xf32, #tpu.memory_space<vmem>>, vector<16xf32>,
      tpu.vector_store_idx %arg8[%select_n3A, %select_n3A_48, %broadcast_in_dim3A_666], %get3A_670 : memref<4x8x129xf32, #tpu.memory_space<vmem>>[vector<16xi32>, vector<16xi32>, vector<16xi32>], vector<16xf32>,
      tpu.vector_store_idx %arg8[%add3A_28, %select_n3A_48, %broadcast_in_dim3A_666], %get3A_674 : memref<4x8x129xf32, #tpu.memory_space<vmem>>[vector<16xi32>, vector<16xi32>, vector<16xi32>], vector<16xf32>,
      %broadcast_in_dim3A_675 = arith.constant 54 : i32
      %broadcast_in_dim3A_676 = vector.broadcast %broadcast_in_dim3A_675 : i32 to vector<16xi32>
      %get3A_677 = arith.constant 54 : i32
      %get3A_678 = arith.index_cast %get3A_677 : i32 to index
      %get3A_679 = arith.constant 0 : index
      %get3A_680 = tpu.vector_load %arg6[%get3A_678, %get3A_679] {strides = array<i32>} : memref<128x32xf32, #tpu.memory_space<vmem>>, vector<16xf32>,
      %get3A_681 = arith.constant 54 : i32
      %get3A_682 = arith.index_cast %get3A_681 : i32 to index
      %get3A_683 = arith.constant 16 : index
      %get3A_684 = tpu.vector_load %arg6[%get3A_682, %get3A_683] {strides = array<i32>} : memref<128x32xf32, #tpu.memory_space<vmem>>, vector<16xf32>,
      tpu.vector_store_idx %arg8[%select_n3A, %select_n3A_48, %broadcast_in_dim3A_676], %get3A_680 : memref<4x8x129xf32, #tpu.memory_space<vmem>>[vector<16xi32>, vector<16xi32>, vector<16xi32>], vector<16xf32>,
      tpu.vector_store_idx %arg8[%add3A_28, %select_n3A_48, %broadcast_in_dim3A_676], %get3A_684 : memref<4x8x129xf32, #tpu.memory_space<vmem>>[vector<16xi32>, vector<16xi32>, vector<16xi32>], vector<16xf32>,
      %broadcast_in_dim3A_685 = arith.constant 55 : i32
      %broadcast_in_dim3A_686 = vector.broadcast %broadcast_in_dim3A_685 : i32 to vector<16xi32>
      %get3A_687 = arith.constant 55 : i32
      %get3A_688 = arith.index_cast %get3A_687 : i32 to index
      %get3A_689 = arith.constant 0 : index
      %get3A_690 = tpu.vector_load %arg6[%get3A_688, %get3A_689] {strides = array<i32>} : memref<128x32xf32, #tpu.memory_space<vmem>>, vector<16xf32>,
      %get3A_691 = arith.constant 55 : i32
      %get3A_692 = arith.index_cast %get3A_691 : i32 to index
      %get3A_693 = arith.constant 16 : index
      %get3A_694 = tpu.vector_load %arg6[%get3A_692, %get3A_693] {strides = array<i32>} : memref<128x32xf32, #tpu.memory_space<vmem>>, vector<16xf32>,
      tpu.vector_store_idx %arg8[%select_n3A, %select_n3A_48, %broadcast_in_dim3A_686], %get3A_690 : memref<4x8x129xf32, #tpu.memory_space<vmem>>[vector<16xi32>, vector<16xi32>, vector<16xi32>], vector<16xf32>,
      tpu.vector_store_idx %arg8[%add3A_28, %select_n3A_48, %broadcast_in_dim3A_686], %get3A_694 : memref<4x8x129xf32, #tpu.memory_space<vmem>>[vector<16xi32>, vector<16xi32>, vector<16xi32>], vector<16xf32>,
      %broadcast_in_dim3A_695 = arith.constant 56 : i32
      %broadcast_in_dim3A_696 = vector.broadcast %broadcast_in_dim3A_695 : i32 to vector<16xi32>
      %get3A_697 = arith.constant 56 : i32
      %get3A_698 = arith.index_cast %get3A_697 : i32 to index
      %get3A_699 = arith.constant 0 : index
      %get3A_700 = tpu.vector_load %arg6[%get3A_698, %get3A_699] {strides = array<i32>} : memref<128x32xf32, #tpu.memory_space<vmem>>, vector<16xf32>,
      %get3A_701 = arith.constant 56 : i32
      %get3A_702 = arith.index_cast %get3A_701 : i32 to index
      %get3A_703 = arith.constant 16 : index
      %get3A_704 = tpu.vector_load %arg6[%get3A_702, %get3A_703] {strides = array<i32>} : memref<128x32xf32, #tpu.memory_space<vmem>>, vector<16xf32>,
      tpu.vector_store_idx %arg8[%select_n3A, %select_n3A_48, %broadcast_in_dim3A_696], %get3A_700 : memref<4x8x129xf32, #tpu.memory_space<vmem>>[vector<16xi32>, vector<16xi32>, vector<16xi32>], vector<16xf32>,
      tpu.vector_store_idx %arg8[%add3A_28, %select_n3A_48, %broadcast_in_dim3A_696], %get3A_704 : memref<4x8x129xf32, #tpu.memory_space<vmem>>[vector<16xi32>, vector<16xi32>, vector<16xi32>], vector<16xf32>,
      %broadcast_in_dim3A_705 = arith.constant 57 : i32
      %broadcast_in_dim3A_706 = vector.broadcast %broadcast_in_dim3A_705 : i32 to vector<16xi32>
      %get3A_707 = arith.constant 57 : i32
      %get3A_708 = arith.index_cast %get3A_707 : i32 to index
      %get3A_709 = arith.constant 0 : index
      %get3A_710 = tpu.vector_load %arg6[%get3A_708, %get3A_709] {strides = array<i32>} : memref<128x32xf32, #tpu.memory_space<vmem>>, vector<16xf32>,
      %get3A_711 = arith.constant 57 : i32
      %get3A_712 = arith.index_cast %get3A_711 : i32 to index
      %get3A_713 = arith.constant 16 : index
      %get3A_714 = tpu.vector_load %arg6[%get3A_712, %get3A_713] {strides = array<i32>} : memref<128x32xf32, #tpu.memory_space<vmem>>, vector<16xf32>,
      tpu.vector_store_idx %arg8[%select_n3A, %select_n3A_48, %broadcast_in_dim3A_706], %get3A_710 : memref<4x8x129xf32, #tpu.memory_space<vmem>>[vector<16xi32>, vector<16xi32>, vector<16xi32>], vector<16xf32>,
      tpu.vector_store_idx %arg8[%add3A_28, %select_n3A_48, %broadcast_in_dim3A_706], %get3A_714 : memref<4x8x129xf32, #tpu.memory_space<vmem>>[vector<16xi32>, vector<16xi32>, vector<16xi32>], vector<16xf32>,
      %broadcast_in_dim3A_715 = arith.constant 58 : i32
      %broadcast_in_dim3A_716 = vector.broadcast %broadcast_in_dim3A_715 : i32 to vector<16xi32>
      %get3A_717 = arith.constant 58 : i32
      %get3A_718 = arith.index_cast %get3A_717 : i32 to index
      %get3A_719 = arith.constant 0 : index
      %get3A_720 = tpu.vector_load %arg6[%get3A_718, %get3A_719] {strides = array<i32>} : memref<128x32xf32, #tpu.memory_space<vmem>>, vector<16xf32>,
      %get3A_721 = arith.constant 58 : i32
      %get3A_722 = arith.index_cast %get3A_721 : i32 to index
      %get3A_723 = arith.constant 16 : index
      %get3A_724 = tpu.vector_load %arg6[%get3A_722, %get3A_723] {strides = array<i32>} : memref<128x32xf32, #tpu.memory_space<vmem>>, vector<16xf32>,
      tpu.vector_store_idx %arg8[%select_n3A, %select_n3A_48, %broadcast_in_dim3A_716], %get3A_720 : memref<4x8x129xf32, #tpu.memory_space<vmem>>[vector<16xi32>, vector<16xi32>, vector<16xi32>], vector<16xf32>,
      tpu.vector_store_idx %arg8[%add3A_28, %select_n3A_48, %broadcast_in_dim3A_716], %get3A_724 : memref<4x8x129xf32, #tpu.memory_space<vmem>>[vector<16xi32>, vector<16xi32>, vector<16xi32>], vector<16xf32>,
      %broadcast_in_dim3A_725 = arith.constant 59 : i32
      %broadcast_in_dim3A_726 = vector.broadcast %broadcast_in_dim3A_725 : i32 to vector<16xi32>
      %get3A_727 = arith.constant 59 : i32
      %get3A_728 = arith.index_cast %get3A_727 : i32 to index
      %get3A_729 = arith.constant 0 : index
      %get3A_730 = tpu.vector_load %arg6[%get3A_728, %get3A_729] {strides = array<i32>} : memref<128x32xf32, #tpu.memory_space<vmem>>, vector<16xf32>,
      %get3A_731 = arith.constant 59 : i32
      %get3A_732 = arith.index_cast %get3A_731 : i32 to index
      %get3A_733 = arith.constant 16 : index
      %get3A_734 = tpu.vector_load %arg6[%get3A_732, %get3A_733] {strides = array<i32>} : memref<128x32xf32, #tpu.memory_space<vmem>>, vector<16xf32>,
      tpu.vector_store_idx %arg8[%select_n3A, %select_n3A_48, %broadcast_in_dim3A_726], %get3A_730 : memref<4x8x129xf32, #tpu.memory_space<vmem>>[vector<16xi32>, vector<16xi32>, vector<16xi32>], vector<16xf32>,
      tpu.vector_store_idx %arg8[%add3A_28, %select_n3A_48, %broadcast_in_dim3A_726], %get3A_734 : memref<4x8x129xf32, #tpu.memory_space<vmem>>[vector<16xi32>, vector<16xi32>, vector<16xi32>], vector<16xf32>,
      %broadcast_in_dim3A_735 = arith.constant 60 : i32
      %broadcast_in_dim3A_736 = vector.broadcast %broadcast_in_dim3A_735 : i32 to vector<16xi32>
      %get3A_737 = arith.constant 60 : i32
      %get3A_738 = arith.index_cast %get3A_737 : i32 to index
      %get3A_739 = arith.constant 0 : index
      %get3A_740 = tpu.vector_load %arg6[%get3A_738, %get3A_739] {strides = array<i32>} : memref<128x32xf32, #tpu.memory_space<vmem>>, vector<16xf32>,
      %get3A_741 = arith.constant 60 : i32
      %get3A_742 = arith.index_cast %get3A_741 : i32 to index
      %get3A_743 = arith.constant 16 : index
      %get3A_744 = tpu.vector_load %arg6[%get3A_742, %get3A_743] {strides = array<i32>} : memref<128x32xf32, #tpu.memory_space<vmem>>, vector<16xf32>,
      tpu.vector_store_idx %arg8[%select_n3A, %select_n3A_48, %broadcast_in_dim3A_736], %get3A_740 : memref<4x8x129xf32, #tpu.memory_space<vmem>>[vector<16xi32>, vector<16xi32>, vector<16xi32>], vector<16xf32>,
      tpu.vector_store_idx %arg8[%add3A_28, %select_n3A_48, %broadcast_in_dim3A_736], %get3A_744 : memref<4x8x129xf32, #tpu.memory_space<vmem>>[vector<16xi32>, vector<16xi32>, vector<16xi32>], vector<16xf32>,
      %broadcast_in_dim3A_745 = arith.constant 61 : i32
      %broadcast_in_dim3A_746 = vector.broadcast %broadcast_in_dim3A_745 : i32 to vector<16xi32>
      %get3A_747 = arith.constant 61 : i32
      %get3A_748 = arith.index_cast %get3A_747 : i32 to index
      %get3A_749 = arith.constant 0 : index
      %get3A_750 = tpu.vector_load %arg6[%get3A_748, %get3A_749] {strides = array<i32>} : memref<128x32xf32, #tpu.memory_space<vmem>>, vector<16xf32>,
      %get3A_751 = arith.constant 61 : i32
      %get3A_752 = arith.index_cast %get3A_751 : i32 to index
      %get3A_753 = arith.constant 16 : index
      %get3A_754 = tpu.vector_load %arg6[%get3A_752, %get3A_753] {strides = array<i32>} : memref<128x32xf32, #tpu.memory_space<vmem>>, vector<16xf32>,
      tpu.vector_store_idx %arg8[%select_n3A, %select_n3A_48, %broadcast_in_dim3A_746], %get3A_750 : memref<4x8x129xf32, #tpu.memory_space<vmem>>[vector<16xi32>, vector<16xi32>, vector<16xi32>], vector<16xf32>,
      tpu.vector_store_idx %arg8[%add3A_28, %select_n3A_48, %broadcast_in_dim3A_746], %get3A_754 : memref<4x8x129xf32, #tpu.memory_space<vmem>>[vector<16xi32>, vector<16xi32>, vector<16xi32>], vector<16xf32>,
      %broadcast_in_dim3A_755 = arith.constant 62 : i32
      %broadcast_in_dim3A_756 = vector.broadcast %broadcast_in_dim3A_755 : i32 to vector<16xi32>
      %get3A_757 = arith.constant 62 : i32
      %get3A_758 = arith.index_cast %get3A_757 : i32 to index
      %get3A_759 = arith.constant 0 : index
      %get3A_760 = tpu.vector_load %arg6[%get3A_758, %get3A_759] {strides = array<i32>} : memref<128x32xf32, #tpu.memory_space<vmem>>, vector<16xf32>,
      %get3A_761 = arith.constant 62 : i32
      %get3A_762 = arith.index_cast %get3A_761 : i32 to index
      %get3A_763 = arith.constant 16 : index
      %get3A_764 = tpu.vector_load %arg6[%get3A_762, %get3A_763] {strides = array<i32>} : memref<128x32xf32, #tpu.memory_space<vmem>>, vector<16xf32>,
      tpu.vector_store_idx %arg8[%select_n3A, %select_n3A_48, %broadcast_in_dim3A_756], %get3A_760 : memref<4x8x129xf32, #tpu.memory_space<vmem>>[vector<16xi32>, vector<16xi32>, vector<16xi32>], vector<16xf32>,
      tpu.vector_store_idx %arg8[%add3A_28, %select_n3A_48, %broadcast_in_dim3A_756], %get3A_764 : memref<4x8x129xf32, #tpu.memory_space<vmem>>[vector<16xi32>, vector<16xi32>, vector<16xi32>], vector<16xf32>,
      %broadcast_in_dim3A_765 = arith.constant 63 : i32
      %broadcast_in_dim3A_766 = vector.broadcast %broadcast_in_dim3A_765 : i32 to vector<16xi32>
      %get3A_767 = arith.constant 63 : i32
      %get3A_768 = arith.index_cast %get3A_767 : i32 to index
      %get3A_769 = arith.constant 0 : index
      %get3A_770 = tpu.vector_load %arg6[%get3A_768, %get3A_769] {strides = array<i32>} : memref<128x32xf32, #tpu.memory_space<vmem>>, vector<16xf32>,
      %get3A_771 = arith.constant 63 : i32
      %get3A_772 = arith.index_cast %get3A_771 : i32 to index
      %get3A_773 = arith.constant 16 : index
      %get3A_774 = tpu.vector_load %arg6[%get3A_772, %get3A_773] {strides = array<i32>} : memref<128x32xf32, #tpu.memory_space<vmem>>, vector<16xf32>,
      tpu.vector_store_idx %arg8[%select_n3A, %select_n3A_48, %broadcast_in_dim3A_766], %get3A_770 : memref<4x8x129xf32, #tpu.memory_space<vmem>>[vector<16xi32>, vector<16xi32>, vector<16xi32>], vector<16xf32>,
      tpu.vector_store_idx %arg8[%add3A_28, %select_n3A_48, %broadcast_in_dim3A_766], %get3A_774 : memref<4x8x129xf32, #tpu.memory_space<vmem>>[vector<16xi32>, vector<16xi32>, vector<16xi32>], vector<16xf32>,
      %broadcast_in_dim3A_775 = arith.constant 64 : i32
      %broadcast_in_dim3A_776 = vector.broadcast %broadcast_in_dim3A_775 : i32 to vector<16xi32>
      %get3A_777 = arith.constant 64 : i32
      %get3A_778 = arith.index_cast %get3A_777 : i32 to index
      %get3A_779 = arith.constant 0 : index
      %get3A_780 = tpu.vector_load %arg6[%get3A_778, %get3A_779] {strides = array<i32>} : memref<128x32xf32, #tpu.memory_space<vmem>>, vector<16xf32>,
      %get3A_781 = arith.constant 64 : i32
      %get3A_782 = arith.index_cast %get3A_781 : i32 to index
      %get3A_783 = arith.constant 16 : index
      %get3A_784 = tpu.vector_load %arg6[%get3A_782, %get3A_783] {strides = array<i32>} : memref<128x32xf32, #tpu.memory_space<vmem>>, vector<16xf32>,
      tpu.vector_store_idx %arg8[%select_n3A, %select_n3A_48, %broadcast_in_dim3A_776], %get3A_780 : memref<4x8x129xf32, #tpu.memory_space<vmem>>[vector<16xi32>, vector<16xi32>, vector<16xi32>], vector<16xf32>,
      tpu.vector_store_idx %arg8[%add3A_28, %select_n3A_48, %broadcast_in_dim3A_776], %get3A_784 : memref<4x8x129xf32, #tpu.memory_space<vmem>>[vector<16xi32>, vector<16xi32>, vector<16xi32>], vector<16xf32>,
      %broadcast_in_dim3A_785 = arith.constant 65 : i32
      %broadcast_in_dim3A_786 = vector.broadcast %broadcast_in_dim3A_785 : i32 to vector<16xi32>
      %get3A_787 = arith.constant 65 : i32
      %get3A_788 = arith.index_cast %get3A_787 : i32 to index
      %get3A_789 = arith.constant 0 : index
      %get3A_790 = tpu.vector_load %arg6[%get3A_788, %get3A_789] {strides = array<i32>} : memref<128x32xf32, #tpu.memory_space<vmem>>, vector<16xf32>,
      %get3A_791 = arith.constant 65 : i32
      %get3A_792 = arith.index_cast %get3A_791 : i32 to index
      %get3A_793 = arith.constant 16 : index
      %get3A_794 = tpu.vector_load %arg6[%get3A_792, %get3A_793] {strides = array<i32>} : memref<128x32xf32, #tpu.memory_space<vmem>>, vector<16xf32>,
      tpu.vector_store_idx %arg8[%select_n3A, %select_n3A_48, %broadcast_in_dim3A_786], %get3A_790 : memref<4x8x129xf32, #tpu.memory_space<vmem>>[vector<16xi32>, vector<16xi32>, vector<16xi32>], vector<16xf32>,
      tpu.vector_store_idx %arg8[%add3A_28, %select_n3A_48, %broadcast_in_dim3A_786], %get3A_794 : memref<4x8x129xf32, #tpu.memory_space<vmem>>[vector<16xi32>, vector<16xi32>, vector<16xi32>], vector<16xf32>,
      %broadcast_in_dim3A_795 = arith.constant 66 : i32
      %broadcast_in_dim3A_796 = vector.broadcast %broadcast_in_dim3A_795 : i32 to vector<16xi32>
      %get3A_797 = arith.constant 66 : i32
      %get3A_798 = arith.index_cast %get3A_797 : i32 to index
      %get3A_799 = arith.constant 0 : index
      %get3A_800 = tpu.vector_load %arg6[%get3A_798, %get3A_799] {strides = array<i32>} : memref<128x32xf32, #tpu.memory_space<vmem>>, vector<16xf32>,
      %get3A_801 = arith.constant 66 : i32
      %get3A_802 = arith.index_cast %get3A_801 : i32 to index
      %get3A_803 = arith.constant 16 : index
      %get3A_804 = tpu.vector_load %arg6[%get3A_802, %get3A_803] {strides = array<i32>} : memref<128x32xf32, #tpu.memory_space<vmem>>, vector<16xf32>,
      tpu.vector_store_idx %arg8[%select_n3A, %select_n3A_48, %broadcast_in_dim3A_796], %get3A_800 : memref<4x8x129xf32, #tpu.memory_space<vmem>>[vector<16xi32>, vector<16xi32>, vector<16xi32>], vector<16xf32>,
      tpu.vector_store_idx %arg8[%add3A_28, %select_n3A_48, %broadcast_in_dim3A_796], %get3A_804 : memref<4x8x129xf32, #tpu.memory_space<vmem>>[vector<16xi32>, vector<16xi32>, vector<16xi32>], vector<16xf32>,
      %broadcast_in_dim3A_805 = arith.constant 67 : i32
      %broadcast_in_dim3A_806 = vector.broadcast %broadcast_in_dim3A_805 : i32 to vector<16xi32>
      %get3A_807 = arith.constant 67 : i32
      %get3A_808 = arith.index_cast %get3A_807 : i32 to index
      %get3A_809 = arith.constant 0 : index
      %get3A_810 = tpu.vector_load %arg6[%get3A_808, %get3A_809] {strides = array<i32>} : memref<128x32xf32, #tpu.memory_space<vmem>>, vector<16xf32>,
      %get3A_811 = arith.constant 67 : i32
      %get3A_812 = arith.index_cast %get3A_811 : i32 to index
      %get3A_813 = arith.constant 16 : index
      %get3A_814 = tpu.vector_load %arg6[%get3A_812, %get3A_813] {strides = array<i32>} : memref<128x32xf32, #tpu.memory_space<vmem>>, vector<16xf32>,
      tpu.vector_store_idx %arg8[%select_n3A, %select_n3A_48, %broadcast_in_dim3A_806], %get3A_810 : memref<4x8x129xf32, #tpu.memory_space<vmem>>[vector<16xi32>, vector<16xi32>, vector<16xi32>], vector<16xf32>,
      tpu.vector_store_idx %arg8[%add3A_28, %select_n3A_48, %broadcast_in_dim3A_806], %get3A_814 : memref<4x8x129xf32, #tpu.memory_space<vmem>>[vector<16xi32>, vector<16xi32>, vector<16xi32>], vector<16xf32>,
      %broadcast_in_dim3A_815 = arith.constant 68 : i32
      %broadcast_in_dim3A_816 = vector.broadcast %broadcast_in_dim3A_815 : i32 to vector<16xi32>
      %get3A_817 = arith.constant 68 : i32
      %get3A_818 = arith.index_cast %get3A_817 : i32 to index
      %get3A_819 = arith.constant 0 : index
      %get3A_820 = tpu.vector_load %arg6[%get3A_818, %get3A_819] {strides = array<i32>} : memref<128x32xf32, #tpu.memory_space<vmem>>, vector<16xf32>,
      %get3A_821 = arith.constant 68 : i32
      %get3A_822 = arith.index_cast %get3A_821 : i32 to index
      %get3A_823 = arith.constant 16 : index
      %get3A_824 = tpu.vector_load %arg6[%get3A_822, %get3A_823] {strides = array<i32>} : memref<128x32xf32, #tpu.memory_space<vmem>>, vector<16xf32>,
      tpu.vector_store_idx %arg8[%select_n3A, %select_n3A_48, %broadcast_in_dim3A_816], %get3A_820 : memref<4x8x129xf32, #tpu.memory_space<vmem>>[vector<16xi32>, vector<16xi32>, vector<16xi32>], vector<16xf32>,
      tpu.vector_store_idx %arg8[%add3A_28, %select_n3A_48, %broadcast_in_dim3A_816], %get3A_824 : memref<4x8x129xf32, #tpu.memory_space<vmem>>[vector<16xi32>, vector<16xi32>, vector<16xi32>], vector<16xf32>,
      %broadcast_in_dim3A_825 = arith.constant 69 : i32
      %broadcast_in_dim3A_826 = vector.broadcast %broadcast_in_dim3A_825 : i32 to vector<16xi32>
      %get3A_827 = arith.constant 69 : i32
      %get3A_828 = arith.index_cast %get3A_827 : i32 to index
      %get3A_829 = arith.constant 0 : index
      %get3A_830 = tpu.vector_load %arg6[%get3A_828, %get3A_829] {strides = array<i32>} : memref<128x32xf32, #tpu.memory_space<vmem>>, vector<16xf32>,
      %get3A_831 = arith.constant 69 : i32
      %get3A_832 = arith.index_cast %get3A_831 : i32 to index
      %get3A_833 = arith.constant 16 : index
      %get3A_834 = tpu.vector_load %arg6[%get3A_832, %get3A_833] {strides = array<i32>} : memref<128x32xf32, #tpu.memory_space<vmem>>, vector<16xf32>,
      tpu.vector_store_idx %arg8[%select_n3A, %select_n3A_48, %broadcast_in_dim3A_826], %get3A_830 : memref<4x8x129xf32, #tpu.memory_space<vmem>>[vector<16xi32>, vector<16xi32>, vector<16xi32>], vector<16xf32>,
      tpu.vector_store_idx %arg8[%add3A_28, %select_n3A_48, %broadcast_in_dim3A_826], %get3A_834 : memref<4x8x129xf32, #tpu.memory_space<vmem>>[vector<16xi32>, vector<16xi32>, vector<16xi32>], vector<16xf32>,
      %broadcast_in_dim3A_835 = arith.constant 70 : i32
      %broadcast_in_dim3A_836 = vector.broadcast %broadcast_in_dim3A_835 : i32 to vector<16xi32>
      %get3A_837 = arith.constant 70 : i32
      %get3A_838 = arith.index_cast %get3A_837 : i32 to index
      %get3A_839 = arith.constant 0 : index
      %get3A_840 = tpu.vector_load %arg6[%get3A_838, %get3A_839] {strides = array<i32>} : memref<128x32xf32, #tpu.memory_space<vmem>>, vector<16xf32>,
      %get3A_841 = arith.constant 70 : i32
      %get3A_842 = arith.index_cast %get3A_841 : i32 to index
      %get3A_843 = arith.constant 16 : index
      %get3A_844 = tpu.vector_load %arg6[%get3A_842, %get3A_843] {strides = array<i32>} : memref<128x32xf32, #tpu.memory_space<vmem>>, vector<16xf32>,
      tpu.vector_store_idx %arg8[%select_n3A, %select_n3A_48, %broadcast_in_dim3A_836], %get3A_840 : memref<4x8x129xf32, #tpu.memory_space<vmem>>[vector<16xi32>, vector<16xi32>, vector<16xi32>], vector<16xf32>,
      tpu.vector_store_idx %arg8[%add3A_28, %select_n3A_48, %broadcast_in_dim3A_836], %get3A_844 : memref<4x8x129xf32, #tpu.memory_space<vmem>>[vector<16xi32>, vector<16xi32>, vector<16xi32>], vector<16xf32>,
      %broadcast_in_dim3A_845 = arith.constant 71 : i32
      %broadcast_in_dim3A_846 = vector.broadcast %broadcast_in_dim3A_845 : i32 to vector<16xi32>
      %get3A_847 = arith.constant 71 : i32
      %get3A_848 = arith.index_cast %get3A_847 : i32 to index
      %get3A_849 = arith.constant 0 : index
      %get3A_850 = tpu.vector_load %arg6[%get3A_848, %get3A_849] {strides = array<i32>} : memref<128x32xf32, #tpu.memory_space<vmem>>, vector<16xf32>,
      %get3A_851 = arith.constant 71 : i32
      %get3A_852 = arith.index_cast %get3A_851 : i32 to index
      %get3A_853 = arith.constant 16 : index
      %get3A_854 = tpu.vector_load %arg6[%get3A_852, %get3A_853] {strides = array<i32>} : memref<128x32xf32, #tpu.memory_space<vmem>>, vector<16xf32>,
      tpu.vector_store_idx %arg8[%select_n3A, %select_n3A_48, %broadcast_in_dim3A_846], %get3A_850 : memref<4x8x129xf32, #tpu.memory_space<vmem>>[vector<16xi32>, vector<16xi32>, vector<16xi32>], vector<16xf32>,
      tpu.vector_store_idx %arg8[%add3A_28, %select_n3A_48, %broadcast_in_dim3A_846], %get3A_854 : memref<4x8x129xf32, #tpu.memory_space<vmem>>[vector<16xi32>, vector<16xi32>, vector<16xi32>], vector<16xf32>,
      %broadcast_in_dim3A_855 = arith.constant 72 : i32
      %broadcast_in_dim3A_856 = vector.broadcast %broadcast_in_dim3A_855 : i32 to vector<16xi32>
      %get3A_857 = arith.constant 72 : i32
      %get3A_858 = arith.index_cast %get3A_857 : i32 to index
      %get3A_859 = arith.constant 0 : index
      %get3A_860 = tpu.vector_load %arg6[%get3A_858, %get3A_859] {strides = array<i32>} : memref<128x32xf32, #tpu.memory_space<vmem>>, vector<16xf32>,
      %get3A_861 = arith.constant 72 : i32
      %get3A_862 = arith.index_cast %get3A_861 : i32 to index
      %get3A_863 = arith.constant 16 : index
      %get3A_864 = tpu.vector_load %arg6[%get3A_862, %get3A_863] {strides = array<i32>} : memref<128x32xf32, #tpu.memory_space<vmem>>, vector<16xf32>,
      tpu.vector_store_idx %arg8[%select_n3A, %select_n3A_48, %broadcast_in_dim3A_856], %get3A_860 : memref<4x8x129xf32, #tpu.memory_space<vmem>>[vector<16xi32>, vector<16xi32>, vector<16xi32>], vector<16xf32>,
      tpu.vector_store_idx %arg8[%add3A_28, %select_n3A_48, %broadcast_in_dim3A_856], %get3A_864 : memref<4x8x129xf32, #tpu.memory_space<vmem>>[vector<16xi32>, vector<16xi32>, vector<16xi32>], vector<16xf32>,
      %broadcast_in_dim3A_865 = arith.constant 73 : i32
      %broadcast_in_dim3A_866 = vector.broadcast %broadcast_in_dim3A_865 : i32 to vector<16xi32>
      %get3A_867 = arith.constant 73 : i32
      %get3A_868 = arith.index_cast %get3A_867 : i32 to index
      %get3A_869 = arith.constant 0 : index
      %get3A_870 = tpu.vector_load %arg6[%get3A_868, %get3A_869] {strides = array<i32>} : memref<128x32xf32, #tpu.memory_space<vmem>>, vector<16xf32>,
      %get3A_871 = arith.constant 73 : i32
      %get3A_872 = arith.index_cast %get3A_871 : i32 to index
      %get3A_873 = arith.constant 16 : index
      %get3A_874 = tpu.vector_load %arg6[%get3A_872, %get3A_873] {strides = array<i32>} : memref<128x32xf32, #tpu.memory_space<vmem>>, vector<16xf32>,
      tpu.vector_store_idx %arg8[%select_n3A, %select_n3A_48, %broadcast_in_dim3A_866], %get3A_870 : memref<4x8x129xf32, #tpu.memory_space<vmem>>[vector<16xi32>, vector<16xi32>, vector<16xi32>], vector<16xf32>,
      tpu.vector_store_idx %arg8[%add3A_28, %select_n3A_48, %broadcast_in_dim3A_866], %get3A_874 : memref<4x8x129xf32, #tpu.memory_space<vmem>>[vector<16xi32>, vector<16xi32>, vector<16xi32>], vector<16xf32>,
      %broadcast_in_dim3A_875 = arith.constant 74 : i32
      %broadcast_in_dim3A_876 = vector.broadcast %broadcast_in_dim3A_875 : i32 to vector<16xi32>
      %get3A_877 = arith.constant 74 : i32
      %get3A_878 = arith.index_cast %get3A_877 : i32 to index
      %get3A_879 = arith.constant 0 : index
      %get3A_880 = tpu.vector_load %arg6[%get3A_878, %get3A_879] {strides = array<i32>} : memref<128x32xf32, #tpu.memory_space<vmem>>, vector<16xf32>,
      %get3A_881 = arith.constant 74 : i32
      %get3A_882 = arith.index_cast %get3A_881 : i32 to index
      %get3A_883 = arith.constant 16 : index
      %get3A_884 = tpu.vector_load %arg6[%get3A_882, %get3A_883] {strides = array<i32>} : memref<128x32xf32, #tpu.memory_space<vmem>>, vector<16xf32>,
      tpu.vector_store_idx %arg8[%select_n3A, %select_n3A_48, %broadcast_in_dim3A_876], %get3A_880 : memref<4x8x129xf32, #tpu.memory_space<vmem>>[vector<16xi32>, vector<16xi32>, vector<16xi32>], vector<16xf32>,
      tpu.vector_store_idx %arg8[%add3A_28, %select_n3A_48, %broadcast_in_dim3A_876], %get3A_884 : memref<4x8x129xf32, #tpu.memory_space<vmem>>[vector<16xi32>, vector<16xi32>, vector<16xi32>], vector<16xf32>,
      %broadcast_in_dim3A_885 = arith.constant 75 : i32
      %broadcast_in_dim3A_886 = vector.broadcast %broadcast_in_dim3A_885 : i32 to vector<16xi32>
      %get3A_887 = arith.constant 75 : i32
      %get3A_888 = arith.index_cast %get3A_887 : i32 to index
      %get3A_889 = arith.constant 0 : index
      %get3A_890 = tpu.vector_load %arg6[%get3A_888, %get3A_889] {strides = array<i32>} : memref<128x32xf32, #tpu.memory_space<vmem>>, vector<16xf32>,
      %get3A_891 = arith.constant 75 : i32
      %get3A_892 = arith.index_cast %get3A_891 : i32 to index
      %get3A_893 = arith.constant 16 : index
      %get3A_894 = tpu.vector_load %arg6[%get3A_892, %get3A_893] {strides = array<i32>} : memref<128x32xf32, #tpu.memory_space<vmem>>, vector<16xf32>,
      tpu.vector_store_idx %arg8[%select_n3A, %select_n3A_48, %broadcast_in_dim3A_886], %get3A_890 : memref<4x8x129xf32, #tpu.memory_space<vmem>>[vector<16xi32>, vector<16xi32>, vector<16xi32>], vector<16xf32>,
      tpu.vector_store_idx %arg8[%add3A_28, %select_n3A_48, %broadcast_in_dim3A_886], %get3A_894 : memref<4x8x129xf32, #tpu.memory_space<vmem>>[vector<16xi32>, vector<16xi32>, vector<16xi32>], vector<16xf32>,
      %broadcast_in_dim3A_895 = arith.constant 76 : i32
      %broadcast_in_dim3A_896 = vector.broadcast %broadcast_in_dim3A_895 : i32 to vector<16xi32>
      %get3A_897 = arith.constant 76 : i32
      %get3A_898 = arith.index_cast %get3A_897 : i32 to index
      %get3A_899 = arith.constant 0 : index
      %get3A_900 = tpu.vector_load %arg6[%get3A_898, %get3A_899] {strides = array<i32>} : memref<128x32xf32, #tpu.memory_space<vmem>>, vector<16xf32>,
      %get3A_901 = arith.constant 76 : i32
      %get3A_902 = arith.index_cast %get3A_901 : i32 to index
      %get3A_903 = arith.constant 16 : index
      %get3A_904 = tpu.vector_load %arg6[%get3A_902, %get3A_903] {strides = array<i32>} : memref<128x32xf32, #tpu.memory_space<vmem>>, vector<16xf32>,
      tpu.vector_store_idx %arg8[%select_n3A, %select_n3A_48, %broadcast_in_dim3A_896], %get3A_900 : memref<4x8x129xf32, #tpu.memory_space<vmem>>[vector<16xi32>, vector<16xi32>, vector<16xi32>], vector<16xf32>,
      tpu.vector_store_idx %arg8[%add3A_28, %select_n3A_48, %broadcast_in_dim3A_896], %get3A_904 : memref<4x8x129xf32, #tpu.memory_space<vmem>>[vector<16xi32>, vector<16xi32>, vector<16xi32>], vector<16xf32>,
      %broadcast_in_dim3A_905 = arith.constant 77 : i32
      %broadcast_in_dim3A_906 = vector.broadcast %broadcast_in_dim3A_905 : i32 to vector<16xi32>
      %get3A_907 = arith.constant 77 : i32
      %get3A_908 = arith.index_cast %get3A_907 : i32 to index
      %get3A_909 = arith.constant 0 : index
      %get3A_910 = tpu.vector_load %arg6[%get3A_908, %get3A_909] {strides = array<i32>} : memref<128x32xf32, #tpu.memory_space<vmem>>, vector<16xf32>,
      %get3A_911 = arith.constant 77 : i32
      %get3A_912 = arith.index_cast %get3A_911 : i32 to index
      %get3A_913 = arith.constant 16 : index
      %get3A_914 = tpu.vector_load %arg6[%get3A_912, %get3A_913] {strides = array<i32>} : memref<128x32xf32, #tpu.memory_space<vmem>>, vector<16xf32>,
      tpu.vector_store_idx %arg8[%select_n3A, %select_n3A_48, %broadcast_in_dim3A_906], %get3A_910 : memref<4x8x129xf32, #tpu.memory_space<vmem>>[vector<16xi32>, vector<16xi32>, vector<16xi32>], vector<16xf32>,
      tpu.vector_store_idx %arg8[%add3A_28, %select_n3A_48, %broadcast_in_dim3A_906], %get3A_914 : memref<4x8x129xf32, #tpu.memory_space<vmem>>[vector<16xi32>, vector<16xi32>, vector<16xi32>], vector<16xf32>,
      %broadcast_in_dim3A_915 = arith.constant 78 : i32
      %broadcast_in_dim3A_916 = vector.broadcast %broadcast_in_dim3A_915 : i32 to vector<16xi32>
      %get3A_917 = arith.constant 78 : i32
      %get3A_918 = arith.index_cast %get3A_917 : i32 to index
      %get3A_919 = arith.constant 0 : index
      %get3A_920 = tpu.vector_load %arg6[%get3A_918, %get3A_919] {strides = array<i32>} : memref<128x32xf32, #tpu.memory_space<vmem>>, vector<16xf32>,
      %get3A_921 = arith.constant 78 : i32
      %get3A_922 = arith.index_cast %get3A_921 : i32 to index
      %get3A_923 = arith.constant 16 : index
      %get3A_924 = tpu.vector_load %arg6[%get3A_922, %get3A_923] {strides = array<i32>} : memref<128x32xf32, #tpu.memory_space<vmem>>, vector<16xf32>,
      tpu.vector_store_idx %arg8[%select_n3A, %select_n3A_48, %broadcast_in_dim3A_916], %get3A_920 : memref<4x8x129xf32, #tpu.memory_space<vmem>>[vector<16xi32>, vector<16xi32>, vector<16xi32>], vector<16xf32>,
      tpu.vector_store_idx %arg8[%add3A_28, %select_n3A_48, %broadcast_in_dim3A_916], %get3A_924 : memref<4x8x129xf32, #tpu.memory_space<vmem>>[vector<16xi32>, vector<16xi32>, vector<16xi32>], vector<16xf32>,
      %broadcast_in_dim3A_925 = arith.constant 79 : i32
      %broadcast_in_dim3A_926 = vector.broadcast %broadcast_in_dim3A_925 : i32 to vector<16xi32>
      %get3A_927 = arith.constant 79 : i32
      %get3A_928 = arith.index_cast %get3A_927 : i32 to index
      %get3A_929 = arith.constant 0 : index
      %get3A_930 = tpu.vector_load %arg6[%get3A_928, %get3A_929] {strides = array<i32>} : memref<128x32xf32, #tpu.memory_space<vmem>>, vector<16xf32>,
      %get3A_931 = arith.constant 79 : i32
      %get3A_932 = arith.index_cast %get3A_931 : i32 to index
      %get3A_933 = arith.constant 16 : index
      %get3A_934 = tpu.vector_load %arg6[%get3A_932, %get3A_933] {strides = array<i32>} : memref<128x32xf32, #tpu.memory_space<vmem>>, vector<16xf32>,
      tpu.vector_store_idx %arg8[%select_n3A, %select_n3A_48, %broadcast_in_dim3A_926], %get3A_930 : memref<4x8x129xf32, #tpu.memory_space<vmem>>[vector<16xi32>, vector<16xi32>, vector<16xi32>], vector<16xf32>,
      tpu.vector_store_idx %arg8[%add3A_28, %select_n3A_48, %broadcast_in_dim3A_926], %get3A_934 : memref<4x8x129xf32, #tpu.memory_space<vmem>>[vector<16xi32>, vector<16xi32>, vector<16xi32>], vector<16xf32>,
      %broadcast_in_dim3A_935 = arith.constant 80 : i32
      %broadcast_in_dim3A_936 = vector.broadcast %broadcast_in_dim3A_935 : i32 to vector<16xi32>
      %get3A_937 = arith.constant 80 : i32
      %get3A_938 = arith.index_cast %get3A_937 : i32 to index
      %get3A_939 = arith.constant 0 : index
      %get3A_940 = tpu.vector_load %arg6[%get3A_938, %get3A_939] {strides = array<i32>} : memref<128x32xf32, #tpu.memory_space<vmem>>, vector<16xf32>,
      %get3A_941 = arith.constant 80 : i32
      %get3A_942 = arith.index_cast %get3A_941 : i32 to index
      %get3A_943 = arith.constant 16 : index
      %get3A_944 = tpu.vector_load %arg6[%get3A_942, %get3A_943] {strides = array<i32>} : memref<128x32xf32, #tpu.memory_space<vmem>>, vector<16xf32>,
      tpu.vector_store_idx %arg8[%select_n3A, %select_n3A_48, %broadcast_in_dim3A_936], %get3A_940 : memref<4x8x129xf32, #tpu.memory_space<vmem>>[vector<16xi32>, vector<16xi32>, vector<16xi32>], vector<16xf32>,
      tpu.vector_store_idx %arg8[%add3A_28, %select_n3A_48, %broadcast_in_dim3A_936], %get3A_944 : memref<4x8x129xf32, #tpu.memory_space<vmem>>[vector<16xi32>, vector<16xi32>, vector<16xi32>], vector<16xf32>,
      %broadcast_in_dim3A_945 = arith.constant 81 : i32
      %broadcast_in_dim3A_946 = vector.broadcast %broadcast_in_dim3A_945 : i32 to vector<16xi32>
      %get3A_947 = arith.constant 81 : i32
      %get3A_948 = arith.index_cast %get3A_947 : i32 to index
      %get3A_949 = arith.constant 0 : index
      %get3A_950 = tpu.vector_load %arg6[%get3A_948, %get3A_949] {strides = array<i32>} : memref<128x32xf32, #tpu.memory_space<vmem>>, vector<16xf32>,
      %get3A_951 = arith.constant 81 : i32
      %get3A_952 = arith.index_cast %get3A_951 : i32 to index
      %get3A_953 = arith.constant 16 : index
      %get3A_954 = tpu.vector_load %arg6[%get3A_952, %get3A_953] {strides = array<i32>} : memref<128x32xf32, #tpu.memory_space<vmem>>, vector<16xf32>,
      tpu.vector_store_idx %arg8[%select_n3A, %select_n3A_48, %broadcast_in_dim3A_946], %get3A_950 : memref<4x8x129xf32, #tpu.memory_space<vmem>>[vector<16xi32>, vector<16xi32>, vector<16xi32>], vector<16xf32>,
      tpu.vector_store_idx %arg8[%add3A_28, %select_n3A_48, %broadcast_in_dim3A_946], %get3A_954 : memref<4x8x129xf32, #tpu.memory_space<vmem>>[vector<16xi32>, vector<16xi32>, vector<16xi32>], vector<16xf32>,
      %broadcast_in_dim3A_955 = arith.constant 82 : i32
      %broadcast_in_dim3A_956 = vector.broadcast %broadcast_in_dim3A_955 : i32 to vector<16xi32>
      %get3A_957 = arith.constant 82 : i32
      %get3A_958 = arith.index_cast %get3A_957 : i32 to index
      %get3A_959 = arith.constant 0 : index
      %get3A_960 = tpu.vector_load %arg6[%get3A_958, %get3A_959] {strides = array<i32>} : memref<128x32xf32, #tpu.memory_space<vmem>>, vector<16xf32>,
      %get3A_961 = arith.constant 82 : i32
      %get3A_962 = arith.index_cast %get3A_961 : i32 to index
      %get3A_963 = arith.constant 16 : index
      %get3A_964 = tpu.vector_load %arg6[%get3A_962, %get3A_963] {strides = array<i32>} : memref<128x32xf32, #tpu.memory_space<vmem>>, vector<16xf32>,
      tpu.vector_store_idx %arg8[%select_n3A, %select_n3A_48, %broadcast_in_dim3A_956], %get3A_960 : memref<4x8x129xf32, #tpu.memory_space<vmem>>[vector<16xi32>, vector<16xi32>, vector<16xi32>], vector<16xf32>,
      tpu.vector_store_idx %arg8[%add3A_28, %select_n3A_48, %broadcast_in_dim3A_956], %get3A_964 : memref<4x8x129xf32, #tpu.memory_space<vmem>>[vector<16xi32>, vector<16xi32>, vector<16xi32>], vector<16xf32>,
      %broadcast_in_dim3A_965 = arith.constant 83 : i32
      %broadcast_in_dim3A_966 = vector.broadcast %broadcast_in_dim3A_965 : i32 to vector<16xi32>
      %get3A_967 = arith.constant 83 : i32
      %get3A_968 = arith.index_cast %get3A_967 : i32 to index
      %get3A_969 = arith.constant 0 : index
      %get3A_970 = tpu.vector_load %arg6[%get3A_968, %get3A_969] {strides = array<i32>} : memref<128x32xf32, #tpu.memory_space<vmem>>, vector<16xf32>,
      %get3A_971 = arith.constant 83 : i32
      %get3A_972 = arith.index_cast %get3A_971 : i32 to index
      %get3A_973 = arith.constant 16 : index
      %get3A_974 = tpu.vector_load %arg6[%get3A_972, %get3A_973] {strides = array<i32>} : memref<128x32xf32, #tpu.memory_space<vmem>>, vector<16xf32>,
      tpu.vector_store_idx %arg8[%select_n3A, %select_n3A_48, %broadcast_in_dim3A_966], %get3A_970 : memref<4x8x129xf32, #tpu.memory_space<vmem>>[vector<16xi32>, vector<16xi32>, vector<16xi32>], vector<16xf32>,
      tpu.vector_store_idx %arg8[%add3A_28, %select_n3A_48, %broadcast_in_dim3A_966], %get3A_974 : memref<4x8x129xf32, #tpu.memory_space<vmem>>[vector<16xi32>, vector<16xi32>, vector<16xi32>], vector<16xf32>,
      %broadcast_in_dim3A_975 = arith.constant 84 : i32
      %broadcast_in_dim3A_976 = vector.broadcast %broadcast_in_dim3A_975 : i32 to vector<16xi32>
      %get3A_977 = arith.constant 84 : i32
      %get3A_978 = arith.index_cast %get3A_977 : i32 to index
      %get3A_979 = arith.constant 0 : index
      %get3A_980 = tpu.vector_load %arg6[%get3A_978, %get3A_979] {strides = array<i32>} : memref<128x32xf32, #tpu.memory_space<vmem>>, vector<16xf32>,
      %get3A_981 = arith.constant 84 : i32
      %get3A_982 = arith.index_cast %get3A_981 : i32 to index
      %get3A_983 = arith.constant 16 : index
      %get3A_984 = tpu.vector_load %arg6[%get3A_982, %get3A_983] {strides = array<i32>} : memref<128x32xf32, #tpu.memory_space<vmem>>, vector<16xf32>,
      tpu.vector_store_idx %arg8[%select_n3A, %select_n3A_48, %broadcast_in_dim3A_976], %get3A_980 : memref<4x8x129xf32, #tpu.memory_space<vmem>>[vector<16xi32>, vector<16xi32>, vector<16xi32>], vector<16xf32>,
      tpu.vector_store_idx %arg8[%add3A_28, %select_n3A_48, %broadcast_in_dim3A_976], %get3A_984 : memref<4x8x129xf32, #tpu.memory_space<vmem>>[vector<16xi32>, vector<16xi32>, vector<16xi32>], vector<16xf32>,
      %broadcast_in_dim3A_985 = arith.constant 85 : i32
      %broadcast_in_dim3A_986 = vector.broadcast %broadcast_in_dim3A_985 : i32 to vector<16xi32>
      %get3A_987 = arith.constant 85 : i32
      %get3A_988 = arith.index_cast %get3A_987 : i32 to index
      %get3A_989 = arith.constant 0 : index
      %get3A_990 = tpu.vector_load %arg6[%get3A_988, %get3A_989] {strides = array<i32>} : memref<128x32xf32, #tpu.memory_space<vmem>>, vector<16xf32>,
      %get3A_991 = arith.constant 85 : i32
      %get3A_992 = arith.index_cast %get3A_991 : i32 to index
      %get3A_993 = arith.constant 16 : index
      %get3A_994 = tpu.vector_load %arg6[%get3A_992, %get3A_993] {strides = array<i32>} : memref<128x32xf32, #tpu.memory_space<vmem>>, vector<16xf32>,
      tpu.vector_store_idx %arg8[%select_n3A, %select_n3A_48, %broadcast_in_dim3A_986], %get3A_990 : memref<4x8x129xf32, #tpu.memory_space<vmem>>[vector<16xi32>, vector<16xi32>, vector<16xi32>], vector<16xf32>,
      tpu.vector_store_idx %arg8[%add3A_28, %select_n3A_48, %broadcast_in_dim3A_986], %get3A_994 : memref<4x8x129xf32, #tpu.memory_space<vmem>>[vector<16xi32>, vector<16xi32>, vector<16xi32>], vector<16xf32>,
      %broadcast_in_dim3A_995 = arith.constant 86 : i32
      %broadcast_in_dim3A_996 = vector.broadcast %broadcast_in_dim3A_995 : i32 to vector<16xi32>
      %get3A_997 = arith.constant 86 : i32
      %get3A_998 = arith.index_cast %get3A_997 : i32 to index
      %get3A_999 = arith.constant 0 : index
      %get3A_1000 = tpu.vector_load %arg6[%get3A_998, %get3A_999] {strides = array<i32>} : memref<128x32xf32, #tpu.memory_space<vmem>>, vector<16xf32>,
      %get3A_1001 = arith.constant 86 : i32
      %get3A_1002 = arith.index_cast %get3A_1001 : i32 to index
      %get3A_1003 = arith.constant 16 : index
      %get3A_1004 = tpu.vector_load %arg6[%get3A_1002, %get3A_1003] {strides = array<i32>} : memref<128x32xf32, #tpu.memory_space<vmem>>, vector<16xf32>,
      tpu.vector_store_idx %arg8[%select_n3A, %select_n3A_48, %broadcast_in_dim3A_996], %get3A_1000 : memref<4x8x129xf32, #tpu.memory_space<vmem>>[vector<16xi32>, vector<16xi32>, vector<16xi32>], vector<16xf32>,
      tpu.vector_store_idx %arg8[%add3A_28, %select_n3A_48, %broadcast_in_dim3A_996], %get3A_1004 : memref<4x8x129xf32, #tpu.memory_space<vmem>>[vector<16xi32>, vector<16xi32>, vector<16xi32>], vector<16xf32>,
      %broadcast_in_dim3A_1005 = arith.constant 87 : i32
      %broadcast_in_dim3A_1006 = vector.broadcast %broadcast_in_dim3A_1005 : i32 to vector<16xi32>
      %get3A_1007 = arith.constant 87 : i32
      %get3A_1008 = arith.index_cast %get3A_1007 : i32 to index
      %get3A_1009 = arith.constant 0 : index
      %get3A_1010 = tpu.vector_load %arg6[%get3A_1008, %get3A_1009] {strides = array<i32>} : memref<128x32xf32, #tpu.memory_space<vmem>>, vector<16xf32>,
      %get3A_1011 = arith.constant 87 : i32
      %get3A_1012 = arith.index_cast %get3A_1011 : i32 to index
      %get3A_1013 = arith.constant 16 : index
      %get3A_1014 = tpu.vector_load %arg6[%get3A_1012, %get3A_1013] {strides = array<i32>} : memref<128x32xf32, #tpu.memory_space<vmem>>, vector<16xf32>,
      tpu.vector_store_idx %arg8[%select_n3A, %select_n3A_48, %broadcast_in_dim3A_1006], %get3A_1010 : memref<4x8x129xf32, #tpu.memory_space<vmem>>[vector<16xi32>, vector<16xi32>, vector<16xi32>], vector<16xf32>,
      tpu.vector_store_idx %arg8[%add3A_28, %select_n3A_48, %broadcast_in_dim3A_1006], %get3A_1014 : memref<4x8x129xf32, #tpu.memory_space<vmem>>[vector<16xi32>, vector<16xi32>, vector<16xi32>], vector<16xf32>,
      %broadcast_in_dim3A_1015 = arith.constant 88 : i32
      %broadcast_in_dim3A_1016 = vector.broadcast %broadcast_in_dim3A_1015 : i32 to vector<16xi32>
      %get3A_1017 = arith.constant 88 : i32
      %get3A_1018 = arith.index_cast %get3A_1017 : i32 to index
      %get3A_1019 = arith.constant 0 : index
      %get3A_1020 = tpu.vector_load %arg6[%get3A_1018, %get3A_1019] {strides = array<i32>} : memref<128x32xf32, #tpu.memory_space<vmem>>, vector<16xf32>,
      %get3A_1021 = arith.constant 88 : i32
      %get3A_1022 = arith.index_cast %get3A_1021 : i32 to index
      %get3A_1023 = arith.constant 16 : index
      %get3A_1024 = tpu.vector_load %arg6[%get3A_1022, %get3A_1023] {strides = array<i32>} : memref<128x32xf32, #tpu.memory_space<vmem>>, vector<16xf32>,
      tpu.vector_store_idx %arg8[%select_n3A, %select_n3A_48, %broadcast_in_dim3A_1016], %get3A_1020 : memref<4x8x129xf32, #tpu.memory_space<vmem>>[vector<16xi32>, vector<16xi32>, vector<16xi32>], vector<16xf32>,
      tpu.vector_store_idx %arg8[%add3A_28, %select_n3A_48, %broadcast_in_dim3A_1016], %get3A_1024 : memref<4x8x129xf32, #tpu.memory_space<vmem>>[vector<16xi32>, vector<16xi32>, vector<16xi32>], vector<16xf32>,
      %broadcast_in_dim3A_1025 = arith.constant 89 : i32
      %broadcast_in_dim3A_1026 = vector.broadcast %broadcast_in_dim3A_1025 : i32 to vector<16xi32>
      %get3A_1027 = arith.constant 89 : i32
      %get3A_1028 = arith.index_cast %get3A_1027 : i32 to index
      %get3A_1029 = arith.constant 0 : index
      %get3A_1030 = tpu.vector_load %arg6[%get3A_1028, %get3A_1029] {strides = array<i32>} : memref<128x32xf32, #tpu.memory_space<vmem>>, vector<16xf32>,
      %get3A_1031 = arith.constant 89 : i32
      %get3A_1032 = arith.index_cast %get3A_1031 : i32 to index
      %get3A_1033 = arith.constant 16 : index
      %get3A_1034 = tpu.vector_load %arg6[%get3A_1032, %get3A_1033] {strides = array<i32>} : memref<128x32xf32, #tpu.memory_space<vmem>>, vector<16xf32>,
      tpu.vector_store_idx %arg8[%select_n3A, %select_n3A_48, %broadcast_in_dim3A_1026], %get3A_1030 : memref<4x8x129xf32, #tpu.memory_space<vmem>>[vector<16xi32>, vector<16xi32>, vector<16xi32>], vector<16xf32>,
      tpu.vector_store_idx %arg8[%add3A_28, %select_n3A_48, %broadcast_in_dim3A_1026], %get3A_1034 : memref<4x8x129xf32, #tpu.memory_space<vmem>>[vector<16xi32>, vector<16xi32>, vector<16xi32>], vector<16xf32>,
      %broadcast_in_dim3A_1035 = arith.constant 90 : i32
      %broadcast_in_dim3A_1036 = vector.broadcast %broadcast_in_dim3A_1035 : i32 to vector<16xi32>
      %get3A_1037 = arith.constant 90 : i32
      %get3A_1038 = arith.index_cast %get3A_1037 : i32 to index
      %get3A_1039 = arith.constant 0 : index
      %get3A_1040 = tpu.vector_load %arg6[%get3A_1038, %get3A_1039] {strides = array<i32>} : memref<128x32xf32, #tpu.memory_space<vmem>>, vector<16xf32>,
      %get3A_1041 = arith.constant 90 : i32
      %get3A_1042 = arith.index_cast %get3A_1041 : i32 to index
      %get3A_1043 = arith.constant 16 : index
      %get3A_1044 = tpu.vector_load %arg6[%get3A_1042, %get3A_1043] {strides = array<i32>} : memref<128x32xf32, #tpu.memory_space<vmem>>, vector<16xf32>,
      tpu.vector_store_idx %arg8[%select_n3A, %select_n3A_48, %broadcast_in_dim3A_1036], %get3A_1040 : memref<4x8x129xf32, #tpu.memory_space<vmem>>[vector<16xi32>, vector<16xi32>, vector<16xi32>], vector<16xf32>,
      tpu.vector_store_idx %arg8[%add3A_28, %select_n3A_48, %broadcast_in_dim3A_1036], %get3A_1044 : memref<4x8x129xf32, #tpu.memory_space<vmem>>[vector<16xi32>, vector<16xi32>, vector<16xi32>], vector<16xf32>,
      %broadcast_in_dim3A_1045 = arith.constant 91 : i32
      %broadcast_in_dim3A_1046 = vector.broadcast %broadcast_in_dim3A_1045 : i32 to vector<16xi32>
      %get3A_1047 = arith.constant 91 : i32
      %get3A_1048 = arith.index_cast %get3A_1047 : i32 to index
      %get3A_1049 = arith.constant 0 : index
      %get3A_1050 = tpu.vector_load %arg6[%get3A_1048, %get3A_1049] {strides = array<i32>} : memref<128x32xf32, #tpu.memory_space<vmem>>, vector<16xf32>,
      %get3A_1051 = arith.constant 91 : i32
      %get3A_1052 = arith.index_cast %get3A_1051 : i32 to index
      %get3A_1053 = arith.constant 16 : index
      %get3A_1054 = tpu.vector_load %arg6[%get3A_1052, %get3A_1053] {strides = array<i32>} : memref<128x32xf32, #tpu.memory_space<vmem>>, vector<16xf32>,
      tpu.vector_store_idx %arg8[%select_n3A, %select_n3A_48, %broadcast_in_dim3A_1046], %get3A_1050 : memref<4x8x129xf32, #tpu.memory_space<vmem>>[vector<16xi32>, vector<16xi32>, vector<16xi32>], vector<16xf32>,
      tpu.vector_store_idx %arg8[%add3A_28, %select_n3A_48, %broadcast_in_dim3A_1046], %get3A_1054 : memref<4x8x129xf32, #tpu.memory_space<vmem>>[vector<16xi32>, vector<16xi32>, vector<16xi32>], vector<16xf32>,
      %broadcast_in_dim3A_1055 = arith.constant 92 : i32
      %broadcast_in_dim3A_1056 = vector.broadcast %broadcast_in_dim3A_1055 : i32 to vector<16xi32>
      %get3A_1057 = arith.constant 92 : i32
      %get3A_1058 = arith.index_cast %get3A_1057 : i32 to index
      %get3A_1059 = arith.constant 0 : index
      %get3A_1060 = tpu.vector_load %arg6[%get3A_1058, %get3A_1059] {strides = array<i32>} : memref<128x32xf32, #tpu.memory_space<vmem>>, vector<16xf32>,
      %get3A_1061 = arith.constant 92 : i32
      %get3A_1062 = arith.index_cast %get3A_1061 : i32 to index
      %get3A_1063 = arith.constant 16 : index
      %get3A_1064 = tpu.vector_load %arg6[%get3A_1062, %get3A_1063] {strides = array<i32>} : memref<128x32xf32, #tpu.memory_space<vmem>>, vector<16xf32>,
      tpu.vector_store_idx %arg8[%select_n3A, %select_n3A_48, %broadcast_in_dim3A_1056], %get3A_1060 : memref<4x8x129xf32, #tpu.memory_space<vmem>>[vector<16xi32>, vector<16xi32>, vector<16xi32>], vector<16xf32>,
      tpu.vector_store_idx %arg8[%add3A_28, %select_n3A_48, %broadcast_in_dim3A_1056], %get3A_1064 : memref<4x8x129xf32, #tpu.memory_space<vmem>>[vector<16xi32>, vector<16xi32>, vector<16xi32>], vector<16xf32>,
      %broadcast_in_dim3A_1065 = arith.constant 93 : i32
      %broadcast_in_dim3A_1066 = vector.broadcast %broadcast_in_dim3A_1065 : i32 to vector<16xi32>
      %get3A_1067 = arith.constant 93 : i32
      %get3A_1068 = arith.index_cast %get3A_1067 : i32 to index
      %get3A_1069 = arith.constant 0 : index
      %get3A_1070 = tpu.vector_load %arg6[%get3A_1068, %get3A_1069] {strides = array<i32>} : memref<128x32xf32, #tpu.memory_space<vmem>>, vector<16xf32>,
      %get3A_1071 = arith.constant 93 : i32
      %get3A_1072 = arith.index_cast %get3A_1071 : i32 to index
      %get3A_1073 = arith.constant 16 : index
      %get3A_1074 = tpu.vector_load %arg6[%get3A_1072, %get3A_1073] {strides = array<i32>} : memref<128x32xf32, #tpu.memory_space<vmem>>, vector<16xf32>,
      tpu.vector_store_idx %arg8[%select_n3A, %select_n3A_48, %broadcast_in_dim3A_1066], %get3A_1070 : memref<4x8x129xf32, #tpu.memory_space<vmem>>[vector<16xi32>, vector<16xi32>, vector<16xi32>], vector<16xf32>,
      tpu.vector_store_idx %arg8[%add3A_28, %select_n3A_48, %broadcast_in_dim3A_1066], %get3A_1074 : memref<4x8x129xf32, #tpu.memory_space<vmem>>[vector<16xi32>, vector<16xi32>, vector<16xi32>], vector<16xf32>,
      %broadcast_in_dim3A_1075 = arith.constant 94 : i32
      %broadcast_in_dim3A_1076 = vector.broadcast %broadcast_in_dim3A_1075 : i32 to vector<16xi32>
      %get3A_1077 = arith.constant 94 : i32
      %get3A_1078 = arith.index_cast %get3A_1077 : i32 to index
      %get3A_1079 = arith.constant 0 : index
      %get3A_1080 = tpu.vector_load %arg6[%get3A_1078, %get3A_1079] {strides = array<i32>} : memref<128x32xf32, #tpu.memory_space<vmem>>, vector<16xf32>,
      %get3A_1081 = arith.constant 94 : i32
      %get3A_1082 = arith.index_cast %get3A_1081 : i32 to index
      %get3A_1083 = arith.constant 16 : index
      %get3A_1084 = tpu.vector_load %arg6[%get3A_1082, %get3A_1083] {strides = array<i32>} : memref<128x32xf32, #tpu.memory_space<vmem>>, vector<16xf32>,
      tpu.vector_store_idx %arg8[%select_n3A, %select_n3A_48, %broadcast_in_dim3A_1076], %get3A_1080 : memref<4x8x129xf32, #tpu.memory_space<vmem>>[vector<16xi32>, vector<16xi32>, vector<16xi32>], vector<16xf32>,
      tpu.vector_store_idx %arg8[%add3A_28, %select_n3A_48, %broadcast_in_dim3A_1076], %get3A_1084 : memref<4x8x129xf32, #tpu.memory_space<vmem>>[vector<16xi32>, vector<16xi32>, vector<16xi32>], vector<16xf32>,
      %broadcast_in_dim3A_1085 = arith.constant 95 : i32
      %broadcast_in_dim3A_1086 = vector.broadcast %broadcast_in_dim3A_1085 : i32 to vector<16xi32>
      %get3A_1087 = arith.constant 95 : i32
      %get3A_1088 = arith.index_cast %get3A_1087 : i32 to index
      %get3A_1089 = arith.constant 0 : index
      %get3A_1090 = tpu.vector_load %arg6[%get3A_1088, %get3A_1089] {strides = array<i32>} : memref<128x32xf32, #tpu.memory_space<vmem>>, vector<16xf32>,
      %get3A_1091 = arith.constant 95 : i32
      %get3A_1092 = arith.index_cast %get3A_1091 : i32 to index
      %get3A_1093 = arith.constant 16 : index
      %get3A_1094 = tpu.vector_load %arg6[%get3A_1092, %get3A_1093] {strides = array<i32>} : memref<128x32xf32, #tpu.memory_space<vmem>>, vector<16xf32>,
      tpu.vector_store_idx %arg8[%select_n3A, %select_n3A_48, %broadcast_in_dim3A_1086], %get3A_1090 : memref<4x8x129xf32, #tpu.memory_space<vmem>>[vector<16xi32>, vector<16xi32>, vector<16xi32>], vector<16xf32>,
      tpu.vector_store_idx %arg8[%add3A_28, %select_n3A_48, %broadcast_in_dim3A_1086], %get3A_1094 : memref<4x8x129xf32, #tpu.memory_space<vmem>>[vector<16xi32>, vector<16xi32>, vector<16xi32>], vector<16xf32>,
      %broadcast_in_dim3A_1095 = arith.constant 96 : i32
      %broadcast_in_dim3A_1096 = vector.broadcast %broadcast_in_dim3A_1095 : i32 to vector<16xi32>
      %get3A_1097 = arith.constant 96 : i32
      %get3A_1098 = arith.index_cast %get3A_1097 : i32 to index
      %get3A_1099 = arith.constant 0 : index
      %get3A_1100 = tpu.vector_load %arg6[%get3A_1098, %get3A_1099] {strides = array<i32>} : memref<128x32xf32, #tpu.memory_space<vmem>>, vector<16xf32>,
      %get3A_1101 = arith.constant 96 : i32
      %get3A_1102 = arith.index_cast %get3A_1101 : i32 to index
      %get3A_1103 = arith.constant 16 : index
      %get3A_1104 = tpu.vector_load %arg6[%get3A_1102, %get3A_1103] {strides = array<i32>} : memref<128x32xf32, #tpu.memory_space<vmem>>, vector<16xf32>,
      tpu.vector_store_idx %arg8[%select_n3A, %select_n3A_48, %broadcast_in_dim3A_1096], %get3A_1100 : memref<4x8x129xf32, #tpu.memory_space<vmem>>[vector<16xi32>, vector<16xi32>, vector<16xi32>], vector<16xf32>,
      tpu.vector_store_idx %arg8[%add3A_28, %select_n3A_48, %broadcast_in_dim3A_1096], %get3A_1104 : memref<4x8x129xf32, #tpu.memory_space<vmem>>[vector<16xi32>, vector<16xi32>, vector<16xi32>], vector<16xf32>,
      %broadcast_in_dim3A_1105 = arith.constant 97 : i32
      %broadcast_in_dim3A_1106 = vector.broadcast %broadcast_in_dim3A_1105 : i32 to vector<16xi32>
      %get3A_1107 = arith.constant 97 : i32
      %get3A_1108 = arith.index_cast %get3A_1107 : i32 to index
      %get3A_1109 = arith.constant 0 : index
      %get3A_1110 = tpu.vector_load %arg6[%get3A_1108, %get3A_1109] {strides = array<i32>} : memref<128x32xf32, #tpu.memory_space<vmem>>, vector<16xf32>,
      %get3A_1111 = arith.constant 97 : i32
      %get3A_1112 = arith.index_cast %get3A_1111 : i32 to index
      %get3A_1113 = arith.constant 16 : index
      %get3A_1114 = tpu.vector_load %arg6[%get3A_1112, %get3A_1113] {strides = array<i32>} : memref<128x32xf32, #tpu.memory_space<vmem>>, vector<16xf32>,
      tpu.vector_store_idx %arg8[%select_n3A, %select_n3A_48, %broadcast_in_dim3A_1106], %get3A_1110 : memref<4x8x129xf32, #tpu.memory_space<vmem>>[vector<16xi32>, vector<16xi32>, vector<16xi32>], vector<16xf32>,
      tpu.vector_store_idx %arg8[%add3A_28, %select_n3A_48, %broadcast_in_dim3A_1106], %get3A_1114 : memref<4x8x129xf32, #tpu.memory_space<vmem>>[vector<16xi32>, vector<16xi32>, vector<16xi32>], vector<16xf32>,
      %broadcast_in_dim3A_1115 = arith.constant 98 : i32
      %broadcast_in_dim3A_1116 = vector.broadcast %broadcast_in_dim3A_1115 : i32 to vector<16xi32>
      %get3A_1117 = arith.constant 98 : i32
      %get3A_1118 = arith.index_cast %get3A_1117 : i32 to index
      %get3A_1119 = arith.constant 0 : index
      %get3A_1120 = tpu.vector_load %arg6[%get3A_1118, %get3A_1119] {strides = array<i32>} : memref<128x32xf32, #tpu.memory_space<vmem>>, vector<16xf32>,
      %get3A_1121 = arith.constant 98 : i32
      %get3A_1122 = arith.index_cast %get3A_1121 : i32 to index
      %get3A_1123 = arith.constant 16 : index
      %get3A_1124 = tpu.vector_load %arg6[%get3A_1122, %get3A_1123] {strides = array<i32>} : memref<128x32xf32, #tpu.memory_space<vmem>>, vector<16xf32>,
      tpu.vector_store_idx %arg8[%select_n3A, %select_n3A_48, %broadcast_in_dim3A_1116], %get3A_1120 : memref<4x8x129xf32, #tpu.memory_space<vmem>>[vector<16xi32>, vector<16xi32>, vector<16xi32>], vector<16xf32>,
      tpu.vector_store_idx %arg8[%add3A_28, %select_n3A_48, %broadcast_in_dim3A_1116], %get3A_1124 : memref<4x8x129xf32, #tpu.memory_space<vmem>>[vector<16xi32>, vector<16xi32>, vector<16xi32>], vector<16xf32>,
      %broadcast_in_dim3A_1125 = arith.constant 99 : i32
      %broadcast_in_dim3A_1126 = vector.broadcast %broadcast_in_dim3A_1125 : i32 to vector<16xi32>
      %get3A_1127 = arith.constant 99 : i32
      %get3A_1128 = arith.index_cast %get3A_1127 : i32 to index
      %get3A_1129 = arith.constant 0 : index
      %get3A_1130 = tpu.vector_load %arg6[%get3A_1128, %get3A_1129] {strides = array<i32>} : memref<128x32xf32, #tpu.memory_space<vmem>>, vector<16xf32>,
      %get3A_1131 = arith.constant 99 : i32
      %get3A_1132 = arith.index_cast %get3A_1131 : i32 to index
      %get3A_1133 = arith.constant 16 : index
      %get3A_1134 = tpu.vector_load %arg6[%get3A_1132, %get3A_1133] {strides = array<i32>} : memref<128x32xf32, #tpu.memory_space<vmem>>, vector<16xf32>,
      tpu.vector_store_idx %arg8[%select_n3A, %select_n3A_48, %broadcast_in_dim3A_1126], %get3A_1130 : memref<4x8x129xf32, #tpu.memory_space<vmem>>[vector<16xi32>, vector<16xi32>, vector<16xi32>], vector<16xf32>,
      tpu.vector_store_idx %arg8[%add3A_28, %select_n3A_48, %broadcast_in_dim3A_1126], %get3A_1134 : memref<4x8x129xf32, #tpu.memory_space<vmem>>[vector<16xi32>, vector<16xi32>, vector<16xi32>], vector<16xf32>,
      %broadcast_in_dim3A_1135 = arith.constant 100 : i32
      %broadcast_in_dim3A_1136 = vector.broadcast %broadcast_in_dim3A_1135 : i32 to vector<16xi32>
      %get3A_1137 = arith.constant 100 : i32
      %get3A_1138 = arith.index_cast %get3A_1137 : i32 to index
      %get3A_1139 = arith.constant 0 : index
      %get3A_1140 = tpu.vector_load %arg6[%get3A_1138, %get3A_1139] {strides = array<i32>} : memref<128x32xf32, #tpu.memory_space<vmem>>, vector<16xf32>,
      %get3A_1141 = arith.constant 100 : i32
      %get3A_1142 = arith.index_cast %get3A_1141 : i32 to index
      %get3A_1143 = arith.constant 16 : index
      %get3A_1144 = tpu.vector_load %arg6[%get3A_1142, %get3A_1143] {strides = array<i32>} : memref<128x32xf32, #tpu.memory_space<vmem>>, vector<16xf32>,
      tpu.vector_store_idx %arg8[%select_n3A, %select_n3A_48, %broadcast_in_dim3A_1136], %get3A_1140 : memref<4x8x129xf32, #tpu.memory_space<vmem>>[vector<16xi32>, vector<16xi32>, vector<16xi32>], vector<16xf32>,
      tpu.vector_store_idx %arg8[%add3A_28, %select_n3A_48, %broadcast_in_dim3A_1136], %get3A_1144 : memref<4x8x129xf32, #tpu.memory_space<vmem>>[vector<16xi32>, vector<16xi32>, vector<16xi32>], vector<16xf32>,
      %broadcast_in_dim3A_1145 = arith.constant 101 : i32
      %broadcast_in_dim3A_1146 = vector.broadcast %broadcast_in_dim3A_1145 : i32 to vector<16xi32>
      %get3A_1147 = arith.constant 101 : i32
      %get3A_1148 = arith.index_cast %get3A_1147 : i32 to index
      %get3A_1149 = arith.constant 0 : index
      %get3A_1150 = tpu.vector_load %arg6[%get3A_1148, %get3A_1149] {strides = array<i32>} : memref<128x32xf32, #tpu.memory_space<vmem>>, vector<16xf32>,
      %get3A_1151 = arith.constant 101 : i32
      %get3A_1152 = arith.index_cast %get3A_1151 : i32 to index
      %get3A_1153 = arith.constant 16 : index
      %get3A_1154 = tpu.vector_load %arg6[%get3A_1152, %get3A_1153] {strides = array<i32>} : memref<128x32xf32, #tpu.memory_space<vmem>>, vector<16xf32>,
      tpu.vector_store_idx %arg8[%select_n3A, %select_n3A_48, %broadcast_in_dim3A_1146], %get3A_1150 : memref<4x8x129xf32, #tpu.memory_space<vmem>>[vector<16xi32>, vector<16xi32>, vector<16xi32>], vector<16xf32>,
      tpu.vector_store_idx %arg8[%add3A_28, %select_n3A_48, %broadcast_in_dim3A_1146], %get3A_1154 : memref<4x8x129xf32, #tpu.memory_space<vmem>>[vector<16xi32>, vector<16xi32>, vector<16xi32>], vector<16xf32>,
      %broadcast_in_dim3A_1155 = arith.constant 102 : i32
      %broadcast_in_dim3A_1156 = vector.broadcast %broadcast_in_dim3A_1155 : i32 to vector<16xi32>
      %get3A_1157 = arith.constant 102 : i32
      %get3A_1158 = arith.index_cast %get3A_1157 : i32 to index
      %get3A_1159 = arith.constant 0 : index
      %get3A_1160 = tpu.vector_load %arg6[%get3A_1158, %get3A_1159] {strides = array<i32>} : memref<128x32xf32, #tpu.memory_space<vmem>>, vector<16xf32>,
      %get3A_1161 = arith.constant 102 : i32
      %get3A_1162 = arith.index_cast %get3A_1161 : i32 to index
      %get3A_1163 = arith.constant 16 : index
      %get3A_1164 = tpu.vector_load %arg6[%get3A_1162, %get3A_1163] {strides = array<i32>} : memref<128x32xf32, #tpu.memory_space<vmem>>, vector<16xf32>,
      tpu.vector_store_idx %arg8[%select_n3A, %select_n3A_48, %broadcast_in_dim3A_1156], %get3A_1160 : memref<4x8x129xf32, #tpu.memory_space<vmem>>[vector<16xi32>, vector<16xi32>, vector<16xi32>], vector<16xf32>,
      tpu.vector_store_idx %arg8[%add3A_28, %select_n3A_48, %broadcast_in_dim3A_1156], %get3A_1164 : memref<4x8x129xf32, #tpu.memory_space<vmem>>[vector<16xi32>, vector<16xi32>, vector<16xi32>], vector<16xf32>,
      %broadcast_in_dim3A_1165 = arith.constant 103 : i32
      %broadcast_in_dim3A_1166 = vector.broadcast %broadcast_in_dim3A_1165 : i32 to vector<16xi32>
      %get3A_1167 = arith.constant 103 : i32
      %get3A_1168 = arith.index_cast %get3A_1167 : i32 to index
      %get3A_1169 = arith.constant 0 : index
      %get3A_1170 = tpu.vector_load %arg6[%get3A_1168, %get3A_1169] {strides = array<i32>} : memref<128x32xf32, #tpu.memory_space<vmem>>, vector<16xf32>,
      %get3A_1171 = arith.constant 103 : i32
      %get3A_1172 = arith.index_cast %get3A_1171 : i32 to index
      %get3A_1173 = arith.constant 16 : index
      %get3A_1174 = tpu.vector_load %arg6[%get3A_1172, %get3A_1173] {strides = array<i32>} : memref<128x32xf32, #tpu.memory_space<vmem>>, vector<16xf32>,
      tpu.vector_store_idx %arg8[%select_n3A, %select_n3A_48, %broadcast_in_dim3A_1166], %get3A_1170 : memref<4x8x129xf32, #tpu.memory_space<vmem>>[vector<16xi32>, vector<16xi32>, vector<16xi32>], vector<16xf32>,
      tpu.vector_store_idx %arg8[%add3A_28, %select_n3A_48, %broadcast_in_dim3A_1166], %get3A_1174 : memref<4x8x129xf32, #tpu.memory_space<vmem>>[vector<16xi32>, vector<16xi32>, vector<16xi32>], vector<16xf32>,
      %broadcast_in_dim3A_1175 = arith.constant 104 : i32
      %broadcast_in_dim3A_1176 = vector.broadcast %broadcast_in_dim3A_1175 : i32 to vector<16xi32>
      %get3A_1177 = arith.constant 104 : i32
      %get3A_1178 = arith.index_cast %get3A_1177 : i32 to index
      %get3A_1179 = arith.constant 0 : index
      %get3A_1180 = tpu.vector_load %arg6[%get3A_1178, %get3A_1179] {strides = array<i32>} : memref<128x32xf32, #tpu.memory_space<vmem>>, vector<16xf32>,
      %get3A_1181 = arith.constant 104 : i32
      %get3A_1182 = arith.index_cast %get3A_1181 : i32 to index
      %get3A_1183 = arith.constant 16 : index
      %get3A_1184 = tpu.vector_load %arg6[%get3A_1182, %get3A_1183] {strides = array<i32>} : memref<128x32xf32, #tpu.memory_space<vmem>>, vector<16xf32>,
      tpu.vector_store_idx %arg8[%select_n3A, %select_n3A_48, %broadcast_in_dim3A_1176], %get3A_1180 : memref<4x8x129xf32, #tpu.memory_space<vmem>>[vector<16xi32>, vector<16xi32>, vector<16xi32>], vector<16xf32>,
      tpu.vector_store_idx %arg8[%add3A_28, %select_n3A_48, %broadcast_in_dim3A_1176], %get3A_1184 : memref<4x8x129xf32, #tpu.memory_space<vmem>>[vector<16xi32>, vector<16xi32>, vector<16xi32>], vector<16xf32>,
      %broadcast_in_dim3A_1185 = arith.constant 105 : i32
      %broadcast_in_dim3A_1186 = vector.broadcast %broadcast_in_dim3A_1185 : i32 to vector<16xi32>
      %get3A_1187 = arith.constant 105 : i32
      %get3A_1188 = arith.index_cast %get3A_1187 : i32 to index
      %get3A_1189 = arith.constant 0 : index
      %get3A_1190 = tpu.vector_load %arg6[%get3A_1188, %get3A_1189] {strides = array<i32>} : memref<128x32xf32, #tpu.memory_space<vmem>>, vector<16xf32>,
      %get3A_1191 = arith.constant 105 : i32
      %get3A_1192 = arith.index_cast %get3A_1191 : i32 to index
      %get3A_1193 = arith.constant 16 : index
      %get3A_1194 = tpu.vector_load %arg6[%get3A_1192, %get3A_1193] {strides = array<i32>} : memref<128x32xf32, #tpu.memory_space<vmem>>, vector<16xf32>,
      tpu.vector_store_idx %arg8[%select_n3A, %select_n3A_48, %broadcast_in_dim3A_1186], %get3A_1190 : memref<4x8x129xf32, #tpu.memory_space<vmem>>[vector<16xi32>, vector<16xi32>, vector<16xi32>], vector<16xf32>,
      tpu.vector_store_idx %arg8[%add3A_28, %select_n3A_48, %broadcast_in_dim3A_1186], %get3A_1194 : memref<4x8x129xf32, #tpu.memory_space<vmem>>[vector<16xi32>, vector<16xi32>, vector<16xi32>], vector<16xf32>,
      %broadcast_in_dim3A_1195 = arith.constant 106 : i32
      %broadcast_in_dim3A_1196 = vector.broadcast %broadcast_in_dim3A_1195 : i32 to vector<16xi32>
      %get3A_1197 = arith.constant 106 : i32
      %get3A_1198 = arith.index_cast %get3A_1197 : i32 to index
      %get3A_1199 = arith.constant 0 : index
      %get3A_1200 = tpu.vector_load %arg6[%get3A_1198, %get3A_1199] {strides = array<i32>} : memref<128x32xf32, #tpu.memory_space<vmem>>, vector<16xf32>,
      %get3A_1201 = arith.constant 106 : i32
      %get3A_1202 = arith.index_cast %get3A_1201 : i32 to index
      %get3A_1203 = arith.constant 16 : index
      %get3A_1204 = tpu.vector_load %arg6[%get3A_1202, %get3A_1203] {strides = array<i32>} : memref<128x32xf32, #tpu.memory_space<vmem>>, vector<16xf32>,
      tpu.vector_store_idx %arg8[%select_n3A, %select_n3A_48, %broadcast_in_dim3A_1196], %get3A_1200 : memref<4x8x129xf32, #tpu.memory_space<vmem>>[vector<16xi32>, vector<16xi32>, vector<16xi32>], vector<16xf32>,
      tpu.vector_store_idx %arg8[%add3A_28, %select_n3A_48, %broadcast_in_dim3A_1196], %get3A_1204 : memref<4x8x129xf32, #tpu.memory_space<vmem>>[vector<16xi32>, vector<16xi32>, vector<16xi32>], vector<16xf32>,
      %broadcast_in_dim3A_1205 = arith.constant 107 : i32
      %broadcast_in_dim3A_1206 = vector.broadcast %broadcast_in_dim3A_1205 : i32 to vector<16xi32>
      %get3A_1207 = arith.constant 107 : i32
      %get3A_1208 = arith.index_cast %get3A_1207 : i32 to index
      %get3A_1209 = arith.constant 0 : index
      %get3A_1210 = tpu.vector_load %arg6[%get3A_1208, %get3A_1209] {strides = array<i32>} : memref<128x32xf32, #tpu.memory_space<vmem>>, vector<16xf32>,
      %get3A_1211 = arith.constant 107 : i32
      %get3A_1212 = arith.index_cast %get3A_1211 : i32 to index
      %get3A_1213 = arith.constant 16 : index
      %get3A_1214 = tpu.vector_load %arg6[%get3A_1212, %get3A_1213] {strides = array<i32>} : memref<128x32xf32, #tpu.memory_space<vmem>>, vector<16xf32>,
      tpu.vector_store_idx %arg8[%select_n3A, %select_n3A_48, %broadcast_in_dim3A_1206], %get3A_1210 : memref<4x8x129xf32, #tpu.memory_space<vmem>>[vector<16xi32>, vector<16xi32>, vector<16xi32>], vector<16xf32>,
      tpu.vector_store_idx %arg8[%add3A_28, %select_n3A_48, %broadcast_in_dim3A_1206], %get3A_1214 : memref<4x8x129xf32, #tpu.memory_space<vmem>>[vector<16xi32>, vector<16xi32>, vector<16xi32>], vector<16xf32>,
      %broadcast_in_dim3A_1215 = arith.constant 108 : i32
      %broadcast_in_dim3A_1216 = vector.broadcast %broadcast_in_dim3A_1215 : i32 to vector<16xi32>
      %get3A_1217 = arith.constant 108 : i32
      %get3A_1218 = arith.index_cast %get3A_1217 : i32 to index
      %get3A_1219 = arith.constant 0 : index
      %get3A_1220 = tpu.vector_load %arg6[%get3A_1218, %get3A_1219] {strides = array<i32>} : memref<128x32xf32, #tpu.memory_space<vmem>>, vector<16xf32>,
      %get3A_1221 = arith.constant 108 : i32
      %get3A_1222 = arith.index_cast %get3A_1221 : i32 to index
      %get3A_1223 = arith.constant 16 : index
      %get3A_1224 = tpu.vector_load %arg6[%get3A_1222, %get3A_1223] {strides = array<i32>} : memref<128x32xf32, #tpu.memory_space<vmem>>, vector<16xf32>,
      tpu.vector_store_idx %arg8[%select_n3A, %select_n3A_48, %broadcast_in_dim3A_1216], %get3A_1220 : memref<4x8x129xf32, #tpu.memory_space<vmem>>[vector<16xi32>, vector<16xi32>, vector<16xi32>], vector<16xf32>,
      tpu.vector_store_idx %arg8[%add3A_28, %select_n3A_48, %broadcast_in_dim3A_1216], %get3A_1224 : memref<4x8x129xf32, #tpu.memory_space<vmem>>[vector<16xi32>, vector<16xi32>, vector<16xi32>], vector<16xf32>,
      %broadcast_in_dim3A_1225 = arith.constant 109 : i32
      %broadcast_in_dim3A_1226 = vector.broadcast %broadcast_in_dim3A_1225 : i32 to vector<16xi32>
      %get3A_1227 = arith.constant 109 : i32
      %get3A_1228 = arith.index_cast %get3A_1227 : i32 to index
      %get3A_1229 = arith.constant 0 : index
      %get3A_1230 = tpu.vector_load %arg6[%get3A_1228, %get3A_1229] {strides = array<i32>} : memref<128x32xf32, #tpu.memory_space<vmem>>, vector<16xf32>,
      %get3A_1231 = arith.constant 109 : i32
      %get3A_1232 = arith.index_cast %get3A_1231 : i32 to index
      %get3A_1233 = arith.constant 16 : index
      %get3A_1234 = tpu.vector_load %arg6[%get3A_1232, %get3A_1233] {strides = array<i32>} : memref<128x32xf32, #tpu.memory_space<vmem>>, vector<16xf32>,
      tpu.vector_store_idx %arg8[%select_n3A, %select_n3A_48, %broadcast_in_dim3A_1226], %get3A_1230 : memref<4x8x129xf32, #tpu.memory_space<vmem>>[vector<16xi32>, vector<16xi32>, vector<16xi32>], vector<16xf32>,
      tpu.vector_store_idx %arg8[%add3A_28, %select_n3A_48, %broadcast_in_dim3A_1226], %get3A_1234 : memref<4x8x129xf32, #tpu.memory_space<vmem>>[vector<16xi32>, vector<16xi32>, vector<16xi32>], vector<16xf32>,
      %broadcast_in_dim3A_1235 = arith.constant 110 : i32
      %broadcast_in_dim3A_1236 = vector.broadcast %broadcast_in_dim3A_1235 : i32 to vector<16xi32>
      %get3A_1237 = arith.constant 110 : i32
      %get3A_1238 = arith.index_cast %get3A_1237 : i32 to index
      %get3A_1239 = arith.constant 0 : index
      %get3A_1240 = tpu.vector_load %arg6[%get3A_1238, %get3A_1239] {strides = array<i32>} : memref<128x32xf32, #tpu.memory_space<vmem>>, vector<16xf32>,
      %get3A_1241 = arith.constant 110 : i32
      %get3A_1242 = arith.index_cast %get3A_1241 : i32 to index
      %get3A_1243 = arith.constant 16 : index
      %get3A_1244 = tpu.vector_load %arg6[%get3A_1242, %get3A_1243] {strides = array<i32>} : memref<128x32xf32, #tpu.memory_space<vmem>>, vector<16xf32>,
      tpu.vector_store_idx %arg8[%select_n3A, %select_n3A_48, %broadcast_in_dim3A_1236], %get3A_1240 : memref<4x8x129xf32, #tpu.memory_space<vmem>>[vector<16xi32>, vector<16xi32>, vector<16xi32>], vector<16xf32>,
      tpu.vector_store_idx %arg8[%add3A_28, %select_n3A_48, %broadcast_in_dim3A_1236], %get3A_1244 : memref<4x8x129xf32, #tpu.memory_space<vmem>>[vector<16xi32>, vector<16xi32>, vector<16xi32>], vector<16xf32>,
      %broadcast_in_dim3A_1245 = arith.constant 111 : i32
      %broadcast_in_dim3A_1246 = vector.broadcast %broadcast_in_dim3A_1245 : i32 to vector<16xi32>
      %get3A_1247 = arith.constant 111 : i32
      %get3A_1248 = arith.index_cast %get3A_1247 : i32 to index
      %get3A_1249 = arith.constant 0 : index
      %get3A_1250 = tpu.vector_load %arg6[%get3A_1248, %get3A_1249] {strides = array<i32>} : memref<128x32xf32, #tpu.memory_space<vmem>>, vector<16xf32>,
      %get3A_1251 = arith.constant 111 : i32
      %get3A_1252 = arith.index_cast %get3A_1251 : i32 to index
      %get3A_1253 = arith.constant 16 : index
      %get3A_1254 = tpu.vector_load %arg6[%get3A_1252, %get3A_1253] {strides = array<i32>} : memref<128x32xf32, #tpu.memory_space<vmem>>, vector<16xf32>,
      tpu.vector_store_idx %arg8[%select_n3A, %select_n3A_48, %broadcast_in_dim3A_1246], %get3A_1250 : memref<4x8x129xf32, #tpu.memory_space<vmem>>[vector<16xi32>, vector<16xi32>, vector<16xi32>], vector<16xf32>,
      tpu.vector_store_idx %arg8[%add3A_28, %select_n3A_48, %broadcast_in_dim3A_1246], %get3A_1254 : memref<4x8x129xf32, #tpu.memory_space<vmem>>[vector<16xi32>, vector<16xi32>, vector<16xi32>], vector<16xf32>,
      %broadcast_in_dim3A_1255 = arith.constant 112 : i32
      %broadcast_in_dim3A_1256 = vector.broadcast %broadcast_in_dim3A_1255 : i32 to vector<16xi32>
      %get3A_1257 = arith.constant 112 : i32
      %get3A_1258 = arith.index_cast %get3A_1257 : i32 to index
      %get3A_1259 = arith.constant 0 : index
      %get3A_1260 = tpu.vector_load %arg6[%get3A_1258, %get3A_1259] {strides = array<i32>} : memref<128x32xf32, #tpu.memory_space<vmem>>, vector<16xf32>,
      %get3A_1261 = arith.constant 112 : i32
      %get3A_1262 = arith.index_cast %get3A_1261 : i32 to index
      %get3A_1263 = arith.constant 16 : index
      %get3A_1264 = tpu.vector_load %arg6[%get3A_1262, %get3A_1263] {strides = array<i32>} : memref<128x32xf32, #tpu.memory_space<vmem>>, vector<16xf32>,
      tpu.vector_store_idx %arg8[%select_n3A, %select_n3A_48, %broadcast_in_dim3A_1256], %get3A_1260 : memref<4x8x129xf32, #tpu.memory_space<vmem>>[vector<16xi32>, vector<16xi32>, vector<16xi32>], vector<16xf32>,
      tpu.vector_store_idx %arg8[%add3A_28, %select_n3A_48, %broadcast_in_dim3A_1256], %get3A_1264 : memref<4x8x129xf32, #tpu.memory_space<vmem>>[vector<16xi32>, vector<16xi32>, vector<16xi32>], vector<16xf32>,
      %broadcast_in_dim3A_1265 = arith.constant 113 : i32
      %broadcast_in_dim3A_1266 = vector.broadcast %broadcast_in_dim3A_1265 : i32 to vector<16xi32>
      %get3A_1267 = arith.constant 113 : i32
      %get3A_1268 = arith.index_cast %get3A_1267 : i32 to index
      %get3A_1269 = arith.constant 0 : index
      %get3A_1270 = tpu.vector_load %arg6[%get3A_1268, %get3A_1269] {strides = array<i32>} : memref<128x32xf32, #tpu.memory_space<vmem>>, vector<16xf32>,
      %get3A_1271 = arith.constant 113 : i32
      %get3A_1272 = arith.index_cast %get3A_1271 : i32 to index
      %get3A_1273 = arith.constant 16 : index
      %get3A_1274 = tpu.vector_load %arg6[%get3A_1272, %get3A_1273] {strides = array<i32>} : memref<128x32xf32, #tpu.memory_space<vmem>>, vector<16xf32>,
      tpu.vector_store_idx %arg8[%select_n3A, %select_n3A_48, %broadcast_in_dim3A_1266], %get3A_1270 : memref<4x8x129xf32, #tpu.memory_space<vmem>>[vector<16xi32>, vector<16xi32>, vector<16xi32>], vector<16xf32>,
      tpu.vector_store_idx %arg8[%add3A_28, %select_n3A_48, %broadcast_in_dim3A_1266], %get3A_1274 : memref<4x8x129xf32, #tpu.memory_space<vmem>>[vector<16xi32>, vector<16xi32>, vector<16xi32>], vector<16xf32>,
      %broadcast_in_dim3A_1275 = arith.constant 114 : i32
      %broadcast_in_dim3A_1276 = vector.broadcast %broadcast_in_dim3A_1275 : i32 to vector<16xi32>
      %get3A_1277 = arith.constant 114 : i32
      %get3A_1278 = arith.index_cast %get3A_1277 : i32 to index
      %get3A_1279 = arith.constant 0 : index
      %get3A_1280 = tpu.vector_load %arg6[%get3A_1278, %get3A_1279] {strides = array<i32>} : memref<128x32xf32, #tpu.memory_space<vmem>>, vector<16xf32>,
      %get3A_1281 = arith.constant 114 : i32
      %get3A_1282 = arith.index_cast %get3A_1281 : i32 to index
      %get3A_1283 = arith.constant 16 : index
      %get3A_1284 = tpu.vector_load %arg6[%get3A_1282, %get3A_1283] {strides = array<i32>} : memref<128x32xf32, #tpu.memory_space<vmem>>, vector<16xf32>,
      tpu.vector_store_idx %arg8[%select_n3A, %select_n3A_48, %broadcast_in_dim3A_1276], %get3A_1280 : memref<4x8x129xf32, #tpu.memory_space<vmem>>[vector<16xi32>, vector<16xi32>, vector<16xi32>], vector<16xf32>,
      tpu.vector_store_idx %arg8[%add3A_28, %select_n3A_48, %broadcast_in_dim3A_1276], %get3A_1284 : memref<4x8x129xf32, #tpu.memory_space<vmem>>[vector<16xi32>, vector<16xi32>, vector<16xi32>], vector<16xf32>,
      %broadcast_in_dim3A_1285 = arith.constant 115 : i32
      %broadcast_in_dim3A_1286 = vector.broadcast %broadcast_in_dim3A_1285 : i32 to vector<16xi32>
      %get3A_1287 = arith.constant 115 : i32
      %get3A_1288 = arith.index_cast %get3A_1287 : i32 to index
      %get3A_1289 = arith.constant 0 : index
      %get3A_1290 = tpu.vector_load %arg6[%get3A_1288, %get3A_1289] {strides = array<i32>} : memref<128x32xf32, #tpu.memory_space<vmem>>, vector<16xf32>,
      %get3A_1291 = arith.constant 115 : i32
      %get3A_1292 = arith.index_cast %get3A_1291 : i32 to index
      %get3A_1293 = arith.constant 16 : index
      %get3A_1294 = tpu.vector_load %arg6[%get3A_1292, %get3A_1293] {strides = array<i32>} : memref<128x32xf32, #tpu.memory_space<vmem>>, vector<16xf32>,
      tpu.vector_store_idx %arg8[%select_n3A, %select_n3A_48, %broadcast_in_dim3A_1286], %get3A_1290 : memref<4x8x129xf32, #tpu.memory_space<vmem>>[vector<16xi32>, vector<16xi32>, vector<16xi32>], vector<16xf32>,
      tpu.vector_store_idx %arg8[%add3A_28, %select_n3A_48, %broadcast_in_dim3A_1286], %get3A_1294 : memref<4x8x129xf32, #tpu.memory_space<vmem>>[vector<16xi32>, vector<16xi32>, vector<16xi32>], vector<16xf32>,
      %broadcast_in_dim3A_1295 = arith.constant 116 : i32
      %broadcast_in_dim3A_1296 = vector.broadcast %broadcast_in_dim3A_1295 : i32 to vector<16xi32>
      %get3A_1297 = arith.constant 116 : i32
      %get3A_1298 = arith.index_cast %get3A_1297 : i32 to index
      %get3A_1299 = arith.constant 0 : index
      %get3A_1300 = tpu.vector_load %arg6[%get3A_1298, %get3A_1299] {strides = array<i32>} : memref<128x32xf32, #tpu.memory_space<vmem>>, vector<16xf32>,
      %get3A_1301 = arith.constant 116 : i32
      %get3A_1302 = arith.index_cast %get3A_1301 : i32 to index
      %get3A_1303 = arith.constant 16 : index
      %get3A_1304 = tpu.vector_load %arg6[%get3A_1302, %get3A_1303] {strides = array<i32>} : memref<128x32xf32, #tpu.memory_space<vmem>>, vector<16xf32>,
      tpu.vector_store_idx %arg8[%select_n3A, %select_n3A_48, %broadcast_in_dim3A_1296], %get3A_1300 : memref<4x8x129xf32, #tpu.memory_space<vmem>>[vector<16xi32>, vector<16xi32>, vector<16xi32>], vector<16xf32>,
      tpu.vector_store_idx %arg8[%add3A_28, %select_n3A_48, %broadcast_in_dim3A_1296], %get3A_1304 : memref<4x8x129xf32, #tpu.memory_space<vmem>>[vector<16xi32>, vector<16xi32>, vector<16xi32>], vector<16xf32>,
      %broadcast_in_dim3A_1305 = arith.constant 117 : i32
      %broadcast_in_dim3A_1306 = vector.broadcast %broadcast_in_dim3A_1305 : i32 to vector<16xi32>
      %get3A_1307 = arith.constant 117 : i32
      %get3A_1308 = arith.index_cast %get3A_1307 : i32 to index
      %get3A_1309 = arith.constant 0 : index
      %get3A_1310 = tpu.vector_load %arg6[%get3A_1308, %get3A_1309] {strides = array<i32>} : memref<128x32xf32, #tpu.memory_space<vmem>>, vector<16xf32>,
      %get3A_1311 = arith.constant 117 : i32
      %get3A_1312 = arith.index_cast %get3A_1311 : i32 to index
      %get3A_1313 = arith.constant 16 : index
      %get3A_1314 = tpu.vector_load %arg6[%get3A_1312, %get3A_1313] {strides = array<i32>} : memref<128x32xf32, #tpu.memory_space<vmem>>, vector<16xf32>,
      tpu.vector_store_idx %arg8[%select_n3A, %select_n3A_48, %broadcast_in_dim3A_1306], %get3A_1310 : memref<4x8x129xf32, #tpu.memory_space<vmem>>[vector<16xi32>, vector<16xi32>, vector<16xi32>], vector<16xf32>,
      tpu.vector_store_idx %arg8[%add3A_28, %select_n3A_48, %broadcast_in_dim3A_1306], %get3A_1314 : memref<4x8x129xf32, #tpu.memory_space<vmem>>[vector<16xi32>, vector<16xi32>, vector<16xi32>], vector<16xf32>,
      %broadcast_in_dim3A_1315 = arith.constant 118 : i32
      %broadcast_in_dim3A_1316 = vector.broadcast %broadcast_in_dim3A_1315 : i32 to vector<16xi32>
      %get3A_1317 = arith.constant 118 : i32
      %get3A_1318 = arith.index_cast %get3A_1317 : i32 to index
      %get3A_1319 = arith.constant 0 : index
      %get3A_1320 = tpu.vector_load %arg6[%get3A_1318, %get3A_1319] {strides = array<i32>} : memref<128x32xf32, #tpu.memory_space<vmem>>, vector<16xf32>,
      %get3A_1321 = arith.constant 118 : i32
      %get3A_1322 = arith.index_cast %get3A_1321 : i32 to index
      %get3A_1323 = arith.constant 16 : index
      %get3A_1324 = tpu.vector_load %arg6[%get3A_1322, %get3A_1323] {strides = array<i32>} : memref<128x32xf32, #tpu.memory_space<vmem>>, vector<16xf32>,
      tpu.vector_store_idx %arg8[%select_n3A, %select_n3A_48, %broadcast_in_dim3A_1316], %get3A_1320 : memref<4x8x129xf32, #tpu.memory_space<vmem>>[vector<16xi32>, vector<16xi32>, vector<16xi32>], vector<16xf32>,
      tpu.vector_store_idx %arg8[%add3A_28, %select_n3A_48, %broadcast_in_dim3A_1316], %get3A_1324 : memref<4x8x129xf32, #tpu.memory_space<vmem>>[vector<16xi32>, vector<16xi32>, vector<16xi32>], vector<16xf32>,
      %broadcast_in_dim3A_1325 = arith.constant 119 : i32
      %broadcast_in_dim3A_1326 = vector.broadcast %broadcast_in_dim3A_1325 : i32 to vector<16xi32>
      %get3A_1327 = arith.constant 119 : i32
      %get3A_1328 = arith.index_cast %get3A_1327 : i32 to index
      %get3A_1329 = arith.constant 0 : index
      %get3A_1330 = tpu.vector_load %arg6[%get3A_1328, %get3A_1329] {strides = array<i32>} : memref<128x32xf32, #tpu.memory_space<vmem>>, vector<16xf32>,
      %get3A_1331 = arith.constant 119 : i32
      %get3A_1332 = arith.index_cast %get3A_1331 : i32 to index
      %get3A_1333 = arith.constant 16 : index
      %get3A_1334 = tpu.vector_load %arg6[%get3A_1332, %get3A_1333] {strides = array<i32>} : memref<128x32xf32, #tpu.memory_space<vmem>>, vector<16xf32>,
      tpu.vector_store_idx %arg8[%select_n3A, %select_n3A_48, %broadcast_in_dim3A_1326], %get3A_1330 : memref<4x8x129xf32, #tpu.memory_space<vmem>>[vector<16xi32>, vector<16xi32>, vector<16xi32>], vector<16xf32>,
      tpu.vector_store_idx %arg8[%add3A_28, %select_n3A_48, %broadcast_in_dim3A_1326], %get3A_1334 : memref<4x8x129xf32, #tpu.memory_space<vmem>>[vector<16xi32>, vector<16xi32>, vector<16xi32>], vector<16xf32>,
      %broadcast_in_dim3A_1335 = arith.constant 120 : i32
      %broadcast_in_dim3A_1336 = vector.broadcast %broadcast_in_dim3A_1335 : i32 to vector<16xi32>
      %get3A_1337 = arith.constant 120 : i32
      %get3A_1338 = arith.index_cast %get3A_1337 : i32 to index
      %get3A_1339 = arith.constant 0 : index
      %get3A_1340 = tpu.vector_load %arg6[%get3A_1338, %get3A_1339] {strides = array<i32>} : memref<128x32xf32, #tpu.memory_space<vmem>>, vector<16xf32>,
      %get3A_1341 = arith.constant 120 : i32
      %get3A_1342 = arith.index_cast %get3A_1341 : i32 to index
      %get3A_1343 = arith.constant 16 : index
      %get3A_1344 = tpu.vector_load %arg6[%get3A_1342, %get3A_1343] {strides = array<i32>} : memref<128x32xf32, #tpu.memory_space<vmem>>, vector<16xf32>,
      tpu.vector_store_idx %arg8[%select_n3A, %select_n3A_48, %broadcast_in_dim3A_1336], %get3A_1340 : memref<4x8x129xf32, #tpu.memory_space<vmem>>[vector<16xi32>, vector<16xi32>, vector<16xi32>], vector<16xf32>,
      tpu.vector_store_idx %arg8[%add3A_28, %select_n3A_48, %broadcast_in_dim3A_1336], %get3A_1344 : memref<4x8x129xf32, #tpu.memory_space<vmem>>[vector<16xi32>, vector<16xi32>, vector<16xi32>], vector<16xf32>,
      %broadcast_in_dim3A_1345 = arith.constant 121 : i32
      %broadcast_in_dim3A_1346 = vector.broadcast %broadcast_in_dim3A_1345 : i32 to vector<16xi32>
      %get3A_1347 = arith.constant 121 : i32
      %get3A_1348 = arith.index_cast %get3A_1347 : i32 to index
      %get3A_1349 = arith.constant 0 : index
      %get3A_1350 = tpu.vector_load %arg6[%get3A_1348, %get3A_1349] {strides = array<i32>} : memref<128x32xf32, #tpu.memory_space<vmem>>, vector<16xf32>,
      %get3A_1351 = arith.constant 121 : i32
      %get3A_1352 = arith.index_cast %get3A_1351 : i32 to index
      %get3A_1353 = arith.constant 16 : index
      %get3A_1354 = tpu.vector_load %arg6[%get3A_1352, %get3A_1353] {strides = array<i32>} : memref<128x32xf32, #tpu.memory_space<vmem>>, vector<16xf32>,
      tpu.vector_store_idx %arg8[%select_n3A, %select_n3A_48, %broadcast_in_dim3A_1346], %get3A_1350 : memref<4x8x129xf32, #tpu.memory_space<vmem>>[vector<16xi32>, vector<16xi32>, vector<16xi32>], vector<16xf32>,
      tpu.vector_store_idx %arg8[%add3A_28, %select_n3A_48, %broadcast_in_dim3A_1346], %get3A_1354 : memref<4x8x129xf32, #tpu.memory_space<vmem>>[vector<16xi32>, vector<16xi32>, vector<16xi32>], vector<16xf32>,
      %broadcast_in_dim3A_1355 = arith.constant 122 : i32
      %broadcast_in_dim3A_1356 = vector.broadcast %broadcast_in_dim3A_1355 : i32 to vector<16xi32>
      %get3A_1357 = arith.constant 122 : i32
      %get3A_1358 = arith.index_cast %get3A_1357 : i32 to index
      %get3A_1359 = arith.constant 0 : index
      %get3A_1360 = tpu.vector_load %arg6[%get3A_1358, %get3A_1359] {strides = array<i32>} : memref<128x32xf32, #tpu.memory_space<vmem>>, vector<16xf32>,
      %get3A_1361 = arith.constant 122 : i32
      %get3A_1362 = arith.index_cast %get3A_1361 : i32 to index
      %get3A_1363 = arith.constant 16 : index
      %get3A_1364 = tpu.vector_load %arg6[%get3A_1362, %get3A_1363] {strides = array<i32>} : memref<128x32xf32, #tpu.memory_space<vmem>>, vector<16xf32>,
      tpu.vector_store_idx %arg8[%select_n3A, %select_n3A_48, %broadcast_in_dim3A_1356], %get3A_1360 : memref<4x8x129xf32, #tpu.memory_space<vmem>>[vector<16xi32>, vector<16xi32>, vector<16xi32>], vector<16xf32>,
      tpu.vector_store_idx %arg8[%add3A_28, %select_n3A_48, %broadcast_in_dim3A_1356], %get3A_1364 : memref<4x8x129xf32, #tpu.memory_space<vmem>>[vector<16xi32>, vector<16xi32>, vector<16xi32>], vector<16xf32>,
      %broadcast_in_dim3A_1365 = arith.constant 123 : i32
      %broadcast_in_dim3A_1366 = vector.broadcast %broadcast_in_dim3A_1365 : i32 to vector<16xi32>
      %get3A_1367 = arith.constant 123 : i32
      %get3A_1368 = arith.index_cast %get3A_1367 : i32 to index
      %get3A_1369 = arith.constant 0 : index
      %get3A_1370 = tpu.vector_load %arg6[%get3A_1368, %get3A_1369] {strides = array<i32>} : memref<128x32xf32, #tpu.memory_space<vmem>>, vector<16xf32>,
      %get3A_1371 = arith.constant 123 : i32
      %get3A_1372 = arith.index_cast %get3A_1371 : i32 to index
      %get3A_1373 = arith.constant 16 : index
      %get3A_1374 = tpu.vector_load %arg6[%get3A_1372, %get3A_1373] {strides = array<i32>} : memref<128x32xf32, #tpu.memory_space<vmem>>, vector<16xf32>,
      tpu.vector_store_idx %arg8[%select_n3A, %select_n3A_48, %broadcast_in_dim3A_1366], %get3A_1370 : memref<4x8x129xf32, #tpu.memory_space<vmem>>[vector<16xi32>, vector<16xi32>, vector<16xi32>], vector<16xf32>,
      tpu.vector_store_idx %arg8[%add3A_28, %select_n3A_48, %broadcast_in_dim3A_1366], %get3A_1374 : memref<4x8x129xf32, #tpu.memory_space<vmem>>[vector<16xi32>, vector<16xi32>, vector<16xi32>], vector<16xf32>,
      %broadcast_in_dim3A_1375 = arith.constant 124 : i32
      %broadcast_in_dim3A_1376 = vector.broadcast %broadcast_in_dim3A_1375 : i32 to vector<16xi32>
      %get3A_1377 = arith.constant 124 : i32
      %get3A_1378 = arith.index_cast %get3A_1377 : i32 to index
      %get3A_1379 = arith.constant 0 : index
      %get3A_1380 = tpu.vector_load %arg6[%get3A_1378, %get3A_1379] {strides = array<i32>} : memref<128x32xf32, #tpu.memory_space<vmem>>, vector<16xf32>,
      %get3A_1381 = arith.constant 124 : i32
      %get3A_1382 = arith.index_cast %get3A_1381 : i32 to index
      %get3A_1383 = arith.constant 16 : index
      %get3A_1384 = tpu.vector_load %arg6[%get3A_1382, %get3A_1383] {strides = array<i32>} : memref<128x32xf32, #tpu.memory_space<vmem>>, vector<16xf32>,
      tpu.vector_store_idx %arg8[%select_n3A, %select_n3A_48, %broadcast_in_dim3A_1376], %get3A_1380 : memref<4x8x129xf32, #tpu.memory_space<vmem>>[vector<16xi32>, vector<16xi32>, vector<16xi32>], vector<16xf32>,
      tpu.vector_store_idx %arg8[%add3A_28, %select_n3A_48, %broadcast_in_dim3A_1376], %get3A_1384 : memref<4x8x129xf32, #tpu.memory_space<vmem>>[vector<16xi32>, vector<16xi32>, vector<16xi32>], vector<16xf32>,
      %broadcast_in_dim3A_1385 = arith.constant 125 : i32
      %broadcast_in_dim3A_1386 = vector.broadcast %broadcast_in_dim3A_1385 : i32 to vector<16xi32>
      %get3A_1387 = arith.constant 125 : i32
      %get3A_1388 = arith.index_cast %get3A_1387 : i32 to index
      %get3A_1389 = arith.constant 0 : index
      %get3A_1390 = tpu.vector_load %arg6[%get3A_1388, %get3A_1389] {strides = array<i32>} : memref<128x32xf32, #tpu.memory_space<vmem>>, vector<16xf32>,
      %get3A_1391 = arith.constant 125 : i32
      %get3A_1392 = arith.index_cast %get3A_1391 : i32 to index
      %get3A_1393 = arith.constant 16 : index
      %get3A_1394 = tpu.vector_load %arg6[%get3A_1392, %get3A_1393] {strides = array<i32>} : memref<128x32xf32, #tpu.memory_space<vmem>>, vector<16xf32>,
      tpu.vector_store_idx %arg8[%select_n3A, %select_n3A_48, %broadcast_in_dim3A_1386], %get3A_1390 : memref<4x8x129xf32, #tpu.memory_space<vmem>>[vector<16xi32>, vector<16xi32>, vector<16xi32>], vector<16xf32>,
      tpu.vector_store_idx %arg8[%add3A_28, %select_n3A_48, %broadcast_in_dim3A_1386], %get3A_1394 : memref<4x8x129xf32, #tpu.memory_space<vmem>>[vector<16xi32>, vector<16xi32>, vector<16xi32>], vector<16xf32>,
      %broadcast_in_dim3A_1395 = arith.constant 126 : i32
      %broadcast_in_dim3A_1396 = vector.broadcast %broadcast_in_dim3A_1395 : i32 to vector<16xi32>
      %get3A_1397 = arith.constant 126 : i32
      %get3A_1398 = arith.index_cast %get3A_1397 : i32 to index
      %get3A_1399 = arith.constant 0 : index
      %get3A_1400 = tpu.vector_load %arg6[%get3A_1398, %get3A_1399] {strides = array<i32>} : memref<128x32xf32, #tpu.memory_space<vmem>>, vector<16xf32>,
      %get3A_1401 = arith.constant 126 : i32
      %get3A_1402 = arith.index_cast %get3A_1401 : i32 to index
      %get3A_1403 = arith.constant 16 : index
      %get3A_1404 = tpu.vector_load %arg6[%get3A_1402, %get3A_1403] {strides = array<i32>} : memref<128x32xf32, #tpu.memory_space<vmem>>, vector<16xf32>,
      tpu.vector_store_idx %arg8[%select_n3A, %select_n3A_48, %broadcast_in_dim3A_1396], %get3A_1400 : memref<4x8x129xf32, #tpu.memory_space<vmem>>[vector<16xi32>, vector<16xi32>, vector<16xi32>], vector<16xf32>,
      tpu.vector_store_idx %arg8[%add3A_28, %select_n3A_48, %broadcast_in_dim3A_1396], %get3A_1404 : memref<4x8x129xf32, #tpu.memory_space<vmem>>[vector<16xi32>, vector<16xi32>, vector<16xi32>], vector<16xf32>,
      %broadcast_in_dim3A_1405 = arith.constant 127 : i32
      %broadcast_in_dim3A_1406 = vector.broadcast %broadcast_in_dim3A_1405 : i32 to vector<16xi32>
      %get3A_1407 = arith.constant 127 : i32
      %get3A_1408 = arith.index_cast %get3A_1407 : i32 to index
      %get3A_1409 = arith.constant 0 : index
      %get3A_1410 = tpu.vector_load %arg6[%get3A_1408, %get3A_1409] {strides = array<i32>} : memref<128x32xf32, #tpu.memory_space<vmem>>, vector<16xf32>,
      %get3A_1411 = arith.constant 127 : i32
      %get3A_1412 = arith.index_cast %get3A_1411 : i32 to index
      %get3A_1413 = arith.constant 16 : index
      %get3A_1414 = tpu.vector_load %arg6[%get3A_1412, %get3A_1413] {strides = array<i32>} : memref<128x32xf32, #tpu.memory_space<vmem>>, vector<16xf32>,
      tpu.vector_store_idx %arg8[%select_n3A, %select_n3A_48, %broadcast_in_dim3A_1406], %get3A_1410 : memref<4x8x129xf32, #tpu.memory_space<vmem>>[vector<16xi32>, vector<16xi32>, vector<16xi32>], vector<16xf32>,
      tpu.vector_store_idx %arg8[%add3A_28, %select_n3A_48, %broadcast_in_dim3A_1406], %get3A_1414 : memref<4x8x129xf32, #tpu.memory_space<vmem>>[vector<16xi32>, vector<16xi32>, vector<16xi32>], vector<16xf32>,
      %add3A_1415 = arith.constant 2 : i32
      %add3A_1416 = arith.addi %add3A_125, %add3A_1415 : i32
      %lt3A_1417 = arith.constant 200 : i32
      %lt3A_1418 = arith.cmpi slt, %add3A_1416, %lt3A_1417 : i32
      %convert_element_type3A_1419 = arith.extui %lt3A_1418 : i1 to i32
      %cond3A_1420 = arith.constant 0 : i32
      %cond3A_1421 = arith.cmpi ne, %convert_element_type3A_1419, %cond3A_1420 : i32
      scf.if %cond3A_1421 {
        %add3A_2855 = arith.constant 2 : i32
        %add3A_2856 = arith.addi %add3A_125, %add3A_2855 : i32
        %jit3A_2857 = arith.constant 4 : i32
        %div3A_2858 = arith.divsi %add3A_2856, %jit3A_2857 : i32
        %sign3A_2859 = arith.constant 0 : i32
        %sign3A_2860 = arith.cmpi sgt, %add3A_2856, %sign3A_2859 : i32
        %sign3A_2861 = arith.extui %sign3A_2860 : i1 to i32
        %sign3A_2862 = arith.constant 0 : i32
        %sign3A_2863 = arith.cmpi slt, %add3A_2856, %sign3A_2862 : i32
        %sign3A_2864 = arith.extui %sign3A_2863 : i1 to i32
        %sign3A_2865 = arith.subi %sign3A_2861, %sign3A_2864 : i32
        %sign3A_2866 = arith.constant 0 : i32
        %sign3A_2867 = arith.cmpi sgt, %jit3A_2857, %sign3A_2866 : i32
        %sign3A_2868 = arith.extui %sign3A_2867 : i1 to i32
        %sign3A_2869 = arith.constant 0 : i32
        %sign3A_2870 = arith.cmpi slt, %jit3A_2857, %sign3A_2869 : i32
        %sign3A_2871 = arith.extui %sign3A_2870 : i1 to i32
        %sign3A_2872 = arith.subi %sign3A_2868, %sign3A_2871 : i32
        %ne3A_2873 = arith.cmpi ne, %sign3A_2865, %sign3A_2872 : i32
        %rem3A_2874 = arith.remsi %add3A_2856, %jit3A_2857 : i32
        %ne3A_2875 = arith.constant 0 : i32
        %ne3A_2876 = arith.cmpi ne, %rem3A_2874, %ne3A_2875 : i32
        %and3A_2877 = arith.andi %ne3A_2873, %ne3A_2876 : i1
        %sub3A_2878 = arith.constant 1 : i32
        %sub3A_2879 = arith.subi %div3A_2858, %sub3A_2878 : i32
        %select_n3A_2880 = arith.select %and3A_2877, %sub3A_2879, %div3A_2858 : i32
        %jit3A_2881 = arith.constant 4 : i32
        %eq3A_2882 = arith.constant 0 : i32
        %eq3A_2883 = arith.cmpi eq, %jit3A_2881, %eq3A_2882 : i32
        %jit3A_2884 = arith.constant 1 : i32
        %select_n3A_2885 = arith.select %eq3A_2883, %jit3A_2884, %jit3A_2881 : i32
        %rem3A_2886 = arith.remsi %add3A_2856, %select_n3A_2885 : i32
        %ne3A_2887 = arith.constant 0 : i32
        %ne3A_2888 = arith.cmpi ne, %rem3A_2886, %ne3A_2887 : i32
        %lt3A_2889 = arith.constant 0 : i32
        %lt3A_2890 = arith.cmpi slt, %rem3A_2886, %lt3A_2889 : i32
        %lt3A_2891 = arith.constant 0 : i32
        %lt3A_2892 = arith.cmpi slt, %select_n3A_2885, %lt3A_2891 : i32
        %ne3A_2893 = arith.xori %lt3A_2890, %lt3A_2892 : i1
        %and3A_2894 = arith.andi %ne3A_2893, %ne3A_2888 : i1
        %add3A_2895 = arith.addi %rem3A_2886, %select_n3A_2885 : i32
        %select_n3A_2896 = arith.select %and3A_2894, %add3A_2895, %rem3A_2886 : i32
        %mul3A_2897 = arith.constant 128 : i32
        %mul3A_2898 = arith.muli %select_n3A_2896, %mul3A_2897 : i32
        %dma_start3A_2899 = arith.constant 0 : i32
        %dma_start3A_2900 = tpu.memref_slice %arg5[%select_n3A_2880, %mul3A_2898] : memref<50x512xi32, #tpu.memory_space<vmem>> -> memref<1x128xi32, #tpu.memory_space<vmem>>
        %dma_start3A_2901 = tpu.memref_squeeze %dma_start3A_2900 : memref<1x128xi32, #tpu.memory_space<vmem>> -> memref<128xi32, #tpu.memory_space<vmem>>
        %dma_start3A_2902 = arith.constant 0 : i32
        %dma_start3A_2903 = arith.constant 0 : i32
        %dma_start3A_2904 = tpu.memref_slice %arg2[%dma_start3A_2902, %dma_start3A_2903] : memref<1000000x32xf32, #tpu.memory_space<hbm>> -> memref<1000000x32xf32, #tpu.memory_space<hbm>>
        %dma_start3A_2905 = tpu.memref_slice %arg10[%dma_start3A_2899] : memref<2x!tpu.dma_semaphore, #tpu.memory_space<semaphore_mem>> -> memref<1x!tpu.dma_semaphore, #tpu.memory_space<semaphore_mem>>
        %dma_start3A_2906 = tpu.memref_squeeze %dma_start3A_2905 : memref<1x!tpu.dma_semaphore, #tpu.memory_space<semaphore_mem>> -> memref<!tpu.dma_semaphore, #tpu.memory_space<semaphore_mem>>
        tpu.enqueue_indirect_dma source(%dma_start3A_2904 : memref<1000000x32xf32, #tpu.memory_space<hbm>>) target(%arg6 : memref<128x32xf32, #tpu.memory_space<vmem>>) offsets(%dma_start3A_2901 : memref<128xi32, #tpu.memory_space<vmem>>) semaphore(%dma_start3A_2906 : memref<!tpu.dma_semaphore, #tpu.memory_space<semaphore_mem>>)
      } else {
      }
      %jit3A_1422 = arith.constant 4 : i32
      %div3A_1423 = arith.divsi %add3A_125, %jit3A_1422 : i32
      %sign3A_1424 = arith.constant 0 : i32
      %sign3A_1425 = arith.cmpi sgt, %add3A_125, %sign3A_1424 : i32
      %sign3A_1426 = arith.extui %sign3A_1425 : i1 to i32
      %sign3A_1427 = arith.constant 0 : i32
      %sign3A_1428 = arith.cmpi slt, %add3A_125, %sign3A_1427 : i32
      %sign3A_1429 = arith.extui %sign3A_1428 : i1 to i32
      %sign3A_1430 = arith.subi %sign3A_1426, %sign3A_1429 : i32
      %sign3A_1431 = arith.constant 0 : i32
      %sign3A_1432 = arith.cmpi sgt, %jit3A_1422, %sign3A_1431 : i32
      %sign3A_1433 = arith.extui %sign3A_1432 : i1 to i32
      %sign3A_1434 = arith.constant 0 : i32
      %sign3A_1435 = arith.cmpi slt, %jit3A_1422, %sign3A_1434 : i32
      %sign3A_1436 = arith.extui %sign3A_1435 : i1 to i32
      %sign3A_1437 = arith.subi %sign3A_1433, %sign3A_1436 : i32
      %ne3A_1438 = arith.cmpi ne, %sign3A_1430, %sign3A_1437 : i32
      %rem3A_1439 = arith.remsi %add3A_125, %jit3A_1422 : i32
      %ne3A_1440 = arith.constant 0 : i32
      %ne3A_1441 = arith.cmpi ne, %rem3A_1439, %ne3A_1440 : i32
      %and3A_1442 = arith.andi %ne3A_1438, %ne3A_1441 : i1
      %sub3A_1443 = arith.constant 1 : i32
      %sub3A_1444 = arith.subi %div3A_1423, %sub3A_1443 : i32
      %select_n3A_1445 = arith.select %and3A_1442, %sub3A_1444, %div3A_1423 : i32
      %jit3A_1446 = arith.constant 4 : i32
      %eq3A_1447 = arith.constant 0 : i32
      %eq3A_1448 = arith.cmpi eq, %jit3A_1446, %eq3A_1447 : i32
      %jit3A_1449 = arith.constant 1 : i32
      %select_n3A_1450 = arith.select %eq3A_1448, %jit3A_1449, %jit3A_1446 : i32
      %rem3A_1451 = arith.remsi %add3A_125, %select_n3A_1450 : i32
      %ne3A_1452 = arith.constant 0 : i32
      %ne3A_1453 = arith.cmpi ne, %rem3A_1451, %ne3A_1452 : i32
      %lt3A_1454 = arith.constant 0 : i32
      %lt3A_1455 = arith.cmpi slt, %rem3A_1451, %lt3A_1454 : i32
      %lt3A_1456 = arith.constant 0 : i32
      %lt3A_1457 = arith.cmpi slt, %select_n3A_1450, %lt3A_1456 : i32
      %ne3A_1458 = arith.xori %lt3A_1455, %lt3A_1457 : i1
      %and3A_1459 = arith.andi %ne3A_1458, %ne3A_1453 : i1
      %add3A_1460 = arith.addi %rem3A_1451, %select_n3A_1450 : i32
      %select_n3A_1461 = arith.select %and3A_1459, %add3A_1460, %rem3A_1451 : i32
      %mul3A_1462 = arith.constant 4 : i32
      %mul3A_1463 = arith.muli %add3A, %mul3A_1462 : i32
      %add3A_1464 = arith.addi %mul3A_1463, %select_n3A_1461 : i32
      %dma_start3A_1465 = arith.constant 0 : i32
      %dma_start3A_1466 = arith.constant 0 : i32
      %dma_start3A_1467 = arith.constant 0 : i32
      %dma_start3A_1468 = arith.constant 0 : i32
      %dma_start3A_1469 = tpu.memref_slice %arg8[%dma_start3A_1466, %dma_start3A_1467, %dma_start3A_1468] : memref<4x8x129xf32, #tpu.memory_space<vmem>> -> memref<4x8x128xf32, #tpu.memory_space<vmem>>
      %dma_start3A_1470 = arith.constant 0 : i32
      %dma_start3A_1471 = arith.constant 0 : i32
      %dma_start3A_1472 = arith.constant 0 : i32
      %dma_start3A_1473 = tpu.memref_slice %arg4[%select_n3A_1445, %dma_start3A_1470, %add3A_1464, %dma_start3A_1471, %dma_start3A_1472] : memref<50x4x128x8x128xf32, #tpu.memory_space<hbm>> -> memref<1x4x1x8x128xf32, #tpu.memory_space<hbm>>
      %dma_start3A_1474 = tpu.memref_squeeze %dma_start3A_1473 : memref<1x4x1x8x128xf32, #tpu.memory_space<hbm>> -> memref<4x8x128xf32, #tpu.memory_space<hbm>>
      %dma_start3A_1475 = tpu.memref_slice %arg11[%dma_start3A_1465] : memref<2x!tpu.dma_semaphore, #tpu.memory_space<semaphore_mem>> -> memref<1x!tpu.dma_semaphore, #tpu.memory_space<semaphore_mem>>
      %dma_start3A_1476 = tpu.memref_squeeze %dma_start3A_1475 : memref<1x!tpu.dma_semaphore, #tpu.memory_space<semaphore_mem>> -> memref<!tpu.dma_semaphore, #tpu.memory_space<semaphore_mem>>
      %dma_start3A_1477 = arith.constant 0 : i32
      %dma_start3A_1478 = arith.constant 0 : i32
      %dma_start3A_1479 = arith.constant 0 : i32
      %dma_start3A_1480 = tpu.memref_slice %arg4[%select_n3A_1445, %dma_start3A_1477, %add3A_1464, %dma_start3A_1478, %dma_start3A_1479] : memref<50x4x128x8x128xf32, #tpu.memory_space<hbm>> -> memref<1x4x1x8x128xf32, #tpu.memory_space<hbm>>
      %dma_start3A_1481 = tpu.memref_squeeze %dma_start3A_1480 : memref<1x4x1x8x128xf32, #tpu.memory_space<hbm>> -> memref<4x8x128xf32, #tpu.memory_space<hbm>>
      %dma_start3A_1482 = arith.constant 0 : i32
      %dma_start3A_1483 = arith.constant 0 : i32
      %dma_start3A_1484 = arith.constant 0 : i32
      %dma_start3A_1485 = tpu.memref_slice %arg8[%dma_start3A_1482, %dma_start3A_1483, %dma_start3A_1484] : memref<4x8x129xf32, #tpu.memory_space<vmem>> -> memref<4x8x128xf32, #tpu.memory_space<vmem>>
      tpu.enqueue_dma source(%dma_start3A_1485 : memref<4x8x128xf32, #tpu.memory_space<vmem>>) target(%dma_start3A_1481 : memref<4x8x128xf32, #tpu.memory_space<hbm>>) target_semaphore(%dma_start3A_1476 : memref<!tpu.dma_semaphore, #tpu.memory_space<semaphore_mem>>)
      %mul3A_1486 = arith.constant 2 : i32
      %mul3A_1487 = arith.muli %mul3A_1486, %add3A_121 : i32
      %add3A_1488 = arith.constant 1 : i32
      %add3A_1489 = arith.addi %mul3A_1487, %add3A_1488 : i32
      %dma_wait3A_1490 = arith.constant 1 : i32
      %dma_wait3A_1491 = arith.constant 0 : i32
      %dma_wait3A_1492 = arith.constant 0 : i32
      %dma_wait3A_1493 = tpu.memref_slice %arg2[%dma_wait3A_1491, %dma_wait3A_1492] : memref<1000000x32xf32, #tpu.memory_space<hbm>> -> memref<128x32xf32, #tpu.memory_space<hbm>>
      %dma_wait3A_1494 = tpu.memref_slice %arg10[%dma_wait3A_1490] : memref<2x!tpu.dma_semaphore, #tpu.memory_space<semaphore_mem>> -> memref<1x!tpu.dma_semaphore, #tpu.memory_space<semaphore_mem>>
      %dma_wait3A_1495 = tpu.memref_squeeze %dma_wait3A_1494 : memref<1x!tpu.dma_semaphore, #tpu.memory_space<semaphore_mem>> -> memref<!tpu.dma_semaphore, #tpu.memory_space<semaphore_mem>>
      %dma_wait3A_1496 = arith.constant 0 : i32
      %dma_wait3A_1497 = arith.constant 0 : i32
      %dma_wait3A_1498 = tpu.memref_slice %arg2[%dma_wait3A_1496, %dma_wait3A_1497] : memref<1000000x32xf32, #tpu.memory_space<hbm>> -> memref<128x32xf32, #tpu.memory_space<hbm>>
      tpu.wait_dma2 semaphore(%dma_wait3A_1495 : memref<!tpu.dma_semaphore, #tpu.memory_space<semaphore_mem>>) src(%dma_wait3A_1498 : memref<128x32xf32, #tpu.memory_space<hbm>>) dst(%arg7 : memref<128x32xf32, #tpu.memory_space<vmem>>)
      %gt3A_1499 = arith.constant 0 : i32
      %gt3A_1500 = arith.cmpi sgt, %add3A_121, %gt3A_1499 : i32
      %convert_element_type3A_1501 = arith.extui %gt3A_1500 : i1 to i32
      %cond3A_1502 = arith.constant 0 : i32
      %cond3A_1503 = arith.cmpi ne, %convert_element_type3A_1501, %cond3A_1502 : i32
      scf.if %cond3A_1503 {
        %dma_wait3A_2855 = arith.constant 0 : i32
        %dma_wait3A_2856 = arith.constant 0 : i32
        %dma_wait3A_2857 = arith.constant 1 : i32
        %dma_wait3A_2858 = arith.constant 0 : i32
        %dma_wait3A_2859 = arith.constant 0 : i32
        %dma_wait3A_2860 = arith.constant 0 : i32
        %dma_wait3A_2861 = tpu.memref_slice %arg9[%dma_wait3A_2858, %dma_wait3A_2859, %dma_wait3A_2860] : memref<4x8x129xf32, #tpu.memory_space<vmem>> -> memref<4x8x128xf32, #tpu.memory_space<vmem>>
        %dma_wait3A_2862 = arith.constant 0 : i32
        %dma_wait3A_2863 = arith.constant 0 : i32
        %dma_wait3A_2864 = arith.constant 0 : i32
        %dma_wait3A_2865 = tpu.memref_slice %arg4[%dma_wait3A_2855, %dma_wait3A_2862, %dma_wait3A_2856, %dma_wait3A_2863, %dma_wait3A_2864] : memref<50x4x128x8x128xf32, #tpu.memory_space<hbm>> -> memref<1x4x1x8x128xf32, #tpu.memory_space<hbm>>
        %dma_wait3A_2866 = tpu.memref_squeeze %dma_wait3A_2865 : memref<1x4x1x8x128xf32, #tpu.memory_space<hbm>> -> memref<4x8x128xf32, #tpu.memory_space<hbm>>
        %dma_wait3A_2867 = tpu.memref_slice %arg11[%dma_wait3A_2857] : memref<2x!tpu.dma_semaphore, #tpu.memory_space<semaphore_mem>> -> memref<1x!tpu.dma_semaphore, #tpu.memory_space<semaphore_mem>>
        %dma_wait3A_2868 = tpu.memref_squeeze %dma_wait3A_2867 : memref<1x!tpu.dma_semaphore, #tpu.memory_space<semaphore_mem>> -> memref<!tpu.dma_semaphore, #tpu.memory_space<semaphore_mem>>
        %dma_wait3A_2869 = arith.constant 0 : i32
        %dma_wait3A_2870 = arith.constant 0 : i32
        %dma_wait3A_2871 = arith.constant 0 : i32
        %dma_wait3A_2872 = tpu.memref_slice %arg9[%dma_wait3A_2869, %dma_wait3A_2870, %dma_wait3A_2871] : memref<4x8x129xf32, #tpu.memory_space<vmem>> -> memref<4x8x128xf32, #tpu.memory_space<vmem>>
        %dma_wait3A_2873 = arith.constant 0 : i32
        %dma_wait3A_2874 = arith.constant 0 : i32
        %dma_wait3A_2875 = arith.constant 0 : i32
        %dma_wait3A_2876 = tpu.memref_slice %arg4[%dma_wait3A_2855, %dma_wait3A_2873, %dma_wait3A_2856, %dma_wait3A_2874, %dma_wait3A_2875] : memref<50x4x128x8x128xf32, #tpu.memory_space<hbm>> -> memref<1x4x1x8x128xf32, #tpu.memory_space<hbm>>
        %dma_wait3A_2877 = tpu.memref_squeeze %dma_wait3A_2876 : memref<1x4x1x8x128xf32, #tpu.memory_space<hbm>> -> memref<4x8x128xf32, #tpu.memory_space<hbm>>
        tpu.wait_dma2 semaphore(%dma_wait3A_2868 : memref<!tpu.dma_semaphore, #tpu.memory_space<semaphore_mem>>) src(%dma_wait3A_2877 : memref<4x8x128xf32, #tpu.memory_space<hbm>>) dst(%dma_wait3A_2872 : memref<4x8x128xf32, #tpu.memory_space<vmem>>)
      } else {
      }
      %broadcast_in_dim3A_1504 = arith.constant 0 : i32
      %broadcast_in_dim3A_1505 = vector.broadcast %broadcast_in_dim3A_1504 : i32 to vector<16xi32>
      %get3A_1506 = arith.constant 0 : i32
      %get3A_1507 = arith.index_cast %get3A_1506 : i32 to index
      %get3A_1508 = arith.constant 0 : index
      %get3A_1509 = tpu.vector_load %arg7[%get3A_1507, %get3A_1508] {strides = array<i32>} : memref<128x32xf32, #tpu.memory_space<vmem>>, vector<16xf32>,
      %get3A_1510 = arith.constant 0 : i32
      %get3A_1511 = arith.index_cast %get3A_1510 : i32 to index
      %get3A_1512 = arith.constant 16 : index
      %get3A_1513 = tpu.vector_load %arg7[%get3A_1511, %get3A_1512] {strides = array<i32>} : memref<128x32xf32, #tpu.memory_space<vmem>>, vector<16xf32>,
      tpu.vector_store_idx %arg9[%select_n3A, %select_n3A_48, %broadcast_in_dim3A_1505], %get3A_1509 : memref<4x8x129xf32, #tpu.memory_space<vmem>>[vector<16xi32>, vector<16xi32>, vector<16xi32>], vector<16xf32>,
      tpu.vector_store_idx %arg9[%add3A_28, %select_n3A_48, %broadcast_in_dim3A_1505], %get3A_1513 : memref<4x8x129xf32, #tpu.memory_space<vmem>>[vector<16xi32>, vector<16xi32>, vector<16xi32>], vector<16xf32>,
      %broadcast_in_dim3A_1514 = arith.constant 1 : i32
      %broadcast_in_dim3A_1515 = vector.broadcast %broadcast_in_dim3A_1514 : i32 to vector<16xi32>
      %get3A_1516 = arith.constant 1 : i32
      %get3A_1517 = arith.index_cast %get3A_1516 : i32 to index
      %get3A_1518 = arith.constant 0 : index
      %get3A_1519 = tpu.vector_load %arg7[%get3A_1517, %get3A_1518] {strides = array<i32>} : memref<128x32xf32, #tpu.memory_space<vmem>>, vector<16xf32>,
      %get3A_1520 = arith.constant 1 : i32
      %get3A_1521 = arith.index_cast %get3A_1520 : i32 to index
      %get3A_1522 = arith.constant 16 : index
      %get3A_1523 = tpu.vector_load %arg7[%get3A_1521, %get3A_1522] {strides = array<i32>} : memref<128x32xf32, #tpu.memory_space<vmem>>, vector<16xf32>,
      tpu.vector_store_idx %arg9[%select_n3A, %select_n3A_48, %broadcast_in_dim3A_1515], %get3A_1519 : memref<4x8x129xf32, #tpu.memory_space<vmem>>[vector<16xi32>, vector<16xi32>, vector<16xi32>], vector<16xf32>,
      tpu.vector_store_idx %arg9[%add3A_28, %select_n3A_48, %broadcast_in_dim3A_1515], %get3A_1523 : memref<4x8x129xf32, #tpu.memory_space<vmem>>[vector<16xi32>, vector<16xi32>, vector<16xi32>], vector<16xf32>,
      %broadcast_in_dim3A_1524 = arith.constant 2 : i32
      %broadcast_in_dim3A_1525 = vector.broadcast %broadcast_in_dim3A_1524 : i32 to vector<16xi32>
      %get3A_1526 = arith.constant 2 : i32
      %get3A_1527 = arith.index_cast %get3A_1526 : i32 to index
      %get3A_1528 = arith.constant 0 : index
      %get3A_1529 = tpu.vector_load %arg7[%get3A_1527, %get3A_1528] {strides = array<i32>} : memref<128x32xf32, #tpu.memory_space<vmem>>, vector<16xf32>,
      %get3A_1530 = arith.constant 2 : i32
      %get3A_1531 = arith.index_cast %get3A_1530 : i32 to index
      %get3A_1532 = arith.constant 16 : index
      %get3A_1533 = tpu.vector_load %arg7[%get3A_1531, %get3A_1532] {strides = array<i32>} : memref<128x32xf32, #tpu.memory_space<vmem>>, vector<16xf32>,
      tpu.vector_store_idx %arg9[%select_n3A, %select_n3A_48, %broadcast_in_dim3A_1525], %get3A_1529 : memref<4x8x129xf32, #tpu.memory_space<vmem>>[vector<16xi32>, vector<16xi32>, vector<16xi32>], vector<16xf32>,
      tpu.vector_store_idx %arg9[%add3A_28, %select_n3A_48, %broadcast_in_dim3A_1525], %get3A_1533 : memref<4x8x129xf32, #tpu.memory_space<vmem>>[vector<16xi32>, vector<16xi32>, vector<16xi32>], vector<16xf32>,
      %broadcast_in_dim3A_1534 = arith.constant 3 : i32
      %broadcast_in_dim3A_1535 = vector.broadcast %broadcast_in_dim3A_1534 : i32 to vector<16xi32>
      %get3A_1536 = arith.constant 3 : i32
      %get3A_1537 = arith.index_cast %get3A_1536 : i32 to index
      %get3A_1538 = arith.constant 0 : index
      %get3A_1539 = tpu.vector_load %arg7[%get3A_1537, %get3A_1538] {strides = array<i32>} : memref<128x32xf32, #tpu.memory_space<vmem>>, vector<16xf32>,
      %get3A_1540 = arith.constant 3 : i32
      %get3A_1541 = arith.index_cast %get3A_1540 : i32 to index
      %get3A_1542 = arith.constant 16 : index
      %get3A_1543 = tpu.vector_load %arg7[%get3A_1541, %get3A_1542] {strides = array<i32>} : memref<128x32xf32, #tpu.memory_space<vmem>>, vector<16xf32>,
      tpu.vector_store_idx %arg9[%select_n3A, %select_n3A_48, %broadcast_in_dim3A_1535], %get3A_1539 : memref<4x8x129xf32, #tpu.memory_space<vmem>>[vector<16xi32>, vector<16xi32>, vector<16xi32>], vector<16xf32>,
      tpu.vector_store_idx %arg9[%add3A_28, %select_n3A_48, %broadcast_in_dim3A_1535], %get3A_1543 : memref<4x8x129xf32, #tpu.memory_space<vmem>>[vector<16xi32>, vector<16xi32>, vector<16xi32>], vector<16xf32>,
      %broadcast_in_dim3A_1544 = arith.constant 4 : i32
      %broadcast_in_dim3A_1545 = vector.broadcast %broadcast_in_dim3A_1544 : i32 to vector<16xi32>
      %get3A_1546 = arith.constant 4 : i32
      %get3A_1547 = arith.index_cast %get3A_1546 : i32 to index
      %get3A_1548 = arith.constant 0 : index
      %get3A_1549 = tpu.vector_load %arg7[%get3A_1547, %get3A_1548] {strides = array<i32>} : memref<128x32xf32, #tpu.memory_space<vmem>>, vector<16xf32>,
      %get3A_1550 = arith.constant 4 : i32
      %get3A_1551 = arith.index_cast %get3A_1550 : i32 to index
      %get3A_1552 = arith.constant 16 : index
      %get3A_1553 = tpu.vector_load %arg7[%get3A_1551, %get3A_1552] {strides = array<i32>} : memref<128x32xf32, #tpu.memory_space<vmem>>, vector<16xf32>,
      tpu.vector_store_idx %arg9[%select_n3A, %select_n3A_48, %broadcast_in_dim3A_1545], %get3A_1549 : memref<4x8x129xf32, #tpu.memory_space<vmem>>[vector<16xi32>, vector<16xi32>, vector<16xi32>], vector<16xf32>,
      tpu.vector_store_idx %arg9[%add3A_28, %select_n3A_48, %broadcast_in_dim3A_1545], %get3A_1553 : memref<4x8x129xf32, #tpu.memory_space<vmem>>[vector<16xi32>, vector<16xi32>, vector<16xi32>], vector<16xf32>,
      %broadcast_in_dim3A_1554 = arith.constant 5 : i32
      %broadcast_in_dim3A_1555 = vector.broadcast %broadcast_in_dim3A_1554 : i32 to vector<16xi32>
      %get3A_1556 = arith.constant 5 : i32
      %get3A_1557 = arith.index_cast %get3A_1556 : i32 to index
      %get3A_1558 = arith.constant 0 : index
      %get3A_1559 = tpu.vector_load %arg7[%get3A_1557, %get3A_1558] {strides = array<i32>} : memref<128x32xf32, #tpu.memory_space<vmem>>, vector<16xf32>,
      %get3A_1560 = arith.constant 5 : i32
      %get3A_1561 = arith.index_cast %get3A_1560 : i32 to index
      %get3A_1562 = arith.constant 16 : index
      %get3A_1563 = tpu.vector_load %arg7[%get3A_1561, %get3A_1562] {strides = array<i32>} : memref<128x32xf32, #tpu.memory_space<vmem>>, vector<16xf32>,
      tpu.vector_store_idx %arg9[%select_n3A, %select_n3A_48, %broadcast_in_dim3A_1555], %get3A_1559 : memref<4x8x129xf32, #tpu.memory_space<vmem>>[vector<16xi32>, vector<16xi32>, vector<16xi32>], vector<16xf32>,
      tpu.vector_store_idx %arg9[%add3A_28, %select_n3A_48, %broadcast_in_dim3A_1555], %get3A_1563 : memref<4x8x129xf32, #tpu.memory_space<vmem>>[vector<16xi32>, vector<16xi32>, vector<16xi32>], vector<16xf32>,
      %broadcast_in_dim3A_1564 = arith.constant 6 : i32
      %broadcast_in_dim3A_1565 = vector.broadcast %broadcast_in_dim3A_1564 : i32 to vector<16xi32>
      %get3A_1566 = arith.constant 6 : i32
      %get3A_1567 = arith.index_cast %get3A_1566 : i32 to index
      %get3A_1568 = arith.constant 0 : index
      %get3A_1569 = tpu.vector_load %arg7[%get3A_1567, %get3A_1568] {strides = array<i32>} : memref<128x32xf32, #tpu.memory_space<vmem>>, vector<16xf32>,
      %get3A_1570 = arith.constant 6 : i32
      %get3A_1571 = arith.index_cast %get3A_1570 : i32 to index
      %get3A_1572 = arith.constant 16 : index
      %get3A_1573 = tpu.vector_load %arg7[%get3A_1571, %get3A_1572] {strides = array<i32>} : memref<128x32xf32, #tpu.memory_space<vmem>>, vector<16xf32>,
      tpu.vector_store_idx %arg9[%select_n3A, %select_n3A_48, %broadcast_in_dim3A_1565], %get3A_1569 : memref<4x8x129xf32, #tpu.memory_space<vmem>>[vector<16xi32>, vector<16xi32>, vector<16xi32>], vector<16xf32>,
      tpu.vector_store_idx %arg9[%add3A_28, %select_n3A_48, %broadcast_in_dim3A_1565], %get3A_1573 : memref<4x8x129xf32, #tpu.memory_space<vmem>>[vector<16xi32>, vector<16xi32>, vector<16xi32>], vector<16xf32>,
      %broadcast_in_dim3A_1574 = arith.constant 7 : i32
      %broadcast_in_dim3A_1575 = vector.broadcast %broadcast_in_dim3A_1574 : i32 to vector<16xi32>
      %get3A_1576 = arith.constant 7 : i32
      %get3A_1577 = arith.index_cast %get3A_1576 : i32 to index
      %get3A_1578 = arith.constant 0 : index
      %get3A_1579 = tpu.vector_load %arg7[%get3A_1577, %get3A_1578] {strides = array<i32>} : memref<128x32xf32, #tpu.memory_space<vmem>>, vector<16xf32>,
      %get3A_1580 = arith.constant 7 : i32
      %get3A_1581 = arith.index_cast %get3A_1580 : i32 to index
      %get3A_1582 = arith.constant 16 : index
      %get3A_1583 = tpu.vector_load %arg7[%get3A_1581, %get3A_1582] {strides = array<i32>} : memref<128x32xf32, #tpu.memory_space<vmem>>, vector<16xf32>,
      tpu.vector_store_idx %arg9[%select_n3A, %select_n3A_48, %broadcast_in_dim3A_1575], %get3A_1579 : memref<4x8x129xf32, #tpu.memory_space<vmem>>[vector<16xi32>, vector<16xi32>, vector<16xi32>], vector<16xf32>,
      tpu.vector_store_idx %arg9[%add3A_28, %select_n3A_48, %broadcast_in_dim3A_1575], %get3A_1583 : memref<4x8x129xf32, #tpu.memory_space<vmem>>[vector<16xi32>, vector<16xi32>, vector<16xi32>], vector<16xf32>,
      %broadcast_in_dim3A_1584 = arith.constant 8 : i32
      %broadcast_in_dim3A_1585 = vector.broadcast %broadcast_in_dim3A_1584 : i32 to vector<16xi32>
      %get3A_1586 = arith.constant 8 : i32
      %get3A_1587 = arith.index_cast %get3A_1586 : i32 to index
      %get3A_1588 = arith.constant 0 : index
      %get3A_1589 = tpu.vector_load %arg7[%get3A_1587, %get3A_1588] {strides = array<i32>} : memref<128x32xf32, #tpu.memory_space<vmem>>, vector<16xf32>,
      %get3A_1590 = arith.constant 8 : i32
      %get3A_1591 = arith.index_cast %get3A_1590 : i32 to index
      %get3A_1592 = arith.constant 16 : index
      %get3A_1593 = tpu.vector_load %arg7[%get3A_1591, %get3A_1592] {strides = array<i32>} : memref<128x32xf32, #tpu.memory_space<vmem>>, vector<16xf32>,
      tpu.vector_store_idx %arg9[%select_n3A, %select_n3A_48, %broadcast_in_dim3A_1585], %get3A_1589 : memref<4x8x129xf32, #tpu.memory_space<vmem>>[vector<16xi32>, vector<16xi32>, vector<16xi32>], vector<16xf32>,
      tpu.vector_store_idx %arg9[%add3A_28, %select_n3A_48, %broadcast_in_dim3A_1585], %get3A_1593 : memref<4x8x129xf32, #tpu.memory_space<vmem>>[vector<16xi32>, vector<16xi32>, vector<16xi32>], vector<16xf32>,
      %broadcast_in_dim3A_1594 = arith.constant 9 : i32
      %broadcast_in_dim3A_1595 = vector.broadcast %broadcast_in_dim3A_1594 : i32 to vector<16xi32>
      %get3A_1596 = arith.constant 9 : i32
      %get3A_1597 = arith.index_cast %get3A_1596 : i32 to index
      %get3A_1598 = arith.constant 0 : index
      %get3A_1599 = tpu.vector_load %arg7[%get3A_1597, %get3A_1598] {strides = array<i32>} : memref<128x32xf32, #tpu.memory_space<vmem>>, vector<16xf32>,
      %get3A_1600 = arith.constant 9 : i32
      %get3A_1601 = arith.index_cast %get3A_1600 : i32 to index
      %get3A_1602 = arith.constant 16 : index
      %get3A_1603 = tpu.vector_load %arg7[%get3A_1601, %get3A_1602] {strides = array<i32>} : memref<128x32xf32, #tpu.memory_space<vmem>>, vector<16xf32>,
      tpu.vector_store_idx %arg9[%select_n3A, %select_n3A_48, %broadcast_in_dim3A_1595], %get3A_1599 : memref<4x8x129xf32, #tpu.memory_space<vmem>>[vector<16xi32>, vector<16xi32>, vector<16xi32>], vector<16xf32>,
      tpu.vector_store_idx %arg9[%add3A_28, %select_n3A_48, %broadcast_in_dim3A_1595], %get3A_1603 : memref<4x8x129xf32, #tpu.memory_space<vmem>>[vector<16xi32>, vector<16xi32>, vector<16xi32>], vector<16xf32>,
      %broadcast_in_dim3A_1604 = arith.constant 10 : i32
      %broadcast_in_dim3A_1605 = vector.broadcast %broadcast_in_dim3A_1604 : i32 to vector<16xi32>
      %get3A_1606 = arith.constant 10 : i32
      %get3A_1607 = arith.index_cast %get3A_1606 : i32 to index
      %get3A_1608 = arith.constant 0 : index
      %get3A_1609 = tpu.vector_load %arg7[%get3A_1607, %get3A_1608] {strides = array<i32>} : memref<128x32xf32, #tpu.memory_space<vmem>>, vector<16xf32>,
      %get3A_1610 = arith.constant 10 : i32
      %get3A_1611 = arith.index_cast %get3A_1610 : i32 to index
      %get3A_1612 = arith.constant 16 : index
      %get3A_1613 = tpu.vector_load %arg7[%get3A_1611, %get3A_1612] {strides = array<i32>} : memref<128x32xf32, #tpu.memory_space<vmem>>, vector<16xf32>,
      tpu.vector_store_idx %arg9[%select_n3A, %select_n3A_48, %broadcast_in_dim3A_1605], %get3A_1609 : memref<4x8x129xf32, #tpu.memory_space<vmem>>[vector<16xi32>, vector<16xi32>, vector<16xi32>], vector<16xf32>,
      tpu.vector_store_idx %arg9[%add3A_28, %select_n3A_48, %broadcast_in_dim3A_1605], %get3A_1613 : memref<4x8x129xf32, #tpu.memory_space<vmem>>[vector<16xi32>, vector<16xi32>, vector<16xi32>], vector<16xf32>,
      %broadcast_in_dim3A_1614 = arith.constant 11 : i32
      %broadcast_in_dim3A_1615 = vector.broadcast %broadcast_in_dim3A_1614 : i32 to vector<16xi32>
      %get3A_1616 = arith.constant 11 : i32
      %get3A_1617 = arith.index_cast %get3A_1616 : i32 to index
      %get3A_1618 = arith.constant 0 : index
      %get3A_1619 = tpu.vector_load %arg7[%get3A_1617, %get3A_1618] {strides = array<i32>} : memref<128x32xf32, #tpu.memory_space<vmem>>, vector<16xf32>,
      %get3A_1620 = arith.constant 11 : i32
      %get3A_1621 = arith.index_cast %get3A_1620 : i32 to index
      %get3A_1622 = arith.constant 16 : index
      %get3A_1623 = tpu.vector_load %arg7[%get3A_1621, %get3A_1622] {strides = array<i32>} : memref<128x32xf32, #tpu.memory_space<vmem>>, vector<16xf32>,
      tpu.vector_store_idx %arg9[%select_n3A, %select_n3A_48, %broadcast_in_dim3A_1615], %get3A_1619 : memref<4x8x129xf32, #tpu.memory_space<vmem>>[vector<16xi32>, vector<16xi32>, vector<16xi32>], vector<16xf32>,
      tpu.vector_store_idx %arg9[%add3A_28, %select_n3A_48, %broadcast_in_dim3A_1615], %get3A_1623 : memref<4x8x129xf32, #tpu.memory_space<vmem>>[vector<16xi32>, vector<16xi32>, vector<16xi32>], vector<16xf32>,
      %broadcast_in_dim3A_1624 = arith.constant 12 : i32
      %broadcast_in_dim3A_1625 = vector.broadcast %broadcast_in_dim3A_1624 : i32 to vector<16xi32>
      %get3A_1626 = arith.constant 12 : i32
      %get3A_1627 = arith.index_cast %get3A_1626 : i32 to index
      %get3A_1628 = arith.constant 0 : index
      %get3A_1629 = tpu.vector_load %arg7[%get3A_1627, %get3A_1628] {strides = array<i32>} : memref<128x32xf32, #tpu.memory_space<vmem>>, vector<16xf32>,
      %get3A_1630 = arith.constant 12 : i32
      %get3A_1631 = arith.index_cast %get3A_1630 : i32 to index
      %get3A_1632 = arith.constant 16 : index
      %get3A_1633 = tpu.vector_load %arg7[%get3A_1631, %get3A_1632] {strides = array<i32>} : memref<128x32xf32, #tpu.memory_space<vmem>>, vector<16xf32>,
      tpu.vector_store_idx %arg9[%select_n3A, %select_n3A_48, %broadcast_in_dim3A_1625], %get3A_1629 : memref<4x8x129xf32, #tpu.memory_space<vmem>>[vector<16xi32>, vector<16xi32>, vector<16xi32>], vector<16xf32>,
      tpu.vector_store_idx %arg9[%add3A_28, %select_n3A_48, %broadcast_in_dim3A_1625], %get3A_1633 : memref<4x8x129xf32, #tpu.memory_space<vmem>>[vector<16xi32>, vector<16xi32>, vector<16xi32>], vector<16xf32>,
      %broadcast_in_dim3A_1634 = arith.constant 13 : i32
      %broadcast_in_dim3A_1635 = vector.broadcast %broadcast_in_dim3A_1634 : i32 to vector<16xi32>
      %get3A_1636 = arith.constant 13 : i32
      %get3A_1637 = arith.index_cast %get3A_1636 : i32 to index
      %get3A_1638 = arith.constant 0 : index
      %get3A_1639 = tpu.vector_load %arg7[%get3A_1637, %get3A_1638] {strides = array<i32>} : memref<128x32xf32, #tpu.memory_space<vmem>>, vector<16xf32>,
      %get3A_1640 = arith.constant 13 : i32
      %get3A_1641 = arith.index_cast %get3A_1640 : i32 to index
      %get3A_1642 = arith.constant 16 : index
      %get3A_1643 = tpu.vector_load %arg7[%get3A_1641, %get3A_1642] {strides = array<i32>} : memref<128x32xf32, #tpu.memory_space<vmem>>, vector<16xf32>,
      tpu.vector_store_idx %arg9[%select_n3A, %select_n3A_48, %broadcast_in_dim3A_1635], %get3A_1639 : memref<4x8x129xf32, #tpu.memory_space<vmem>>[vector<16xi32>, vector<16xi32>, vector<16xi32>], vector<16xf32>,
      tpu.vector_store_idx %arg9[%add3A_28, %select_n3A_48, %broadcast_in_dim3A_1635], %get3A_1643 : memref<4x8x129xf32, #tpu.memory_space<vmem>>[vector<16xi32>, vector<16xi32>, vector<16xi32>], vector<16xf32>,
      %broadcast_in_dim3A_1644 = arith.constant 14 : i32
      %broadcast_in_dim3A_1645 = vector.broadcast %broadcast_in_dim3A_1644 : i32 to vector<16xi32>
      %get3A_1646 = arith.constant 14 : i32
      %get3A_1647 = arith.index_cast %get3A_1646 : i32 to index
      %get3A_1648 = arith.constant 0 : index
      %get3A_1649 = tpu.vector_load %arg7[%get3A_1647, %get3A_1648] {strides = array<i32>} : memref<128x32xf32, #tpu.memory_space<vmem>>, vector<16xf32>,
      %get3A_1650 = arith.constant 14 : i32
      %get3A_1651 = arith.index_cast %get3A_1650 : i32 to index
      %get3A_1652 = arith.constant 16 : index
      %get3A_1653 = tpu.vector_load %arg7[%get3A_1651, %get3A_1652] {strides = array<i32>} : memref<128x32xf32, #tpu.memory_space<vmem>>, vector<16xf32>,
      tpu.vector_store_idx %arg9[%select_n3A, %select_n3A_48, %broadcast_in_dim3A_1645], %get3A_1649 : memref<4x8x129xf32, #tpu.memory_space<vmem>>[vector<16xi32>, vector<16xi32>, vector<16xi32>], vector<16xf32>,
      tpu.vector_store_idx %arg9[%add3A_28, %select_n3A_48, %broadcast_in_dim3A_1645], %get3A_1653 : memref<4x8x129xf32, #tpu.memory_space<vmem>>[vector<16xi32>, vector<16xi32>, vector<16xi32>], vector<16xf32>,
      %broadcast_in_dim3A_1654 = arith.constant 15 : i32
      %broadcast_in_dim3A_1655 = vector.broadcast %broadcast_in_dim3A_1654 : i32 to vector<16xi32>
      %get3A_1656 = arith.constant 15 : i32
      %get3A_1657 = arith.index_cast %get3A_1656 : i32 to index
      %get3A_1658 = arith.constant 0 : index
      %get3A_1659 = tpu.vector_load %arg7[%get3A_1657, %get3A_1658] {strides = array<i32>} : memref<128x32xf32, #tpu.memory_space<vmem>>, vector<16xf32>,
      %get3A_1660 = arith.constant 15 : i32
      %get3A_1661 = arith.index_cast %get3A_1660 : i32 to index
      %get3A_1662 = arith.constant 16 : index
      %get3A_1663 = tpu.vector_load %arg7[%get3A_1661, %get3A_1662] {strides = array<i32>} : memref<128x32xf32, #tpu.memory_space<vmem>>, vector<16xf32>,
      tpu.vector_store_idx %arg9[%select_n3A, %select_n3A_48, %broadcast_in_dim3A_1655], %get3A_1659 : memref<4x8x129xf32, #tpu.memory_space<vmem>>[vector<16xi32>, vector<16xi32>, vector<16xi32>], vector<16xf32>,
      tpu.vector_store_idx %arg9[%add3A_28, %select_n3A_48, %broadcast_in_dim3A_1655], %get3A_1663 : memref<4x8x129xf32, #tpu.memory_space<vmem>>[vector<16xi32>, vector<16xi32>, vector<16xi32>], vector<16xf32>,
      %broadcast_in_dim3A_1664 = arith.constant 16 : i32
      %broadcast_in_dim3A_1665 = vector.broadcast %broadcast_in_dim3A_1664 : i32 to vector<16xi32>
      %get3A_1666 = arith.constant 16 : i32
      %get3A_1667 = arith.index_cast %get3A_1666 : i32 to index
      %get3A_1668 = arith.constant 0 : index
      %get3A_1669 = tpu.vector_load %arg7[%get3A_1667, %get3A_1668] {strides = array<i32>} : memref<128x32xf32, #tpu.memory_space<vmem>>, vector<16xf32>,
      %get3A_1670 = arith.constant 16 : i32
      %get3A_1671 = arith.index_cast %get3A_1670 : i32 to index
      %get3A_1672 = arith.constant 16 : index
      %get3A_1673 = tpu.vector_load %arg7[%get3A_1671, %get3A_1672] {strides = array<i32>} : memref<128x32xf32, #tpu.memory_space<vmem>>, vector<16xf32>,
      tpu.vector_store_idx %arg9[%select_n3A, %select_n3A_48, %broadcast_in_dim3A_1665], %get3A_1669 : memref<4x8x129xf32, #tpu.memory_space<vmem>>[vector<16xi32>, vector<16xi32>, vector<16xi32>], vector<16xf32>,
      tpu.vector_store_idx %arg9[%add3A_28, %select_n3A_48, %broadcast_in_dim3A_1665], %get3A_1673 : memref<4x8x129xf32, #tpu.memory_space<vmem>>[vector<16xi32>, vector<16xi32>, vector<16xi32>], vector<16xf32>,
      %broadcast_in_dim3A_1674 = arith.constant 17 : i32
      %broadcast_in_dim3A_1675 = vector.broadcast %broadcast_in_dim3A_1674 : i32 to vector<16xi32>
      %get3A_1676 = arith.constant 17 : i32
      %get3A_1677 = arith.index_cast %get3A_1676 : i32 to index
      %get3A_1678 = arith.constant 0 : index
      %get3A_1679 = tpu.vector_load %arg7[%get3A_1677, %get3A_1678] {strides = array<i32>} : memref<128x32xf32, #tpu.memory_space<vmem>>, vector<16xf32>,
      %get3A_1680 = arith.constant 17 : i32
      %get3A_1681 = arith.index_cast %get3A_1680 : i32 to index
      %get3A_1682 = arith.constant 16 : index
      %get3A_1683 = tpu.vector_load %arg7[%get3A_1681, %get3A_1682] {strides = array<i32>} : memref<128x32xf32, #tpu.memory_space<vmem>>, vector<16xf32>,
      tpu.vector_store_idx %arg9[%select_n3A, %select_n3A_48, %broadcast_in_dim3A_1675], %get3A_1679 : memref<4x8x129xf32, #tpu.memory_space<vmem>>[vector<16xi32>, vector<16xi32>, vector<16xi32>], vector<16xf32>,
      tpu.vector_store_idx %arg9[%add3A_28, %select_n3A_48, %broadcast_in_dim3A_1675], %get3A_1683 : memref<4x8x129xf32, #tpu.memory_space<vmem>>[vector<16xi32>, vector<16xi32>, vector<16xi32>], vector<16xf32>,
      %broadcast_in_dim3A_1684 = arith.constant 18 : i32
      %broadcast_in_dim3A_1685 = vector.broadcast %broadcast_in_dim3A_1684 : i32 to vector<16xi32>
      %get3A_1686 = arith.constant 18 : i32
      %get3A_1687 = arith.index_cast %get3A_1686 : i32 to index
      %get3A_1688 = arith.constant 0 : index
      %get3A_1689 = tpu.vector_load %arg7[%get3A_1687, %get3A_1688] {strides = array<i32>} : memref<128x32xf32, #tpu.memory_space<vmem>>, vector<16xf32>,
      %get3A_1690 = arith.constant 18 : i32
      %get3A_1691 = arith.index_cast %get3A_1690 : i32 to index
      %get3A_1692 = arith.constant 16 : index
      %get3A_1693 = tpu.vector_load %arg7[%get3A_1691, %get3A_1692] {strides = array<i32>} : memref<128x32xf32, #tpu.memory_space<vmem>>, vector<16xf32>,
      tpu.vector_store_idx %arg9[%select_n3A, %select_n3A_48, %broadcast_in_dim3A_1685], %get3A_1689 : memref<4x8x129xf32, #tpu.memory_space<vmem>>[vector<16xi32>, vector<16xi32>, vector<16xi32>], vector<16xf32>,
      tpu.vector_store_idx %arg9[%add3A_28, %select_n3A_48, %broadcast_in_dim3A_1685], %get3A_1693 : memref<4x8x129xf32, #tpu.memory_space<vmem>>[vector<16xi32>, vector<16xi32>, vector<16xi32>], vector<16xf32>,
      %broadcast_in_dim3A_1694 = arith.constant 19 : i32
      %broadcast_in_dim3A_1695 = vector.broadcast %broadcast_in_dim3A_1694 : i32 to vector<16xi32>
      %get3A_1696 = arith.constant 19 : i32
      %get3A_1697 = arith.index_cast %get3A_1696 : i32 to index
      %get3A_1698 = arith.constant 0 : index
      %get3A_1699 = tpu.vector_load %arg7[%get3A_1697, %get3A_1698] {strides = array<i32>} : memref<128x32xf32, #tpu.memory_space<vmem>>, vector<16xf32>,
      %get3A_1700 = arith.constant 19 : i32
      %get3A_1701 = arith.index_cast %get3A_1700 : i32 to index
      %get3A_1702 = arith.constant 16 : index
      %get3A_1703 = tpu.vector_load %arg7[%get3A_1701, %get3A_1702] {strides = array<i32>} : memref<128x32xf32, #tpu.memory_space<vmem>>, vector<16xf32>,
      tpu.vector_store_idx %arg9[%select_n3A, %select_n3A_48, %broadcast_in_dim3A_1695], %get3A_1699 : memref<4x8x129xf32, #tpu.memory_space<vmem>>[vector<16xi32>, vector<16xi32>, vector<16xi32>], vector<16xf32>,
      tpu.vector_store_idx %arg9[%add3A_28, %select_n3A_48, %broadcast_in_dim3A_1695], %get3A_1703 : memref<4x8x129xf32, #tpu.memory_space<vmem>>[vector<16xi32>, vector<16xi32>, vector<16xi32>], vector<16xf32>,
      %broadcast_in_dim3A_1704 = arith.constant 20 : i32
      %broadcast_in_dim3A_1705 = vector.broadcast %broadcast_in_dim3A_1704 : i32 to vector<16xi32>
      %get3A_1706 = arith.constant 20 : i32
      %get3A_1707 = arith.index_cast %get3A_1706 : i32 to index
      %get3A_1708 = arith.constant 0 : index
      %get3A_1709 = tpu.vector_load %arg7[%get3A_1707, %get3A_1708] {strides = array<i32>} : memref<128x32xf32, #tpu.memory_space<vmem>>, vector<16xf32>,
      %get3A_1710 = arith.constant 20 : i32
      %get3A_1711 = arith.index_cast %get3A_1710 : i32 to index
      %get3A_1712 = arith.constant 16 : index
      %get3A_1713 = tpu.vector_load %arg7[%get3A_1711, %get3A_1712] {strides = array<i32>} : memref<128x32xf32, #tpu.memory_space<vmem>>, vector<16xf32>,
      tpu.vector_store_idx %arg9[%select_n3A, %select_n3A_48, %broadcast_in_dim3A_1705], %get3A_1709 : memref<4x8x129xf32, #tpu.memory_space<vmem>>[vector<16xi32>, vector<16xi32>, vector<16xi32>], vector<16xf32>,
      tpu.vector_store_idx %arg9[%add3A_28, %select_n3A_48, %broadcast_in_dim3A_1705], %get3A_1713 : memref<4x8x129xf32, #tpu.memory_space<vmem>>[vector<16xi32>, vector<16xi32>, vector<16xi32>], vector<16xf32>,
      %broadcast_in_dim3A_1714 = arith.constant 21 : i32
      %broadcast_in_dim3A_1715 = vector.broadcast %broadcast_in_dim3A_1714 : i32 to vector<16xi32>
      %get3A_1716 = arith.constant 21 : i32
      %get3A_1717 = arith.index_cast %get3A_1716 : i32 to index
      %get3A_1718 = arith.constant 0 : index
      %get3A_1719 = tpu.vector_load %arg7[%get3A_1717, %get3A_1718] {strides = array<i32>} : memref<128x32xf32, #tpu.memory_space<vmem>>, vector<16xf32>,
      %get3A_1720 = arith.constant 21 : i32
      %get3A_1721 = arith.index_cast %get3A_1720 : i32 to index
      %get3A_1722 = arith.constant 16 : index
      %get3A_1723 = tpu.vector_load %arg7[%get3A_1721, %get3A_1722] {strides = array<i32>} : memref<128x32xf32, #tpu.memory_space<vmem>>, vector<16xf32>,
      tpu.vector_store_idx %arg9[%select_n3A, %select_n3A_48, %broadcast_in_dim3A_1715], %get3A_1719 : memref<4x8x129xf32, #tpu.memory_space<vmem>>[vector<16xi32>, vector<16xi32>, vector<16xi32>], vector<16xf32>,
      tpu.vector_store_idx %arg9[%add3A_28, %select_n3A_48, %broadcast_in_dim3A_1715], %get3A_1723 : memref<4x8x129xf32, #tpu.memory_space<vmem>>[vector<16xi32>, vector<16xi32>, vector<16xi32>], vector<16xf32>,
      %broadcast_in_dim3A_1724 = arith.constant 22 : i32
      %broadcast_in_dim3A_1725 = vector.broadcast %broadcast_in_dim3A_1724 : i32 to vector<16xi32>
      %get3A_1726 = arith.constant 22 : i32
      %get3A_1727 = arith.index_cast %get3A_1726 : i32 to index
      %get3A_1728 = arith.constant 0 : index
      %get3A_1729 = tpu.vector_load %arg7[%get3A_1727, %get3A_1728] {strides = array<i32>} : memref<128x32xf32, #tpu.memory_space<vmem>>, vector<16xf32>,
      %get3A_1730 = arith.constant 22 : i32
      %get3A_1731 = arith.index_cast %get3A_1730 : i32 to index
      %get3A_1732 = arith.constant 16 : index
      %get3A_1733 = tpu.vector_load %arg7[%get3A_1731, %get3A_1732] {strides = array<i32>} : memref<128x32xf32, #tpu.memory_space<vmem>>, vector<16xf32>,
      tpu.vector_store_idx %arg9[%select_n3A, %select_n3A_48, %broadcast_in_dim3A_1725], %get3A_1729 : memref<4x8x129xf32, #tpu.memory_space<vmem>>[vector<16xi32>, vector<16xi32>, vector<16xi32>], vector<16xf32>,
      tpu.vector_store_idx %arg9[%add3A_28, %select_n3A_48, %broadcast_in_dim3A_1725], %get3A_1733 : memref<4x8x129xf32, #tpu.memory_space<vmem>>[vector<16xi32>, vector<16xi32>, vector<16xi32>], vector<16xf32>,
      %broadcast_in_dim3A_1734 = arith.constant 23 : i32
      %broadcast_in_dim3A_1735 = vector.broadcast %broadcast_in_dim3A_1734 : i32 to vector<16xi32>
      %get3A_1736 = arith.constant 23 : i32
      %get3A_1737 = arith.index_cast %get3A_1736 : i32 to index
      %get3A_1738 = arith.constant 0 : index
      %get3A_1739 = tpu.vector_load %arg7[%get3A_1737, %get3A_1738] {strides = array<i32>} : memref<128x32xf32, #tpu.memory_space<vmem>>, vector<16xf32>,
      %get3A_1740 = arith.constant 23 : i32
      %get3A_1741 = arith.index_cast %get3A_1740 : i32 to index
      %get3A_1742 = arith.constant 16 : index
      %get3A_1743 = tpu.vector_load %arg7[%get3A_1741, %get3A_1742] {strides = array<i32>} : memref<128x32xf32, #tpu.memory_space<vmem>>, vector<16xf32>,
      tpu.vector_store_idx %arg9[%select_n3A, %select_n3A_48, %broadcast_in_dim3A_1735], %get3A_1739 : memref<4x8x129xf32, #tpu.memory_space<vmem>>[vector<16xi32>, vector<16xi32>, vector<16xi32>], vector<16xf32>,
      tpu.vector_store_idx %arg9[%add3A_28, %select_n3A_48, %broadcast_in_dim3A_1735], %get3A_1743 : memref<4x8x129xf32, #tpu.memory_space<vmem>>[vector<16xi32>, vector<16xi32>, vector<16xi32>], vector<16xf32>,
      %broadcast_in_dim3A_1744 = arith.constant 24 : i32
      %broadcast_in_dim3A_1745 = vector.broadcast %broadcast_in_dim3A_1744 : i32 to vector<16xi32>
      %get3A_1746 = arith.constant 24 : i32
      %get3A_1747 = arith.index_cast %get3A_1746 : i32 to index
      %get3A_1748 = arith.constant 0 : index
      %get3A_1749 = tpu.vector_load %arg7[%get3A_1747, %get3A_1748] {strides = array<i32>} : memref<128x32xf32, #tpu.memory_space<vmem>>, vector<16xf32>,
      %get3A_1750 = arith.constant 24 : i32
      %get3A_1751 = arith.index_cast %get3A_1750 : i32 to index
      %get3A_1752 = arith.constant 16 : index
      %get3A_1753 = tpu.vector_load %arg7[%get3A_1751, %get3A_1752] {strides = array<i32>} : memref<128x32xf32, #tpu.memory_space<vmem>>, vector<16xf32>,
      tpu.vector_store_idx %arg9[%select_n3A, %select_n3A_48, %broadcast_in_dim3A_1745], %get3A_1749 : memref<4x8x129xf32, #tpu.memory_space<vmem>>[vector<16xi32>, vector<16xi32>, vector<16xi32>], vector<16xf32>,
      tpu.vector_store_idx %arg9[%add3A_28, %select_n3A_48, %broadcast_in_dim3A_1745], %get3A_1753 : memref<4x8x129xf32, #tpu.memory_space<vmem>>[vector<16xi32>, vector<16xi32>, vector<16xi32>], vector<16xf32>,
      %broadcast_in_dim3A_1754 = arith.constant 25 : i32
      %broadcast_in_dim3A_1755 = vector.broadcast %broadcast_in_dim3A_1754 : i32 to vector<16xi32>
      %get3A_1756 = arith.constant 25 : i32
      %get3A_1757 = arith.index_cast %get3A_1756 : i32 to index
      %get3A_1758 = arith.constant 0 : index
      %get3A_1759 = tpu.vector_load %arg7[%get3A_1757, %get3A_1758] {strides = array<i32>} : memref<128x32xf32, #tpu.memory_space<vmem>>, vector<16xf32>,
      %get3A_1760 = arith.constant 25 : i32
      %get3A_1761 = arith.index_cast %get3A_1760 : i32 to index
      %get3A_1762 = arith.constant 16 : index
      %get3A_1763 = tpu.vector_load %arg7[%get3A_1761, %get3A_1762] {strides = array<i32>} : memref<128x32xf32, #tpu.memory_space<vmem>>, vector<16xf32>,
      tpu.vector_store_idx %arg9[%select_n3A, %select_n3A_48, %broadcast_in_dim3A_1755], %get3A_1759 : memref<4x8x129xf32, #tpu.memory_space<vmem>>[vector<16xi32>, vector<16xi32>, vector<16xi32>], vector<16xf32>,
      tpu.vector_store_idx %arg9[%add3A_28, %select_n3A_48, %broadcast_in_dim3A_1755], %get3A_1763 : memref<4x8x129xf32, #tpu.memory_space<vmem>>[vector<16xi32>, vector<16xi32>, vector<16xi32>], vector<16xf32>,
      %broadcast_in_dim3A_1764 = arith.constant 26 : i32
      %broadcast_in_dim3A_1765 = vector.broadcast %broadcast_in_dim3A_1764 : i32 to vector<16xi32>
      %get3A_1766 = arith.constant 26 : i32
      %get3A_1767 = arith.index_cast %get3A_1766 : i32 to index
      %get3A_1768 = arith.constant 0 : index
      %get3A_1769 = tpu.vector_load %arg7[%get3A_1767, %get3A_1768] {strides = array<i32>} : memref<128x32xf32, #tpu.memory_space<vmem>>, vector<16xf32>,
      %get3A_1770 = arith.constant 26 : i32
      %get3A_1771 = arith.index_cast %get3A_1770 : i32 to index
      %get3A_1772 = arith.constant 16 : index
      %get3A_1773 = tpu.vector_load %arg7[%get3A_1771, %get3A_1772] {strides = array<i32>} : memref<128x32xf32, #tpu.memory_space<vmem>>, vector<16xf32>,
      tpu.vector_store_idx %arg9[%select_n3A, %select_n3A_48, %broadcast_in_dim3A_1765], %get3A_1769 : memref<4x8x129xf32, #tpu.memory_space<vmem>>[vector<16xi32>, vector<16xi32>, vector<16xi32>], vector<16xf32>,
      tpu.vector_store_idx %arg9[%add3A_28, %select_n3A_48, %broadcast_in_dim3A_1765], %get3A_1773 : memref<4x8x129xf32, #tpu.memory_space<vmem>>[vector<16xi32>, vector<16xi32>, vector<16xi32>], vector<16xf32>,
      %broadcast_in_dim3A_1774 = arith.constant 27 : i32
      %broadcast_in_dim3A_1775 = vector.broadcast %broadcast_in_dim3A_1774 : i32 to vector<16xi32>
      %get3A_1776 = arith.constant 27 : i32
      %get3A_1777 = arith.index_cast %get3A_1776 : i32 to index
      %get3A_1778 = arith.constant 0 : index
      %get3A_1779 = tpu.vector_load %arg7[%get3A_1777, %get3A_1778] {strides = array<i32>} : memref<128x32xf32, #tpu.memory_space<vmem>>, vector<16xf32>,
      %get3A_1780 = arith.constant 27 : i32
      %get3A_1781 = arith.index_cast %get3A_1780 : i32 to index
      %get3A_1782 = arith.constant 16 : index
      %get3A_1783 = tpu.vector_load %arg7[%get3A_1781, %get3A_1782] {strides = array<i32>} : memref<128x32xf32, #tpu.memory_space<vmem>>, vector<16xf32>,
      tpu.vector_store_idx %arg9[%select_n3A, %select_n3A_48, %broadcast_in_dim3A_1775], %get3A_1779 : memref<4x8x129xf32, #tpu.memory_space<vmem>>[vector<16xi32>, vector<16xi32>, vector<16xi32>], vector<16xf32>,
      tpu.vector_store_idx %arg9[%add3A_28, %select_n3A_48, %broadcast_in_dim3A_1775], %get3A_1783 : memref<4x8x129xf32, #tpu.memory_space<vmem>>[vector<16xi32>, vector<16xi32>, vector<16xi32>], vector<16xf32>,
      %broadcast_in_dim3A_1784 = arith.constant 28 : i32
      %broadcast_in_dim3A_1785 = vector.broadcast %broadcast_in_dim3A_1784 : i32 to vector<16xi32>
      %get3A_1786 = arith.constant 28 : i32
      %get3A_1787 = arith.index_cast %get3A_1786 : i32 to index
      %get3A_1788 = arith.constant 0 : index
      %get3A_1789 = tpu.vector_load %arg7[%get3A_1787, %get3A_1788] {strides = array<i32>} : memref<128x32xf32, #tpu.memory_space<vmem>>, vector<16xf32>,
      %get3A_1790 = arith.constant 28 : i32
      %get3A_1791 = arith.index_cast %get3A_1790 : i32 to index
      %get3A_1792 = arith.constant 16 : index
      %get3A_1793 = tpu.vector_load %arg7[%get3A_1791, %get3A_1792] {strides = array<i32>} : memref<128x32xf32, #tpu.memory_space<vmem>>, vector<16xf32>,
      tpu.vector_store_idx %arg9[%select_n3A, %select_n3A_48, %broadcast_in_dim3A_1785], %get3A_1789 : memref<4x8x129xf32, #tpu.memory_space<vmem>>[vector<16xi32>, vector<16xi32>, vector<16xi32>], vector<16xf32>,
      tpu.vector_store_idx %arg9[%add3A_28, %select_n3A_48, %broadcast_in_dim3A_1785], %get3A_1793 : memref<4x8x129xf32, #tpu.memory_space<vmem>>[vector<16xi32>, vector<16xi32>, vector<16xi32>], vector<16xf32>,
      %broadcast_in_dim3A_1794 = arith.constant 29 : i32
      %broadcast_in_dim3A_1795 = vector.broadcast %broadcast_in_dim3A_1794 : i32 to vector<16xi32>
      %get3A_1796 = arith.constant 29 : i32
      %get3A_1797 = arith.index_cast %get3A_1796 : i32 to index
      %get3A_1798 = arith.constant 0 : index
      %get3A_1799 = tpu.vector_load %arg7[%get3A_1797, %get3A_1798] {strides = array<i32>} : memref<128x32xf32, #tpu.memory_space<vmem>>, vector<16xf32>,
      %get3A_1800 = arith.constant 29 : i32
      %get3A_1801 = arith.index_cast %get3A_1800 : i32 to index
      %get3A_1802 = arith.constant 16 : index
      %get3A_1803 = tpu.vector_load %arg7[%get3A_1801, %get3A_1802] {strides = array<i32>} : memref<128x32xf32, #tpu.memory_space<vmem>>, vector<16xf32>,
      tpu.vector_store_idx %arg9[%select_n3A, %select_n3A_48, %broadcast_in_dim3A_1795], %get3A_1799 : memref<4x8x129xf32, #tpu.memory_space<vmem>>[vector<16xi32>, vector<16xi32>, vector<16xi32>], vector<16xf32>,
      tpu.vector_store_idx %arg9[%add3A_28, %select_n3A_48, %broadcast_in_dim3A_1795], %get3A_1803 : memref<4x8x129xf32, #tpu.memory_space<vmem>>[vector<16xi32>, vector<16xi32>, vector<16xi32>], vector<16xf32>,
      %broadcast_in_dim3A_1804 = arith.constant 30 : i32
      %broadcast_in_dim3A_1805 = vector.broadcast %broadcast_in_dim3A_1804 : i32 to vector<16xi32>
      %get3A_1806 = arith.constant 30 : i32
      %get3A_1807 = arith.index_cast %get3A_1806 : i32 to index
      %get3A_1808 = arith.constant 0 : index
      %get3A_1809 = tpu.vector_load %arg7[%get3A_1807, %get3A_1808] {strides = array<i32>} : memref<128x32xf32, #tpu.memory_space<vmem>>, vector<16xf32>,
      %get3A_1810 = arith.constant 30 : i32
      %get3A_1811 = arith.index_cast %get3A_1810 : i32 to index
      %get3A_1812 = arith.constant 16 : index
      %get3A_1813 = tpu.vector_load %arg7[%get3A_1811, %get3A_1812] {strides = array<i32>} : memref<128x32xf32, #tpu.memory_space<vmem>>, vector<16xf32>,
      tpu.vector_store_idx %arg9[%select_n3A, %select_n3A_48, %broadcast_in_dim3A_1805], %get3A_1809 : memref<4x8x129xf32, #tpu.memory_space<vmem>>[vector<16xi32>, vector<16xi32>, vector<16xi32>], vector<16xf32>,
      tpu.vector_store_idx %arg9[%add3A_28, %select_n3A_48, %broadcast_in_dim3A_1805], %get3A_1813 : memref<4x8x129xf32, #tpu.memory_space<vmem>>[vector<16xi32>, vector<16xi32>, vector<16xi32>], vector<16xf32>,
      %broadcast_in_dim3A_1814 = arith.constant 31 : i32
      %broadcast_in_dim3A_1815 = vector.broadcast %broadcast_in_dim3A_1814 : i32 to vector<16xi32>
      %get3A_1816 = arith.constant 31 : i32
      %get3A_1817 = arith.index_cast %get3A_1816 : i32 to index
      %get3A_1818 = arith.constant 0 : index
      %get3A_1819 = tpu.vector_load %arg7[%get3A_1817, %get3A_1818] {strides = array<i32>} : memref<128x32xf32, #tpu.memory_space<vmem>>, vector<16xf32>,
      %get3A_1820 = arith.constant 31 : i32
      %get3A_1821 = arith.index_cast %get3A_1820 : i32 to index
      %get3A_1822 = arith.constant 16 : index
      %get3A_1823 = tpu.vector_load %arg7[%get3A_1821, %get3A_1822] {strides = array<i32>} : memref<128x32xf32, #tpu.memory_space<vmem>>, vector<16xf32>,
      tpu.vector_store_idx %arg9[%select_n3A, %select_n3A_48, %broadcast_in_dim3A_1815], %get3A_1819 : memref<4x8x129xf32, #tpu.memory_space<vmem>>[vector<16xi32>, vector<16xi32>, vector<16xi32>], vector<16xf32>,
      tpu.vector_store_idx %arg9[%add3A_28, %select_n3A_48, %broadcast_in_dim3A_1815], %get3A_1823 : memref<4x8x129xf32, #tpu.memory_space<vmem>>[vector<16xi32>, vector<16xi32>, vector<16xi32>], vector<16xf32>,
      %broadcast_in_dim3A_1824 = arith.constant 32 : i32
      %broadcast_in_dim3A_1825 = vector.broadcast %broadcast_in_dim3A_1824 : i32 to vector<16xi32>
      %get3A_1826 = arith.constant 32 : i32
      %get3A_1827 = arith.index_cast %get3A_1826 : i32 to index
      %get3A_1828 = arith.constant 0 : index
      %get3A_1829 = tpu.vector_load %arg7[%get3A_1827, %get3A_1828] {strides = array<i32>} : memref<128x32xf32, #tpu.memory_space<vmem>>, vector<16xf32>,
      %get3A_1830 = arith.constant 32 : i32
      %get3A_1831 = arith.index_cast %get3A_1830 : i32 to index
      %get3A_1832 = arith.constant 16 : index
      %get3A_1833 = tpu.vector_load %arg7[%get3A_1831, %get3A_1832] {strides = array<i32>} : memref<128x32xf32, #tpu.memory_space<vmem>>, vector<16xf32>,
      tpu.vector_store_idx %arg9[%select_n3A, %select_n3A_48, %broadcast_in_dim3A_1825], %get3A_1829 : memref<4x8x129xf32, #tpu.memory_space<vmem>>[vector<16xi32>, vector<16xi32>, vector<16xi32>], vector<16xf32>,
      tpu.vector_store_idx %arg9[%add3A_28, %select_n3A_48, %broadcast_in_dim3A_1825], %get3A_1833 : memref<4x8x129xf32, #tpu.memory_space<vmem>>[vector<16xi32>, vector<16xi32>, vector<16xi32>], vector<16xf32>,
      %broadcast_in_dim3A_1834 = arith.constant 33 : i32
      %broadcast_in_dim3A_1835 = vector.broadcast %broadcast_in_dim3A_1834 : i32 to vector<16xi32>
      %get3A_1836 = arith.constant 33 : i32
      %get3A_1837 = arith.index_cast %get3A_1836 : i32 to index
      %get3A_1838 = arith.constant 0 : index
      %get3A_1839 = tpu.vector_load %arg7[%get3A_1837, %get3A_1838] {strides = array<i32>} : memref<128x32xf32, #tpu.memory_space<vmem>>, vector<16xf32>,
      %get3A_1840 = arith.constant 33 : i32
      %get3A_1841 = arith.index_cast %get3A_1840 : i32 to index
      %get3A_1842 = arith.constant 16 : index
      %get3A_1843 = tpu.vector_load %arg7[%get3A_1841, %get3A_1842] {strides = array<i32>} : memref<128x32xf32, #tpu.memory_space<vmem>>, vector<16xf32>,
      tpu.vector_store_idx %arg9[%select_n3A, %select_n3A_48, %broadcast_in_dim3A_1835], %get3A_1839 : memref<4x8x129xf32, #tpu.memory_space<vmem>>[vector<16xi32>, vector<16xi32>, vector<16xi32>], vector<16xf32>,
      tpu.vector_store_idx %arg9[%add3A_28, %select_n3A_48, %broadcast_in_dim3A_1835], %get3A_1843 : memref<4x8x129xf32, #tpu.memory_space<vmem>>[vector<16xi32>, vector<16xi32>, vector<16xi32>], vector<16xf32>,
      %broadcast_in_dim3A_1844 = arith.constant 34 : i32
      %broadcast_in_dim3A_1845 = vector.broadcast %broadcast_in_dim3A_1844 : i32 to vector<16xi32>
      %get3A_1846 = arith.constant 34 : i32
      %get3A_1847 = arith.index_cast %get3A_1846 : i32 to index
      %get3A_1848 = arith.constant 0 : index
      %get3A_1849 = tpu.vector_load %arg7[%get3A_1847, %get3A_1848] {strides = array<i32>} : memref<128x32xf32, #tpu.memory_space<vmem>>, vector<16xf32>,
      %get3A_1850 = arith.constant 34 : i32
      %get3A_1851 = arith.index_cast %get3A_1850 : i32 to index
      %get3A_1852 = arith.constant 16 : index
      %get3A_1853 = tpu.vector_load %arg7[%get3A_1851, %get3A_1852] {strides = array<i32>} : memref<128x32xf32, #tpu.memory_space<vmem>>, vector<16xf32>,
      tpu.vector_store_idx %arg9[%select_n3A, %select_n3A_48, %broadcast_in_dim3A_1845], %get3A_1849 : memref<4x8x129xf32, #tpu.memory_space<vmem>>[vector<16xi32>, vector<16xi32>, vector<16xi32>], vector<16xf32>,
      tpu.vector_store_idx %arg9[%add3A_28, %select_n3A_48, %broadcast_in_dim3A_1845], %get3A_1853 : memref<4x8x129xf32, #tpu.memory_space<vmem>>[vector<16xi32>, vector<16xi32>, vector<16xi32>], vector<16xf32>,
      %broadcast_in_dim3A_1854 = arith.constant 35 : i32
      %broadcast_in_dim3A_1855 = vector.broadcast %broadcast_in_dim3A_1854 : i32 to vector<16xi32>
      %get3A_1856 = arith.constant 35 : i32
      %get3A_1857 = arith.index_cast %get3A_1856 : i32 to index
      %get3A_1858 = arith.constant 0 : index
      %get3A_1859 = tpu.vector_load %arg7[%get3A_1857, %get3A_1858] {strides = array<i32>} : memref<128x32xf32, #tpu.memory_space<vmem>>, vector<16xf32>,
      %get3A_1860 = arith.constant 35 : i32
      %get3A_1861 = arith.index_cast %get3A_1860 : i32 to index
      %get3A_1862 = arith.constant 16 : index
      %get3A_1863 = tpu.vector_load %arg7[%get3A_1861, %get3A_1862] {strides = array<i32>} : memref<128x32xf32, #tpu.memory_space<vmem>>, vector<16xf32>,
      tpu.vector_store_idx %arg9[%select_n3A, %select_n3A_48, %broadcast_in_dim3A_1855], %get3A_1859 : memref<4x8x129xf32, #tpu.memory_space<vmem>>[vector<16xi32>, vector<16xi32>, vector<16xi32>], vector<16xf32>,
      tpu.vector_store_idx %arg9[%add3A_28, %select_n3A_48, %broadcast_in_dim3A_1855], %get3A_1863 : memref<4x8x129xf32, #tpu.memory_space<vmem>>[vector<16xi32>, vector<16xi32>, vector<16xi32>], vector<16xf32>,
      %broadcast_in_dim3A_1864 = arith.constant 36 : i32
      %broadcast_in_dim3A_1865 = vector.broadcast %broadcast_in_dim3A_1864 : i32 to vector<16xi32>
      %get3A_1866 = arith.constant 36 : i32
      %get3A_1867 = arith.index_cast %get3A_1866 : i32 to index
      %get3A_1868 = arith.constant 0 : index
      %get3A_1869 = tpu.vector_load %arg7[%get3A_1867, %get3A_1868] {strides = array<i32>} : memref<128x32xf32, #tpu.memory_space<vmem>>, vector<16xf32>,
      %get3A_1870 = arith.constant 36 : i32
      %get3A_1871 = arith.index_cast %get3A_1870 : i32 to index
      %get3A_1872 = arith.constant 16 : index
      %get3A_1873 = tpu.vector_load %arg7[%get3A_1871, %get3A_1872] {strides = array<i32>} : memref<128x32xf32, #tpu.memory_space<vmem>>, vector<16xf32>,
      tpu.vector_store_idx %arg9[%select_n3A, %select_n3A_48, %broadcast_in_dim3A_1865], %get3A_1869 : memref<4x8x129xf32, #tpu.memory_space<vmem>>[vector<16xi32>, vector<16xi32>, vector<16xi32>], vector<16xf32>,
      tpu.vector_store_idx %arg9[%add3A_28, %select_n3A_48, %broadcast_in_dim3A_1865], %get3A_1873 : memref<4x8x129xf32, #tpu.memory_space<vmem>>[vector<16xi32>, vector<16xi32>, vector<16xi32>], vector<16xf32>,
      %broadcast_in_dim3A_1874 = arith.constant 37 : i32
      %broadcast_in_dim3A_1875 = vector.broadcast %broadcast_in_dim3A_1874 : i32 to vector<16xi32>
      %get3A_1876 = arith.constant 37 : i32
      %get3A_1877 = arith.index_cast %get3A_1876 : i32 to index
      %get3A_1878 = arith.constant 0 : index
      %get3A_1879 = tpu.vector_load %arg7[%get3A_1877, %get3A_1878] {strides = array<i32>} : memref<128x32xf32, #tpu.memory_space<vmem>>, vector<16xf32>,
      %get3A_1880 = arith.constant 37 : i32
      %get3A_1881 = arith.index_cast %get3A_1880 : i32 to index
      %get3A_1882 = arith.constant 16 : index
      %get3A_1883 = tpu.vector_load %arg7[%get3A_1881, %get3A_1882] {strides = array<i32>} : memref<128x32xf32, #tpu.memory_space<vmem>>, vector<16xf32>,
      tpu.vector_store_idx %arg9[%select_n3A, %select_n3A_48, %broadcast_in_dim3A_1875], %get3A_1879 : memref<4x8x129xf32, #tpu.memory_space<vmem>>[vector<16xi32>, vector<16xi32>, vector<16xi32>], vector<16xf32>,
      tpu.vector_store_idx %arg9[%add3A_28, %select_n3A_48, %broadcast_in_dim3A_1875], %get3A_1883 : memref<4x8x129xf32, #tpu.memory_space<vmem>>[vector<16xi32>, vector<16xi32>, vector<16xi32>], vector<16xf32>,
      %broadcast_in_dim3A_1884 = arith.constant 38 : i32
      %broadcast_in_dim3A_1885 = vector.broadcast %broadcast_in_dim3A_1884 : i32 to vector<16xi32>
      %get3A_1886 = arith.constant 38 : i32
      %get3A_1887 = arith.index_cast %get3A_1886 : i32 to index
      %get3A_1888 = arith.constant 0 : index
      %get3A_1889 = tpu.vector_load %arg7[%get3A_1887, %get3A_1888] {strides = array<i32>} : memref<128x32xf32, #tpu.memory_space<vmem>>, vector<16xf32>,
      %get3A_1890 = arith.constant 38 : i32
      %get3A_1891 = arith.index_cast %get3A_1890 : i32 to index
      %get3A_1892 = arith.constant 16 : index
      %get3A_1893 = tpu.vector_load %arg7[%get3A_1891, %get3A_1892] {strides = array<i32>} : memref<128x32xf32, #tpu.memory_space<vmem>>, vector<16xf32>,
      tpu.vector_store_idx %arg9[%select_n3A, %select_n3A_48, %broadcast_in_dim3A_1885], %get3A_1889 : memref<4x8x129xf32, #tpu.memory_space<vmem>>[vector<16xi32>, vector<16xi32>, vector<16xi32>], vector<16xf32>,
      tpu.vector_store_idx %arg9[%add3A_28, %select_n3A_48, %broadcast_in_dim3A_1885], %get3A_1893 : memref<4x8x129xf32, #tpu.memory_space<vmem>>[vector<16xi32>, vector<16xi32>, vector<16xi32>], vector<16xf32>,
      %broadcast_in_dim3A_1894 = arith.constant 39 : i32
      %broadcast_in_dim3A_1895 = vector.broadcast %broadcast_in_dim3A_1894 : i32 to vector<16xi32>
      %get3A_1896 = arith.constant 39 : i32
      %get3A_1897 = arith.index_cast %get3A_1896 : i32 to index
      %get3A_1898 = arith.constant 0 : index
      %get3A_1899 = tpu.vector_load %arg7[%get3A_1897, %get3A_1898] {strides = array<i32>} : memref<128x32xf32, #tpu.memory_space<vmem>>, vector<16xf32>,
      %get3A_1900 = arith.constant 39 : i32
      %get3A_1901 = arith.index_cast %get3A_1900 : i32 to index
      %get3A_1902 = arith.constant 16 : index
      %get3A_1903 = tpu.vector_load %arg7[%get3A_1901, %get3A_1902] {strides = array<i32>} : memref<128x32xf32, #tpu.memory_space<vmem>>, vector<16xf32>,
      tpu.vector_store_idx %arg9[%select_n3A, %select_n3A_48, %broadcast_in_dim3A_1895], %get3A_1899 : memref<4x8x129xf32, #tpu.memory_space<vmem>>[vector<16xi32>, vector<16xi32>, vector<16xi32>], vector<16xf32>,
      tpu.vector_store_idx %arg9[%add3A_28, %select_n3A_48, %broadcast_in_dim3A_1895], %get3A_1903 : memref<4x8x129xf32, #tpu.memory_space<vmem>>[vector<16xi32>, vector<16xi32>, vector<16xi32>], vector<16xf32>,
      %broadcast_in_dim3A_1904 = arith.constant 40 : i32
      %broadcast_in_dim3A_1905 = vector.broadcast %broadcast_in_dim3A_1904 : i32 to vector<16xi32>
      %get3A_1906 = arith.constant 40 : i32
      %get3A_1907 = arith.index_cast %get3A_1906 : i32 to index
      %get3A_1908 = arith.constant 0 : index
      %get3A_1909 = tpu.vector_load %arg7[%get3A_1907, %get3A_1908] {strides = array<i32>} : memref<128x32xf32, #tpu.memory_space<vmem>>, vector<16xf32>,
      %get3A_1910 = arith.constant 40 : i32
      %get3A_1911 = arith.index_cast %get3A_1910 : i32 to index
      %get3A_1912 = arith.constant 16 : index
      %get3A_1913 = tpu.vector_load %arg7[%get3A_1911, %get3A_1912] {strides = array<i32>} : memref<128x32xf32, #tpu.memory_space<vmem>>, vector<16xf32>,
      tpu.vector_store_idx %arg9[%select_n3A, %select_n3A_48, %broadcast_in_dim3A_1905], %get3A_1909 : memref<4x8x129xf32, #tpu.memory_space<vmem>>[vector<16xi32>, vector<16xi32>, vector<16xi32>], vector<16xf32>,
      tpu.vector_store_idx %arg9[%add3A_28, %select_n3A_48, %broadcast_in_dim3A_1905], %get3A_1913 : memref<4x8x129xf32, #tpu.memory_space<vmem>>[vector<16xi32>, vector<16xi32>, vector<16xi32>], vector<16xf32>,
      %broadcast_in_dim3A_1914 = arith.constant 41 : i32
      %broadcast_in_dim3A_1915 = vector.broadcast %broadcast_in_dim3A_1914 : i32 to vector<16xi32>
      %get3A_1916 = arith.constant 41 : i32
      %get3A_1917 = arith.index_cast %get3A_1916 : i32 to index
      %get3A_1918 = arith.constant 0 : index
      %get3A_1919 = tpu.vector_load %arg7[%get3A_1917, %get3A_1918] {strides = array<i32>} : memref<128x32xf32, #tpu.memory_space<vmem>>, vector<16xf32>,
      %get3A_1920 = arith.constant 41 : i32
      %get3A_1921 = arith.index_cast %get3A_1920 : i32 to index
      %get3A_1922 = arith.constant 16 : index
      %get3A_1923 = tpu.vector_load %arg7[%get3A_1921, %get3A_1922] {strides = array<i32>} : memref<128x32xf32, #tpu.memory_space<vmem>>, vector<16xf32>,
      tpu.vector_store_idx %arg9[%select_n3A, %select_n3A_48, %broadcast_in_dim3A_1915], %get3A_1919 : memref<4x8x129xf32, #tpu.memory_space<vmem>>[vector<16xi32>, vector<16xi32>, vector<16xi32>], vector<16xf32>,
      tpu.vector_store_idx %arg9[%add3A_28, %select_n3A_48, %broadcast_in_dim3A_1915], %get3A_1923 : memref<4x8x129xf32, #tpu.memory_space<vmem>>[vector<16xi32>, vector<16xi32>, vector<16xi32>], vector<16xf32>,
      %broadcast_in_dim3A_1924 = arith.constant 42 : i32
      %broadcast_in_dim3A_1925 = vector.broadcast %broadcast_in_dim3A_1924 : i32 to vector<16xi32>
      %get3A_1926 = arith.constant 42 : i32
      %get3A_1927 = arith.index_cast %get3A_1926 : i32 to index
      %get3A_1928 = arith.constant 0 : index
      %get3A_1929 = tpu.vector_load %arg7[%get3A_1927, %get3A_1928] {strides = array<i32>} : memref<128x32xf32, #tpu.memory_space<vmem>>, vector<16xf32>,
      %get3A_1930 = arith.constant 42 : i32
      %get3A_1931 = arith.index_cast %get3A_1930 : i32 to index
      %get3A_1932 = arith.constant 16 : index
      %get3A_1933 = tpu.vector_load %arg7[%get3A_1931, %get3A_1932] {strides = array<i32>} : memref<128x32xf32, #tpu.memory_space<vmem>>, vector<16xf32>,
      tpu.vector_store_idx %arg9[%select_n3A, %select_n3A_48, %broadcast_in_dim3A_1925], %get3A_1929 : memref<4x8x129xf32, #tpu.memory_space<vmem>>[vector<16xi32>, vector<16xi32>, vector<16xi32>], vector<16xf32>,
      tpu.vector_store_idx %arg9[%add3A_28, %select_n3A_48, %broadcast_in_dim3A_1925], %get3A_1933 : memref<4x8x129xf32, #tpu.memory_space<vmem>>[vector<16xi32>, vector<16xi32>, vector<16xi32>], vector<16xf32>,
      %broadcast_in_dim3A_1934 = arith.constant 43 : i32
      %broadcast_in_dim3A_1935 = vector.broadcast %broadcast_in_dim3A_1934 : i32 to vector<16xi32>
      %get3A_1936 = arith.constant 43 : i32
      %get3A_1937 = arith.index_cast %get3A_1936 : i32 to index
      %get3A_1938 = arith.constant 0 : index
      %get3A_1939 = tpu.vector_load %arg7[%get3A_1937, %get3A_1938] {strides = array<i32>} : memref<128x32xf32, #tpu.memory_space<vmem>>, vector<16xf32>,
      %get3A_1940 = arith.constant 43 : i32
      %get3A_1941 = arith.index_cast %get3A_1940 : i32 to index
      %get3A_1942 = arith.constant 16 : index
      %get3A_1943 = tpu.vector_load %arg7[%get3A_1941, %get3A_1942] {strides = array<i32>} : memref<128x32xf32, #tpu.memory_space<vmem>>, vector<16xf32>,
      tpu.vector_store_idx %arg9[%select_n3A, %select_n3A_48, %broadcast_in_dim3A_1935], %get3A_1939 : memref<4x8x129xf32, #tpu.memory_space<vmem>>[vector<16xi32>, vector<16xi32>, vector<16xi32>], vector<16xf32>,
      tpu.vector_store_idx %arg9[%add3A_28, %select_n3A_48, %broadcast_in_dim3A_1935], %get3A_1943 : memref<4x8x129xf32, #tpu.memory_space<vmem>>[vector<16xi32>, vector<16xi32>, vector<16xi32>], vector<16xf32>,
      %broadcast_in_dim3A_1944 = arith.constant 44 : i32
      %broadcast_in_dim3A_1945 = vector.broadcast %broadcast_in_dim3A_1944 : i32 to vector<16xi32>
      %get3A_1946 = arith.constant 44 : i32
      %get3A_1947 = arith.index_cast %get3A_1946 : i32 to index
      %get3A_1948 = arith.constant 0 : index
      %get3A_1949 = tpu.vector_load %arg7[%get3A_1947, %get3A_1948] {strides = array<i32>} : memref<128x32xf32, #tpu.memory_space<vmem>>, vector<16xf32>,
      %get3A_1950 = arith.constant 44 : i32
      %get3A_1951 = arith.index_cast %get3A_1950 : i32 to index
      %get3A_1952 = arith.constant 16 : index
      %get3A_1953 = tpu.vector_load %arg7[%get3A_1951, %get3A_1952] {strides = array<i32>} : memref<128x32xf32, #tpu.memory_space<vmem>>, vector<16xf32>,
      tpu.vector_store_idx %arg9[%select_n3A, %select_n3A_48, %broadcast_in_dim3A_1945], %get3A_1949 : memref<4x8x129xf32, #tpu.memory_space<vmem>>[vector<16xi32>, vector<16xi32>, vector<16xi32>], vector<16xf32>,
      tpu.vector_store_idx %arg9[%add3A_28, %select_n3A_48, %broadcast_in_dim3A_1945], %get3A_1953 : memref<4x8x129xf32, #tpu.memory_space<vmem>>[vector<16xi32>, vector<16xi32>, vector<16xi32>], vector<16xf32>,
      %broadcast_in_dim3A_1954 = arith.constant 45 : i32
      %broadcast_in_dim3A_1955 = vector.broadcast %broadcast_in_dim3A_1954 : i32 to vector<16xi32>
      %get3A_1956 = arith.constant 45 : i32
      %get3A_1957 = arith.index_cast %get3A_1956 : i32 to index
      %get3A_1958 = arith.constant 0 : index
      %get3A_1959 = tpu.vector_load %arg7[%get3A_1957, %get3A_1958] {strides = array<i32>} : memref<128x32xf32, #tpu.memory_space<vmem>>, vector<16xf32>,
      %get3A_1960 = arith.constant 45 : i32
      %get3A_1961 = arith.index_cast %get3A_1960 : i32 to index
      %get3A_1962 = arith.constant 16 : index
      %get3A_1963 = tpu.vector_load %arg7[%get3A_1961, %get3A_1962] {strides = array<i32>} : memref<128x32xf32, #tpu.memory_space<vmem>>, vector<16xf32>,
      tpu.vector_store_idx %arg9[%select_n3A, %select_n3A_48, %broadcast_in_dim3A_1955], %get3A_1959 : memref<4x8x129xf32, #tpu.memory_space<vmem>>[vector<16xi32>, vector<16xi32>, vector<16xi32>], vector<16xf32>,
      tpu.vector_store_idx %arg9[%add3A_28, %select_n3A_48, %broadcast_in_dim3A_1955], %get3A_1963 : memref<4x8x129xf32, #tpu.memory_space<vmem>>[vector<16xi32>, vector<16xi32>, vector<16xi32>], vector<16xf32>,
      %broadcast_in_dim3A_1964 = arith.constant 46 : i32
      %broadcast_in_dim3A_1965 = vector.broadcast %broadcast_in_dim3A_1964 : i32 to vector<16xi32>
      %get3A_1966 = arith.constant 46 : i32
      %get3A_1967 = arith.index_cast %get3A_1966 : i32 to index
      %get3A_1968 = arith.constant 0 : index
      %get3A_1969 = tpu.vector_load %arg7[%get3A_1967, %get3A_1968] {strides = array<i32>} : memref<128x32xf32, #tpu.memory_space<vmem>>, vector<16xf32>,
      %get3A_1970 = arith.constant 46 : i32
      %get3A_1971 = arith.index_cast %get3A_1970 : i32 to index
      %get3A_1972 = arith.constant 16 : index
      %get3A_1973 = tpu.vector_load %arg7[%get3A_1971, %get3A_1972] {strides = array<i32>} : memref<128x32xf32, #tpu.memory_space<vmem>>, vector<16xf32>,
      tpu.vector_store_idx %arg9[%select_n3A, %select_n3A_48, %broadcast_in_dim3A_1965], %get3A_1969 : memref<4x8x129xf32, #tpu.memory_space<vmem>>[vector<16xi32>, vector<16xi32>, vector<16xi32>], vector<16xf32>,
      tpu.vector_store_idx %arg9[%add3A_28, %select_n3A_48, %broadcast_in_dim3A_1965], %get3A_1973 : memref<4x8x129xf32, #tpu.memory_space<vmem>>[vector<16xi32>, vector<16xi32>, vector<16xi32>], vector<16xf32>,
      %broadcast_in_dim3A_1974 = arith.constant 47 : i32
      %broadcast_in_dim3A_1975 = vector.broadcast %broadcast_in_dim3A_1974 : i32 to vector<16xi32>
      %get3A_1976 = arith.constant 47 : i32
      %get3A_1977 = arith.index_cast %get3A_1976 : i32 to index
      %get3A_1978 = arith.constant 0 : index
      %get3A_1979 = tpu.vector_load %arg7[%get3A_1977, %get3A_1978] {strides = array<i32>} : memref<128x32xf32, #tpu.memory_space<vmem>>, vector<16xf32>,
      %get3A_1980 = arith.constant 47 : i32
      %get3A_1981 = arith.index_cast %get3A_1980 : i32 to index
      %get3A_1982 = arith.constant 16 : index
      %get3A_1983 = tpu.vector_load %arg7[%get3A_1981, %get3A_1982] {strides = array<i32>} : memref<128x32xf32, #tpu.memory_space<vmem>>, vector<16xf32>,
      tpu.vector_store_idx %arg9[%select_n3A, %select_n3A_48, %broadcast_in_dim3A_1975], %get3A_1979 : memref<4x8x129xf32, #tpu.memory_space<vmem>>[vector<16xi32>, vector<16xi32>, vector<16xi32>], vector<16xf32>,
      tpu.vector_store_idx %arg9[%add3A_28, %select_n3A_48, %broadcast_in_dim3A_1975], %get3A_1983 : memref<4x8x129xf32, #tpu.memory_space<vmem>>[vector<16xi32>, vector<16xi32>, vector<16xi32>], vector<16xf32>,
      %broadcast_in_dim3A_1984 = arith.constant 48 : i32
      %broadcast_in_dim3A_1985 = vector.broadcast %broadcast_in_dim3A_1984 : i32 to vector<16xi32>
      %get3A_1986 = arith.constant 48 : i32
      %get3A_1987 = arith.index_cast %get3A_1986 : i32 to index
      %get3A_1988 = arith.constant 0 : index
      %get3A_1989 = tpu.vector_load %arg7[%get3A_1987, %get3A_1988] {strides = array<i32>} : memref<128x32xf32, #tpu.memory_space<vmem>>, vector<16xf32>,
      %get3A_1990 = arith.constant 48 : i32
      %get3A_1991 = arith.index_cast %get3A_1990 : i32 to index
      %get3A_1992 = arith.constant 16 : index
      %get3A_1993 = tpu.vector_load %arg7[%get3A_1991, %get3A_1992] {strides = array<i32>} : memref<128x32xf32, #tpu.memory_space<vmem>>, vector<16xf32>,
      tpu.vector_store_idx %arg9[%select_n3A, %select_n3A_48, %broadcast_in_dim3A_1985], %get3A_1989 : memref<4x8x129xf32, #tpu.memory_space<vmem>>[vector<16xi32>, vector<16xi32>, vector<16xi32>], vector<16xf32>,
      tpu.vector_store_idx %arg9[%add3A_28, %select_n3A_48, %broadcast_in_dim3A_1985], %get3A_1993 : memref<4x8x129xf32, #tpu.memory_space<vmem>>[vector<16xi32>, vector<16xi32>, vector<16xi32>], vector<16xf32>,
      %broadcast_in_dim3A_1994 = arith.constant 49 : i32
      %broadcast_in_dim3A_1995 = vector.broadcast %broadcast_in_dim3A_1994 : i32 to vector<16xi32>
      %get3A_1996 = arith.constant 49 : i32
      %get3A_1997 = arith.index_cast %get3A_1996 : i32 to index
      %get3A_1998 = arith.constant 0 : index
      %get3A_1999 = tpu.vector_load %arg7[%get3A_1997, %get3A_1998] {strides = array<i32>} : memref<128x32xf32, #tpu.memory_space<vmem>>, vector<16xf32>,
      %get3A_2000 = arith.constant 49 : i32
      %get3A_2001 = arith.index_cast %get3A_2000 : i32 to index
      %get3A_2002 = arith.constant 16 : index
      %get3A_2003 = tpu.vector_load %arg7[%get3A_2001, %get3A_2002] {strides = array<i32>} : memref<128x32xf32, #tpu.memory_space<vmem>>, vector<16xf32>,
      tpu.vector_store_idx %arg9[%select_n3A, %select_n3A_48, %broadcast_in_dim3A_1995], %get3A_1999 : memref<4x8x129xf32, #tpu.memory_space<vmem>>[vector<16xi32>, vector<16xi32>, vector<16xi32>], vector<16xf32>,
      tpu.vector_store_idx %arg9[%add3A_28, %select_n3A_48, %broadcast_in_dim3A_1995], %get3A_2003 : memref<4x8x129xf32, #tpu.memory_space<vmem>>[vector<16xi32>, vector<16xi32>, vector<16xi32>], vector<16xf32>,
      %broadcast_in_dim3A_2004 = arith.constant 50 : i32
      %broadcast_in_dim3A_2005 = vector.broadcast %broadcast_in_dim3A_2004 : i32 to vector<16xi32>
      %get3A_2006 = arith.constant 50 : i32
      %get3A_2007 = arith.index_cast %get3A_2006 : i32 to index
      %get3A_2008 = arith.constant 0 : index
      %get3A_2009 = tpu.vector_load %arg7[%get3A_2007, %get3A_2008] {strides = array<i32>} : memref<128x32xf32, #tpu.memory_space<vmem>>, vector<16xf32>,
      %get3A_2010 = arith.constant 50 : i32
      %get3A_2011 = arith.index_cast %get3A_2010 : i32 to index
      %get3A_2012 = arith.constant 16 : index
      %get3A_2013 = tpu.vector_load %arg7[%get3A_2011, %get3A_2012] {strides = array<i32>} : memref<128x32xf32, #tpu.memory_space<vmem>>, vector<16xf32>,
      tpu.vector_store_idx %arg9[%select_n3A, %select_n3A_48, %broadcast_in_dim3A_2005], %get3A_2009 : memref<4x8x129xf32, #tpu.memory_space<vmem>>[vector<16xi32>, vector<16xi32>, vector<16xi32>], vector<16xf32>,
      tpu.vector_store_idx %arg9[%add3A_28, %select_n3A_48, %broadcast_in_dim3A_2005], %get3A_2013 : memref<4x8x129xf32, #tpu.memory_space<vmem>>[vector<16xi32>, vector<16xi32>, vector<16xi32>], vector<16xf32>,
      %broadcast_in_dim3A_2014 = arith.constant 51 : i32
      %broadcast_in_dim3A_2015 = vector.broadcast %broadcast_in_dim3A_2014 : i32 to vector<16xi32>
      %get3A_2016 = arith.constant 51 : i32
      %get3A_2017 = arith.index_cast %get3A_2016 : i32 to index
      %get3A_2018 = arith.constant 0 : index
      %get3A_2019 = tpu.vector_load %arg7[%get3A_2017, %get3A_2018] {strides = array<i32>} : memref<128x32xf32, #tpu.memory_space<vmem>>, vector<16xf32>,
      %get3A_2020 = arith.constant 51 : i32
      %get3A_2021 = arith.index_cast %get3A_2020 : i32 to index
      %get3A_2022 = arith.constant 16 : index
      %get3A_2023 = tpu.vector_load %arg7[%get3A_2021, %get3A_2022] {strides = array<i32>} : memref<128x32xf32, #tpu.memory_space<vmem>>, vector<16xf32>,
      tpu.vector_store_idx %arg9[%select_n3A, %select_n3A_48, %broadcast_in_dim3A_2015], %get3A_2019 : memref<4x8x129xf32, #tpu.memory_space<vmem>>[vector<16xi32>, vector<16xi32>, vector<16xi32>], vector<16xf32>,
      tpu.vector_store_idx %arg9[%add3A_28, %select_n3A_48, %broadcast_in_dim3A_2015], %get3A_2023 : memref<4x8x129xf32, #tpu.memory_space<vmem>>[vector<16xi32>, vector<16xi32>, vector<16xi32>], vector<16xf32>,
      %broadcast_in_dim3A_2024 = arith.constant 52 : i32
      %broadcast_in_dim3A_2025 = vector.broadcast %broadcast_in_dim3A_2024 : i32 to vector<16xi32>
      %get3A_2026 = arith.constant 52 : i32
      %get3A_2027 = arith.index_cast %get3A_2026 : i32 to index
      %get3A_2028 = arith.constant 0 : index
      %get3A_2029 = tpu.vector_load %arg7[%get3A_2027, %get3A_2028] {strides = array<i32>} : memref<128x32xf32, #tpu.memory_space<vmem>>, vector<16xf32>,
      %get3A_2030 = arith.constant 52 : i32
      %get3A_2031 = arith.index_cast %get3A_2030 : i32 to index
      %get3A_2032 = arith.constant 16 : index
      %get3A_2033 = tpu.vector_load %arg7[%get3A_2031, %get3A_2032] {strides = array<i32>} : memref<128x32xf32, #tpu.memory_space<vmem>>, vector<16xf32>,
      tpu.vector_store_idx %arg9[%select_n3A, %select_n3A_48, %broadcast_in_dim3A_2025], %get3A_2029 : memref<4x8x129xf32, #tpu.memory_space<vmem>>[vector<16xi32>, vector<16xi32>, vector<16xi32>], vector<16xf32>,
      tpu.vector_store_idx %arg9[%add3A_28, %select_n3A_48, %broadcast_in_dim3A_2025], %get3A_2033 : memref<4x8x129xf32, #tpu.memory_space<vmem>>[vector<16xi32>, vector<16xi32>, vector<16xi32>], vector<16xf32>,
      %broadcast_in_dim3A_2034 = arith.constant 53 : i32
      %broadcast_in_dim3A_2035 = vector.broadcast %broadcast_in_dim3A_2034 : i32 to vector<16xi32>
      %get3A_2036 = arith.constant 53 : i32
      %get3A_2037 = arith.index_cast %get3A_2036 : i32 to index
      %get3A_2038 = arith.constant 0 : index
      %get3A_2039 = tpu.vector_load %arg7[%get3A_2037, %get3A_2038] {strides = array<i32>} : memref<128x32xf32, #tpu.memory_space<vmem>>, vector<16xf32>,
      %get3A_2040 = arith.constant 53 : i32
      %get3A_2041 = arith.index_cast %get3A_2040 : i32 to index
      %get3A_2042 = arith.constant 16 : index
      %get3A_2043 = tpu.vector_load %arg7[%get3A_2041, %get3A_2042] {strides = array<i32>} : memref<128x32xf32, #tpu.memory_space<vmem>>, vector<16xf32>,
      tpu.vector_store_idx %arg9[%select_n3A, %select_n3A_48, %broadcast_in_dim3A_2035], %get3A_2039 : memref<4x8x129xf32, #tpu.memory_space<vmem>>[vector<16xi32>, vector<16xi32>, vector<16xi32>], vector<16xf32>,
      tpu.vector_store_idx %arg9[%add3A_28, %select_n3A_48, %broadcast_in_dim3A_2035], %get3A_2043 : memref<4x8x129xf32, #tpu.memory_space<vmem>>[vector<16xi32>, vector<16xi32>, vector<16xi32>], vector<16xf32>,
      %broadcast_in_dim3A_2044 = arith.constant 54 : i32
      %broadcast_in_dim3A_2045 = vector.broadcast %broadcast_in_dim3A_2044 : i32 to vector<16xi32>
      %get3A_2046 = arith.constant 54 : i32
      %get3A_2047 = arith.index_cast %get3A_2046 : i32 to index
      %get3A_2048 = arith.constant 0 : index
      %get3A_2049 = tpu.vector_load %arg7[%get3A_2047, %get3A_2048] {strides = array<i32>} : memref<128x32xf32, #tpu.memory_space<vmem>>, vector<16xf32>,
      %get3A_2050 = arith.constant 54 : i32
      %get3A_2051 = arith.index_cast %get3A_2050 : i32 to index
      %get3A_2052 = arith.constant 16 : index
      %get3A_2053 = tpu.vector_load %arg7[%get3A_2051, %get3A_2052] {strides = array<i32>} : memref<128x32xf32, #tpu.memory_space<vmem>>, vector<16xf32>,
      tpu.vector_store_idx %arg9[%select_n3A, %select_n3A_48, %broadcast_in_dim3A_2045], %get3A_2049 : memref<4x8x129xf32, #tpu.memory_space<vmem>>[vector<16xi32>, vector<16xi32>, vector<16xi32>], vector<16xf32>,
      tpu.vector_store_idx %arg9[%add3A_28, %select_n3A_48, %broadcast_in_dim3A_2045], %get3A_2053 : memref<4x8x129xf32, #tpu.memory_space<vmem>>[vector<16xi32>, vector<16xi32>, vector<16xi32>], vector<16xf32>,
      %broadcast_in_dim3A_2054 = arith.constant 55 : i32
      %broadcast_in_dim3A_2055 = vector.broadcast %broadcast_in_dim3A_2054 : i32 to vector<16xi32>
      %get3A_2056 = arith.constant 55 : i32
      %get3A_2057 = arith.index_cast %get3A_2056 : i32 to index
      %get3A_2058 = arith.constant 0 : index
      %get3A_2059 = tpu.vector_load %arg7[%get3A_2057, %get3A_2058] {strides = array<i32>} : memref<128x32xf32, #tpu.memory_space<vmem>>, vector<16xf32>,
      %get3A_2060 = arith.constant 55 : i32
      %get3A_2061 = arith.index_cast %get3A_2060 : i32 to index
      %get3A_2062 = arith.constant 16 : index
      %get3A_2063 = tpu.vector_load %arg7[%get3A_2061, %get3A_2062] {strides = array<i32>} : memref<128x32xf32, #tpu.memory_space<vmem>>, vector<16xf32>,
      tpu.vector_store_idx %arg9[%select_n3A, %select_n3A_48, %broadcast_in_dim3A_2055], %get3A_2059 : memref<4x8x129xf32, #tpu.memory_space<vmem>>[vector<16xi32>, vector<16xi32>, vector<16xi32>], vector<16xf32>,
      tpu.vector_store_idx %arg9[%add3A_28, %select_n3A_48, %broadcast_in_dim3A_2055], %get3A_2063 : memref<4x8x129xf32, #tpu.memory_space<vmem>>[vector<16xi32>, vector<16xi32>, vector<16xi32>], vector<16xf32>,
      %broadcast_in_dim3A_2064 = arith.constant 56 : i32
      %broadcast_in_dim3A_2065 = vector.broadcast %broadcast_in_dim3A_2064 : i32 to vector<16xi32>
      %get3A_2066 = arith.constant 56 : i32
      %get3A_2067 = arith.index_cast %get3A_2066 : i32 to index
      %get3A_2068 = arith.constant 0 : index
      %get3A_2069 = tpu.vector_load %arg7[%get3A_2067, %get3A_2068] {strides = array<i32>} : memref<128x32xf32, #tpu.memory_space<vmem>>, vector<16xf32>,
      %get3A_2070 = arith.constant 56 : i32
      %get3A_2071 = arith.index_cast %get3A_2070 : i32 to index
      %get3A_2072 = arith.constant 16 : index
      %get3A_2073 = tpu.vector_load %arg7[%get3A_2071, %get3A_2072] {strides = array<i32>} : memref<128x32xf32, #tpu.memory_space<vmem>>, vector<16xf32>,
      tpu.vector_store_idx %arg9[%select_n3A, %select_n3A_48, %broadcast_in_dim3A_2065], %get3A_2069 : memref<4x8x129xf32, #tpu.memory_space<vmem>>[vector<16xi32>, vector<16xi32>, vector<16xi32>], vector<16xf32>,
      tpu.vector_store_idx %arg9[%add3A_28, %select_n3A_48, %broadcast_in_dim3A_2065], %get3A_2073 : memref<4x8x129xf32, #tpu.memory_space<vmem>>[vector<16xi32>, vector<16xi32>, vector<16xi32>], vector<16xf32>,
      %broadcast_in_dim3A_2074 = arith.constant 57 : i32
      %broadcast_in_dim3A_2075 = vector.broadcast %broadcast_in_dim3A_2074 : i32 to vector<16xi32>
      %get3A_2076 = arith.constant 57 : i32
      %get3A_2077 = arith.index_cast %get3A_2076 : i32 to index
      %get3A_2078 = arith.constant 0 : index
      %get3A_2079 = tpu.vector_load %arg7[%get3A_2077, %get3A_2078] {strides = array<i32>} : memref<128x32xf32, #tpu.memory_space<vmem>>, vector<16xf32>,
      %get3A_2080 = arith.constant 57 : i32
      %get3A_2081 = arith.index_cast %get3A_2080 : i32 to index
      %get3A_2082 = arith.constant 16 : index
      %get3A_2083 = tpu.vector_load %arg7[%get3A_2081, %get3A_2082] {strides = array<i32>} : memref<128x32xf32, #tpu.memory_space<vmem>>, vector<16xf32>,
      tpu.vector_store_idx %arg9[%select_n3A, %select_n3A_48, %broadcast_in_dim3A_2075], %get3A_2079 : memref<4x8x129xf32, #tpu.memory_space<vmem>>[vector<16xi32>, vector<16xi32>, vector<16xi32>], vector<16xf32>,
      tpu.vector_store_idx %arg9[%add3A_28, %select_n3A_48, %broadcast_in_dim3A_2075], %get3A_2083 : memref<4x8x129xf32, #tpu.memory_space<vmem>>[vector<16xi32>, vector<16xi32>, vector<16xi32>], vector<16xf32>,
      %broadcast_in_dim3A_2084 = arith.constant 58 : i32
      %broadcast_in_dim3A_2085 = vector.broadcast %broadcast_in_dim3A_2084 : i32 to vector<16xi32>
      %get3A_2086 = arith.constant 58 : i32
      %get3A_2087 = arith.index_cast %get3A_2086 : i32 to index
      %get3A_2088 = arith.constant 0 : index
      %get3A_2089 = tpu.vector_load %arg7[%get3A_2087, %get3A_2088] {strides = array<i32>} : memref<128x32xf32, #tpu.memory_space<vmem>>, vector<16xf32>,
      %get3A_2090 = arith.constant 58 : i32
      %get3A_2091 = arith.index_cast %get3A_2090 : i32 to index
      %get3A_2092 = arith.constant 16 : index
      %get3A_2093 = tpu.vector_load %arg7[%get3A_2091, %get3A_2092] {strides = array<i32>} : memref<128x32xf32, #tpu.memory_space<vmem>>, vector<16xf32>,
      tpu.vector_store_idx %arg9[%select_n3A, %select_n3A_48, %broadcast_in_dim3A_2085], %get3A_2089 : memref<4x8x129xf32, #tpu.memory_space<vmem>>[vector<16xi32>, vector<16xi32>, vector<16xi32>], vector<16xf32>,
      tpu.vector_store_idx %arg9[%add3A_28, %select_n3A_48, %broadcast_in_dim3A_2085], %get3A_2093 : memref<4x8x129xf32, #tpu.memory_space<vmem>>[vector<16xi32>, vector<16xi32>, vector<16xi32>], vector<16xf32>,
      %broadcast_in_dim3A_2094 = arith.constant 59 : i32
      %broadcast_in_dim3A_2095 = vector.broadcast %broadcast_in_dim3A_2094 : i32 to vector<16xi32>
      %get3A_2096 = arith.constant 59 : i32
      %get3A_2097 = arith.index_cast %get3A_2096 : i32 to index
      %get3A_2098 = arith.constant 0 : index
      %get3A_2099 = tpu.vector_load %arg7[%get3A_2097, %get3A_2098] {strides = array<i32>} : memref<128x32xf32, #tpu.memory_space<vmem>>, vector<16xf32>,
      %get3A_2100 = arith.constant 59 : i32
      %get3A_2101 = arith.index_cast %get3A_2100 : i32 to index
      %get3A_2102 = arith.constant 16 : index
      %get3A_2103 = tpu.vector_load %arg7[%get3A_2101, %get3A_2102] {strides = array<i32>} : memref<128x32xf32, #tpu.memory_space<vmem>>, vector<16xf32>,
      tpu.vector_store_idx %arg9[%select_n3A, %select_n3A_48, %broadcast_in_dim3A_2095], %get3A_2099 : memref<4x8x129xf32, #tpu.memory_space<vmem>>[vector<16xi32>, vector<16xi32>, vector<16xi32>], vector<16xf32>,
      tpu.vector_store_idx %arg9[%add3A_28, %select_n3A_48, %broadcast_in_dim3A_2095], %get3A_2103 : memref<4x8x129xf32, #tpu.memory_space<vmem>>[vector<16xi32>, vector<16xi32>, vector<16xi32>], vector<16xf32>,
      %broadcast_in_dim3A_2104 = arith.constant 60 : i32
      %broadcast_in_dim3A_2105 = vector.broadcast %broadcast_in_dim3A_2104 : i32 to vector<16xi32>
      %get3A_2106 = arith.constant 60 : i32
      %get3A_2107 = arith.index_cast %get3A_2106 : i32 to index
      %get3A_2108 = arith.constant 0 : index
      %get3A_2109 = tpu.vector_load %arg7[%get3A_2107, %get3A_2108] {strides = array<i32>} : memref<128x32xf32, #tpu.memory_space<vmem>>, vector<16xf32>,
      %get3A_2110 = arith.constant 60 : i32
      %get3A_2111 = arith.index_cast %get3A_2110 : i32 to index
      %get3A_2112 = arith.constant 16 : index
      %get3A_2113 = tpu.vector_load %arg7[%get3A_2111, %get3A_2112] {strides = array<i32>} : memref<128x32xf32, #tpu.memory_space<vmem>>, vector<16xf32>,
      tpu.vector_store_idx %arg9[%select_n3A, %select_n3A_48, %broadcast_in_dim3A_2105], %get3A_2109 : memref<4x8x129xf32, #tpu.memory_space<vmem>>[vector<16xi32>, vector<16xi32>, vector<16xi32>], vector<16xf32>,
      tpu.vector_store_idx %arg9[%add3A_28, %select_n3A_48, %broadcast_in_dim3A_2105], %get3A_2113 : memref<4x8x129xf32, #tpu.memory_space<vmem>>[vector<16xi32>, vector<16xi32>, vector<16xi32>], vector<16xf32>,
      %broadcast_in_dim3A_2114 = arith.constant 61 : i32
      %broadcast_in_dim3A_2115 = vector.broadcast %broadcast_in_dim3A_2114 : i32 to vector<16xi32>
      %get3A_2116 = arith.constant 61 : i32
      %get3A_2117 = arith.index_cast %get3A_2116 : i32 to index
      %get3A_2118 = arith.constant 0 : index
      %get3A_2119 = tpu.vector_load %arg7[%get3A_2117, %get3A_2118] {strides = array<i32>} : memref<128x32xf32, #tpu.memory_space<vmem>>, vector<16xf32>,
      %get3A_2120 = arith.constant 61 : i32
      %get3A_2121 = arith.index_cast %get3A_2120 : i32 to index
      %get3A_2122 = arith.constant 16 : index
      %get3A_2123 = tpu.vector_load %arg7[%get3A_2121, %get3A_2122] {strides = array<i32>} : memref<128x32xf32, #tpu.memory_space<vmem>>, vector<16xf32>,
      tpu.vector_store_idx %arg9[%select_n3A, %select_n3A_48, %broadcast_in_dim3A_2115], %get3A_2119 : memref<4x8x129xf32, #tpu.memory_space<vmem>>[vector<16xi32>, vector<16xi32>, vector<16xi32>], vector<16xf32>,
      tpu.vector_store_idx %arg9[%add3A_28, %select_n3A_48, %broadcast_in_dim3A_2115], %get3A_2123 : memref<4x8x129xf32, #tpu.memory_space<vmem>>[vector<16xi32>, vector<16xi32>, vector<16xi32>], vector<16xf32>,
      %broadcast_in_dim3A_2124 = arith.constant 62 : i32
      %broadcast_in_dim3A_2125 = vector.broadcast %broadcast_in_dim3A_2124 : i32 to vector<16xi32>
      %get3A_2126 = arith.constant 62 : i32
      %get3A_2127 = arith.index_cast %get3A_2126 : i32 to index
      %get3A_2128 = arith.constant 0 : index
      %get3A_2129 = tpu.vector_load %arg7[%get3A_2127, %get3A_2128] {strides = array<i32>} : memref<128x32xf32, #tpu.memory_space<vmem>>, vector<16xf32>,
      %get3A_2130 = arith.constant 62 : i32
      %get3A_2131 = arith.index_cast %get3A_2130 : i32 to index
      %get3A_2132 = arith.constant 16 : index
      %get3A_2133 = tpu.vector_load %arg7[%get3A_2131, %get3A_2132] {strides = array<i32>} : memref<128x32xf32, #tpu.memory_space<vmem>>, vector<16xf32>,
      tpu.vector_store_idx %arg9[%select_n3A, %select_n3A_48, %broadcast_in_dim3A_2125], %get3A_2129 : memref<4x8x129xf32, #tpu.memory_space<vmem>>[vector<16xi32>, vector<16xi32>, vector<16xi32>], vector<16xf32>,
      tpu.vector_store_idx %arg9[%add3A_28, %select_n3A_48, %broadcast_in_dim3A_2125], %get3A_2133 : memref<4x8x129xf32, #tpu.memory_space<vmem>>[vector<16xi32>, vector<16xi32>, vector<16xi32>], vector<16xf32>,
      %broadcast_in_dim3A_2134 = arith.constant 63 : i32
      %broadcast_in_dim3A_2135 = vector.broadcast %broadcast_in_dim3A_2134 : i32 to vector<16xi32>
      %get3A_2136 = arith.constant 63 : i32
      %get3A_2137 = arith.index_cast %get3A_2136 : i32 to index
      %get3A_2138 = arith.constant 0 : index
      %get3A_2139 = tpu.vector_load %arg7[%get3A_2137, %get3A_2138] {strides = array<i32>} : memref<128x32xf32, #tpu.memory_space<vmem>>, vector<16xf32>,
      %get3A_2140 = arith.constant 63 : i32
      %get3A_2141 = arith.index_cast %get3A_2140 : i32 to index
      %get3A_2142 = arith.constant 16 : index
      %get3A_2143 = tpu.vector_load %arg7[%get3A_2141, %get3A_2142] {strides = array<i32>} : memref<128x32xf32, #tpu.memory_space<vmem>>, vector<16xf32>,
      tpu.vector_store_idx %arg9[%select_n3A, %select_n3A_48, %broadcast_in_dim3A_2135], %get3A_2139 : memref<4x8x129xf32, #tpu.memory_space<vmem>>[vector<16xi32>, vector<16xi32>, vector<16xi32>], vector<16xf32>,
      tpu.vector_store_idx %arg9[%add3A_28, %select_n3A_48, %broadcast_in_dim3A_2135], %get3A_2143 : memref<4x8x129xf32, #tpu.memory_space<vmem>>[vector<16xi32>, vector<16xi32>, vector<16xi32>], vector<16xf32>,
      %broadcast_in_dim3A_2144 = arith.constant 64 : i32
      %broadcast_in_dim3A_2145 = vector.broadcast %broadcast_in_dim3A_2144 : i32 to vector<16xi32>
      %get3A_2146 = arith.constant 64 : i32
      %get3A_2147 = arith.index_cast %get3A_2146 : i32 to index
      %get3A_2148 = arith.constant 0 : index
      %get3A_2149 = tpu.vector_load %arg7[%get3A_2147, %get3A_2148] {strides = array<i32>} : memref<128x32xf32, #tpu.memory_space<vmem>>, vector<16xf32>,
      %get3A_2150 = arith.constant 64 : i32
      %get3A_2151 = arith.index_cast %get3A_2150 : i32 to index
      %get3A_2152 = arith.constant 16 : index
      %get3A_2153 = tpu.vector_load %arg7[%get3A_2151, %get3A_2152] {strides = array<i32>} : memref<128x32xf32, #tpu.memory_space<vmem>>, vector<16xf32>,
      tpu.vector_store_idx %arg9[%select_n3A, %select_n3A_48, %broadcast_in_dim3A_2145], %get3A_2149 : memref<4x8x129xf32, #tpu.memory_space<vmem>>[vector<16xi32>, vector<16xi32>, vector<16xi32>], vector<16xf32>,
      tpu.vector_store_idx %arg9[%add3A_28, %select_n3A_48, %broadcast_in_dim3A_2145], %get3A_2153 : memref<4x8x129xf32, #tpu.memory_space<vmem>>[vector<16xi32>, vector<16xi32>, vector<16xi32>], vector<16xf32>,
      %broadcast_in_dim3A_2154 = arith.constant 65 : i32
      %broadcast_in_dim3A_2155 = vector.broadcast %broadcast_in_dim3A_2154 : i32 to vector<16xi32>
      %get3A_2156 = arith.constant 65 : i32
      %get3A_2157 = arith.index_cast %get3A_2156 : i32 to index
      %get3A_2158 = arith.constant 0 : index
      %get3A_2159 = tpu.vector_load %arg7[%get3A_2157, %get3A_2158] {strides = array<i32>} : memref<128x32xf32, #tpu.memory_space<vmem>>, vector<16xf32>,
      %get3A_2160 = arith.constant 65 : i32
      %get3A_2161 = arith.index_cast %get3A_2160 : i32 to index
      %get3A_2162 = arith.constant 16 : index
      %get3A_2163 = tpu.vector_load %arg7[%get3A_2161, %get3A_2162] {strides = array<i32>} : memref<128x32xf32, #tpu.memory_space<vmem>>, vector<16xf32>,
      tpu.vector_store_idx %arg9[%select_n3A, %select_n3A_48, %broadcast_in_dim3A_2155], %get3A_2159 : memref<4x8x129xf32, #tpu.memory_space<vmem>>[vector<16xi32>, vector<16xi32>, vector<16xi32>], vector<16xf32>,
      tpu.vector_store_idx %arg9[%add3A_28, %select_n3A_48, %broadcast_in_dim3A_2155], %get3A_2163 : memref<4x8x129xf32, #tpu.memory_space<vmem>>[vector<16xi32>, vector<16xi32>, vector<16xi32>], vector<16xf32>,
      %broadcast_in_dim3A_2164 = arith.constant 66 : i32
      %broadcast_in_dim3A_2165 = vector.broadcast %broadcast_in_dim3A_2164 : i32 to vector<16xi32>
      %get3A_2166 = arith.constant 66 : i32
      %get3A_2167 = arith.index_cast %get3A_2166 : i32 to index
      %get3A_2168 = arith.constant 0 : index
      %get3A_2169 = tpu.vector_load %arg7[%get3A_2167, %get3A_2168] {strides = array<i32>} : memref<128x32xf32, #tpu.memory_space<vmem>>, vector<16xf32>,
      %get3A_2170 = arith.constant 66 : i32
      %get3A_2171 = arith.index_cast %get3A_2170 : i32 to index
      %get3A_2172 = arith.constant 16 : index
      %get3A_2173 = tpu.vector_load %arg7[%get3A_2171, %get3A_2172] {strides = array<i32>} : memref<128x32xf32, #tpu.memory_space<vmem>>, vector<16xf32>,
      tpu.vector_store_idx %arg9[%select_n3A, %select_n3A_48, %broadcast_in_dim3A_2165], %get3A_2169 : memref<4x8x129xf32, #tpu.memory_space<vmem>>[vector<16xi32>, vector<16xi32>, vector<16xi32>], vector<16xf32>,
      tpu.vector_store_idx %arg9[%add3A_28, %select_n3A_48, %broadcast_in_dim3A_2165], %get3A_2173 : memref<4x8x129xf32, #tpu.memory_space<vmem>>[vector<16xi32>, vector<16xi32>, vector<16xi32>], vector<16xf32>,
      %broadcast_in_dim3A_2174 = arith.constant 67 : i32
      %broadcast_in_dim3A_2175 = vector.broadcast %broadcast_in_dim3A_2174 : i32 to vector<16xi32>
      %get3A_2176 = arith.constant 67 : i32
      %get3A_2177 = arith.index_cast %get3A_2176 : i32 to index
      %get3A_2178 = arith.constant 0 : index
      %get3A_2179 = tpu.vector_load %arg7[%get3A_2177, %get3A_2178] {strides = array<i32>} : memref<128x32xf32, #tpu.memory_space<vmem>>, vector<16xf32>,
      %get3A_2180 = arith.constant 67 : i32
      %get3A_2181 = arith.index_cast %get3A_2180 : i32 to index
      %get3A_2182 = arith.constant 16 : index
      %get3A_2183 = tpu.vector_load %arg7[%get3A_2181, %get3A_2182] {strides = array<i32>} : memref<128x32xf32, #tpu.memory_space<vmem>>, vector<16xf32>,
      tpu.vector_store_idx %arg9[%select_n3A, %select_n3A_48, %broadcast_in_dim3A_2175], %get3A_2179 : memref<4x8x129xf32, #tpu.memory_space<vmem>>[vector<16xi32>, vector<16xi32>, vector<16xi32>], vector<16xf32>,
      tpu.vector_store_idx %arg9[%add3A_28, %select_n3A_48, %broadcast_in_dim3A_2175], %get3A_2183 : memref<4x8x129xf32, #tpu.memory_space<vmem>>[vector<16xi32>, vector<16xi32>, vector<16xi32>], vector<16xf32>,
      %broadcast_in_dim3A_2184 = arith.constant 68 : i32
      %broadcast_in_dim3A_2185 = vector.broadcast %broadcast_in_dim3A_2184 : i32 to vector<16xi32>
      %get3A_2186 = arith.constant 68 : i32
      %get3A_2187 = arith.index_cast %get3A_2186 : i32 to index
      %get3A_2188 = arith.constant 0 : index
      %get3A_2189 = tpu.vector_load %arg7[%get3A_2187, %get3A_2188] {strides = array<i32>} : memref<128x32xf32, #tpu.memory_space<vmem>>, vector<16xf32>,
      %get3A_2190 = arith.constant 68 : i32
      %get3A_2191 = arith.index_cast %get3A_2190 : i32 to index
      %get3A_2192 = arith.constant 16 : index
      %get3A_2193 = tpu.vector_load %arg7[%get3A_2191, %get3A_2192] {strides = array<i32>} : memref<128x32xf32, #tpu.memory_space<vmem>>, vector<16xf32>,
      tpu.vector_store_idx %arg9[%select_n3A, %select_n3A_48, %broadcast_in_dim3A_2185], %get3A_2189 : memref<4x8x129xf32, #tpu.memory_space<vmem>>[vector<16xi32>, vector<16xi32>, vector<16xi32>], vector<16xf32>,
      tpu.vector_store_idx %arg9[%add3A_28, %select_n3A_48, %broadcast_in_dim3A_2185], %get3A_2193 : memref<4x8x129xf32, #tpu.memory_space<vmem>>[vector<16xi32>, vector<16xi32>, vector<16xi32>], vector<16xf32>,
      %broadcast_in_dim3A_2194 = arith.constant 69 : i32
      %broadcast_in_dim3A_2195 = vector.broadcast %broadcast_in_dim3A_2194 : i32 to vector<16xi32>
      %get3A_2196 = arith.constant 69 : i32
      %get3A_2197 = arith.index_cast %get3A_2196 : i32 to index
      %get3A_2198 = arith.constant 0 : index
      %get3A_2199 = tpu.vector_load %arg7[%get3A_2197, %get3A_2198] {strides = array<i32>} : memref<128x32xf32, #tpu.memory_space<vmem>>, vector<16xf32>,
      %get3A_2200 = arith.constant 69 : i32
      %get3A_2201 = arith.index_cast %get3A_2200 : i32 to index
      %get3A_2202 = arith.constant 16 : index
      %get3A_2203 = tpu.vector_load %arg7[%get3A_2201, %get3A_2202] {strides = array<i32>} : memref<128x32xf32, #tpu.memory_space<vmem>>, vector<16xf32>,
      tpu.vector_store_idx %arg9[%select_n3A, %select_n3A_48, %broadcast_in_dim3A_2195], %get3A_2199 : memref<4x8x129xf32, #tpu.memory_space<vmem>>[vector<16xi32>, vector<16xi32>, vector<16xi32>], vector<16xf32>,
      tpu.vector_store_idx %arg9[%add3A_28, %select_n3A_48, %broadcast_in_dim3A_2195], %get3A_2203 : memref<4x8x129xf32, #tpu.memory_space<vmem>>[vector<16xi32>, vector<16xi32>, vector<16xi32>], vector<16xf32>,
      %broadcast_in_dim3A_2204 = arith.constant 70 : i32
      %broadcast_in_dim3A_2205 = vector.broadcast %broadcast_in_dim3A_2204 : i32 to vector<16xi32>
      %get3A_2206 = arith.constant 70 : i32
      %get3A_2207 = arith.index_cast %get3A_2206 : i32 to index
      %get3A_2208 = arith.constant 0 : index
      %get3A_2209 = tpu.vector_load %arg7[%get3A_2207, %get3A_2208] {strides = array<i32>} : memref<128x32xf32, #tpu.memory_space<vmem>>, vector<16xf32>,
      %get3A_2210 = arith.constant 70 : i32
      %get3A_2211 = arith.index_cast %get3A_2210 : i32 to index
      %get3A_2212 = arith.constant 16 : index
      %get3A_2213 = tpu.vector_load %arg7[%get3A_2211, %get3A_2212] {strides = array<i32>} : memref<128x32xf32, #tpu.memory_space<vmem>>, vector<16xf32>,
      tpu.vector_store_idx %arg9[%select_n3A, %select_n3A_48, %broadcast_in_dim3A_2205], %get3A_2209 : memref<4x8x129xf32, #tpu.memory_space<vmem>>[vector<16xi32>, vector<16xi32>, vector<16xi32>], vector<16xf32>,
      tpu.vector_store_idx %arg9[%add3A_28, %select_n3A_48, %broadcast_in_dim3A_2205], %get3A_2213 : memref<4x8x129xf32, #tpu.memory_space<vmem>>[vector<16xi32>, vector<16xi32>, vector<16xi32>], vector<16xf32>,
      %broadcast_in_dim3A_2214 = arith.constant 71 : i32
      %broadcast_in_dim3A_2215 = vector.broadcast %broadcast_in_dim3A_2214 : i32 to vector<16xi32>
      %get3A_2216 = arith.constant 71 : i32
      %get3A_2217 = arith.index_cast %get3A_2216 : i32 to index
      %get3A_2218 = arith.constant 0 : index
      %get3A_2219 = tpu.vector_load %arg7[%get3A_2217, %get3A_2218] {strides = array<i32>} : memref<128x32xf32, #tpu.memory_space<vmem>>, vector<16xf32>,
      %get3A_2220 = arith.constant 71 : i32
      %get3A_2221 = arith.index_cast %get3A_2220 : i32 to index
      %get3A_2222 = arith.constant 16 : index
      %get3A_2223 = tpu.vector_load %arg7[%get3A_2221, %get3A_2222] {strides = array<i32>} : memref<128x32xf32, #tpu.memory_space<vmem>>, vector<16xf32>,
      tpu.vector_store_idx %arg9[%select_n3A, %select_n3A_48, %broadcast_in_dim3A_2215], %get3A_2219 : memref<4x8x129xf32, #tpu.memory_space<vmem>>[vector<16xi32>, vector<16xi32>, vector<16xi32>], vector<16xf32>,
      tpu.vector_store_idx %arg9[%add3A_28, %select_n3A_48, %broadcast_in_dim3A_2215], %get3A_2223 : memref<4x8x129xf32, #tpu.memory_space<vmem>>[vector<16xi32>, vector<16xi32>, vector<16xi32>], vector<16xf32>,
      %broadcast_in_dim3A_2224 = arith.constant 72 : i32
      %broadcast_in_dim3A_2225 = vector.broadcast %broadcast_in_dim3A_2224 : i32 to vector<16xi32>
      %get3A_2226 = arith.constant 72 : i32
      %get3A_2227 = arith.index_cast %get3A_2226 : i32 to index
      %get3A_2228 = arith.constant 0 : index
      %get3A_2229 = tpu.vector_load %arg7[%get3A_2227, %get3A_2228] {strides = array<i32>} : memref<128x32xf32, #tpu.memory_space<vmem>>, vector<16xf32>,
      %get3A_2230 = arith.constant 72 : i32
      %get3A_2231 = arith.index_cast %get3A_2230 : i32 to index
      %get3A_2232 = arith.constant 16 : index
      %get3A_2233 = tpu.vector_load %arg7[%get3A_2231, %get3A_2232] {strides = array<i32>} : memref<128x32xf32, #tpu.memory_space<vmem>>, vector<16xf32>,
      tpu.vector_store_idx %arg9[%select_n3A, %select_n3A_48, %broadcast_in_dim3A_2225], %get3A_2229 : memref<4x8x129xf32, #tpu.memory_space<vmem>>[vector<16xi32>, vector<16xi32>, vector<16xi32>], vector<16xf32>,
      tpu.vector_store_idx %arg9[%add3A_28, %select_n3A_48, %broadcast_in_dim3A_2225], %get3A_2233 : memref<4x8x129xf32, #tpu.memory_space<vmem>>[vector<16xi32>, vector<16xi32>, vector<16xi32>], vector<16xf32>,
      %broadcast_in_dim3A_2234 = arith.constant 73 : i32
      %broadcast_in_dim3A_2235 = vector.broadcast %broadcast_in_dim3A_2234 : i32 to vector<16xi32>
      %get3A_2236 = arith.constant 73 : i32
      %get3A_2237 = arith.index_cast %get3A_2236 : i32 to index
      %get3A_2238 = arith.constant 0 : index
      %get3A_2239 = tpu.vector_load %arg7[%get3A_2237, %get3A_2238] {strides = array<i32>} : memref<128x32xf32, #tpu.memory_space<vmem>>, vector<16xf32>,
      %get3A_2240 = arith.constant 73 : i32
      %get3A_2241 = arith.index_cast %get3A_2240 : i32 to index
      %get3A_2242 = arith.constant 16 : index
      %get3A_2243 = tpu.vector_load %arg7[%get3A_2241, %get3A_2242] {strides = array<i32>} : memref<128x32xf32, #tpu.memory_space<vmem>>, vector<16xf32>,
      tpu.vector_store_idx %arg9[%select_n3A, %select_n3A_48, %broadcast_in_dim3A_2235], %get3A_2239 : memref<4x8x129xf32, #tpu.memory_space<vmem>>[vector<16xi32>, vector<16xi32>, vector<16xi32>], vector<16xf32>,
      tpu.vector_store_idx %arg9[%add3A_28, %select_n3A_48, %broadcast_in_dim3A_2235], %get3A_2243 : memref<4x8x129xf32, #tpu.memory_space<vmem>>[vector<16xi32>, vector<16xi32>, vector<16xi32>], vector<16xf32>,
      %broadcast_in_dim3A_2244 = arith.constant 74 : i32
      %broadcast_in_dim3A_2245 = vector.broadcast %broadcast_in_dim3A_2244 : i32 to vector<16xi32>
      %get3A_2246 = arith.constant 74 : i32
      %get3A_2247 = arith.index_cast %get3A_2246 : i32 to index
      %get3A_2248 = arith.constant 0 : index
      %get3A_2249 = tpu.vector_load %arg7[%get3A_2247, %get3A_2248] {strides = array<i32>} : memref<128x32xf32, #tpu.memory_space<vmem>>, vector<16xf32>,
      %get3A_2250 = arith.constant 74 : i32
      %get3A_2251 = arith.index_cast %get3A_2250 : i32 to index
      %get3A_2252 = arith.constant 16 : index
      %get3A_2253 = tpu.vector_load %arg7[%get3A_2251, %get3A_2252] {strides = array<i32>} : memref<128x32xf32, #tpu.memory_space<vmem>>, vector<16xf32>,
      tpu.vector_store_idx %arg9[%select_n3A, %select_n3A_48, %broadcast_in_dim3A_2245], %get3A_2249 : memref<4x8x129xf32, #tpu.memory_space<vmem>>[vector<16xi32>, vector<16xi32>, vector<16xi32>], vector<16xf32>,
      tpu.vector_store_idx %arg9[%add3A_28, %select_n3A_48, %broadcast_in_dim3A_2245], %get3A_2253 : memref<4x8x129xf32, #tpu.memory_space<vmem>>[vector<16xi32>, vector<16xi32>, vector<16xi32>], vector<16xf32>,
      %broadcast_in_dim3A_2254 = arith.constant 75 : i32
      %broadcast_in_dim3A_2255 = vector.broadcast %broadcast_in_dim3A_2254 : i32 to vector<16xi32>
      %get3A_2256 = arith.constant 75 : i32
      %get3A_2257 = arith.index_cast %get3A_2256 : i32 to index
      %get3A_2258 = arith.constant 0 : index
      %get3A_2259 = tpu.vector_load %arg7[%get3A_2257, %get3A_2258] {strides = array<i32>} : memref<128x32xf32, #tpu.memory_space<vmem>>, vector<16xf32>,
      %get3A_2260 = arith.constant 75 : i32
      %get3A_2261 = arith.index_cast %get3A_2260 : i32 to index
      %get3A_2262 = arith.constant 16 : index
      %get3A_2263 = tpu.vector_load %arg7[%get3A_2261, %get3A_2262] {strides = array<i32>} : memref<128x32xf32, #tpu.memory_space<vmem>>, vector<16xf32>,
      tpu.vector_store_idx %arg9[%select_n3A, %select_n3A_48, %broadcast_in_dim3A_2255], %get3A_2259 : memref<4x8x129xf32, #tpu.memory_space<vmem>>[vector<16xi32>, vector<16xi32>, vector<16xi32>], vector<16xf32>,
      tpu.vector_store_idx %arg9[%add3A_28, %select_n3A_48, %broadcast_in_dim3A_2255], %get3A_2263 : memref<4x8x129xf32, #tpu.memory_space<vmem>>[vector<16xi32>, vector<16xi32>, vector<16xi32>], vector<16xf32>,
      %broadcast_in_dim3A_2264 = arith.constant 76 : i32
      %broadcast_in_dim3A_2265 = vector.broadcast %broadcast_in_dim3A_2264 : i32 to vector<16xi32>
      %get3A_2266 = arith.constant 76 : i32
      %get3A_2267 = arith.index_cast %get3A_2266 : i32 to index
      %get3A_2268 = arith.constant 0 : index
      %get3A_2269 = tpu.vector_load %arg7[%get3A_2267, %get3A_2268] {strides = array<i32>} : memref<128x32xf32, #tpu.memory_space<vmem>>, vector<16xf32>,
      %get3A_2270 = arith.constant 76 : i32
      %get3A_2271 = arith.index_cast %get3A_2270 : i32 to index
      %get3A_2272 = arith.constant 16 : index
      %get3A_2273 = tpu.vector_load %arg7[%get3A_2271, %get3A_2272] {strides = array<i32>} : memref<128x32xf32, #tpu.memory_space<vmem>>, vector<16xf32>,
      tpu.vector_store_idx %arg9[%select_n3A, %select_n3A_48, %broadcast_in_dim3A_2265], %get3A_2269 : memref<4x8x129xf32, #tpu.memory_space<vmem>>[vector<16xi32>, vector<16xi32>, vector<16xi32>], vector<16xf32>,
      tpu.vector_store_idx %arg9[%add3A_28, %select_n3A_48, %broadcast_in_dim3A_2265], %get3A_2273 : memref<4x8x129xf32, #tpu.memory_space<vmem>>[vector<16xi32>, vector<16xi32>, vector<16xi32>], vector<16xf32>,
      %broadcast_in_dim3A_2274 = arith.constant 77 : i32
      %broadcast_in_dim3A_2275 = vector.broadcast %broadcast_in_dim3A_2274 : i32 to vector<16xi32>
      %get3A_2276 = arith.constant 77 : i32
      %get3A_2277 = arith.index_cast %get3A_2276 : i32 to index
      %get3A_2278 = arith.constant 0 : index
      %get3A_2279 = tpu.vector_load %arg7[%get3A_2277, %get3A_2278] {strides = array<i32>} : memref<128x32xf32, #tpu.memory_space<vmem>>, vector<16xf32>,
      %get3A_2280 = arith.constant 77 : i32
      %get3A_2281 = arith.index_cast %get3A_2280 : i32 to index
      %get3A_2282 = arith.constant 16 : index
      %get3A_2283 = tpu.vector_load %arg7[%get3A_2281, %get3A_2282] {strides = array<i32>} : memref<128x32xf32, #tpu.memory_space<vmem>>, vector<16xf32>,
      tpu.vector_store_idx %arg9[%select_n3A, %select_n3A_48, %broadcast_in_dim3A_2275], %get3A_2279 : memref<4x8x129xf32, #tpu.memory_space<vmem>>[vector<16xi32>, vector<16xi32>, vector<16xi32>], vector<16xf32>,
      tpu.vector_store_idx %arg9[%add3A_28, %select_n3A_48, %broadcast_in_dim3A_2275], %get3A_2283 : memref<4x8x129xf32, #tpu.memory_space<vmem>>[vector<16xi32>, vector<16xi32>, vector<16xi32>], vector<16xf32>,
      %broadcast_in_dim3A_2284 = arith.constant 78 : i32
      %broadcast_in_dim3A_2285 = vector.broadcast %broadcast_in_dim3A_2284 : i32 to vector<16xi32>
      %get3A_2286 = arith.constant 78 : i32
      %get3A_2287 = arith.index_cast %get3A_2286 : i32 to index
      %get3A_2288 = arith.constant 0 : index
      %get3A_2289 = tpu.vector_load %arg7[%get3A_2287, %get3A_2288] {strides = array<i32>} : memref<128x32xf32, #tpu.memory_space<vmem>>, vector<16xf32>,
      %get3A_2290 = arith.constant 78 : i32
      %get3A_2291 = arith.index_cast %get3A_2290 : i32 to index
      %get3A_2292 = arith.constant 16 : index
      %get3A_2293 = tpu.vector_load %arg7[%get3A_2291, %get3A_2292] {strides = array<i32>} : memref<128x32xf32, #tpu.memory_space<vmem>>, vector<16xf32>,
      tpu.vector_store_idx %arg9[%select_n3A, %select_n3A_48, %broadcast_in_dim3A_2285], %get3A_2289 : memref<4x8x129xf32, #tpu.memory_space<vmem>>[vector<16xi32>, vector<16xi32>, vector<16xi32>], vector<16xf32>,
      tpu.vector_store_idx %arg9[%add3A_28, %select_n3A_48, %broadcast_in_dim3A_2285], %get3A_2293 : memref<4x8x129xf32, #tpu.memory_space<vmem>>[vector<16xi32>, vector<16xi32>, vector<16xi32>], vector<16xf32>,
      %broadcast_in_dim3A_2294 = arith.constant 79 : i32
      %broadcast_in_dim3A_2295 = vector.broadcast %broadcast_in_dim3A_2294 : i32 to vector<16xi32>
      %get3A_2296 = arith.constant 79 : i32
      %get3A_2297 = arith.index_cast %get3A_2296 : i32 to index
      %get3A_2298 = arith.constant 0 : index
      %get3A_2299 = tpu.vector_load %arg7[%get3A_2297, %get3A_2298] {strides = array<i32>} : memref<128x32xf32, #tpu.memory_space<vmem>>, vector<16xf32>,
      %get3A_2300 = arith.constant 79 : i32
      %get3A_2301 = arith.index_cast %get3A_2300 : i32 to index
      %get3A_2302 = arith.constant 16 : index
      %get3A_2303 = tpu.vector_load %arg7[%get3A_2301, %get3A_2302] {strides = array<i32>} : memref<128x32xf32, #tpu.memory_space<vmem>>, vector<16xf32>,
      tpu.vector_store_idx %arg9[%select_n3A, %select_n3A_48, %broadcast_in_dim3A_2295], %get3A_2299 : memref<4x8x129xf32, #tpu.memory_space<vmem>>[vector<16xi32>, vector<16xi32>, vector<16xi32>], vector<16xf32>,
      tpu.vector_store_idx %arg9[%add3A_28, %select_n3A_48, %broadcast_in_dim3A_2295], %get3A_2303 : memref<4x8x129xf32, #tpu.memory_space<vmem>>[vector<16xi32>, vector<16xi32>, vector<16xi32>], vector<16xf32>,
      %broadcast_in_dim3A_2304 = arith.constant 80 : i32
      %broadcast_in_dim3A_2305 = vector.broadcast %broadcast_in_dim3A_2304 : i32 to vector<16xi32>
      %get3A_2306 = arith.constant 80 : i32
      %get3A_2307 = arith.index_cast %get3A_2306 : i32 to index
      %get3A_2308 = arith.constant 0 : index
      %get3A_2309 = tpu.vector_load %arg7[%get3A_2307, %get3A_2308] {strides = array<i32>} : memref<128x32xf32, #tpu.memory_space<vmem>>, vector<16xf32>,
      %get3A_2310 = arith.constant 80 : i32
      %get3A_2311 = arith.index_cast %get3A_2310 : i32 to index
      %get3A_2312 = arith.constant 16 : index
      %get3A_2313 = tpu.vector_load %arg7[%get3A_2311, %get3A_2312] {strides = array<i32>} : memref<128x32xf32, #tpu.memory_space<vmem>>, vector<16xf32>,
      tpu.vector_store_idx %arg9[%select_n3A, %select_n3A_48, %broadcast_in_dim3A_2305], %get3A_2309 : memref<4x8x129xf32, #tpu.memory_space<vmem>>[vector<16xi32>, vector<16xi32>, vector<16xi32>], vector<16xf32>,
      tpu.vector_store_idx %arg9[%add3A_28, %select_n3A_48, %broadcast_in_dim3A_2305], %get3A_2313 : memref<4x8x129xf32, #tpu.memory_space<vmem>>[vector<16xi32>, vector<16xi32>, vector<16xi32>], vector<16xf32>,
      %broadcast_in_dim3A_2314 = arith.constant 81 : i32
      %broadcast_in_dim3A_2315 = vector.broadcast %broadcast_in_dim3A_2314 : i32 to vector<16xi32>
      %get3A_2316 = arith.constant 81 : i32
      %get3A_2317 = arith.index_cast %get3A_2316 : i32 to index
      %get3A_2318 = arith.constant 0 : index
      %get3A_2319 = tpu.vector_load %arg7[%get3A_2317, %get3A_2318] {strides = array<i32>} : memref<128x32xf32, #tpu.memory_space<vmem>>, vector<16xf32>,
      %get3A_2320 = arith.constant 81 : i32
      %get3A_2321 = arith.index_cast %get3A_2320 : i32 to index
      %get3A_2322 = arith.constant 16 : index
      %get3A_2323 = tpu.vector_load %arg7[%get3A_2321, %get3A_2322] {strides = array<i32>} : memref<128x32xf32, #tpu.memory_space<vmem>>, vector<16xf32>,
      tpu.vector_store_idx %arg9[%select_n3A, %select_n3A_48, %broadcast_in_dim3A_2315], %get3A_2319 : memref<4x8x129xf32, #tpu.memory_space<vmem>>[vector<16xi32>, vector<16xi32>, vector<16xi32>], vector<16xf32>,
      tpu.vector_store_idx %arg9[%add3A_28, %select_n3A_48, %broadcast_in_dim3A_2315], %get3A_2323 : memref<4x8x129xf32, #tpu.memory_space<vmem>>[vector<16xi32>, vector<16xi32>, vector<16xi32>], vector<16xf32>,
      %broadcast_in_dim3A_2324 = arith.constant 82 : i32
      %broadcast_in_dim3A_2325 = vector.broadcast %broadcast_in_dim3A_2324 : i32 to vector<16xi32>
      %get3A_2326 = arith.constant 82 : i32
      %get3A_2327 = arith.index_cast %get3A_2326 : i32 to index
      %get3A_2328 = arith.constant 0 : index
      %get3A_2329 = tpu.vector_load %arg7[%get3A_2327, %get3A_2328] {strides = array<i32>} : memref<128x32xf32, #tpu.memory_space<vmem>>, vector<16xf32>,
      %get3A_2330 = arith.constant 82 : i32
      %get3A_2331 = arith.index_cast %get3A_2330 : i32 to index
      %get3A_2332 = arith.constant 16 : index
      %get3A_2333 = tpu.vector_load %arg7[%get3A_2331, %get3A_2332] {strides = array<i32>} : memref<128x32xf32, #tpu.memory_space<vmem>>, vector<16xf32>,
      tpu.vector_store_idx %arg9[%select_n3A, %select_n3A_48, %broadcast_in_dim3A_2325], %get3A_2329 : memref<4x8x129xf32, #tpu.memory_space<vmem>>[vector<16xi32>, vector<16xi32>, vector<16xi32>], vector<16xf32>,
      tpu.vector_store_idx %arg9[%add3A_28, %select_n3A_48, %broadcast_in_dim3A_2325], %get3A_2333 : memref<4x8x129xf32, #tpu.memory_space<vmem>>[vector<16xi32>, vector<16xi32>, vector<16xi32>], vector<16xf32>,
      %broadcast_in_dim3A_2334 = arith.constant 83 : i32
      %broadcast_in_dim3A_2335 = vector.broadcast %broadcast_in_dim3A_2334 : i32 to vector<16xi32>
      %get3A_2336 = arith.constant 83 : i32
      %get3A_2337 = arith.index_cast %get3A_2336 : i32 to index
      %get3A_2338 = arith.constant 0 : index
      %get3A_2339 = tpu.vector_load %arg7[%get3A_2337, %get3A_2338] {strides = array<i32>} : memref<128x32xf32, #tpu.memory_space<vmem>>, vector<16xf32>,
      %get3A_2340 = arith.constant 83 : i32
      %get3A_2341 = arith.index_cast %get3A_2340 : i32 to index
      %get3A_2342 = arith.constant 16 : index
      %get3A_2343 = tpu.vector_load %arg7[%get3A_2341, %get3A_2342] {strides = array<i32>} : memref<128x32xf32, #tpu.memory_space<vmem>>, vector<16xf32>,
      tpu.vector_store_idx %arg9[%select_n3A, %select_n3A_48, %broadcast_in_dim3A_2335], %get3A_2339 : memref<4x8x129xf32, #tpu.memory_space<vmem>>[vector<16xi32>, vector<16xi32>, vector<16xi32>], vector<16xf32>,
      tpu.vector_store_idx %arg9[%add3A_28, %select_n3A_48, %broadcast_in_dim3A_2335], %get3A_2343 : memref<4x8x129xf32, #tpu.memory_space<vmem>>[vector<16xi32>, vector<16xi32>, vector<16xi32>], vector<16xf32>,
      %broadcast_in_dim3A_2344 = arith.constant 84 : i32
      %broadcast_in_dim3A_2345 = vector.broadcast %broadcast_in_dim3A_2344 : i32 to vector<16xi32>
      %get3A_2346 = arith.constant 84 : i32
      %get3A_2347 = arith.index_cast %get3A_2346 : i32 to index
      %get3A_2348 = arith.constant 0 : index
      %get3A_2349 = tpu.vector_load %arg7[%get3A_2347, %get3A_2348] {strides = array<i32>} : memref<128x32xf32, #tpu.memory_space<vmem>>, vector<16xf32>,
      %get3A_2350 = arith.constant 84 : i32
      %get3A_2351 = arith.index_cast %get3A_2350 : i32 to index
      %get3A_2352 = arith.constant 16 : index
      %get3A_2353 = tpu.vector_load %arg7[%get3A_2351, %get3A_2352] {strides = array<i32>} : memref<128x32xf32, #tpu.memory_space<vmem>>, vector<16xf32>,
      tpu.vector_store_idx %arg9[%select_n3A, %select_n3A_48, %broadcast_in_dim3A_2345], %get3A_2349 : memref<4x8x129xf32, #tpu.memory_space<vmem>>[vector<16xi32>, vector<16xi32>, vector<16xi32>], vector<16xf32>,
      tpu.vector_store_idx %arg9[%add3A_28, %select_n3A_48, %broadcast_in_dim3A_2345], %get3A_2353 : memref<4x8x129xf32, #tpu.memory_space<vmem>>[vector<16xi32>, vector<16xi32>, vector<16xi32>], vector<16xf32>,
      %broadcast_in_dim3A_2354 = arith.constant 85 : i32
      %broadcast_in_dim3A_2355 = vector.broadcast %broadcast_in_dim3A_2354 : i32 to vector<16xi32>
      %get3A_2356 = arith.constant 85 : i32
      %get3A_2357 = arith.index_cast %get3A_2356 : i32 to index
      %get3A_2358 = arith.constant 0 : index
      %get3A_2359 = tpu.vector_load %arg7[%get3A_2357, %get3A_2358] {strides = array<i32>} : memref<128x32xf32, #tpu.memory_space<vmem>>, vector<16xf32>,
      %get3A_2360 = arith.constant 85 : i32
      %get3A_2361 = arith.index_cast %get3A_2360 : i32 to index
      %get3A_2362 = arith.constant 16 : index
      %get3A_2363 = tpu.vector_load %arg7[%get3A_2361, %get3A_2362] {strides = array<i32>} : memref<128x32xf32, #tpu.memory_space<vmem>>, vector<16xf32>,
      tpu.vector_store_idx %arg9[%select_n3A, %select_n3A_48, %broadcast_in_dim3A_2355], %get3A_2359 : memref<4x8x129xf32, #tpu.memory_space<vmem>>[vector<16xi32>, vector<16xi32>, vector<16xi32>], vector<16xf32>,
      tpu.vector_store_idx %arg9[%add3A_28, %select_n3A_48, %broadcast_in_dim3A_2355], %get3A_2363 : memref<4x8x129xf32, #tpu.memory_space<vmem>>[vector<16xi32>, vector<16xi32>, vector<16xi32>], vector<16xf32>,
      %broadcast_in_dim3A_2364 = arith.constant 86 : i32
      %broadcast_in_dim3A_2365 = vector.broadcast %broadcast_in_dim3A_2364 : i32 to vector<16xi32>
      %get3A_2366 = arith.constant 86 : i32
      %get3A_2367 = arith.index_cast %get3A_2366 : i32 to index
      %get3A_2368 = arith.constant 0 : index
      %get3A_2369 = tpu.vector_load %arg7[%get3A_2367, %get3A_2368] {strides = array<i32>} : memref<128x32xf32, #tpu.memory_space<vmem>>, vector<16xf32>,
      %get3A_2370 = arith.constant 86 : i32
      %get3A_2371 = arith.index_cast %get3A_2370 : i32 to index
      %get3A_2372 = arith.constant 16 : index
      %get3A_2373 = tpu.vector_load %arg7[%get3A_2371, %get3A_2372] {strides = array<i32>} : memref<128x32xf32, #tpu.memory_space<vmem>>, vector<16xf32>,
      tpu.vector_store_idx %arg9[%select_n3A, %select_n3A_48, %broadcast_in_dim3A_2365], %get3A_2369 : memref<4x8x129xf32, #tpu.memory_space<vmem>>[vector<16xi32>, vector<16xi32>, vector<16xi32>], vector<16xf32>,
      tpu.vector_store_idx %arg9[%add3A_28, %select_n3A_48, %broadcast_in_dim3A_2365], %get3A_2373 : memref<4x8x129xf32, #tpu.memory_space<vmem>>[vector<16xi32>, vector<16xi32>, vector<16xi32>], vector<16xf32>,
      %broadcast_in_dim3A_2374 = arith.constant 87 : i32
      %broadcast_in_dim3A_2375 = vector.broadcast %broadcast_in_dim3A_2374 : i32 to vector<16xi32>
      %get3A_2376 = arith.constant 87 : i32
      %get3A_2377 = arith.index_cast %get3A_2376 : i32 to index
      %get3A_2378 = arith.constant 0 : index
      %get3A_2379 = tpu.vector_load %arg7[%get3A_2377, %get3A_2378] {strides = array<i32>} : memref<128x32xf32, #tpu.memory_space<vmem>>, vector<16xf32>,
      %get3A_2380 = arith.constant 87 : i32
      %get3A_2381 = arith.index_cast %get3A_2380 : i32 to index
      %get3A_2382 = arith.constant 16 : index
      %get3A_2383 = tpu.vector_load %arg7[%get3A_2381, %get3A_2382] {strides = array<i32>} : memref<128x32xf32, #tpu.memory_space<vmem>>, vector<16xf32>,
      tpu.vector_store_idx %arg9[%select_n3A, %select_n3A_48, %broadcast_in_dim3A_2375], %get3A_2379 : memref<4x8x129xf32, #tpu.memory_space<vmem>>[vector<16xi32>, vector<16xi32>, vector<16xi32>], vector<16xf32>,
      tpu.vector_store_idx %arg9[%add3A_28, %select_n3A_48, %broadcast_in_dim3A_2375], %get3A_2383 : memref<4x8x129xf32, #tpu.memory_space<vmem>>[vector<16xi32>, vector<16xi32>, vector<16xi32>], vector<16xf32>,
      %broadcast_in_dim3A_2384 = arith.constant 88 : i32
      %broadcast_in_dim3A_2385 = vector.broadcast %broadcast_in_dim3A_2384 : i32 to vector<16xi32>
      %get3A_2386 = arith.constant 88 : i32
      %get3A_2387 = arith.index_cast %get3A_2386 : i32 to index
      %get3A_2388 = arith.constant 0 : index
      %get3A_2389 = tpu.vector_load %arg7[%get3A_2387, %get3A_2388] {strides = array<i32>} : memref<128x32xf32, #tpu.memory_space<vmem>>, vector<16xf32>,
      %get3A_2390 = arith.constant 88 : i32
      %get3A_2391 = arith.index_cast %get3A_2390 : i32 to index
      %get3A_2392 = arith.constant 16 : index
      %get3A_2393 = tpu.vector_load %arg7[%get3A_2391, %get3A_2392] {strides = array<i32>} : memref<128x32xf32, #tpu.memory_space<vmem>>, vector<16xf32>,
      tpu.vector_store_idx %arg9[%select_n3A, %select_n3A_48, %broadcast_in_dim3A_2385], %get3A_2389 : memref<4x8x129xf32, #tpu.memory_space<vmem>>[vector<16xi32>, vector<16xi32>, vector<16xi32>], vector<16xf32>,
      tpu.vector_store_idx %arg9[%add3A_28, %select_n3A_48, %broadcast_in_dim3A_2385], %get3A_2393 : memref<4x8x129xf32, #tpu.memory_space<vmem>>[vector<16xi32>, vector<16xi32>, vector<16xi32>], vector<16xf32>,
      %broadcast_in_dim3A_2394 = arith.constant 89 : i32
      %broadcast_in_dim3A_2395 = vector.broadcast %broadcast_in_dim3A_2394 : i32 to vector<16xi32>
      %get3A_2396 = arith.constant 89 : i32
      %get3A_2397 = arith.index_cast %get3A_2396 : i32 to index
      %get3A_2398 = arith.constant 0 : index
      %get3A_2399 = tpu.vector_load %arg7[%get3A_2397, %get3A_2398] {strides = array<i32>} : memref<128x32xf32, #tpu.memory_space<vmem>>, vector<16xf32>,
      %get3A_2400 = arith.constant 89 : i32
      %get3A_2401 = arith.index_cast %get3A_2400 : i32 to index
      %get3A_2402 = arith.constant 16 : index
      %get3A_2403 = tpu.vector_load %arg7[%get3A_2401, %get3A_2402] {strides = array<i32>} : memref<128x32xf32, #tpu.memory_space<vmem>>, vector<16xf32>,
      tpu.vector_store_idx %arg9[%select_n3A, %select_n3A_48, %broadcast_in_dim3A_2395], %get3A_2399 : memref<4x8x129xf32, #tpu.memory_space<vmem>>[vector<16xi32>, vector<16xi32>, vector<16xi32>], vector<16xf32>,
      tpu.vector_store_idx %arg9[%add3A_28, %select_n3A_48, %broadcast_in_dim3A_2395], %get3A_2403 : memref<4x8x129xf32, #tpu.memory_space<vmem>>[vector<16xi32>, vector<16xi32>, vector<16xi32>], vector<16xf32>,
      %broadcast_in_dim3A_2404 = arith.constant 90 : i32
      %broadcast_in_dim3A_2405 = vector.broadcast %broadcast_in_dim3A_2404 : i32 to vector<16xi32>
      %get3A_2406 = arith.constant 90 : i32
      %get3A_2407 = arith.index_cast %get3A_2406 : i32 to index
      %get3A_2408 = arith.constant 0 : index
      %get3A_2409 = tpu.vector_load %arg7[%get3A_2407, %get3A_2408] {strides = array<i32>} : memref<128x32xf32, #tpu.memory_space<vmem>>, vector<16xf32>,
      %get3A_2410 = arith.constant 90 : i32
      %get3A_2411 = arith.index_cast %get3A_2410 : i32 to index
      %get3A_2412 = arith.constant 16 : index
      %get3A_2413 = tpu.vector_load %arg7[%get3A_2411, %get3A_2412] {strides = array<i32>} : memref<128x32xf32, #tpu.memory_space<vmem>>, vector<16xf32>,
      tpu.vector_store_idx %arg9[%select_n3A, %select_n3A_48, %broadcast_in_dim3A_2405], %get3A_2409 : memref<4x8x129xf32, #tpu.memory_space<vmem>>[vector<16xi32>, vector<16xi32>, vector<16xi32>], vector<16xf32>,
      tpu.vector_store_idx %arg9[%add3A_28, %select_n3A_48, %broadcast_in_dim3A_2405], %get3A_2413 : memref<4x8x129xf32, #tpu.memory_space<vmem>>[vector<16xi32>, vector<16xi32>, vector<16xi32>], vector<16xf32>,
      %broadcast_in_dim3A_2414 = arith.constant 91 : i32
      %broadcast_in_dim3A_2415 = vector.broadcast %broadcast_in_dim3A_2414 : i32 to vector<16xi32>
      %get3A_2416 = arith.constant 91 : i32
      %get3A_2417 = arith.index_cast %get3A_2416 : i32 to index
      %get3A_2418 = arith.constant 0 : index
      %get3A_2419 = tpu.vector_load %arg7[%get3A_2417, %get3A_2418] {strides = array<i32>} : memref<128x32xf32, #tpu.memory_space<vmem>>, vector<16xf32>,
      %get3A_2420 = arith.constant 91 : i32
      %get3A_2421 = arith.index_cast %get3A_2420 : i32 to index
      %get3A_2422 = arith.constant 16 : index
      %get3A_2423 = tpu.vector_load %arg7[%get3A_2421, %get3A_2422] {strides = array<i32>} : memref<128x32xf32, #tpu.memory_space<vmem>>, vector<16xf32>,
      tpu.vector_store_idx %arg9[%select_n3A, %select_n3A_48, %broadcast_in_dim3A_2415], %get3A_2419 : memref<4x8x129xf32, #tpu.memory_space<vmem>>[vector<16xi32>, vector<16xi32>, vector<16xi32>], vector<16xf32>,
      tpu.vector_store_idx %arg9[%add3A_28, %select_n3A_48, %broadcast_in_dim3A_2415], %get3A_2423 : memref<4x8x129xf32, #tpu.memory_space<vmem>>[vector<16xi32>, vector<16xi32>, vector<16xi32>], vector<16xf32>,
      %broadcast_in_dim3A_2424 = arith.constant 92 : i32
      %broadcast_in_dim3A_2425 = vector.broadcast %broadcast_in_dim3A_2424 : i32 to vector<16xi32>
      %get3A_2426 = arith.constant 92 : i32
      %get3A_2427 = arith.index_cast %get3A_2426 : i32 to index
      %get3A_2428 = arith.constant 0 : index
      %get3A_2429 = tpu.vector_load %arg7[%get3A_2427, %get3A_2428] {strides = array<i32>} : memref<128x32xf32, #tpu.memory_space<vmem>>, vector<16xf32>,
      %get3A_2430 = arith.constant 92 : i32
      %get3A_2431 = arith.index_cast %get3A_2430 : i32 to index
      %get3A_2432 = arith.constant 16 : index
      %get3A_2433 = tpu.vector_load %arg7[%get3A_2431, %get3A_2432] {strides = array<i32>} : memref<128x32xf32, #tpu.memory_space<vmem>>, vector<16xf32>,
      tpu.vector_store_idx %arg9[%select_n3A, %select_n3A_48, %broadcast_in_dim3A_2425], %get3A_2429 : memref<4x8x129xf32, #tpu.memory_space<vmem>>[vector<16xi32>, vector<16xi32>, vector<16xi32>], vector<16xf32>,
      tpu.vector_store_idx %arg9[%add3A_28, %select_n3A_48, %broadcast_in_dim3A_2425], %get3A_2433 : memref<4x8x129xf32, #tpu.memory_space<vmem>>[vector<16xi32>, vector<16xi32>, vector<16xi32>], vector<16xf32>,
      %broadcast_in_dim3A_2434 = arith.constant 93 : i32
      %broadcast_in_dim3A_2435 = vector.broadcast %broadcast_in_dim3A_2434 : i32 to vector<16xi32>
      %get3A_2436 = arith.constant 93 : i32
      %get3A_2437 = arith.index_cast %get3A_2436 : i32 to index
      %get3A_2438 = arith.constant 0 : index
      %get3A_2439 = tpu.vector_load %arg7[%get3A_2437, %get3A_2438] {strides = array<i32>} : memref<128x32xf32, #tpu.memory_space<vmem>>, vector<16xf32>,
      %get3A_2440 = arith.constant 93 : i32
      %get3A_2441 = arith.index_cast %get3A_2440 : i32 to index
      %get3A_2442 = arith.constant 16 : index
      %get3A_2443 = tpu.vector_load %arg7[%get3A_2441, %get3A_2442] {strides = array<i32>} : memref<128x32xf32, #tpu.memory_space<vmem>>, vector<16xf32>,
      tpu.vector_store_idx %arg9[%select_n3A, %select_n3A_48, %broadcast_in_dim3A_2435], %get3A_2439 : memref<4x8x129xf32, #tpu.memory_space<vmem>>[vector<16xi32>, vector<16xi32>, vector<16xi32>], vector<16xf32>,
      tpu.vector_store_idx %arg9[%add3A_28, %select_n3A_48, %broadcast_in_dim3A_2435], %get3A_2443 : memref<4x8x129xf32, #tpu.memory_space<vmem>>[vector<16xi32>, vector<16xi32>, vector<16xi32>], vector<16xf32>,
      %broadcast_in_dim3A_2444 = arith.constant 94 : i32
      %broadcast_in_dim3A_2445 = vector.broadcast %broadcast_in_dim3A_2444 : i32 to vector<16xi32>
      %get3A_2446 = arith.constant 94 : i32
      %get3A_2447 = arith.index_cast %get3A_2446 : i32 to index
      %get3A_2448 = arith.constant 0 : index
      %get3A_2449 = tpu.vector_load %arg7[%get3A_2447, %get3A_2448] {strides = array<i32>} : memref<128x32xf32, #tpu.memory_space<vmem>>, vector<16xf32>,
      %get3A_2450 = arith.constant 94 : i32
      %get3A_2451 = arith.index_cast %get3A_2450 : i32 to index
      %get3A_2452 = arith.constant 16 : index
      %get3A_2453 = tpu.vector_load %arg7[%get3A_2451, %get3A_2452] {strides = array<i32>} : memref<128x32xf32, #tpu.memory_space<vmem>>, vector<16xf32>,
      tpu.vector_store_idx %arg9[%select_n3A, %select_n3A_48, %broadcast_in_dim3A_2445], %get3A_2449 : memref<4x8x129xf32, #tpu.memory_space<vmem>>[vector<16xi32>, vector<16xi32>, vector<16xi32>], vector<16xf32>,
      tpu.vector_store_idx %arg9[%add3A_28, %select_n3A_48, %broadcast_in_dim3A_2445], %get3A_2453 : memref<4x8x129xf32, #tpu.memory_space<vmem>>[vector<16xi32>, vector<16xi32>, vector<16xi32>], vector<16xf32>,
      %broadcast_in_dim3A_2454 = arith.constant 95 : i32
      %broadcast_in_dim3A_2455 = vector.broadcast %broadcast_in_dim3A_2454 : i32 to vector<16xi32>
      %get3A_2456 = arith.constant 95 : i32
      %get3A_2457 = arith.index_cast %get3A_2456 : i32 to index
      %get3A_2458 = arith.constant 0 : index
      %get3A_2459 = tpu.vector_load %arg7[%get3A_2457, %get3A_2458] {strides = array<i32>} : memref<128x32xf32, #tpu.memory_space<vmem>>, vector<16xf32>,
      %get3A_2460 = arith.constant 95 : i32
      %get3A_2461 = arith.index_cast %get3A_2460 : i32 to index
      %get3A_2462 = arith.constant 16 : index
      %get3A_2463 = tpu.vector_load %arg7[%get3A_2461, %get3A_2462] {strides = array<i32>} : memref<128x32xf32, #tpu.memory_space<vmem>>, vector<16xf32>,
      tpu.vector_store_idx %arg9[%select_n3A, %select_n3A_48, %broadcast_in_dim3A_2455], %get3A_2459 : memref<4x8x129xf32, #tpu.memory_space<vmem>>[vector<16xi32>, vector<16xi32>, vector<16xi32>], vector<16xf32>,
      tpu.vector_store_idx %arg9[%add3A_28, %select_n3A_48, %broadcast_in_dim3A_2455], %get3A_2463 : memref<4x8x129xf32, #tpu.memory_space<vmem>>[vector<16xi32>, vector<16xi32>, vector<16xi32>], vector<16xf32>,
      %broadcast_in_dim3A_2464 = arith.constant 96 : i32
      %broadcast_in_dim3A_2465 = vector.broadcast %broadcast_in_dim3A_2464 : i32 to vector<16xi32>
      %get3A_2466 = arith.constant 96 : i32
      %get3A_2467 = arith.index_cast %get3A_2466 : i32 to index
      %get3A_2468 = arith.constant 0 : index
      %get3A_2469 = tpu.vector_load %arg7[%get3A_2467, %get3A_2468] {strides = array<i32>} : memref<128x32xf32, #tpu.memory_space<vmem>>, vector<16xf32>,
      %get3A_2470 = arith.constant 96 : i32
      %get3A_2471 = arith.index_cast %get3A_2470 : i32 to index
      %get3A_2472 = arith.constant 16 : index
      %get3A_2473 = tpu.vector_load %arg7[%get3A_2471, %get3A_2472] {strides = array<i32>} : memref<128x32xf32, #tpu.memory_space<vmem>>, vector<16xf32>,
      tpu.vector_store_idx %arg9[%select_n3A, %select_n3A_48, %broadcast_in_dim3A_2465], %get3A_2469 : memref<4x8x129xf32, #tpu.memory_space<vmem>>[vector<16xi32>, vector<16xi32>, vector<16xi32>], vector<16xf32>,
      tpu.vector_store_idx %arg9[%add3A_28, %select_n3A_48, %broadcast_in_dim3A_2465], %get3A_2473 : memref<4x8x129xf32, #tpu.memory_space<vmem>>[vector<16xi32>, vector<16xi32>, vector<16xi32>], vector<16xf32>,
      %broadcast_in_dim3A_2474 = arith.constant 97 : i32
      %broadcast_in_dim3A_2475 = vector.broadcast %broadcast_in_dim3A_2474 : i32 to vector<16xi32>
      %get3A_2476 = arith.constant 97 : i32
      %get3A_2477 = arith.index_cast %get3A_2476 : i32 to index
      %get3A_2478 = arith.constant 0 : index
      %get3A_2479 = tpu.vector_load %arg7[%get3A_2477, %get3A_2478] {strides = array<i32>} : memref<128x32xf32, #tpu.memory_space<vmem>>, vector<16xf32>,
      %get3A_2480 = arith.constant 97 : i32
      %get3A_2481 = arith.index_cast %get3A_2480 : i32 to index
      %get3A_2482 = arith.constant 16 : index
      %get3A_2483 = tpu.vector_load %arg7[%get3A_2481, %get3A_2482] {strides = array<i32>} : memref<128x32xf32, #tpu.memory_space<vmem>>, vector<16xf32>,
      tpu.vector_store_idx %arg9[%select_n3A, %select_n3A_48, %broadcast_in_dim3A_2475], %get3A_2479 : memref<4x8x129xf32, #tpu.memory_space<vmem>>[vector<16xi32>, vector<16xi32>, vector<16xi32>], vector<16xf32>,
      tpu.vector_store_idx %arg9[%add3A_28, %select_n3A_48, %broadcast_in_dim3A_2475], %get3A_2483 : memref<4x8x129xf32, #tpu.memory_space<vmem>>[vector<16xi32>, vector<16xi32>, vector<16xi32>], vector<16xf32>,
      %broadcast_in_dim3A_2484 = arith.constant 98 : i32
      %broadcast_in_dim3A_2485 = vector.broadcast %broadcast_in_dim3A_2484 : i32 to vector<16xi32>
      %get3A_2486 = arith.constant 98 : i32
      %get3A_2487 = arith.index_cast %get3A_2486 : i32 to index
      %get3A_2488 = arith.constant 0 : index
      %get3A_2489 = tpu.vector_load %arg7[%get3A_2487, %get3A_2488] {strides = array<i32>} : memref<128x32xf32, #tpu.memory_space<vmem>>, vector<16xf32>,
      %get3A_2490 = arith.constant 98 : i32
      %get3A_2491 = arith.index_cast %get3A_2490 : i32 to index
      %get3A_2492 = arith.constant 16 : index
      %get3A_2493 = tpu.vector_load %arg7[%get3A_2491, %get3A_2492] {strides = array<i32>} : memref<128x32xf32, #tpu.memory_space<vmem>>, vector<16xf32>,
      tpu.vector_store_idx %arg9[%select_n3A, %select_n3A_48, %broadcast_in_dim3A_2485], %get3A_2489 : memref<4x8x129xf32, #tpu.memory_space<vmem>>[vector<16xi32>, vector<16xi32>, vector<16xi32>], vector<16xf32>,
      tpu.vector_store_idx %arg9[%add3A_28, %select_n3A_48, %broadcast_in_dim3A_2485], %get3A_2493 : memref<4x8x129xf32, #tpu.memory_space<vmem>>[vector<16xi32>, vector<16xi32>, vector<16xi32>], vector<16xf32>,
      %broadcast_in_dim3A_2494 = arith.constant 99 : i32
      %broadcast_in_dim3A_2495 = vector.broadcast %broadcast_in_dim3A_2494 : i32 to vector<16xi32>
      %get3A_2496 = arith.constant 99 : i32
      %get3A_2497 = arith.index_cast %get3A_2496 : i32 to index
      %get3A_2498 = arith.constant 0 : index
      %get3A_2499 = tpu.vector_load %arg7[%get3A_2497, %get3A_2498] {strides = array<i32>} : memref<128x32xf32, #tpu.memory_space<vmem>>, vector<16xf32>,
      %get3A_2500 = arith.constant 99 : i32
      %get3A_2501 = arith.index_cast %get3A_2500 : i32 to index
      %get3A_2502 = arith.constant 16 : index
      %get3A_2503 = tpu.vector_load %arg7[%get3A_2501, %get3A_2502] {strides = array<i32>} : memref<128x32xf32, #tpu.memory_space<vmem>>, vector<16xf32>,
      tpu.vector_store_idx %arg9[%select_n3A, %select_n3A_48, %broadcast_in_dim3A_2495], %get3A_2499 : memref<4x8x129xf32, #tpu.memory_space<vmem>>[vector<16xi32>, vector<16xi32>, vector<16xi32>], vector<16xf32>,
      tpu.vector_store_idx %arg9[%add3A_28, %select_n3A_48, %broadcast_in_dim3A_2495], %get3A_2503 : memref<4x8x129xf32, #tpu.memory_space<vmem>>[vector<16xi32>, vector<16xi32>, vector<16xi32>], vector<16xf32>,
      %broadcast_in_dim3A_2504 = arith.constant 100 : i32
      %broadcast_in_dim3A_2505 = vector.broadcast %broadcast_in_dim3A_2504 : i32 to vector<16xi32>
      %get3A_2506 = arith.constant 100 : i32
      %get3A_2507 = arith.index_cast %get3A_2506 : i32 to index
      %get3A_2508 = arith.constant 0 : index
      %get3A_2509 = tpu.vector_load %arg7[%get3A_2507, %get3A_2508] {strides = array<i32>} : memref<128x32xf32, #tpu.memory_space<vmem>>, vector<16xf32>,
      %get3A_2510 = arith.constant 100 : i32
      %get3A_2511 = arith.index_cast %get3A_2510 : i32 to index
      %get3A_2512 = arith.constant 16 : index
      %get3A_2513 = tpu.vector_load %arg7[%get3A_2511, %get3A_2512] {strides = array<i32>} : memref<128x32xf32, #tpu.memory_space<vmem>>, vector<16xf32>,
      tpu.vector_store_idx %arg9[%select_n3A, %select_n3A_48, %broadcast_in_dim3A_2505], %get3A_2509 : memref<4x8x129xf32, #tpu.memory_space<vmem>>[vector<16xi32>, vector<16xi32>, vector<16xi32>], vector<16xf32>,
      tpu.vector_store_idx %arg9[%add3A_28, %select_n3A_48, %broadcast_in_dim3A_2505], %get3A_2513 : memref<4x8x129xf32, #tpu.memory_space<vmem>>[vector<16xi32>, vector<16xi32>, vector<16xi32>], vector<16xf32>,
      %broadcast_in_dim3A_2514 = arith.constant 101 : i32
      %broadcast_in_dim3A_2515 = vector.broadcast %broadcast_in_dim3A_2514 : i32 to vector<16xi32>
      %get3A_2516 = arith.constant 101 : i32
      %get3A_2517 = arith.index_cast %get3A_2516 : i32 to index
      %get3A_2518 = arith.constant 0 : index
      %get3A_2519 = tpu.vector_load %arg7[%get3A_2517, %get3A_2518] {strides = array<i32>} : memref<128x32xf32, #tpu.memory_space<vmem>>, vector<16xf32>,
      %get3A_2520 = arith.constant 101 : i32
      %get3A_2521 = arith.index_cast %get3A_2520 : i32 to index
      %get3A_2522 = arith.constant 16 : index
      %get3A_2523 = tpu.vector_load %arg7[%get3A_2521, %get3A_2522] {strides = array<i32>} : memref<128x32xf32, #tpu.memory_space<vmem>>, vector<16xf32>,
      tpu.vector_store_idx %arg9[%select_n3A, %select_n3A_48, %broadcast_in_dim3A_2515], %get3A_2519 : memref<4x8x129xf32, #tpu.memory_space<vmem>>[vector<16xi32>, vector<16xi32>, vector<16xi32>], vector<16xf32>,
      tpu.vector_store_idx %arg9[%add3A_28, %select_n3A_48, %broadcast_in_dim3A_2515], %get3A_2523 : memref<4x8x129xf32, #tpu.memory_space<vmem>>[vector<16xi32>, vector<16xi32>, vector<16xi32>], vector<16xf32>,
      %broadcast_in_dim3A_2524 = arith.constant 102 : i32
      %broadcast_in_dim3A_2525 = vector.broadcast %broadcast_in_dim3A_2524 : i32 to vector<16xi32>
      %get3A_2526 = arith.constant 102 : i32
      %get3A_2527 = arith.index_cast %get3A_2526 : i32 to index
      %get3A_2528 = arith.constant 0 : index
      %get3A_2529 = tpu.vector_load %arg7[%get3A_2527, %get3A_2528] {strides = array<i32>} : memref<128x32xf32, #tpu.memory_space<vmem>>, vector<16xf32>,
      %get3A_2530 = arith.constant 102 : i32
      %get3A_2531 = arith.index_cast %get3A_2530 : i32 to index
      %get3A_2532 = arith.constant 16 : index
      %get3A_2533 = tpu.vector_load %arg7[%get3A_2531, %get3A_2532] {strides = array<i32>} : memref<128x32xf32, #tpu.memory_space<vmem>>, vector<16xf32>,
      tpu.vector_store_idx %arg9[%select_n3A, %select_n3A_48, %broadcast_in_dim3A_2525], %get3A_2529 : memref<4x8x129xf32, #tpu.memory_space<vmem>>[vector<16xi32>, vector<16xi32>, vector<16xi32>], vector<16xf32>,
      tpu.vector_store_idx %arg9[%add3A_28, %select_n3A_48, %broadcast_in_dim3A_2525], %get3A_2533 : memref<4x8x129xf32, #tpu.memory_space<vmem>>[vector<16xi32>, vector<16xi32>, vector<16xi32>], vector<16xf32>,
      %broadcast_in_dim3A_2534 = arith.constant 103 : i32
      %broadcast_in_dim3A_2535 = vector.broadcast %broadcast_in_dim3A_2534 : i32 to vector<16xi32>
      %get3A_2536 = arith.constant 103 : i32
      %get3A_2537 = arith.index_cast %get3A_2536 : i32 to index
      %get3A_2538 = arith.constant 0 : index
      %get3A_2539 = tpu.vector_load %arg7[%get3A_2537, %get3A_2538] {strides = array<i32>} : memref<128x32xf32, #tpu.memory_space<vmem>>, vector<16xf32>,
      %get3A_2540 = arith.constant 103 : i32
      %get3A_2541 = arith.index_cast %get3A_2540 : i32 to index
      %get3A_2542 = arith.constant 16 : index
      %get3A_2543 = tpu.vector_load %arg7[%get3A_2541, %get3A_2542] {strides = array<i32>} : memref<128x32xf32, #tpu.memory_space<vmem>>, vector<16xf32>,
      tpu.vector_store_idx %arg9[%select_n3A, %select_n3A_48, %broadcast_in_dim3A_2535], %get3A_2539 : memref<4x8x129xf32, #tpu.memory_space<vmem>>[vector<16xi32>, vector<16xi32>, vector<16xi32>], vector<16xf32>,
      tpu.vector_store_idx %arg9[%add3A_28, %select_n3A_48, %broadcast_in_dim3A_2535], %get3A_2543 : memref<4x8x129xf32, #tpu.memory_space<vmem>>[vector<16xi32>, vector<16xi32>, vector<16xi32>], vector<16xf32>,
      %broadcast_in_dim3A_2544 = arith.constant 104 : i32
      %broadcast_in_dim3A_2545 = vector.broadcast %broadcast_in_dim3A_2544 : i32 to vector<16xi32>
      %get3A_2546 = arith.constant 104 : i32
      %get3A_2547 = arith.index_cast %get3A_2546 : i32 to index
      %get3A_2548 = arith.constant 0 : index
      %get3A_2549 = tpu.vector_load %arg7[%get3A_2547, %get3A_2548] {strides = array<i32>} : memref<128x32xf32, #tpu.memory_space<vmem>>, vector<16xf32>,
      %get3A_2550 = arith.constant 104 : i32
      %get3A_2551 = arith.index_cast %get3A_2550 : i32 to index
      %get3A_2552 = arith.constant 16 : index
      %get3A_2553 = tpu.vector_load %arg7[%get3A_2551, %get3A_2552] {strides = array<i32>} : memref<128x32xf32, #tpu.memory_space<vmem>>, vector<16xf32>,
      tpu.vector_store_idx %arg9[%select_n3A, %select_n3A_48, %broadcast_in_dim3A_2545], %get3A_2549 : memref<4x8x129xf32, #tpu.memory_space<vmem>>[vector<16xi32>, vector<16xi32>, vector<16xi32>], vector<16xf32>,
      tpu.vector_store_idx %arg9[%add3A_28, %select_n3A_48, %broadcast_in_dim3A_2545], %get3A_2553 : memref<4x8x129xf32, #tpu.memory_space<vmem>>[vector<16xi32>, vector<16xi32>, vector<16xi32>], vector<16xf32>,
      %broadcast_in_dim3A_2554 = arith.constant 105 : i32
      %broadcast_in_dim3A_2555 = vector.broadcast %broadcast_in_dim3A_2554 : i32 to vector<16xi32>
      %get3A_2556 = arith.constant 105 : i32
      %get3A_2557 = arith.index_cast %get3A_2556 : i32 to index
      %get3A_2558 = arith.constant 0 : index
      %get3A_2559 = tpu.vector_load %arg7[%get3A_2557, %get3A_2558] {strides = array<i32>} : memref<128x32xf32, #tpu.memory_space<vmem>>, vector<16xf32>,
      %get3A_2560 = arith.constant 105 : i32
      %get3A_2561 = arith.index_cast %get3A_2560 : i32 to index
      %get3A_2562 = arith.constant 16 : index
      %get3A_2563 = tpu.vector_load %arg7[%get3A_2561, %get3A_2562] {strides = array<i32>} : memref<128x32xf32, #tpu.memory_space<vmem>>, vector<16xf32>,
      tpu.vector_store_idx %arg9[%select_n3A, %select_n3A_48, %broadcast_in_dim3A_2555], %get3A_2559 : memref<4x8x129xf32, #tpu.memory_space<vmem>>[vector<16xi32>, vector<16xi32>, vector<16xi32>], vector<16xf32>,
      tpu.vector_store_idx %arg9[%add3A_28, %select_n3A_48, %broadcast_in_dim3A_2555], %get3A_2563 : memref<4x8x129xf32, #tpu.memory_space<vmem>>[vector<16xi32>, vector<16xi32>, vector<16xi32>], vector<16xf32>,
      %broadcast_in_dim3A_2564 = arith.constant 106 : i32
      %broadcast_in_dim3A_2565 = vector.broadcast %broadcast_in_dim3A_2564 : i32 to vector<16xi32>
      %get3A_2566 = arith.constant 106 : i32
      %get3A_2567 = arith.index_cast %get3A_2566 : i32 to index
      %get3A_2568 = arith.constant 0 : index
      %get3A_2569 = tpu.vector_load %arg7[%get3A_2567, %get3A_2568] {strides = array<i32>} : memref<128x32xf32, #tpu.memory_space<vmem>>, vector<16xf32>,
      %get3A_2570 = arith.constant 106 : i32
      %get3A_2571 = arith.index_cast %get3A_2570 : i32 to index
      %get3A_2572 = arith.constant 16 : index
      %get3A_2573 = tpu.vector_load %arg7[%get3A_2571, %get3A_2572] {strides = array<i32>} : memref<128x32xf32, #tpu.memory_space<vmem>>, vector<16xf32>,
      tpu.vector_store_idx %arg9[%select_n3A, %select_n3A_48, %broadcast_in_dim3A_2565], %get3A_2569 : memref<4x8x129xf32, #tpu.memory_space<vmem>>[vector<16xi32>, vector<16xi32>, vector<16xi32>], vector<16xf32>,
      tpu.vector_store_idx %arg9[%add3A_28, %select_n3A_48, %broadcast_in_dim3A_2565], %get3A_2573 : memref<4x8x129xf32, #tpu.memory_space<vmem>>[vector<16xi32>, vector<16xi32>, vector<16xi32>], vector<16xf32>,
      %broadcast_in_dim3A_2574 = arith.constant 107 : i32
      %broadcast_in_dim3A_2575 = vector.broadcast %broadcast_in_dim3A_2574 : i32 to vector<16xi32>
      %get3A_2576 = arith.constant 107 : i32
      %get3A_2577 = arith.index_cast %get3A_2576 : i32 to index
      %get3A_2578 = arith.constant 0 : index
      %get3A_2579 = tpu.vector_load %arg7[%get3A_2577, %get3A_2578] {strides = array<i32>} : memref<128x32xf32, #tpu.memory_space<vmem>>, vector<16xf32>,
      %get3A_2580 = arith.constant 107 : i32
      %get3A_2581 = arith.index_cast %get3A_2580 : i32 to index
      %get3A_2582 = arith.constant 16 : index
      %get3A_2583 = tpu.vector_load %arg7[%get3A_2581, %get3A_2582] {strides = array<i32>} : memref<128x32xf32, #tpu.memory_space<vmem>>, vector<16xf32>,
      tpu.vector_store_idx %arg9[%select_n3A, %select_n3A_48, %broadcast_in_dim3A_2575], %get3A_2579 : memref<4x8x129xf32, #tpu.memory_space<vmem>>[vector<16xi32>, vector<16xi32>, vector<16xi32>], vector<16xf32>,
      tpu.vector_store_idx %arg9[%add3A_28, %select_n3A_48, %broadcast_in_dim3A_2575], %get3A_2583 : memref<4x8x129xf32, #tpu.memory_space<vmem>>[vector<16xi32>, vector<16xi32>, vector<16xi32>], vector<16xf32>,
      %broadcast_in_dim3A_2584 = arith.constant 108 : i32
      %broadcast_in_dim3A_2585 = vector.broadcast %broadcast_in_dim3A_2584 : i32 to vector<16xi32>
      %get3A_2586 = arith.constant 108 : i32
      %get3A_2587 = arith.index_cast %get3A_2586 : i32 to index
      %get3A_2588 = arith.constant 0 : index
      %get3A_2589 = tpu.vector_load %arg7[%get3A_2587, %get3A_2588] {strides = array<i32>} : memref<128x32xf32, #tpu.memory_space<vmem>>, vector<16xf32>,
      %get3A_2590 = arith.constant 108 : i32
      %get3A_2591 = arith.index_cast %get3A_2590 : i32 to index
      %get3A_2592 = arith.constant 16 : index
      %get3A_2593 = tpu.vector_load %arg7[%get3A_2591, %get3A_2592] {strides = array<i32>} : memref<128x32xf32, #tpu.memory_space<vmem>>, vector<16xf32>,
      tpu.vector_store_idx %arg9[%select_n3A, %select_n3A_48, %broadcast_in_dim3A_2585], %get3A_2589 : memref<4x8x129xf32, #tpu.memory_space<vmem>>[vector<16xi32>, vector<16xi32>, vector<16xi32>], vector<16xf32>,
      tpu.vector_store_idx %arg9[%add3A_28, %select_n3A_48, %broadcast_in_dim3A_2585], %get3A_2593 : memref<4x8x129xf32, #tpu.memory_space<vmem>>[vector<16xi32>, vector<16xi32>, vector<16xi32>], vector<16xf32>,
      %broadcast_in_dim3A_2594 = arith.constant 109 : i32
      %broadcast_in_dim3A_2595 = vector.broadcast %broadcast_in_dim3A_2594 : i32 to vector<16xi32>
      %get3A_2596 = arith.constant 109 : i32
      %get3A_2597 = arith.index_cast %get3A_2596 : i32 to index
      %get3A_2598 = arith.constant 0 : index
      %get3A_2599 = tpu.vector_load %arg7[%get3A_2597, %get3A_2598] {strides = array<i32>} : memref<128x32xf32, #tpu.memory_space<vmem>>, vector<16xf32>,
      %get3A_2600 = arith.constant 109 : i32
      %get3A_2601 = arith.index_cast %get3A_2600 : i32 to index
      %get3A_2602 = arith.constant 16 : index
      %get3A_2603 = tpu.vector_load %arg7[%get3A_2601, %get3A_2602] {strides = array<i32>} : memref<128x32xf32, #tpu.memory_space<vmem>>, vector<16xf32>,
      tpu.vector_store_idx %arg9[%select_n3A, %select_n3A_48, %broadcast_in_dim3A_2595], %get3A_2599 : memref<4x8x129xf32, #tpu.memory_space<vmem>>[vector<16xi32>, vector<16xi32>, vector<16xi32>], vector<16xf32>,
      tpu.vector_store_idx %arg9[%add3A_28, %select_n3A_48, %broadcast_in_dim3A_2595], %get3A_2603 : memref<4x8x129xf32, #tpu.memory_space<vmem>>[vector<16xi32>, vector<16xi32>, vector<16xi32>], vector<16xf32>,
      %broadcast_in_dim3A_2604 = arith.constant 110 : i32
      %broadcast_in_dim3A_2605 = vector.broadcast %broadcast_in_dim3A_2604 : i32 to vector<16xi32>
      %get3A_2606 = arith.constant 110 : i32
      %get3A_2607 = arith.index_cast %get3A_2606 : i32 to index
      %get3A_2608 = arith.constant 0 : index
      %get3A_2609 = tpu.vector_load %arg7[%get3A_2607, %get3A_2608] {strides = array<i32>} : memref<128x32xf32, #tpu.memory_space<vmem>>, vector<16xf32>,
      %get3A_2610 = arith.constant 110 : i32
      %get3A_2611 = arith.index_cast %get3A_2610 : i32 to index
      %get3A_2612 = arith.constant 16 : index
      %get3A_2613 = tpu.vector_load %arg7[%get3A_2611, %get3A_2612] {strides = array<i32>} : memref<128x32xf32, #tpu.memory_space<vmem>>, vector<16xf32>,
      tpu.vector_store_idx %arg9[%select_n3A, %select_n3A_48, %broadcast_in_dim3A_2605], %get3A_2609 : memref<4x8x129xf32, #tpu.memory_space<vmem>>[vector<16xi32>, vector<16xi32>, vector<16xi32>], vector<16xf32>,
      tpu.vector_store_idx %arg9[%add3A_28, %select_n3A_48, %broadcast_in_dim3A_2605], %get3A_2613 : memref<4x8x129xf32, #tpu.memory_space<vmem>>[vector<16xi32>, vector<16xi32>, vector<16xi32>], vector<16xf32>,
      %broadcast_in_dim3A_2614 = arith.constant 111 : i32
      %broadcast_in_dim3A_2615 = vector.broadcast %broadcast_in_dim3A_2614 : i32 to vector<16xi32>
      %get3A_2616 = arith.constant 111 : i32
      %get3A_2617 = arith.index_cast %get3A_2616 : i32 to index
      %get3A_2618 = arith.constant 0 : index
      %get3A_2619 = tpu.vector_load %arg7[%get3A_2617, %get3A_2618] {strides = array<i32>} : memref<128x32xf32, #tpu.memory_space<vmem>>, vector<16xf32>,
      %get3A_2620 = arith.constant 111 : i32
      %get3A_2621 = arith.index_cast %get3A_2620 : i32 to index
      %get3A_2622 = arith.constant 16 : index
      %get3A_2623 = tpu.vector_load %arg7[%get3A_2621, %get3A_2622] {strides = array<i32>} : memref<128x32xf32, #tpu.memory_space<vmem>>, vector<16xf32>,
      tpu.vector_store_idx %arg9[%select_n3A, %select_n3A_48, %broadcast_in_dim3A_2615], %get3A_2619 : memref<4x8x129xf32, #tpu.memory_space<vmem>>[vector<16xi32>, vector<16xi32>, vector<16xi32>], vector<16xf32>,
      tpu.vector_store_idx %arg9[%add3A_28, %select_n3A_48, %broadcast_in_dim3A_2615], %get3A_2623 : memref<4x8x129xf32, #tpu.memory_space<vmem>>[vector<16xi32>, vector<16xi32>, vector<16xi32>], vector<16xf32>,
      %broadcast_in_dim3A_2624 = arith.constant 112 : i32
      %broadcast_in_dim3A_2625 = vector.broadcast %broadcast_in_dim3A_2624 : i32 to vector<16xi32>
      %get3A_2626 = arith.constant 112 : i32
      %get3A_2627 = arith.index_cast %get3A_2626 : i32 to index
      %get3A_2628 = arith.constant 0 : index
      %get3A_2629 = tpu.vector_load %arg7[%get3A_2627, %get3A_2628] {strides = array<i32>} : memref<128x32xf32, #tpu.memory_space<vmem>>, vector<16xf32>,
      %get3A_2630 = arith.constant 112 : i32
      %get3A_2631 = arith.index_cast %get3A_2630 : i32 to index
      %get3A_2632 = arith.constant 16 : index
      %get3A_2633 = tpu.vector_load %arg7[%get3A_2631, %get3A_2632] {strides = array<i32>} : memref<128x32xf32, #tpu.memory_space<vmem>>, vector<16xf32>,
      tpu.vector_store_idx %arg9[%select_n3A, %select_n3A_48, %broadcast_in_dim3A_2625], %get3A_2629 : memref<4x8x129xf32, #tpu.memory_space<vmem>>[vector<16xi32>, vector<16xi32>, vector<16xi32>], vector<16xf32>,
      tpu.vector_store_idx %arg9[%add3A_28, %select_n3A_48, %broadcast_in_dim3A_2625], %get3A_2633 : memref<4x8x129xf32, #tpu.memory_space<vmem>>[vector<16xi32>, vector<16xi32>, vector<16xi32>], vector<16xf32>,
      %broadcast_in_dim3A_2634 = arith.constant 113 : i32
      %broadcast_in_dim3A_2635 = vector.broadcast %broadcast_in_dim3A_2634 : i32 to vector<16xi32>
      %get3A_2636 = arith.constant 113 : i32
      %get3A_2637 = arith.index_cast %get3A_2636 : i32 to index
      %get3A_2638 = arith.constant 0 : index
      %get3A_2639 = tpu.vector_load %arg7[%get3A_2637, %get3A_2638] {strides = array<i32>} : memref<128x32xf32, #tpu.memory_space<vmem>>, vector<16xf32>,
      %get3A_2640 = arith.constant 113 : i32
      %get3A_2641 = arith.index_cast %get3A_2640 : i32 to index
      %get3A_2642 = arith.constant 16 : index
      %get3A_2643 = tpu.vector_load %arg7[%get3A_2641, %get3A_2642] {strides = array<i32>} : memref<128x32xf32, #tpu.memory_space<vmem>>, vector<16xf32>,
      tpu.vector_store_idx %arg9[%select_n3A, %select_n3A_48, %broadcast_in_dim3A_2635], %get3A_2639 : memref<4x8x129xf32, #tpu.memory_space<vmem>>[vector<16xi32>, vector<16xi32>, vector<16xi32>], vector<16xf32>,
      tpu.vector_store_idx %arg9[%add3A_28, %select_n3A_48, %broadcast_in_dim3A_2635], %get3A_2643 : memref<4x8x129xf32, #tpu.memory_space<vmem>>[vector<16xi32>, vector<16xi32>, vector<16xi32>], vector<16xf32>,
      %broadcast_in_dim3A_2644 = arith.constant 114 : i32
      %broadcast_in_dim3A_2645 = vector.broadcast %broadcast_in_dim3A_2644 : i32 to vector<16xi32>
      %get3A_2646 = arith.constant 114 : i32
      %get3A_2647 = arith.index_cast %get3A_2646 : i32 to index
      %get3A_2648 = arith.constant 0 : index
      %get3A_2649 = tpu.vector_load %arg7[%get3A_2647, %get3A_2648] {strides = array<i32>} : memref<128x32xf32, #tpu.memory_space<vmem>>, vector<16xf32>,
      %get3A_2650 = arith.constant 114 : i32
      %get3A_2651 = arith.index_cast %get3A_2650 : i32 to index
      %get3A_2652 = arith.constant 16 : index
      %get3A_2653 = tpu.vector_load %arg7[%get3A_2651, %get3A_2652] {strides = array<i32>} : memref<128x32xf32, #tpu.memory_space<vmem>>, vector<16xf32>,
      tpu.vector_store_idx %arg9[%select_n3A, %select_n3A_48, %broadcast_in_dim3A_2645], %get3A_2649 : memref<4x8x129xf32, #tpu.memory_space<vmem>>[vector<16xi32>, vector<16xi32>, vector<16xi32>], vector<16xf32>,
      tpu.vector_store_idx %arg9[%add3A_28, %select_n3A_48, %broadcast_in_dim3A_2645], %get3A_2653 : memref<4x8x129xf32, #tpu.memory_space<vmem>>[vector<16xi32>, vector<16xi32>, vector<16xi32>], vector<16xf32>,
      %broadcast_in_dim3A_2654 = arith.constant 115 : i32
      %broadcast_in_dim3A_2655 = vector.broadcast %broadcast_in_dim3A_2654 : i32 to vector<16xi32>
      %get3A_2656 = arith.constant 115 : i32
      %get3A_2657 = arith.index_cast %get3A_2656 : i32 to index
      %get3A_2658 = arith.constant 0 : index
      %get3A_2659 = tpu.vector_load %arg7[%get3A_2657, %get3A_2658] {strides = array<i32>} : memref<128x32xf32, #tpu.memory_space<vmem>>, vector<16xf32>,
      %get3A_2660 = arith.constant 115 : i32
      %get3A_2661 = arith.index_cast %get3A_2660 : i32 to index
      %get3A_2662 = arith.constant 16 : index
      %get3A_2663 = tpu.vector_load %arg7[%get3A_2661, %get3A_2662] {strides = array<i32>} : memref<128x32xf32, #tpu.memory_space<vmem>>, vector<16xf32>,
      tpu.vector_store_idx %arg9[%select_n3A, %select_n3A_48, %broadcast_in_dim3A_2655], %get3A_2659 : memref<4x8x129xf32, #tpu.memory_space<vmem>>[vector<16xi32>, vector<16xi32>, vector<16xi32>], vector<16xf32>,
      tpu.vector_store_idx %arg9[%add3A_28, %select_n3A_48, %broadcast_in_dim3A_2655], %get3A_2663 : memref<4x8x129xf32, #tpu.memory_space<vmem>>[vector<16xi32>, vector<16xi32>, vector<16xi32>], vector<16xf32>,
      %broadcast_in_dim3A_2664 = arith.constant 116 : i32
      %broadcast_in_dim3A_2665 = vector.broadcast %broadcast_in_dim3A_2664 : i32 to vector<16xi32>
      %get3A_2666 = arith.constant 116 : i32
      %get3A_2667 = arith.index_cast %get3A_2666 : i32 to index
      %get3A_2668 = arith.constant 0 : index
      %get3A_2669 = tpu.vector_load %arg7[%get3A_2667, %get3A_2668] {strides = array<i32>} : memref<128x32xf32, #tpu.memory_space<vmem>>, vector<16xf32>,
      %get3A_2670 = arith.constant 116 : i32
      %get3A_2671 = arith.index_cast %get3A_2670 : i32 to index
      %get3A_2672 = arith.constant 16 : index
      %get3A_2673 = tpu.vector_load %arg7[%get3A_2671, %get3A_2672] {strides = array<i32>} : memref<128x32xf32, #tpu.memory_space<vmem>>, vector<16xf32>,
      tpu.vector_store_idx %arg9[%select_n3A, %select_n3A_48, %broadcast_in_dim3A_2665], %get3A_2669 : memref<4x8x129xf32, #tpu.memory_space<vmem>>[vector<16xi32>, vector<16xi32>, vector<16xi32>], vector<16xf32>,
      tpu.vector_store_idx %arg9[%add3A_28, %select_n3A_48, %broadcast_in_dim3A_2665], %get3A_2673 : memref<4x8x129xf32, #tpu.memory_space<vmem>>[vector<16xi32>, vector<16xi32>, vector<16xi32>], vector<16xf32>,
      %broadcast_in_dim3A_2674 = arith.constant 117 : i32
      %broadcast_in_dim3A_2675 = vector.broadcast %broadcast_in_dim3A_2674 : i32 to vector<16xi32>
      %get3A_2676 = arith.constant 117 : i32
      %get3A_2677 = arith.index_cast %get3A_2676 : i32 to index
      %get3A_2678 = arith.constant 0 : index
      %get3A_2679 = tpu.vector_load %arg7[%get3A_2677, %get3A_2678] {strides = array<i32>} : memref<128x32xf32, #tpu.memory_space<vmem>>, vector<16xf32>,
      %get3A_2680 = arith.constant 117 : i32
      %get3A_2681 = arith.index_cast %get3A_2680 : i32 to index
      %get3A_2682 = arith.constant 16 : index
      %get3A_2683 = tpu.vector_load %arg7[%get3A_2681, %get3A_2682] {strides = array<i32>} : memref<128x32xf32, #tpu.memory_space<vmem>>, vector<16xf32>,
      tpu.vector_store_idx %arg9[%select_n3A, %select_n3A_48, %broadcast_in_dim3A_2675], %get3A_2679 : memref<4x8x129xf32, #tpu.memory_space<vmem>>[vector<16xi32>, vector<16xi32>, vector<16xi32>], vector<16xf32>,
      tpu.vector_store_idx %arg9[%add3A_28, %select_n3A_48, %broadcast_in_dim3A_2675], %get3A_2683 : memref<4x8x129xf32, #tpu.memory_space<vmem>>[vector<16xi32>, vector<16xi32>, vector<16xi32>], vector<16xf32>,
      %broadcast_in_dim3A_2684 = arith.constant 118 : i32
      %broadcast_in_dim3A_2685 = vector.broadcast %broadcast_in_dim3A_2684 : i32 to vector<16xi32>
      %get3A_2686 = arith.constant 118 : i32
      %get3A_2687 = arith.index_cast %get3A_2686 : i32 to index
      %get3A_2688 = arith.constant 0 : index
      %get3A_2689 = tpu.vector_load %arg7[%get3A_2687, %get3A_2688] {strides = array<i32>} : memref<128x32xf32, #tpu.memory_space<vmem>>, vector<16xf32>,
      %get3A_2690 = arith.constant 118 : i32
      %get3A_2691 = arith.index_cast %get3A_2690 : i32 to index
      %get3A_2692 = arith.constant 16 : index
      %get3A_2693 = tpu.vector_load %arg7[%get3A_2691, %get3A_2692] {strides = array<i32>} : memref<128x32xf32, #tpu.memory_space<vmem>>, vector<16xf32>,
      tpu.vector_store_idx %arg9[%select_n3A, %select_n3A_48, %broadcast_in_dim3A_2685], %get3A_2689 : memref<4x8x129xf32, #tpu.memory_space<vmem>>[vector<16xi32>, vector<16xi32>, vector<16xi32>], vector<16xf32>,
      tpu.vector_store_idx %arg9[%add3A_28, %select_n3A_48, %broadcast_in_dim3A_2685], %get3A_2693 : memref<4x8x129xf32, #tpu.memory_space<vmem>>[vector<16xi32>, vector<16xi32>, vector<16xi32>], vector<16xf32>,
      %broadcast_in_dim3A_2694 = arith.constant 119 : i32
      %broadcast_in_dim3A_2695 = vector.broadcast %broadcast_in_dim3A_2694 : i32 to vector<16xi32>
      %get3A_2696 = arith.constant 119 : i32
      %get3A_2697 = arith.index_cast %get3A_2696 : i32 to index
      %get3A_2698 = arith.constant 0 : index
      %get3A_2699 = tpu.vector_load %arg7[%get3A_2697, %get3A_2698] {strides = array<i32>} : memref<128x32xf32, #tpu.memory_space<vmem>>, vector<16xf32>,
      %get3A_2700 = arith.constant 119 : i32
      %get3A_2701 = arith.index_cast %get3A_2700 : i32 to index
      %get3A_2702 = arith.constant 16 : index
      %get3A_2703 = tpu.vector_load %arg7[%get3A_2701, %get3A_2702] {strides = array<i32>} : memref<128x32xf32, #tpu.memory_space<vmem>>, vector<16xf32>,
      tpu.vector_store_idx %arg9[%select_n3A, %select_n3A_48, %broadcast_in_dim3A_2695], %get3A_2699 : memref<4x8x129xf32, #tpu.memory_space<vmem>>[vector<16xi32>, vector<16xi32>, vector<16xi32>], vector<16xf32>,
      tpu.vector_store_idx %arg9[%add3A_28, %select_n3A_48, %broadcast_in_dim3A_2695], %get3A_2703 : memref<4x8x129xf32, #tpu.memory_space<vmem>>[vector<16xi32>, vector<16xi32>, vector<16xi32>], vector<16xf32>,
      %broadcast_in_dim3A_2704 = arith.constant 120 : i32
      %broadcast_in_dim3A_2705 = vector.broadcast %broadcast_in_dim3A_2704 : i32 to vector<16xi32>
      %get3A_2706 = arith.constant 120 : i32
      %get3A_2707 = arith.index_cast %get3A_2706 : i32 to index
      %get3A_2708 = arith.constant 0 : index
      %get3A_2709 = tpu.vector_load %arg7[%get3A_2707, %get3A_2708] {strides = array<i32>} : memref<128x32xf32, #tpu.memory_space<vmem>>, vector<16xf32>,
      %get3A_2710 = arith.constant 120 : i32
      %get3A_2711 = arith.index_cast %get3A_2710 : i32 to index
      %get3A_2712 = arith.constant 16 : index
      %get3A_2713 = tpu.vector_load %arg7[%get3A_2711, %get3A_2712] {strides = array<i32>} : memref<128x32xf32, #tpu.memory_space<vmem>>, vector<16xf32>,
      tpu.vector_store_idx %arg9[%select_n3A, %select_n3A_48, %broadcast_in_dim3A_2705], %get3A_2709 : memref<4x8x129xf32, #tpu.memory_space<vmem>>[vector<16xi32>, vector<16xi32>, vector<16xi32>], vector<16xf32>,
      tpu.vector_store_idx %arg9[%add3A_28, %select_n3A_48, %broadcast_in_dim3A_2705], %get3A_2713 : memref<4x8x129xf32, #tpu.memory_space<vmem>>[vector<16xi32>, vector<16xi32>, vector<16xi32>], vector<16xf32>,
      %broadcast_in_dim3A_2714 = arith.constant 121 : i32
      %broadcast_in_dim3A_2715 = vector.broadcast %broadcast_in_dim3A_2714 : i32 to vector<16xi32>
      %get3A_2716 = arith.constant 121 : i32
      %get3A_2717 = arith.index_cast %get3A_2716 : i32 to index
      %get3A_2718 = arith.constant 0 : index
      %get3A_2719 = tpu.vector_load %arg7[%get3A_2717, %get3A_2718] {strides = array<i32>} : memref<128x32xf32, #tpu.memory_space<vmem>>, vector<16xf32>,
      %get3A_2720 = arith.constant 121 : i32
      %get3A_2721 = arith.index_cast %get3A_2720 : i32 to index
      %get3A_2722 = arith.constant 16 : index
      %get3A_2723 = tpu.vector_load %arg7[%get3A_2721, %get3A_2722] {strides = array<i32>} : memref<128x32xf32, #tpu.memory_space<vmem>>, vector<16xf32>,
      tpu.vector_store_idx %arg9[%select_n3A, %select_n3A_48, %broadcast_in_dim3A_2715], %get3A_2719 : memref<4x8x129xf32, #tpu.memory_space<vmem>>[vector<16xi32>, vector<16xi32>, vector<16xi32>], vector<16xf32>,
      tpu.vector_store_idx %arg9[%add3A_28, %select_n3A_48, %broadcast_in_dim3A_2715], %get3A_2723 : memref<4x8x129xf32, #tpu.memory_space<vmem>>[vector<16xi32>, vector<16xi32>, vector<16xi32>], vector<16xf32>,
      %broadcast_in_dim3A_2724 = arith.constant 122 : i32
      %broadcast_in_dim3A_2725 = vector.broadcast %broadcast_in_dim3A_2724 : i32 to vector<16xi32>
      %get3A_2726 = arith.constant 122 : i32
      %get3A_2727 = arith.index_cast %get3A_2726 : i32 to index
      %get3A_2728 = arith.constant 0 : index
      %get3A_2729 = tpu.vector_load %arg7[%get3A_2727, %get3A_2728] {strides = array<i32>} : memref<128x32xf32, #tpu.memory_space<vmem>>, vector<16xf32>,
      %get3A_2730 = arith.constant 122 : i32
      %get3A_2731 = arith.index_cast %get3A_2730 : i32 to index
      %get3A_2732 = arith.constant 16 : index
      %get3A_2733 = tpu.vector_load %arg7[%get3A_2731, %get3A_2732] {strides = array<i32>} : memref<128x32xf32, #tpu.memory_space<vmem>>, vector<16xf32>,
      tpu.vector_store_idx %arg9[%select_n3A, %select_n3A_48, %broadcast_in_dim3A_2725], %get3A_2729 : memref<4x8x129xf32, #tpu.memory_space<vmem>>[vector<16xi32>, vector<16xi32>, vector<16xi32>], vector<16xf32>,
      tpu.vector_store_idx %arg9[%add3A_28, %select_n3A_48, %broadcast_in_dim3A_2725], %get3A_2733 : memref<4x8x129xf32, #tpu.memory_space<vmem>>[vector<16xi32>, vector<16xi32>, vector<16xi32>], vector<16xf32>,
      %broadcast_in_dim3A_2734 = arith.constant 123 : i32
      %broadcast_in_dim3A_2735 = vector.broadcast %broadcast_in_dim3A_2734 : i32 to vector<16xi32>
      %get3A_2736 = arith.constant 123 : i32
      %get3A_2737 = arith.index_cast %get3A_2736 : i32 to index
      %get3A_2738 = arith.constant 0 : index
      %get3A_2739 = tpu.vector_load %arg7[%get3A_2737, %get3A_2738] {strides = array<i32>} : memref<128x32xf32, #tpu.memory_space<vmem>>, vector<16xf32>,
      %get3A_2740 = arith.constant 123 : i32
      %get3A_2741 = arith.index_cast %get3A_2740 : i32 to index
      %get3A_2742 = arith.constant 16 : index
      %get3A_2743 = tpu.vector_load %arg7[%get3A_2741, %get3A_2742] {strides = array<i32>} : memref<128x32xf32, #tpu.memory_space<vmem>>, vector<16xf32>,
      tpu.vector_store_idx %arg9[%select_n3A, %select_n3A_48, %broadcast_in_dim3A_2735], %get3A_2739 : memref<4x8x129xf32, #tpu.memory_space<vmem>>[vector<16xi32>, vector<16xi32>, vector<16xi32>], vector<16xf32>,
      tpu.vector_store_idx %arg9[%add3A_28, %select_n3A_48, %broadcast_in_dim3A_2735], %get3A_2743 : memref<4x8x129xf32, #tpu.memory_space<vmem>>[vector<16xi32>, vector<16xi32>, vector<16xi32>], vector<16xf32>,
      %broadcast_in_dim3A_2744 = arith.constant 124 : i32
      %broadcast_in_dim3A_2745 = vector.broadcast %broadcast_in_dim3A_2744 : i32 to vector<16xi32>
      %get3A_2746 = arith.constant 124 : i32
      %get3A_2747 = arith.index_cast %get3A_2746 : i32 to index
      %get3A_2748 = arith.constant 0 : index
      %get3A_2749 = tpu.vector_load %arg7[%get3A_2747, %get3A_2748] {strides = array<i32>} : memref<128x32xf32, #tpu.memory_space<vmem>>, vector<16xf32>,
      %get3A_2750 = arith.constant 124 : i32
      %get3A_2751 = arith.index_cast %get3A_2750 : i32 to index
      %get3A_2752 = arith.constant 16 : index
      %get3A_2753 = tpu.vector_load %arg7[%get3A_2751, %get3A_2752] {strides = array<i32>} : memref<128x32xf32, #tpu.memory_space<vmem>>, vector<16xf32>,
      tpu.vector_store_idx %arg9[%select_n3A, %select_n3A_48, %broadcast_in_dim3A_2745], %get3A_2749 : memref<4x8x129xf32, #tpu.memory_space<vmem>>[vector<16xi32>, vector<16xi32>, vector<16xi32>], vector<16xf32>,
      tpu.vector_store_idx %arg9[%add3A_28, %select_n3A_48, %broadcast_in_dim3A_2745], %get3A_2753 : memref<4x8x129xf32, #tpu.memory_space<vmem>>[vector<16xi32>, vector<16xi32>, vector<16xi32>], vector<16xf32>,
      %broadcast_in_dim3A_2754 = arith.constant 125 : i32
      %broadcast_in_dim3A_2755 = vector.broadcast %broadcast_in_dim3A_2754 : i32 to vector<16xi32>
      %get3A_2756 = arith.constant 125 : i32
      %get3A_2757 = arith.index_cast %get3A_2756 : i32 to index
      %get3A_2758 = arith.constant 0 : index
      %get3A_2759 = tpu.vector_load %arg7[%get3A_2757, %get3A_2758] {strides = array<i32>} : memref<128x32xf32, #tpu.memory_space<vmem>>, vector<16xf32>,
      %get3A_2760 = arith.constant 125 : i32
      %get3A_2761 = arith.index_cast %get3A_2760 : i32 to index
      %get3A_2762 = arith.constant 16 : index
      %get3A_2763 = tpu.vector_load %arg7[%get3A_2761, %get3A_2762] {strides = array<i32>} : memref<128x32xf32, #tpu.memory_space<vmem>>, vector<16xf32>,
      tpu.vector_store_idx %arg9[%select_n3A, %select_n3A_48, %broadcast_in_dim3A_2755], %get3A_2759 : memref<4x8x129xf32, #tpu.memory_space<vmem>>[vector<16xi32>, vector<16xi32>, vector<16xi32>], vector<16xf32>,
      tpu.vector_store_idx %arg9[%add3A_28, %select_n3A_48, %broadcast_in_dim3A_2755], %get3A_2763 : memref<4x8x129xf32, #tpu.memory_space<vmem>>[vector<16xi32>, vector<16xi32>, vector<16xi32>], vector<16xf32>,
      %broadcast_in_dim3A_2764 = arith.constant 126 : i32
      %broadcast_in_dim3A_2765 = vector.broadcast %broadcast_in_dim3A_2764 : i32 to vector<16xi32>
      %get3A_2766 = arith.constant 126 : i32
      %get3A_2767 = arith.index_cast %get3A_2766 : i32 to index
      %get3A_2768 = arith.constant 0 : index
      %get3A_2769 = tpu.vector_load %arg7[%get3A_2767, %get3A_2768] {strides = array<i32>} : memref<128x32xf32, #tpu.memory_space<vmem>>, vector<16xf32>,
      %get3A_2770 = arith.constant 126 : i32
      %get3A_2771 = arith.index_cast %get3A_2770 : i32 to index
      %get3A_2772 = arith.constant 16 : index
      %get3A_2773 = tpu.vector_load %arg7[%get3A_2771, %get3A_2772] {strides = array<i32>} : memref<128x32xf32, #tpu.memory_space<vmem>>, vector<16xf32>,
      tpu.vector_store_idx %arg9[%select_n3A, %select_n3A_48, %broadcast_in_dim3A_2765], %get3A_2769 : memref<4x8x129xf32, #tpu.memory_space<vmem>>[vector<16xi32>, vector<16xi32>, vector<16xi32>], vector<16xf32>,
      tpu.vector_store_idx %arg9[%add3A_28, %select_n3A_48, %broadcast_in_dim3A_2765], %get3A_2773 : memref<4x8x129xf32, #tpu.memory_space<vmem>>[vector<16xi32>, vector<16xi32>, vector<16xi32>], vector<16xf32>,
      %broadcast_in_dim3A_2774 = arith.constant 127 : i32
      %broadcast_in_dim3A_2775 = vector.broadcast %broadcast_in_dim3A_2774 : i32 to vector<16xi32>
      %get3A_2776 = arith.constant 127 : i32
      %get3A_2777 = arith.index_cast %get3A_2776 : i32 to index
      %get3A_2778 = arith.constant 0 : index
      %get3A_2779 = tpu.vector_load %arg7[%get3A_2777, %get3A_2778] {strides = array<i32>} : memref<128x32xf32, #tpu.memory_space<vmem>>, vector<16xf32>,
      %get3A_2780 = arith.constant 127 : i32
      %get3A_2781 = arith.index_cast %get3A_2780 : i32 to index
      %get3A_2782 = arith.constant 16 : index
      %get3A_2783 = tpu.vector_load %arg7[%get3A_2781, %get3A_2782] {strides = array<i32>} : memref<128x32xf32, #tpu.memory_space<vmem>>, vector<16xf32>,
      tpu.vector_store_idx %arg9[%select_n3A, %select_n3A_48, %broadcast_in_dim3A_2775], %get3A_2779 : memref<4x8x129xf32, #tpu.memory_space<vmem>>[vector<16xi32>, vector<16xi32>, vector<16xi32>], vector<16xf32>,
      tpu.vector_store_idx %arg9[%add3A_28, %select_n3A_48, %broadcast_in_dim3A_2775], %get3A_2783 : memref<4x8x129xf32, #tpu.memory_space<vmem>>[vector<16xi32>, vector<16xi32>, vector<16xi32>], vector<16xf32>,
      %add3A_2784 = arith.constant 2 : i32
      %add3A_2785 = arith.addi %add3A_1489, %add3A_2784 : i32
      %lt3A_2786 = arith.constant 200 : i32
      %lt3A_2787 = arith.cmpi slt, %add3A_2785, %lt3A_2786 : i32
      %convert_element_type3A_2788 = arith.extui %lt3A_2787 : i1 to i32
      %cond3A_2789 = arith.constant 0 : i32
      %cond3A_2790 = arith.cmpi ne, %convert_element_type3A_2788, %cond3A_2789 : i32
      scf.if %cond3A_2790 {
        %add3A_2855 = arith.constant 2 : i32
        %add3A_2856 = arith.addi %add3A_1489, %add3A_2855 : i32
        %jit3A_2857 = arith.constant 4 : i32
        %div3A_2858 = arith.divsi %add3A_2856, %jit3A_2857 : i32
        %sign3A_2859 = arith.constant 0 : i32
        %sign3A_2860 = arith.cmpi sgt, %add3A_2856, %sign3A_2859 : i32
        %sign3A_2861 = arith.extui %sign3A_2860 : i1 to i32
        %sign3A_2862 = arith.constant 0 : i32
        %sign3A_2863 = arith.cmpi slt, %add3A_2856, %sign3A_2862 : i32
        %sign3A_2864 = arith.extui %sign3A_2863 : i1 to i32
        %sign3A_2865 = arith.subi %sign3A_2861, %sign3A_2864 : i32
        %sign3A_2866 = arith.constant 0 : i32
        %sign3A_2867 = arith.cmpi sgt, %jit3A_2857, %sign3A_2866 : i32
        %sign3A_2868 = arith.extui %sign3A_2867 : i1 to i32
        %sign3A_2869 = arith.constant 0 : i32
        %sign3A_2870 = arith.cmpi slt, %jit3A_2857, %sign3A_2869 : i32
        %sign3A_2871 = arith.extui %sign3A_2870 : i1 to i32
        %sign3A_2872 = arith.subi %sign3A_2868, %sign3A_2871 : i32
        %ne3A_2873 = arith.cmpi ne, %sign3A_2865, %sign3A_2872 : i32
        %rem3A_2874 = arith.remsi %add3A_2856, %jit3A_2857 : i32
        %ne3A_2875 = arith.constant 0 : i32
        %ne3A_2876 = arith.cmpi ne, %rem3A_2874, %ne3A_2875 : i32
        %and3A_2877 = arith.andi %ne3A_2873, %ne3A_2876 : i1
        %sub3A_2878 = arith.constant 1 : i32
        %sub3A_2879 = arith.subi %div3A_2858, %sub3A_2878 : i32
        %select_n3A_2880 = arith.select %and3A_2877, %sub3A_2879, %div3A_2858 : i32
        %jit3A_2881 = arith.constant 4 : i32
        %eq3A_2882 = arith.constant 0 : i32
        %eq3A_2883 = arith.cmpi eq, %jit3A_2881, %eq3A_2882 : i32
        %jit3A_2884 = arith.constant 1 : i32
        %select_n3A_2885 = arith.select %eq3A_2883, %jit3A_2884, %jit3A_2881 : i32
        %rem3A_2886 = arith.remsi %add3A_2856, %select_n3A_2885 : i32
        %ne3A_2887 = arith.constant 0 : i32
        %ne3A_2888 = arith.cmpi ne, %rem3A_2886, %ne3A_2887 : i32
        %lt3A_2889 = arith.constant 0 : i32
        %lt3A_2890 = arith.cmpi slt, %rem3A_2886, %lt3A_2889 : i32
        %lt3A_2891 = arith.constant 0 : i32
        %lt3A_2892 = arith.cmpi slt, %select_n3A_2885, %lt3A_2891 : i32
        %ne3A_2893 = arith.xori %lt3A_2890, %lt3A_2892 : i1
        %and3A_2894 = arith.andi %ne3A_2893, %ne3A_2888 : i1
        %add3A_2895 = arith.addi %rem3A_2886, %select_n3A_2885 : i32
        %select_n3A_2896 = arith.select %and3A_2894, %add3A_2895, %rem3A_2886 : i32
        %mul3A_2897 = arith.constant 128 : i32
        %mul3A_2898 = arith.muli %select_n3A_2896, %mul3A_2897 : i32
        %dma_start3A_2899 = arith.constant 1 : i32
        %dma_start3A_2900 = tpu.memref_slice %arg5[%select_n3A_2880, %mul3A_2898] : memref<50x512xi32, #tpu.memory_space<vmem>> -> memref<1x128xi32, #tpu.memory_space<vmem>>
        %dma_start3A_2901 = tpu.memref_squeeze %dma_start3A_2900 : memref<1x128xi32, #tpu.memory_space<vmem>> -> memref<128xi32, #tpu.memory_space<vmem>>
        %dma_start3A_2902 = arith.constant 0 : i32
        %dma_start3A_2903 = arith.constant 0 : i32
        %dma_start3A_2904 = tpu.memref_slice %arg2[%dma_start3A_2902, %dma_start3A_2903] : memref<1000000x32xf32, #tpu.memory_space<hbm>> -> memref<1000000x32xf32, #tpu.memory_space<hbm>>
        %dma_start3A_2905 = tpu.memref_slice %arg10[%dma_start3A_2899] : memref<2x!tpu.dma_semaphore, #tpu.memory_space<semaphore_mem>> -> memref<1x!tpu.dma_semaphore, #tpu.memory_space<semaphore_mem>>
        %dma_start3A_2906 = tpu.memref_squeeze %dma_start3A_2905 : memref<1x!tpu.dma_semaphore, #tpu.memory_space<semaphore_mem>> -> memref<!tpu.dma_semaphore, #tpu.memory_space<semaphore_mem>>
        tpu.enqueue_indirect_dma source(%dma_start3A_2904 : memref<1000000x32xf32, #tpu.memory_space<hbm>>) target(%arg7 : memref<128x32xf32, #tpu.memory_space<vmem>>) offsets(%dma_start3A_2901 : memref<128xi32, #tpu.memory_space<vmem>>) semaphore(%dma_start3A_2906 : memref<!tpu.dma_semaphore, #tpu.memory_space<semaphore_mem>>)
      } else {
      }
      %jit3A_2791 = arith.constant 4 : i32
      %div3A_2792 = arith.divsi %add3A_1489, %jit3A_2791 : i32
      %sign3A_2793 = arith.constant 0 : i32
      %sign3A_2794 = arith.cmpi sgt, %add3A_1489, %sign3A_2793 : i32
      %sign3A_2795 = arith.extui %sign3A_2794 : i1 to i32
      %sign3A_2796 = arith.constant 0 : i32
      %sign3A_2797 = arith.cmpi slt, %add3A_1489, %sign3A_2796 : i32
      %sign3A_2798 = arith.extui %sign3A_2797 : i1 to i32
      %sign3A_2799 = arith.subi %sign3A_2795, %sign3A_2798 : i32
      %sign3A_2800 = arith.constant 0 : i32
      %sign3A_2801 = arith.cmpi sgt, %jit3A_2791, %sign3A_2800 : i32
      %sign3A_2802 = arith.extui %sign3A_2801 : i1 to i32
      %sign3A_2803 = arith.constant 0 : i32
      %sign3A_2804 = arith.cmpi slt, %jit3A_2791, %sign3A_2803 : i32
      %sign3A_2805 = arith.extui %sign3A_2804 : i1 to i32
      %sign3A_2806 = arith.subi %sign3A_2802, %sign3A_2805 : i32
      %ne3A_2807 = arith.cmpi ne, %sign3A_2799, %sign3A_2806 : i32
      %rem3A_2808 = arith.remsi %add3A_1489, %jit3A_2791 : i32
      %ne3A_2809 = arith.constant 0 : i32
      %ne3A_2810 = arith.cmpi ne, %rem3A_2808, %ne3A_2809 : i32
      %and3A_2811 = arith.andi %ne3A_2807, %ne3A_2810 : i1
      %sub3A_2812 = arith.constant 1 : i32
      %sub3A_2813 = arith.subi %div3A_2792, %sub3A_2812 : i32
      %select_n3A_2814 = arith.select %and3A_2811, %sub3A_2813, %div3A_2792 : i32
      %jit3A_2815 = arith.constant 4 : i32
      %eq3A_2816 = arith.constant 0 : i32
      %eq3A_2817 = arith.cmpi eq, %jit3A_2815, %eq3A_2816 : i32
      %jit3A_2818 = arith.constant 1 : i32
      %select_n3A_2819 = arith.select %eq3A_2817, %jit3A_2818, %jit3A_2815 : i32
      %rem3A_2820 = arith.remsi %add3A_1489, %select_n3A_2819 : i32
      %ne3A_2821 = arith.constant 0 : i32
      %ne3A_2822 = arith.cmpi ne, %rem3A_2820, %ne3A_2821 : i32
      %lt3A_2823 = arith.constant 0 : i32
      %lt3A_2824 = arith.cmpi slt, %rem3A_2820, %lt3A_2823 : i32
      %lt3A_2825 = arith.constant 0 : i32
      %lt3A_2826 = arith.cmpi slt, %select_n3A_2819, %lt3A_2825 : i32
      %ne3A_2827 = arith.xori %lt3A_2824, %lt3A_2826 : i1
      %and3A_2828 = arith.andi %ne3A_2827, %ne3A_2822 : i1
      %add3A_2829 = arith.addi %rem3A_2820, %select_n3A_2819 : i32
      %select_n3A_2830 = arith.select %and3A_2828, %add3A_2829, %rem3A_2820 : i32
      %mul3A_2831 = arith.constant 4 : i32
      %mul3A_2832 = arith.muli %add3A, %mul3A_2831 : i32
      %add3A_2833 = arith.addi %mul3A_2832, %select_n3A_2830 : i32
      %dma_start3A_2834 = arith.constant 1 : i32
      %dma_start3A_2835 = arith.constant 0 : i32
      %dma_start3A_2836 = arith.constant 0 : i32
      %dma_start3A_2837 = arith.constant 0 : i32
      %dma_start3A_2838 = tpu.memref_slice %arg9[%dma_start3A_2835, %dma_start3A_2836, %dma_start3A_2837] : memref<4x8x129xf32, #tpu.memory_space<vmem>> -> memref<4x8x128xf32, #tpu.memory_space<vmem>>
      %dma_start3A_2839 = arith.constant 0 : i32
      %dma_start3A_2840 = arith.constant 0 : i32
      %dma_start3A_2841 = arith.constant 0 : i32
      %dma_start3A_2842 = tpu.memref_slice %arg4[%select_n3A_2814, %dma_start3A_2839, %add3A_2833, %dma_start3A_2840, %dma_start3A_2841] : memref<50x4x128x8x128xf32, #tpu.memory_space<hbm>> -> memref<1x4x1x8x128xf32, #tpu.memory_space<hbm>>
      %dma_start3A_2843 = tpu.memref_squeeze %dma_start3A_2842 : memref<1x4x1x8x128xf32, #tpu.memory_space<hbm>> -> memref<4x8x128xf32, #tpu.memory_space<hbm>>
      %dma_start3A_2844 = tpu.memref_slice %arg11[%dma_start3A_2834] : memref<2x!tpu.dma_semaphore, #tpu.memory_space<semaphore_mem>> -> memref<1x!tpu.dma_semaphore, #tpu.memory_space<semaphore_mem>>
      %dma_start3A_2845 = tpu.memref_squeeze %dma_start3A_2844 : memref<1x!tpu.dma_semaphore, #tpu.memory_space<semaphore_mem>> -> memref<!tpu.dma_semaphore, #tpu.memory_space<semaphore_mem>>
      %dma_start3A_2846 = arith.constant 0 : i32
      %dma_start3A_2847 = arith.constant 0 : i32
      %dma_start3A_2848 = arith.constant 0 : i32
      %dma_start3A_2849 = tpu.memref_slice %arg4[%select_n3A_2814, %dma_start3A_2846, %add3A_2833, %dma_start3A_2847, %dma_start3A_2848] : memref<50x4x128x8x128xf32, #tpu.memory_space<hbm>> -> memref<1x4x1x8x128xf32, #tpu.memory_space<hbm>>
      %dma_start3A_2850 = tpu.memref_squeeze %dma_start3A_2849 : memref<1x4x1x8x128xf32, #tpu.memory_space<hbm>> -> memref<4x8x128xf32, #tpu.memory_space<hbm>>
      %dma_start3A_2851 = arith.constant 0 : i32
      %dma_start3A_2852 = arith.constant 0 : i32
      %dma_start3A_2853 = arith.constant 0 : i32
      %dma_start3A_2854 = tpu.memref_slice %arg9[%dma_start3A_2851, %dma_start3A_2852, %dma_start3A_2853] : memref<4x8x129xf32, #tpu.memory_space<vmem>> -> memref<4x8x128xf32, #tpu.memory_space<vmem>>
      tpu.enqueue_dma source(%dma_start3A_2854 : memref<4x8x128xf32, #tpu.memory_space<vmem>>) target(%dma_start3A_2850 : memref<4x8x128xf32, #tpu.memory_space<hbm>>) target_semaphore(%dma_start3A_2845 : memref<!tpu.dma_semaphore, #tpu.memory_space<semaphore_mem>>)
    }
    %scan3A_71 = arith.constant 100 : i32
    %dma_wait3A = arith.constant 0 : i32
    %dma_wait3A_72 = arith.constant 0 : i32
    %dma_wait3A_73 = arith.constant 0 : i32
    %dma_wait3A_74 = arith.constant 0 : i32
    %dma_wait3A_75 = arith.constant 0 : i32
    %dma_wait3A_76 = arith.constant 0 : i32
    %dma_wait3A_77 = tpu.memref_slice %arg8[%dma_wait3A_74, %dma_wait3A_75, %dma_wait3A_76] : memref<4x8x129xf32, #tpu.memory_space<vmem>> -> memref<4x8x128xf32, #tpu.memory_space<vmem>>
    %dma_wait3A_78 = arith.constant 0 : i32
    %dma_wait3A_79 = arith.constant 0 : i32
    %dma_wait3A_80 = arith.constant 0 : i32
    %dma_wait3A_81 = tpu.memref_slice %arg4[%dma_wait3A, %dma_wait3A_78, %dma_wait3A_72, %dma_wait3A_79, %dma_wait3A_80] : memref<50x4x128x8x128xf32, #tpu.memory_space<hbm>> -> memref<1x4x1x8x128xf32, #tpu.memory_space<hbm>>
    %dma_wait3A_82 = tpu.memref_squeeze %dma_wait3A_81 : memref<1x4x1x8x128xf32, #tpu.memory_space<hbm>> -> memref<4x8x128xf32, #tpu.memory_space<hbm>>
    %dma_wait3A_83 = tpu.memref_slice %arg11[%dma_wait3A_73] : memref<2x!tpu.dma_semaphore, #tpu.memory_space<semaphore_mem>> -> memref<1x!tpu.dma_semaphore, #tpu.memory_space<semaphore_mem>>
    %dma_wait3A_84 = tpu.memref_squeeze %dma_wait3A_83 : memref<1x!tpu.dma_semaphore, #tpu.memory_space<semaphore_mem>> -> memref<!tpu.dma_semaphore, #tpu.memory_space<semaphore_mem>>
    %dma_wait3A_85 = arith.constant 0 : i32
    %dma_wait3A_86 = arith.constant 0 : i32
    %dma_wait3A_87 = arith.constant 0 : i32
    %dma_wait3A_88 = tpu.memref_slice %arg8[%dma_wait3A_85, %dma_wait3A_86, %dma_wait3A_87] : memref<4x8x129xf32, #tpu.memory_space<vmem>> -> memref<4x8x128xf32, #tpu.memory_space<vmem>>
    %dma_wait3A_89 = arith.constant 0 : i32
    %dma_wait3A_90 = arith.constant 0 : i32
    %dma_wait3A_91 = arith.constant 0 : i32
    %dma_wait3A_92 = tpu.memref_slice %arg4[%dma_wait3A, %dma_wait3A_89, %dma_wait3A_72, %dma_wait3A_90, %dma_wait3A_91] : memref<50x4x128x8x128xf32, #tpu.memory_space<hbm>> -> memref<1x4x1x8x128xf32, #tpu.memory_space<hbm>>
    %dma_wait3A_93 = tpu.memref_squeeze %dma_wait3A_92 : memref<1x4x1x8x128xf32, #tpu.memory_space<hbm>> -> memref<4x8x128xf32, #tpu.memory_space<hbm>>
    tpu.wait_dma2 semaphore(%dma_wait3A_84 : memref<!tpu.dma_semaphore, #tpu.memory_space<semaphore_mem>>) src(%dma_wait3A_93 : memref<4x8x128xf32, #tpu.memory_space<hbm>>) dst(%dma_wait3A_88 : memref<4x8x128xf32, #tpu.memory_space<vmem>>)
    %dma_wait3A_94 = arith.constant 0 : i32
    %dma_wait3A_95 = arith.constant 0 : i32
    %dma_wait3A_96 = arith.constant 1 : i32
    %dma_wait3A_97 = arith.constant 0 : i32
    %dma_wait3A_98 = arith.constant 0 : i32
    %dma_wait3A_99 = arith.constant 0 : i32
    %dma_wait3A_100 = tpu.memref_slice %arg9[%dma_wait3A_97, %dma_wait3A_98, %dma_wait3A_99] : memref<4x8x129xf32, #tpu.memory_space<vmem>> -> memref<4x8x128xf32, #tpu.memory_space<vmem>>
    %dma_wait3A_101 = arith.constant 0 : i32
    %dma_wait3A_102 = arith.constant 0 : i32
    %dma_wait3A_103 = arith.constant 0 : i32
    %dma_wait3A_104 = tpu.memref_slice %arg4[%dma_wait3A_94, %dma_wait3A_101, %dma_wait3A_95, %dma_wait3A_102, %dma_wait3A_103] : memref<50x4x128x8x128xf32, #tpu.memory_space<hbm>> -> memref<1x4x1x8x128xf32, #tpu.memory_space<hbm>>
    %dma_wait3A_105 = tpu.memref_squeeze %dma_wait3A_104 : memref<1x4x1x8x128xf32, #tpu.memory_space<hbm>> -> memref<4x8x128xf32, #tpu.memory_space<hbm>>
    %dma_wait3A_106 = tpu.memref_slice %arg11[%dma_wait3A_96] : memref<2x!tpu.dma_semaphore, #tpu.memory_space<semaphore_mem>> -> memref<1x!tpu.dma_semaphore, #tpu.memory_space<semaphore_mem>>
    %dma_wait3A_107 = tpu.memref_squeeze %dma_wait3A_106 : memref<1x!tpu.dma_semaphore, #tpu.memory_space<semaphore_mem>> -> memref<!tpu.dma_semaphore, #tpu.memory_space<semaphore_mem>>
    %dma_wait3A_108 = arith.constant 0 : i32
    %dma_wait3A_109 = arith.constant 0 : i32
    %dma_wait3A_110 = arith.constant 0 : i32
    %dma_wait3A_111 = tpu.memref_slice %arg9[%dma_wait3A_108, %dma_wait3A_109, %dma_wait3A_110] : memref<4x8x129xf32, #tpu.memory_space<vmem>> -> memref<4x8x128xf32, #tpu.memory_space<vmem>>
    %dma_wait3A_112 = arith.constant 0 : i32
    %dma_wait3A_113 = arith.constant 0 : i32
    %dma_wait3A_114 = arith.constant 0 : i32
    %dma_wait3A_115 = tpu.memref_slice %arg4[%dma_wait3A_94, %dma_wait3A_112, %dma_wait3A_95, %dma_wait3A_113, %dma_wait3A_114] : memref<50x4x128x8x128xf32, #tpu.memory_space<hbm>> -> memref<1x4x1x8x128xf32, #tpu.memory_space<hbm>>
    %dma_wait3A_116 = tpu.memref_squeeze %dma_wait3A_115 : memref<1x4x1x8x128xf32, #tpu.memory_space<hbm>> -> memref<4x8x128xf32, #tpu.memory_space<hbm>>
    tpu.wait_dma2 semaphore(%dma_wait3A_107 : memref<!tpu.dma_semaphore, #tpu.memory_space<semaphore_mem>>) src(%dma_wait3A_116 : memref<4x8x128xf32, #tpu.memory_space<hbm>>) dst(%dma_wait3A_111 : memref<4x8x128xf32, #tpu.memory_space<vmem>>)
    return
  }
}

</mosaic_0001>

<sc_bundles>
// kernel: kernel.3.cloned.1.call-start
scs
__scs_entry_jumppad:
0x0: {  	(pc) =	sbr.rel $0x88, $3  }
0x1: {  	(tag) =	ssettag $0x0;
	lr =	simm.s32 $0x1  }
0x2: {  	[smem:$0x3F9F] =	sst lr;
	_ =	strace $0xD0000000  }
0x3: {  	_ = 	snop  }
0x4: {  	_ = 	snop  }
0x5: {  	_ = 	snop  }
0x6: {  	_ = 	snop  }
0x7: {  	_ = 	snop  }
__scs_overlays_trampoline_lowered:
0x8: {  	[smem:$0x3FAE] =	sst s0  }
0x9: {  	[smem:$0x3FAF] =	sst s1  }
0xa: {  	[smem:$0x3FB0] =	sst s2  }
0xb: {  	[smem:$0x3FB1] =	sst s3  }
0xc: {  	[smem:$0x3FB2] =	sst s4  }
0xd: {  	[smem:$0x3FB3] =	sst s5  }
0xe: {  	[smem:$0x3FB4] =	sst s6  }
0xf: {  	[smem:$0x3FB5] =	sst s7  }
0x10: {  	[smem:$0x3FB6] =	sst s8  }
0x11: {  	[smem:$0x3FB7] =	sst s9;
	s0 =	simm.s32 @!p0 $0x0  }
0x12: {  	s1 =	sld [smem:$0x3F9D];
	s0 =	simm.s32 @p0 $0x1  }
0x13: {  	[smem:$0x3FB8] =	sst s0;
	s0 =	simm.s32 @!p1 $0x0  }
0x14: {  	s2 =	sld [smem:$0x3F9C];
	s0 =	simm.s32 @p1 $0x1  }
0x15: {  	[smem:$0x3FB9] =	sst s0;
	s0 =	simm.s32 @!p2 $0x0  }
0x16: {  	s3 =	sld [smem:$0x3FDB];
	s0 =	simm.s32 @p2 $0x1  }
0x17: {  	s4 =	simm.s32 $0x1BF5;
	[smem:$0x3FBB] =	sst s0  }
0x18: {  	s0 =	sld [smem:$0x3F9E];
	_ =	swait.ge [sflag:s4], $0x0  }
0x19: {  	s7 =	sld [smem:$0x3F9F]  }
0x1a: {  	s8 =	sadd.s32 $0xFFFFE003, lr  }
0x1b: {  	s9 =	sadd.s32 $0xFFFFFEF7, lr;
	s5 =	simm.s32 $0xFFFFFFFF;
	p2 =	slt.u32 s8, $0xFFFFF086  }
0x1c: {  	p1 =	slt.u32 s9, $0xF7A;
	s5 =	simm.s32 @!p2 $0x0  }
0x1d: {  	s5 =	simm.s32 @p1 $0x1;
	p0 =	seq.s32 s7, s2  }
0x1e: {  	s7 =	smul.u32 @!p0 $0xF7A, s2;
	p2 =	seq.s32 @!p0 s5, $0x0  }
0x1f: {  	s9 =	smul.u32 $0xF7A, s1;
	s8 =	simm.s32 @!p0 $0x1BF5;
	p2 =	por !p2, p0  }
0x20: {  	[sflag:s8] =	ssyncset.s32 @!p0 $0xFFFFF086;
	s6 =	sadd.s32 @!p0 s3, s7;
	s7 =	simm.s32 @!p0 $0x108  }
0x21: {  	s3 =	sadd.s32 s3, s9;
	s6 =	sadd.s32 @!p0 $0x88, s6;
	s7 =	simm.s32 @p2 $0x1082  }
0x22: {  	[simem:s7], [sflag:s8] =	dma.local @!p0 [hbm:s6], $0xF7A  }
0x23: {  	s9 =	sor.u32 $0xD0000000, s2;
	s6 =	simm.s32 $0x108;
	_ =	swait.ge @!p0 [sflag:s8], $0x0  }
0x24: {  	s3 =	sadd.s32 $0x88, s3;
	s6 =	simm.s32 @!p1 $0x1082;
	[sflag:s4] =	ssyncset.s32 $0xFFFFF086  }
0x25: {  	[simem:s6], [sflag:s4] =	dma.local [hbm:s3], $0xF7A  }
0x26: {  	[smem:$0x3F9F] =	sst s1;
	(tag) =	ssettag s2;
	_ =	strace s9  }
0x27: {  	s1 =	sld [smem:$0x3FAF]  }
0x28: {  	s2 =	sld [smem:$0x3FB0]  }
0x29: {  	s4 =	sld [smem:$0x3FB2]  }
0x2a: {  	p0 =	seq.s32 s5, $0x0;
	s5 =	sld [smem:$0x3FB3]  }
0x2b: {  	s6 =	sld [smem:$0x3FB4]  }
0x2c: {  	s7 =	sld [smem:$0x3FB5]  }
0x2d: {  	s3 =	simm.s32 $0x108;
	s8 =	sld [smem:$0x3FB6]  }
0x2e: {  	s3 =	simm.s32 @!p0 $0x1082;
	s9 =	sld [smem:$0x3FB7]  }
0x2f: {  	lr =	sadd.s32 s0, s3;
	s0 =	sld [smem:$0x3FAE]  }
0x30: {  	s3 =	sld [smem:$0x3FB1]  }
0x31: {  	[smem:$0x3FBA] =	sst s10  }
0x32: {  	s10 =	sld [smem:$0x3FB8];
	_ =	sdelay $0x3  }
0x33: {  	p0 =	seq.s32 s10, $0x1;
	s10 =	sld [smem:$0x3FBA];
	_ =	sdelay $0x3  }
0x34: {  	[smem:$0x3FBA] =	sst s10  }
0x35: {  	s10 =	sld [smem:$0x3FB9];
	_ =	sdelay $0x3  }
0x36: {  	p1 =	seq.s32 s10, $0x1;
	s10 =	sld [smem:$0x3FBA];
	_ =	sdelay $0x3  }
0x37: {  	[smem:$0x3FBA] =	sst s10  }
0x38: {  	s10 =	sld [smem:$0x3FBB]  }
0x39: {  	_ = 	snop;
	(pc) =	sbr.ind lr, $3  }
0x3a: {  	_ = 	snop  }
0x3b: {  	_ = 	snop  }
0x3c: {  	p2 =	seq.s32 s10, $0x1;
	s10 =	sld [smem:$0x3FBA]  }
0x3d: {  	_ =	shalt  }
0x3e: {  	_ =	shalt  }
0x3f: {  	_ =	shalt  }
0x40: {  	_ =	shalt  }
0x41: {  	_ =	shalt  }
0x42: {  	_ =	shalt  }
0x43: {  	_ =	shalt  }
0x44: {  	_ =	shalt  }
0x45: {  	_ =	shalt  }
0x46: {  	_ =	shalt  }
0x47: {  	_ =	shalt  }
0x48: {  	_ =	shalt  }
0x49: {  	_ =	shalt  }
0x4a: {  	_ =	shalt  }
0x4b: {  	_ =	shalt  }
0x4c: {  	_ =	shalt  }
0x4d: {  	_ =	shalt  }
0x4e: {  	_ =	shalt  }
0x4f: {  	_ =	shalt  }
0x50: {  	_ =	shalt  }
0x51: {  	_ =	shalt  }
0x52: {  	_ =	shalt  }
0x53: {  	_ =	shalt  }
0x54: {  	_ =	shalt  }
0x55: {  	_ =	shalt  }
0x56: {  	_ =	shalt  }
0x57: {  	_ =	shalt  }
0x58: {  	_ =	shalt  }
0x59: {  	_ =	shalt  }
0x5a: {  	_ =	shalt  }
0x5b: {  	_ =	shalt  }
0x5c: {  	_ =	shalt  }
0x5d: {  	_ =	shalt  }
0x5e: {  	_ =	shalt  }
0x5f: {  	_ =	shalt  }
0x60: {  	_ =	shalt  }
0x61: {  	_ =	shalt  }
0x62: {  	_ =	shalt  }
0x63: {  	_ =	shalt  }
0x64: {  	_ =	shalt  }
0x65: {  	_ =	shalt  }
0x66: {  	_ =	shalt  }
0x67: {  	_ =	shalt  }
0x68: {  	_ =	shalt  }
0x69: {  	_ =	shalt  }
0x6a: {  	_ =	shalt  }
0x6b: {  	_ =	shalt  }
0x6c: {  	_ =	shalt  }
0x6d: {  	_ =	shalt  }
0x6e: {  	_ =	shalt  }
0x6f: {  	_ =	shalt  }
0x70: {  	_ =	shalt  }
0x71: {  	_ =	shalt  }
0x72: {  	_ =	shalt  }
0x73: {  	_ =	shalt  }
0x74: {  	_ =	shalt  }
0x75: {  	_ =	shalt  }
0x76: {  	_ =	shalt  }
0x77: {  	_ =	shalt  }
0x78: {  	_ =	shalt  }
0x79: {  	_ =	shalt  }
0x7a: {  	_ =	shalt  }
0x7b: {  	_ =	shalt  }
0x7c: {  	_ =	shalt  }
0x7d: {  	_ =	shalt  }
0x7e: {  	_ =	shalt  }
0x7f: {  	_ =	shalt  }
0x80: {  	_ =	shalt  }
0x81: {  	_ =	shalt  }
0x82: {  	_ =	shalt  }
0x83: {  	_ =	shalt  }
0x84: {  	_ =	shalt  }
0x85: {  	_ =	shalt  }
0x86: {  	_ =	shalt  }
0x87: {  	_ =	shalt  }
.Lfunc_end0:
.L_simem_size_0:
called_computation_lowered:
.L_overlay_start_0:
0x88: {  	s2 =	sld [smem:$0x3FD9]  }
0x89: {  	s3 =	sld [smem:$0x3FFE];
	_ =	sdelay $0x1  }
0x8a: {  	s1 =	srdreg.scid  }
0x8b: {  	s0 =	sand.u32 $0x1, s1  }
0x8c: {  	s17 =	sshll.u32 s0, $0xA;
	s2 =	sadd.s32 s3, s2  }
0x8d: {  	s2 =	sadd.s32 s2, s17  }
0x8e: {  	[smem:$0x3FC6] =	sst s2  }
0x8f: {  	_ = 	snop  }
0x90: {  	s2 =	sld [smem:$0x3FD0];
	(tm) =	ssettm $0x1  }
0x91: {  	s18 =	sld [smem:$0x3FFB];
	_ =	sdelay $0x3  }
0x92: {  	_ =	strace s18  }
0x93: {  	s3 =	sld [smem:$0x3FFC];
	_ =	sdelay $0x3  }
0x94: {  	_ =	strace s3  }
0x95: {  	s3 =	sld [smem:$0x3FFD];
	_ =	sdelay $0x3  }
0x96: {  	_ =	strace s3  }
0x97: {  	_ =	strace $0x8FFFFFFF  }
0x98: {  	s19 =	sld [smem:$0x3FDB];
	_ =	sdelay $0x1  }
0x99: {  	s4 =	simm.s32 $_scs_section_size  }
0x9a: {  	s5 =	simm.s32 $_size__tile_overlayer_lowered;
	s6 =	simm.s32 $_tile_overlayer_lowered  }
0x9b: {  	s22 =	simm.s32 $0x1BFF;
	s21 =	sshll.u32 s6, $0x1;
	s3 =	sadd.s32 s4, s19  }
0x9c: {  	s7 =	simm.s32 $0x0;
	s20 =	sshll.u32 s5, $0x1;
	s5 =	sadd.s32 s21, s3  }
0x9d: {  	[timem:s7], [sflag:s22] =	dma.local [hbm:s5], s20  }
0x9e: {  	_ =	swait.ge [sflag:s22], s20  }
0x9f: {  	s4 =	ssub.s32 $0x0, s20;
	[sflag:s22] =	ssyncset.done $0x0  }
0xa0: {  	[sflag:s22] =	ssyncadd.s32 s4;
	_ =	sdelay $0x1  }
0xa1: {  	s23 =	simm.s32 $0x1B8B  }
0xa2: {  	_ =	swait.ge [sflag:s23], $0x1  }
0xa3: {  	[sflag:s23] =	ssyncset.done $0x0  }
0xa4: {  	s25 =	simm.s32 $0x1B8E;
	s24 =	sld [smem:$0x3FFE];
	[sflag:s23] =	ssyncadd.s32 $0xFFFFFFFF  }
0xa5: {  	s26 =	simm.s32 $execute0_lowered;
	[smem:$0x3FD2] =	sst s25  }
0xa6: {  	s5 =	sshll.u32 s26, $0x1;
	_ =	strace $0x80000046;
	[dreg:$0x1] =	wrdreg $0xFFFFFFFF  }
0xa7: {  	s28 =	simm.s32 $_size_execute0_lowered;
	s3 =	sadd.s32 s3, s5;
	[dreg:$0x0] =	wrdreg $0x0  }
0xa8: {  	s5 =	sshll.u32 s28, $0x1;
	[dreg:$0x2] =	wrdreg s3  }
0xa9: {  	[dreg:$0x3] =	wrdreg s5  }
0xaa: {  	[dreg:$0x4] =	wrdreg $0xC0  }
0xab: {  	_ =	task [dreg:s7], $0x5FFFF  }
0xac: {  	[dreg:$0x1] =	wrdreg $0xFFFFFFFF  }
0xad: {  	[dreg:$0x0] =	wrdreg $0x60  }
0xae: {  	[dreg:$0x2] =	wrdreg s24  }
0xaf: {  	[dreg:$0x3] =	wrdreg s2  }
0xb0: {  	[dreg:$0x4] =	wrdreg $0x9  }
0xb1: {  	_ =	task.clear_ibuf [dreg:s7], $0x5FFFF;
	_ =	strace $0x90000046  }
0xb2: {  	s29 =	simm.s32 $0x9;
	_ =	strace $0x80000048  }
0xb3: {  	_ =	swait.ge [sflag:s29], $0x1  }
0xb4: {  	[sflag:s29] =	ssyncadd.s32 $0xFFFFFFFF  }
0xb5: {  	_ =	strace $0x90000048  }
0xb6: {  	_ =	sfence  }
0xb7: {  	s30 =	sld [smem:$0x0];
	_ =	sdelay $0x2  }
0xb8: {  	s31 =	sshll.u32 s1, $0xD;
	s1 =	sshrl.u32 s1, $0x2  }
0xb9: {  	s3 =	sand.u32 $0x4000, s31;
	s1 =	sadd.s32 s1, s30  }
0xba: {  	s0 =	sor.u32 s3, s0;
	s1 =	sshll.u32 s1, $0x11  }
0xbb: {  	s0 =	sor.u32 s1, s0  }
0xbc: {  	s0 =	sadd.s32 $0x8F2B, s0  }
0xbd: {  	[sflag:s0] =	ssyncadd.remote.s32 $0x1  }
0xbe: {  	_ =	sfence.sel $0xFFFF  }
0xbf: {  	[dreg:$0x0] =	wrdreg $0xFFFFFFFF;
	(pc) =	sbr.abs _section_cstart, $3  }
0xc0: {  	[dreg:$0x1] =	wrdreg $0xFFFFFFFF  }
0xc1: {  	_ =	task.clear_ibuf [dreg:s7], $0x2FFFF;
	_ =	strace $0x9FFFFFFF  }
0xc2: {  	(tm) =	ssettm $0x7FFFFFFF  }
0xc3: {  	_ =	shalt  }
tec
execute0_lowered:
.L_overlay_start_1:
0x0: {  	(tag) =	ssettag $0x1  }
0x1: {  	s4 =	rddreg [dreg:$0x0]  }
0x2: {  	s0 =	rddreg [dreg:$0x1]  }
0x3: {  	[dreg:$0x3] =	wrdreg s0  }
0x4: {  	s2 =	simm.s32 $0x0;
	s0 =	rddreg [dreg:$0x2]  }
0x5: {  	s25 =	simm.s32 $0x8488;
	[smem:$0x7FF] =	sst s2  }
0x6: {  	s26 =	simm.s32 $0x8510;
	_ =	strace $0x80000047;
	[dreg:$0x5] =	wrdreg s25  }
0x7: {  	s28 =	simm.s32 $0x8598;
	[dreg:$0x6] =	wrdreg s26  }
0x8: {  	s29 =	simm.s32 $0x8620;
	[dreg:$0x7] =	wrdreg s28  }
0x9: {  	s30 =	simm.s32 $0x86A8;
	[dreg:$0x8] =	wrdreg s29  }
0xa: {  	s31 =	simm.s32 $0x8730;
	[dreg:$0x9] =	wrdreg s30  }
0xb: {  	s7 =	simm.s32 $0x87B8;
	[dreg:$0xa] =	wrdreg s31  }
0xc: {  	s8 =	simm.s32 $0x8840;
	[dreg:$0xb] =	wrdreg s7  }
0xd: {  	s9 =	simm.s32 $0x88C8;
	[dreg:$0xc] =	wrdreg s8  }
0xe: {  	s10 =	simm.s32 $0x8950;
	[dreg:$0xd] =	wrdreg s9  }
0xf: {  	s11 =	simm.s32 $0x89D8;
	[dreg:$0xe] =	wrdreg s10  }
0x10: {  	s12 =	simm.s32 $0x8A60;
	[dreg:$0xf] =	wrdreg s11  }
0x11: {  	s13 =	simm.s32 $0x8AE8;
	[dreg:$0x10] =	wrdreg s12  }
0x12: {  	s14 =	simm.s32 $0x8B70;
	[dreg:$0x11] =	wrdreg s13  }
0x13: {  	s15 =	simm.s32 $0x8BF8;
	[dreg:$0x12] =	wrdreg s14  }
0x14: {  	s16 =	simm.s32 $0x8C80;
	[dreg:$0x13] =	wrdreg s15  }
0x15: {  	s17 =	simm.s32 $0x8D08;
	[dreg:$0x14] =	wrdreg s16  }
0x16: {  	s18 =	simm.s32 $0x8D90;
	[dreg:$0x15] =	wrdreg s17  }
0x17: {  	s19 =	simm.s32 $0x8E18;
	[dreg:$0x16] =	wrdreg s18  }
0x18: {  	s3 =	srdreg.scid;
	s20 =	simm.s32 $0x8EA0;
	[dreg:$0x17] =	wrdreg s19  }
0x19: {  	s1 =	stileid.u32;
	s21 =	simm.s32 $0x8F28;
	[dreg:$0x18] =	wrdreg s20  }
0x1a: {  	s22 =	simm.s32 $0x8FB0;
	s23 =	simm.s32 $0x9038;
	[dreg:$0x19] =	wrdreg s21  }
0x1b: {  	s5 =	sand.u32 $0x1, s3;
	s24 =	sshll.u32 s1, $0x1;
	[dreg:$0x1a] =	wrdreg s22  }
0x1c: {  	s6 =	sor.u32 s5, s24;
	[dreg:$0x1b] =	wrdreg s23;
	s24 =	simm.s32 $0x90C0  }
0x1d: {  	s25 =	simm.s32 $0x9148;
	[dreg:$0x1c] =	wrdreg s24  }
0x1e: {  	s26 =	simm.s32 $0x91D0;
	[dreg:$0x1d] =	wrdreg s25  }
0x1f: {  	s28 =	simm.s32 $0x9258;
	[dreg:$0x1e] =	wrdreg s26  }
0x20: {  	s29 =	simm.s32 $0x92E0;
	[dreg:$0x1f] =	wrdreg s28  }
0x21: {  	s30 =	simm.s32 $0x9368;
	[smem:$0x7DB] =	sst s29  }
0x22: {  	s31 =	simm.s32 $0x93F0;
	[smem:$0x7DC] =	sst s30  }
0x23: {  	s7 =	simm.s32 $0x9478;
	[smem:$0x7DD] =	sst s31  }
0x24: {  	s8 =	simm.s32 $0x9588;
	[smem:$0x7DE] =	sst s7  }
0x25: {  	s9 =	simm.s32 $0x9610;
	[smem:$0x7DF] =	sst s8  }
0x26: {  	s10 =	simm.s32 $0x9698;
	[smem:$0x7E0] =	sst s9  }
0x27: {  	s11 =	simm.s32 $0x9720;
	[smem:$0x7E1] =	sst s10  }
0x28: {  	s12 =	simm.s32 $0x97A8;
	[smem:$0x7E2] =	sst s11  }
0x29: {  	s13 =	simm.s32 $0x9830;
	[smem:$0x7E3] =	sst s12  }
0x2a: {  	s14 =	simm.s32 $0x98B8;
	[smem:$0x7E4] =	sst s13  }
0x2b: {  	s15 =	simm.s32 $0x9940;
	[smem:$0x7E5] =	sst s14  }
0x2c: {  	s16 =	simm.s32 $0x99C8;
	[smem:$0x7E6] =	sst s15  }
0x2d: {  	s17 =	simm.s32 $0x9A50;
	[smem:$0x7E7] =	sst s16  }
0x2e: {  	v0 =	vlaneseq.u32;
	s18 =	simm.s32 $0x9AD8;
	[smem:$0x7E8] =	sst s17  }
0x2f: {  	v0 =	vmul.u32 $0x88, v0;
	s19 =	simm.s32 $0x9B60;
	[smem:$0x7E9] =	sst s18  }
0x30: {  	s20 =	simm.s32 $0x9BE8;
	[smem:$0x7EA] =	sst s19  }
0x31: {  	s21 =	simm.s32 $0x9C70;
	v3 =	vadd.s32 $0x880, v0;
	v4 =	vor.u32 $0x1, v0;
	v5 =	vadd.s32 $0x881, v0;
	[smem:$0x7EB] =	sst s20  }
0x32: {  	s22 =	simm.s32 $0x9D80;
	v6 =	vor.u32 $0x2, v0;
	v7 =	vadd.s32 $0x882, v0;
	v8 =	vor.u32 $0x3, v0;
	[smem:$0x7EC] =	sst s21  }
0x33: {  	s23 =	simm.s32 $0x9E08;
	v9 =	vadd.s32 $0x883, v0;
	v10 =	vor.u32 $0x4, v0;
	v11 =	vadd.s32 $0x884, v0;
	[smem:$0x7EE] =	sst s22  }
0x34: {  	s5 =	ssub.s32 $0x2, s5;
	s3 =	sshll.u32 s6, $0x9;
	v12 =	vor.u32 $0x5, v0;
	v13 =	vadd.s32 $0x885, v0;
	v14 =	vor.u32 $0x6, v0;
	[smem:$0x7EF] =	sst s23  }
0x35: {  	s7 =	simm.s32 $0x9CF8;
	s6 =	sshll.u32 s6, $0x6;
	v15 =	vadd.s32 $0x886, v0;
	v16 =	vor.u32 $0x7, v0;
	v17 =	vadd.s32 $0x887, v0;
	[dreg:$0x4] =	wrdreg s3  }
0x36: {  	v18 =	vadd.s32 $0x8, v0;
	v19 =	vadd.s32 $0x888, v0;
	v20 =	vadd.s32 $0x9, v0;
	s24 =	simm.s32 $0x9E90;
	s25 =	simm.s32 $0x9F18;
	[smem:$0x7ED] =	sst s7  }
0x37: {  	v21 =	vadd.s32 $0x889, v0;
	v22 =	vadd.s32 $0xA, v0;
	v23 =	vadd.s32 $0x88A, v0;
	s26 =	sshrl.u32 s5, $0x1;
	s28 =	simm.s32 $0x9FA0;
	[smem:$0x7F0] =	sst s24  }
0x38: {  	v24 =	vadd.s32 $0xB, v0;
	v25 =	vadd.s32 $0x88B, v0;
	v26 =	vadd.s32 $0xC, v0;
	s29 =	simm.s32 $0xA028;
	s30 =	simm.s32 $0xA0B0;
	[smem:$0x7F1] =	sst s25  }
0x39: {  	v27 =	vadd.s32 $0x88C, v0;
	v28 =	vadd.s32 $0xD, v0;
	v29 =	vadd.s32 $0x88D, v0;
	s31 =	simm.s32 $0xA138;
	s8 =	simm.s32 $0xA1C0;
	[smem:$0x7F2] =	sst s28  }
0x3a: {  	v30 =	vadd.s32 $0xE, v0;
	v31 =	vadd.s32 $0x88E, v0;
	v32 =	vadd.s32 $0xF, v0;
	s9 =	simm.s32 $0xA248;
	s10 =	simm.s32 $0xA2D0;
	[smem:$0x7F3] =	sst s29  }
0x3b: {  	v33 =	vadd.s32 $0x88F, v0;
	v34 =	vadd.s32 $0x10, v0;
	v35 =	vadd.s32 $0x890, v0;
	s11 =	simm.s32 $0xA358;
	s12 =	simm.s32 $0xA3E0;
	[smem:$0x7F4] =	sst s30  }
0x3c: {  	v36 =	vadd.s32 $0x11, v0;
	v37 =	vadd.s32 $0x891, v0;
	v38 =	vadd.s32 $0x12, v0;
	s13 =	simm.s32 $0xA468;
	s14 =	simm.s32 $0xA4F0;
	[smem:$0x7F5] =	sst s31  }
0x3d: {  	v39 =	vadd.s32 $0x892, v0;
	v40 =	vadd.s32 $0x13, v0;
	v41 =	vadd.s32 $0x893, v0;
	s16 =	simm.s32 $0xA578;
	s15 =	simm.s32 $0x9500;
	[smem:$0x7F6] =	sst s8  }
0x3e: {  	v42 =	vadd.s32 $0x14, v0;
	v43 =	vadd.s32 $0x894, v0;
	v44 =	vadd.s32 $0x15, v0;
	s17 =	simm.s32 $0x4;
	s18 =	simm.s32 $0x0;
	[smem:$0x7F7] =	sst s9  }
0x3f: {  	v45 =	vadd.s32 $0x895, v0;
	v46 =	vadd.s32 $0x16, v0;
	v47 =	vadd.s32 $0x896, v0;
	s3 =	sadd.s32 $0xF42A00, s4;
	s4 =	sadd.s32 s6, s4;
	[smem:$0x7F8] =	sst s10  }
0x40: {  	v48 =	vadd.s32 $0x17, v0;
	v49 =	vadd.s32 $0x897, v0;
	v50 =	vadd.s32 $0x18, v0;
	s5 =	ssub.s32 s5, s26;
	s6 =	simm.s32 $0x200;
	[smem:$0x7F9] =	sst s11  }
0x41: {  	v51 =	vadd.s32 $0x898, v0;
	v52 =	vadd.s32 $0x19, v0;
	v1 =	vadd.s32 $0x1F, v0;
	s7 =	simm.s32 $0x4000;
	s8 =	simm.s32 $0x5;
	[smem:$0x7FA] =	sst s12  }
0x42: {  	v53 =	vadd.s32 $0x899, v0;
	v54 =	vadd.s32 $0x1A, v0;
	v55 =	vadd.s32 $0x89A, v0;
	s9 =	simm.s32 $0x80;
	s10 =	simm.s32 $0x6400;
	[smem:$0x7FB] =	sst s13;
	[tilespmem:$0x1FFC0] =	vst v1  }
0x43: {  	v56 =	vadd.s32 $0x1B, v0;
	v57 =	vadd.s32 $0x89B, v0;
	v58 =	vadd.s32 $0x1C, v0;
	s11 =	simm.s32 $0x7400;
	s12 =	simm.s32 $0x1;
	[smem:$0x7FC] =	sst s14;
	[tilespmem:$0x1FFE0] =	vst v3  }
0x44: {  	v59 =	vadd.s32 $0x89C, v0;
	v60 =	vadd.s32 $0x1D, v0;
	s13 =	simm.s32 $0x8400;
	s14 =	simm.s32 $0x2;
	[smem:$0x7FD] =	sst s16;
	v1 =	vadd.s32 $0x89F, v0;
	[tilespmem:$0x1FFF0] =	vst v4  }
0x45: {  	v61 =	vadd.s32 $0x89D, v0;
	v62 =	vadd.s32 $0x1E, v0;
	v63 =	vadd.s32 $0x89E, v0;
	s16 =	simm.s32 $0x3;
	s4 =	sadd.s32 $0x600, s4;
	s5 =	smax.u32 s5, $0x1;
	[tilespmem:$0x1FFD0] =	vst v1  }
.LBB2_1:
0x46: {  	[tilespmem:s2], [sflag:$0x5] =	stream.strided.gather [hbm4b:s4+s6], $0x6400, s7, s6, $0x38;
	[tilespmem:$0xA600] =	vst v63  }
0x47: {  	_ =	swait.ge [sflag:s8], $0x6400  }
0x48: {  	[sflag:s8] =	ssyncset.done $0x0  }
0x49: {  	[sflag:s8] =	ssyncadd.s32 $0xFFFF9C00  }
0x4a: {  	[tilespmem:s10], [sflag:$0x1] =	stream.indirect.gather [hbm4b:s3+s9], $0x20, s2, s9, $0xb8;
	[tilespmem:$0xA600] =	vst v63  }
0x4b: {  	s19 =	simm.s32 $0x600;
	s20 =	simm.s32 $0x0;
	s21 =	simm.s32 $0x0  }
0x4c: {  	[tilespmem:s11], [sflag:$0x2] =	stream.indirect.gather [hbm4b:s3+s9], $0x20, s9, s9, $0xb8;
	[tilespmem:$0xA600] =	vst v63  }
.LBB2_2:
0x4d: {  	_ =	swait.ge [sflag:s12], $0x1000  }
0x4e: {  	p0 =	seq.s32 s21, $0x0;
	[sflag:s12] =	ssyncset.done $0x0  }
0x4f: {  	s22 =	simm.s32 @!p0 $0x3;
	[sflag:s12] =	ssyncadd.s32 $0xFFFFF000  }
0x50: {  	_ =	swait.ge @!p0 [sflag:s22], $0x1000  }
0x51: {  	[sflag:s22] =	ssyncset.done @!p0 $0x0  }
0x52: {  	[sflag:s22] =	ssyncadd.s32 @!p0 $0xFFFFF000  }
0x53: {  	v1 =	vld [tilespmem:$0x6400]  }
0x54: {  	v2 =	vld [tilespmem:$0x6410];
	_ =	sdelay $0x3  }
0x55: {  	[tilespmem:v0+s13+$0x0] =	vst.idx.msk $0xffff, v1  }
0x56: {  	[tilespmem:v3+s13+$0x0] =	vst.idx.msk $0xffff, v2  }
0x57: {  	v1 =	vld [tilespmem:$0x6420]  }
0x58: {  	v2 =	vld [tilespmem:$0x6430];
	_ =	sdelay $0x3  }
0x59: {  	[tilespmem:v4+s13+$0x0] =	vst.idx.msk $0xffff, v1  }
0x5a: {  	[tilespmem:v5+s13+$0x0] =	vst.idx.msk $0xffff, v2  }
0x5b: {  	v1 =	vld [tilespmem:$0x6440]  }
0x5c: {  	v2 =	vld [tilespmem:$0x6450];
	_ =	sdelay $0x3  }
0x5d: {  	[tilespmem:v6+s13+$0x0] =	vst.idx.msk $0xffff, v1  }
0x5e: {  	[tilespmem:v7+s13+$0x0] =	vst.idx.msk $0xffff, v2  }
0x5f: {  	v1 =	vld [tilespmem:$0x6460]  }
0x60: {  	v2 =	vld [tilespmem:$0x6470];
	_ =	sdelay $0x3  }
0x61: {  	[tilespmem:v8+s13+$0x0] =	vst.idx.msk $0xffff, v1  }
0x62: {  	[tilespmem:v9+s13+$0x0] =	vst.idx.msk $0xffff, v2  }
0x63: {  	v1 =	vld [tilespmem:$0x6480]  }
0x64: {  	v2 =	vld [tilespmem:$0x6490];
	_ =	sdelay $0x3  }
0x65: {  	[tilespmem:v10+s13+$0x0] =	vst.idx.msk $0xffff, v1  }
0x66: {  	[tilespmem:v11+s13+$0x0] =	vst.idx.msk $0xffff, v2  }
0x67: {  	v1 =	vld [tilespmem:$0x64A0]  }
0x68: {  	v2 =	vld [tilespmem:$0x64B0];
	_ =	sdelay $0x3  }
0x69: {  	[tilespmem:v12+s13+$0x0] =	vst.idx.msk $0xffff, v1  }
0x6a: {  	[tilespmem:v13+s13+$0x0] =	vst.idx.msk $0xffff, v2  }
0x6b: {  	v1 =	vld [tilespmem:$0x64C0]  }
0x6c: {  	v2 =	vld [tilespmem:$0x64D0];
	_ =	sdelay $0x3  }
0x6d: {  	[tilespmem:v14+s13+$0x0] =	vst.idx.msk $0xffff, v1  }
0x6e: {  	[tilespmem:v15+s13+$0x0] =	vst.idx.msk $0xffff, v2  }
0x6f: {  	v1 =	vld [tilespmem:$0x64E0]  }
0x70: {  	v2 =	vld [tilespmem:$0x64F0];
	_ =	sdelay $0x3  }
0x71: {  	[tilespmem:v16+s13+$0x0] =	vst.idx.msk $0xffff, v1  }
0x72: {  	[tilespmem:v17+s13+$0x0] =	vst.idx.msk $0xffff, v2  }
0x73: {  	v1 =	vld [tilespmem:$0x6500]  }
0x74: {  	v2 =	vld [tilespmem:$0x6510];
	_ =	sdelay $0x3  }
0x75: {  	[tilespmem:v18+s13+$0x0] =	vst.idx.msk $0xffff, v1  }
0x76: {  	[tilespmem:v19+s13+$0x0] =	vst.idx.msk $0xffff, v2  }
0x77: {  	v1 =	vld [tilespmem:$0x6520]  }
0x78: {  	v2 =	vld [tilespmem:$0x6530];
	_ =	sdelay $0x3  }
0x79: {  	[tilespmem:v20+s13+$0x0] =	vst.idx.msk $0xffff, v1  }
0x7a: {  	[tilespmem:v21+s13+$0x0] =	vst.idx.msk $0xffff, v2  }
0x7b: {  	v1 =	vld [tilespmem:$0x6540]  }
0x7c: {  	v2 =	vld [tilespmem:$0x6550];
	_ =	sdelay $0x3  }
0x7d: {  	[tilespmem:v22+s13+$0x0] =	vst.idx.msk $0xffff, v1  }
0x7e: {  	[tilespmem:v23+s13+$0x0] =	vst.idx.msk $0xffff, v2  }
0x7f: {  	v1 =	vld [tilespmem:$0x6560]  }
0x80: {  	v2 =	vld [tilespmem:$0x6570];
	_ =	sdelay $0x3  }
0x81: {  	[tilespmem:v24+s13+$0x0] =	vst.idx.msk $0xffff, v1  }
0x82: {  	[tilespmem:v25+s13+$0x0] =	vst.idx.msk $0xffff, v2  }
0x83: {  	v1 =	vld [tilespmem:$0x6580]  }
0x84: {  	v2 =	vld [tilespmem:$0x6590];
	_ =	sdelay $0x3  }
0x85: {  	[tilespmem:v26+s13+$0x0] =	vst.idx.msk $0xffff, v1  }
0x86: {  	[tilespmem:v27+s13+$0x0] =	vst.idx.msk $0xffff, v2  }
0x87: {  	v1 =	vld [tilespmem:$0x65A0]  }
0x88: {  	v2 =	vld [tilespmem:$0x65B0];
	_ =	sdelay $0x3  }
0x89: {  	[tilespmem:v28+s13+$0x0] =	vst.idx.msk $0xffff, v1  }
0x8a: {  	[tilespmem:v29+s13+$0x0] =	vst.idx.msk $0xffff, v2  }
0x8b: {  	v1 =	vld [tilespmem:$0x65C0]  }
0x8c: {  	v2 =	vld [tilespmem:$0x65D0];
	_ =	sdelay $0x3  }
0x8d: {  	[tilespmem:v30+s13+$0x0] =	vst.idx.msk $0xffff, v1  }
0x8e: {  	[tilespmem:v31+s13+$0x0] =	vst.idx.msk $0xffff, v2  }
0x8f: {  	v1 =	vld [tilespmem:$0x65E0]  }
0x90: {  	v2 =	vld [tilespmem:$0x65F0];
	_ =	sdelay $0x3  }
0x91: {  	[tilespmem:v32+s13+$0x0] =	vst.idx.msk $0xffff, v1  }
0x92: {  	[tilespmem:v33+s13+$0x0] =	vst.idx.msk $0xffff, v2  }
0x93: {  	v1 =	vld [tilespmem:$0x6600]  }
0x94: {  	v2 =	vld [tilespmem:$0x6610];
	_ =	sdelay $0x3  }
0x95: {  	[tilespmem:v34+s13+$0x0] =	vst.idx.msk $0xffff, v1  }
0x96: {  	[tilespmem:v35+s13+$0x0] =	vst.idx.msk $0xffff, v2  }
0x97: {  	v1 =	vld [tilespmem:$0x6620]  }
0x98: {  	v2 =	vld [tilespmem:$0x6630];
	_ =	sdelay $0x3  }
0x99: {  	[tilespmem:v36+s13+$0x0] =	vst.idx.msk $0xffff, v1  }
0x9a: {  	[tilespmem:v37+s13+$0x0] =	vst.idx.msk $0xffff, v2  }
0x9b: {  	v1 =	vld [tilespmem:$0x6640]  }
0x9c: {  	v2 =	vld [tilespmem:$0x6650];
	_ =	sdelay $0x3  }
0x9d: {  	[tilespmem:v38+s13+$0x0] =	vst.idx.msk $0xffff, v1  }
0x9e: {  	[tilespmem:v39+s13+$0x0] =	vst.idx.msk $0xffff, v2  }
0x9f: {  	v1 =	vld [tilespmem:$0x6660]  }
0xa0: {  	v2 =	vld [tilespmem:$0x6670];
	_ =	sdelay $0x3  }
0xa1: {  	[tilespmem:v40+s13+$0x0] =	vst.idx.msk $0xffff, v1  }
0xa2: {  	[tilespmem:v41+s13+$0x0] =	vst.idx.msk $0xffff, v2  }
0xa3: {  	v1 =	vld [tilespmem:$0x6680]  }
0xa4: {  	v2 =	vld [tilespmem:$0x6690];
	_ =	sdelay $0x3  }
0xa5: {  	[tilespmem:v42+s13+$0x0] =	vst.idx.msk $0xffff, v1  }
0xa6: {  	[tilespmem:v43+s13+$0x0] =	vst.idx.msk $0xffff, v2  }
0xa7: {  	v1 =	vld [tilespmem:$0x66A0]  }
0xa8: {  	v2 =	vld [tilespmem:$0x66B0];
	_ =	sdelay $0x3  }
0xa9: {  	[tilespmem:v44+s13+$0x0] =	vst.idx.msk $0xffff, v1  }
0xaa: {  	[tilespmem:v45+s13+$0x0] =	vst.idx.msk $0xffff, v2  }
0xab: {  	v1 =	vld [tilespmem:$0x66C0]  }
0xac: {  	v2 =	vld [tilespmem:$0x66D0];
	_ =	sdelay $0x3  }
0xad: {  	[tilespmem:v46+s13+$0x0] =	vst.idx.msk $0xffff, v1  }
0xae: {  	[tilespmem:v47+s13+$0x0] =	vst.idx.msk $0xffff, v2  }
0xaf: {  	v1 =	vld [tilespmem:$0x66E0]  }
0xb0: {  	v2 =	vld [tilespmem:$0x66F0];
	_ =	sdelay $0x3  }
0xb1: {  	[tilespmem:v48+s13+$0x0] =	vst.idx.msk $0xffff, v1  }
0xb2: {  	[tilespmem:v49+s13+$0x0] =	vst.idx.msk $0xffff, v2  }
0xb3: {  	v1 =	vld [tilespmem:$0x6700]  }
0xb4: {  	v2 =	vld [tilespmem:$0x6710];
	_ =	sdelay $0x3  }
0xb5: {  	[tilespmem:v50+s13+$0x0] =	vst.idx.msk $0xffff, v1  }
0xb6: {  	[tilespmem:v51+s13+$0x0] =	vst.idx.msk $0xffff, v2  }
0xb7: {  	v1 =	vld [tilespmem:$0x6720]  }
0xb8: {  	v2 =	vld [tilespmem:$0x6730];
	_ =	sdelay $0x3  }
0xb9: {  	[tilespmem:v52+s13+$0x0] =	vst.idx.msk $0xffff, v1  }
0xba: {  	[tilespmem:v53+s13+$0x0] =	vst.idx.msk $0xffff, v2  }
0xbb: {  	v1 =	vld [tilespmem:$0x6740]  }
0xbc: {  	v2 =	vld [tilespmem:$0x6750];
	_ =	sdelay $0x3  }
0xbd: {  	[tilespmem:v54+s13+$0x0] =	vst.idx.msk $0xffff, v1  }
0xbe: {  	[tilespmem:v55+s13+$0x0] =	vst.idx.msk $0xffff, v2  }
0xbf: {  	v1 =	vld [tilespmem:$0x6760]  }
0xc0: {  	v2 =	vld [tilespmem:$0x6770];
	_ =	sdelay $0x3  }
0xc1: {  	[tilespmem:v56+s13+$0x0] =	vst.idx.msk $0xffff, v1  }
0xc2: {  	[tilespmem:v57+s13+$0x0] =	vst.idx.msk $0xffff, v2  }
0xc3: {  	v1 =	vld [tilespmem:$0x6780]  }
0xc4: {  	v2 =	vld [tilespmem:$0x6790];
	_ =	sdelay $0x3  }
0xc5: {  	[tilespmem:v58+s13+$0x0] =	vst.idx.msk $0xffff, v1  }
0xc6: {  	[tilespmem:v59+s13+$0x0] =	vst.idx.msk $0xffff, v2  }
0xc7: {  	v1 =	vld [tilespmem:$0x67A0]  }
0xc8: {  	v2 =	vld [tilespmem:$0x67B0];
	_ =	sdelay $0x3  }
0xc9: {  	[tilespmem:v60+s13+$0x0] =	vst.idx.msk $0xffff, v1  }
0xca: {  	[tilespmem:v61+s13+$0x0] =	vst.idx.msk $0xffff, v2  }
0xcb: {  	v1 =	vld [tilespmem:$0x67C0]  }
0xcc: {  	v2 =	vld [tilespmem:$0x67D0];
	_ =	sdelay $0x2  }
0xcd: {  	v3 =	vld [tilespmem:$0x1FFC0]  }
0xce: {  	[tilespmem:v62+s13+$0x0] =	vst.idx.msk $0xffff, v1  }
0xcf: {  	[tilespmem:v63+s13+$0x0] =	vst.idx.msk $0xffff, v2  }
0xd0: {  	v1 =	vld [tilespmem:$0x67E0];
	_ =	sdelay $0x3  }
0xd1: {  	v2 =	vld [tilespmem:$0x67F0]  }
0xd2: {  	[tilespmem:v3+s13+$0x0] =	vst.idx.msk $0xffff, v1;
	v1 =	vld [tilespmem:$0x1FFD0];
	_ =	sdelay $0x7  }
0xd3: {  	[tilespmem:v1+s13+$0x0] =	vst.idx.msk $0xffff, v2  }
0xd4: {  	v3 =	vadd.s32 $0x20, v0;
	v4 =	vld [tilespmem:$0x6800]  }
0xd5: {  	v1 =	vadd.s32 $0x8A0, v0;
	v2 =	vld [tilespmem:$0x6810];
	_ =	sdelay $0x2  }
0xd6: {  	[tilespmem:$0x1F3C0] =	vst v3  }
0xd7: {  	[tilespmem:v3+s13+$0x0] =	vst.idx.msk $0xffff, v4  }
0xd8: {  	[tilespmem:v1+s13+$0x0] =	vst.idx.msk $0xffff, v2  }
0xd9: {  	[tilespmem:$0x1F3D0] =	vst v1;
	v3 =	vadd.s32 $0x21, v0;
	v1 =	vld [tilespmem:$0x6820]  }
0xda: {  	v4 =	vadd.s32 $0x8A1, v0;
	v2 =	vld [tilespmem:$0x6830];
	_ =	sdelay $0x3  }
0xdb: {  	[tilespmem:v3+s13+$0x0] =	vst.idx.msk $0xffff, v1  }
0xdc: {  	[tilespmem:v4+s13+$0x0] =	vst.idx.msk $0xffff, v2  }
0xdd: {  	[tilespmem:$0x1F3E0] =	vst v3;
	v3 =	vadd.s32 $0x22, v0;
	v1 =	vld [tilespmem:$0x6840]  }
0xde: {  	[tilespmem:$0x1F3F0] =	vst v4;
	v4 =	vadd.s32 $0x8A2, v0;
	v2 =	vld [tilespmem:$0x6850];
	_ =	sdelay $0x3  }
0xdf: {  	[tilespmem:v3+s13+$0x0] =	vst.idx.msk $0xffff, v1  }
0xe0: {  	[tilespmem:v4+s13+$0x0] =	vst.idx.msk $0xffff, v2  }
0xe1: {  	[tilespmem:$0x1F400] =	vst v3;
	v3 =	vadd.s32 $0x23, v0;
	v1 =	vld [tilespmem:$0x6860]  }
0xe2: {  	[tilespmem:$0x1F410] =	vst v4;
	v4 =	vadd.s32 $0x8A3, v0;
	v2 =	vld [tilespmem:$0x6870];
	_ =	sdelay $0x3  }
0xe3: {  	[tilespmem:v3+s13+$0x0] =	vst.idx.msk $0xffff, v1  }
0xe4: {  	[tilespmem:v4+s13+$0x0] =	vst.idx.msk $0xffff, v2  }
0xe5: {  	[tilespmem:$0x1F420] =	vst v3;
	v3 =	vadd.s32 $0x24, v0;
	v1 =	vld [tilespmem:$0x6880]  }
0xe6: {  	[tilespmem:$0x1F430] =	vst v4;
	v4 =	vadd.s32 $0x8A4, v0;
	v2 =	vld [tilespmem:$0x6890];
	_ =	sdelay $0x3  }
0xe7: {  	[tilespmem:v3+s13+$0x0] =	vst.idx.msk $0xffff, v1  }
0xe8: {  	[tilespmem:v4+s13+$0x0] =	vst.idx.msk $0xffff, v2  }
0xe9: {  	[tilespmem:$0x1F440] =	vst v3;
	v3 =	vadd.s32 $0x25, v0;
	v1 =	vld [tilespmem:$0x68A0]  }
0xea: {  	[tilespmem:$0x1F450] =	vst v4;
	v4 =	vadd.s32 $0x8A5, v0;
	v2 =	vld [tilespmem:$0x68B0];
	_ =	sdelay $0x3  }
0xeb: {  	[tilespmem:v3+s13+$0x0] =	vst.idx.msk $0xffff, v1  }
0xec: {  	[tilespmem:v4+s13+$0x0] =	vst.idx.msk $0xffff, v2  }
0xed: {  	[tilespmem:$0x1F460] =	vst v3;
	v3 =	vadd.s32 $0x26, v0;
	v1 =	vld [tilespmem:$0x68C0]  }
0xee: {  	[tilespmem:$0x1F470] =	vst v4;
	v4 =	vadd.s32 $0x8A6, v0;
	v2 =	vld [tilespmem:$0x68D0];
	_ =	sdelay $0x3  }
0xef: {  	[tilespmem:v3+s13+$0x0] =	vst.idx.msk $0xffff, v1  }
0xf0: {  	[tilespmem:v4+s13+$0x0] =	vst.idx.msk $0xffff, v2  }
0xf1: {  	[tilespmem:$0x1F480] =	vst v3;
	v3 =	vadd.s32 $0x27, v0;
	v1 =	vld [tilespmem:$0x68E0]  }
0xf2: {  	[tilespmem:$0x1F490] =	vst v4;
	v4 =	vadd.s32 $0x8A7, v0;
	v2 =	vld [tilespmem:$0x68F0];
	_ =	sdelay $0x3  }
0xf3: {  	[tilespmem:v3+s13+$0x0] =	vst.idx.msk $0xffff, v1  }
0xf4: {  	[tilespmem:v4+s13+$0x0] =	vst.idx.msk $0xffff, v2  }
0xf5: {  	[tilespmem:$0x1F4A0] =	vst v3;
	v3 =	vadd.s32 $0x28, v0;
	v1 =	vld [tilespmem:$0x6900]  }
0xf6: {  	[tilespmem:$0x1F4B0] =	vst v4;
	v4 =	vadd.s32 $0x8A8, v0;
	v2 =	vld [tilespmem:$0x6910];
	_ =	sdelay $0x3  }
0xf7: {  	[tilespmem:v3+s13+$0x0] =	vst.idx.msk $0xffff, v1  }
0xf8: {  	[tilespmem:v4+s13+$0x0] =	vst.idx.msk $0xffff, v2  }
0xf9: {  	[tilespmem:$0x1F4C0] =	vst v3;
	v3 =	vadd.s32 $0x29, v0;
	v1 =	vld [tilespmem:$0x6920]  }
0xfa: {  	[tilespmem:$0x1F4D0] =	vst v4;
	v4 =	vadd.s32 $0x8A9, v0;
	v2 =	vld [tilespmem:$0x6930];
	_ =	sdelay $0x3  }
0xfb: {  	[tilespmem:v3+s13+$0x0] =	vst.idx.msk $0xffff, v1  }
0xfc: {  	[tilespmem:v4+s13+$0x0] =	vst.idx.msk $0xffff, v2  }
0xfd: {  	[tilespmem:$0x1F4E0] =	vst v3;
	v3 =	vadd.s32 $0x2A, v0;
	v1 =	vld [tilespmem:$0x6940]  }
0xfe: {  	[tilespmem:$0x1F4F0] =	vst v4;
	v4 =	vadd.s32 $0x8AA, v0;
	v2 =	vld [tilespmem:$0x6950];
	_ =	sdelay $0x3  }
0xff: {  	[tilespmem:v3+s13+$0x0] =	vst.idx.msk $0xffff, v1  }
0x100: {  	[tilespmem:v4+s13+$0x0] =	vst.idx.msk $0xffff, v2  }
0x101: {  	[tilespmem:$0x1F500] =	vst v3;
	v3 =	vadd.s32 $0x2B, v0;
	v1 =	vld [tilespmem:$0x6960]  }
0x102: {  	[tilespmem:$0x1F510] =	vst v4;
	v4 =	vadd.s32 $0x8AB, v0;
	v2 =	vld [tilespmem:$0x6970];
	_ =	sdelay $0x3  }
0x103: {  	[tilespmem:v3+s13+$0x0] =	vst.idx.msk $0xffff, v1  }
0x104: {  	[tilespmem:v4+s13+$0x0] =	vst.idx.msk $0xffff, v2  }
0x105: {  	[tilespmem:$0x1F520] =	vst v3;
	v3 =	vadd.s32 $0x2C, v0;
	v1 =	vld [tilespmem:$0x6980]  }
0x106: {  	[tilespmem:$0x1F530] =	vst v4;
	v4 =	vadd.s32 $0x8AC, v0;
	v2 =	vld [tilespmem:$0x6990];
	_ =	sdelay $0x3  }
0x107: {  	[tilespmem:v3+s13+$0x0] =	vst.idx.msk $0xffff, v1  }
0x108: {  	[tilespmem:v4+s13+$0x0] =	vst.idx.msk $0xffff, v2  }
0x109: {  	[tilespmem:$0x1F540] =	vst v3;
	v3 =	vadd.s32 $0x2D, v0;
	v1 =	vld [tilespmem:$0x69A0]  }
0x10a: {  	[tilespmem:$0x1F550] =	vst v4;
	v4 =	vadd.s32 $0x8AD, v0;
	v2 =	vld [tilespmem:$0x69B0];
	_ =	sdelay $0x3  }
0x10b: {  	[tilespmem:v3+s13+$0x0] =	vst.idx.msk $0xffff, v1  }
0x10c: {  	[tilespmem:v4+s13+$0x0] =	vst.idx.msk $0xffff, v2  }
0x10d: {  	[tilespmem:$0x1F560] =	vst v3;
	v3 =	vadd.s32 $0x2E, v0;
	v1 =	vld [tilespmem:$0x69C0]  }
0x10e: {  	[tilespmem:$0x1F570] =	vst v4;
	v4 =	vadd.s32 $0x8AE, v0;
	v2 =	vld [tilespmem:$0x69D0];
	_ =	sdelay $0x3  }
0x10f: {  	[tilespmem:v3+s13+$0x0] =	vst.idx.msk $0xffff, v1  }
0x110: {  	[tilespmem:v4+s13+$0x0] =	vst.idx.msk $0xffff, v2  }
0x111: {  	[tilespmem:$0x1F580] =	vst v3;
	v3 =	vadd.s32 $0x2F, v0;
	v1 =	vld [tilespmem:$0x69E0]  }
0x112: {  	[tilespmem:$0x1F590] =	vst v4;
	v4 =	vadd.s32 $0x8AF, v0;
	v2 =	vld [tilespmem:$0x69F0];
	_ =	sdelay $0x3  }
0x113: {  	[tilespmem:v3+s13+$0x0] =	vst.idx.msk $0xffff, v1  }
0x114: {  	[tilespmem:v4+s13+$0x0] =	vst.idx.msk $0xffff, v2  }
0x115: {  	[tilespmem:$0x1F5A0] =	vst v3;
	v3 =	vadd.s32 $0x30, v0;
	v1 =	vld [tilespmem:$0x6A00]  }
0x116: {  	[tilespmem:$0x1F5B0] =	vst v4;
	v4 =	vadd.s32 $0x8B0, v0;
	v2 =	vld [tilespmem:$0x6A10];
	_ =	sdelay $0x3  }
0x117: {  	[tilespmem:v3+s13+$0x0] =	vst.idx.msk $0xffff, v1  }
0x118: {  	[tilespmem:v4+s13+$0x0] =	vst.idx.msk $0xffff, v2  }
0x119: {  	[tilespmem:$0x1F5C0] =	vst v3;
	v3 =	vadd.s32 $0x31, v0;
	v1 =	vld [tilespmem:$0x6A20]  }
0x11a: {  	[tilespmem:$0x1F5D0] =	vst v4;
	v4 =	vadd.s32 $0x8B1, v0;
	v2 =	vld [tilespmem:$0x6A30];
	_ =	sdelay $0x3  }
0x11b: {  	[tilespmem:v3+s13+$0x0] =	vst.idx.msk $0xffff, v1  }
0x11c: {  	[tilespmem:v4+s13+$0x0] =	vst.idx.msk $0xffff, v2  }
0x11d: {  	[tilespmem:$0x1F5E0] =	vst v3;
	v3 =	vadd.s32 $0x32, v0;
	v1 =	vld [tilespmem:$0x6A40]  }
0x11e: {  	[tilespmem:$0x1F5F0] =	vst v4;
	v4 =	vadd.s32 $0x8B2, v0;
	v2 =	vld [tilespmem:$0x6A50];
	_ =	sdelay $0x3  }
0x11f: {  	[tilespmem:v3+s13+$0x0] =	vst.idx.msk $0xffff, v1  }
0x120: {  	[tilespmem:v4+s13+$0x0] =	vst.idx.msk $0xffff, v2  }
0x121: {  	[tilespmem:$0x1F600] =	vst v3;
	v3 =	vadd.s32 $0x33, v0;
	v1 =	vld [tilespmem:$0x6A60]  }
0x122: {  	[tilespmem:$0x1F610] =	vst v4;
	v4 =	vadd.s32 $0x8B3, v0;
	v2 =	vld [tilespmem:$0x6A70];
	_ =	sdelay $0x3  }
0x123: {  	[tilespmem:v3+s13+$0x0] =	vst.idx.msk $0xffff, v1  }
0x124: {  	[tilespmem:v4+s13+$0x0] =	vst.idx.msk $0xffff, v2  }
0x125: {  	[tilespmem:$0x1F620] =	vst v3;
	v3 =	vadd.s32 $0x34, v0;
	v1 =	vld [tilespmem:$0x6A80]  }
0x126: {  	[tilespmem:$0x1F630] =	vst v4;
	v4 =	vadd.s32 $0x8B4, v0;
	v2 =	vld [tilespmem:$0x6A90];
	_ =	sdelay $0x3  }
0x127: {  	[tilespmem:v3+s13+$0x0] =	vst.idx.msk $0xffff, v1  }
0x128: {  	[tilespmem:v4+s13+$0x0] =	vst.idx.msk $0xffff, v2  }
0x129: {  	[tilespmem:$0x1F640] =	vst v3;
	v3 =	vadd.s32 $0x35, v0;
	v1 =	vld [tilespmem:$0x6AA0]  }
0x12a: {  	[tilespmem:$0x1F650] =	vst v4;
	v4 =	vadd.s32 $0x8B5, v0;
	v2 =	vld [tilespmem:$0x6AB0];
	_ =	sdelay $0x3  }
0x12b: {  	[tilespmem:v3+s13+$0x0] =	vst.idx.msk $0xffff, v1  }
0x12c: {  	[tilespmem:v4+s13+$0x0] =	vst.idx.msk $0xffff, v2  }
0x12d: {  	[tilespmem:$0x1F660] =	vst v3;
	v3 =	vadd.s32 $0x36, v0;
	v1 =	vld [tilespmem:$0x6AC0]  }
0x12e: {  	[tilespmem:$0x1F670] =	vst v4;
	v4 =	vadd.s32 $0x8B6, v0;
	v2 =	vld [tilespmem:$0x6AD0];
	_ =	sdelay $0x3  }
0x12f: {  	[tilespmem:v3+s13+$0x0] =	vst.idx.msk $0xffff, v1  }
0x130: {  	[tilespmem:v4+s13+$0x0] =	vst.idx.msk $0xffff, v2  }
0x131: {  	[tilespmem:$0x1F680] =	vst v3;
	v3 =	vadd.s32 $0x37, v0;
	v1 =	vld [tilespmem:$0x6AE0]  }
0x132: {  	[tilespmem:$0x1F690] =	vst v4;
	v4 =	vadd.s32 $0x8B7, v0;
	v2 =	vld [tilespmem:$0x6AF0];
	_ =	sdelay $0x3  }
0x133: {  	[tilespmem:v3+s13+$0x0] =	vst.idx.msk $0xffff, v1  }
0x134: {  	[tilespmem:v4+s13+$0x0] =	vst.idx.msk $0xffff, v2  }
0x135: {  	[tilespmem:$0x1F6A0] =	vst v3;
	v3 =	vadd.s32 $0x38, v0;
	v1 =	vld [tilespmem:$0x6B00]  }
0x136: {  	[tilespmem:$0x1F6B0] =	vst v4;
	v4 =	vadd.s32 $0x8B8, v0;
	v2 =	vld [tilespmem:$0x6B10];
	_ =	sdelay $0x3  }
0x137: {  	[tilespmem:v3+s13+$0x0] =	vst.idx.msk $0xffff, v1  }
0x138: {  	[tilespmem:v4+s13+$0x0] =	vst.idx.msk $0xffff, v2  }
0x139: {  	[tilespmem:$0x1F6C0] =	vst v3;
	v3 =	vadd.s32 $0x39, v0;
	v1 =	vld [tilespmem:$0x6B20]  }
0x13a: {  	[tilespmem:$0x1F6D0] =	vst v4;
	v4 =	vadd.s32 $0x8B9, v0;
	v2 =	vld [tilespmem:$0x6B30];
	_ =	sdelay $0x3  }
0x13b: {  	[tilespmem:v3+s13+$0x0] =	vst.idx.msk $0xffff, v1  }
0x13c: {  	[tilespmem:v4+s13+$0x0] =	vst.idx.msk $0xffff, v2  }
0x13d: {  	[tilespmem:$0x1F6E0] =	vst v3;
	v3 =	vadd.s32 $0x3A, v0;
	v1 =	vld [tilespmem:$0x6B40]  }
0x13e: {  	[tilespmem:$0x1F6F0] =	vst v4;
	v4 =	vadd.s32 $0x8BA, v0;
	v2 =	vld [tilespmem:$0x6B50];
	_ =	sdelay $0x3  }
0x13f: {  	[tilespmem:v3+s13+$0x0] =	vst.idx.msk $0xffff, v1  }
0x140: {  	[tilespmem:v4+s13+$0x0] =	vst.idx.msk $0xffff, v2  }
0x141: {  	[tilespmem:$0x1F700] =	vst v3;
	v3 =	vadd.s32 $0x3B, v0;
	v1 =	vld [tilespmem:$0x6B60]  }
0x142: {  	[tilespmem:$0x1F710] =	vst v4;
	v4 =	vadd.s32 $0x8BB, v0;
	v2 =	vld [tilespmem:$0x6B70];
	_ =	sdelay $0x3  }
0x143: {  	[tilespmem:v3+s13+$0x0] =	vst.idx.msk $0xffff, v1  }
0x144: {  	[tilespmem:v4+s13+$0x0] =	vst.idx.msk $0xffff, v2  }
0x145: {  	[tilespmem:$0x1F720] =	vst v3;
	v3 =	vadd.s32 $0x3C, v0;
	v1 =	vld [tilespmem:$0x6B80]  }
0x146: {  	[tilespmem:$0x1F730] =	vst v4;
	v4 =	vadd.s32 $0x8BC, v0;
	v2 =	vld [tilespmem:$0x6B90];
	_ =	sdelay $0x3  }
0x147: {  	[tilespmem:v3+s13+$0x0] =	vst.idx.msk $0xffff, v1  }
0x148: {  	[tilespmem:v4+s13+$0x0] =	vst.idx.msk $0xffff, v2  }
0x149: {  	[tilespmem:$0x1F740] =	vst v3;
	v3 =	vadd.s32 $0x3D, v0;
	v1 =	vld [tilespmem:$0x6BA0]  }
0x14a: {  	[tilespmem:$0x1F750] =	vst v4;
	v4 =	vadd.s32 $0x8BD, v0;
	v2 =	vld [tilespmem:$0x6BB0];
	_ =	sdelay $0x3  }
0x14b: {  	[tilespmem:v3+s13+$0x0] =	vst.idx.msk $0xffff, v1  }
0x14c: {  	[tilespmem:v4+s13+$0x0] =	vst.idx.msk $0xffff, v2  }
0x14d: {  	[tilespmem:$0x1F760] =	vst v3;
	v3 =	vadd.s32 $0x3E, v0;
	v1 =	vld [tilespmem:$0x6BC0]  }
0x14e: {  	[tilespmem:$0x1F770] =	vst v4;
	v4 =	vadd.s32 $0x8BE, v0;
	v2 =	vld [tilespmem:$0x6BD0];
	_ =	sdelay $0x3  }
0x14f: {  	[tilespmem:v3+s13+$0x0] =	vst.idx.msk $0xffff, v1  }
0x150: {  	[tilespmem:v4+s13+$0x0] =	vst.idx.msk $0xffff, v2  }
0x151: {  	[tilespmem:$0x1F780] =	vst v3;
	v3 =	vadd.s32 $0x3F, v0;
	v1 =	vld [tilespmem:$0x6BE0]  }
0x152: {  	[tilespmem:$0x1F790] =	vst v4;
	v4 =	vadd.s32 $0x8BF, v0;
	v2 =	vld [tilespmem:$0x6BF0];
	_ =	sdelay $0x3  }
0x153: {  	[tilespmem:v3+s13+$0x0] =	vst.idx.msk $0xffff, v1  }
0x154: {  	[tilespmem:v4+s13+$0x0] =	vst.idx.msk $0xffff, v2  }
0x155: {  	[tilespmem:$0x1F7A0] =	vst v3;
	v3 =	vadd.s32 $0x40, v0;
	v1 =	vld [tilespmem:$0x6C00]  }
0x156: {  	[tilespmem:$0x1F7B0] =	vst v4;
	v4 =	vadd.s32 $0x8C0, v0;
	v2 =	vld [tilespmem:$0x6C10];
	_ =	sdelay $0x3  }
0x157: {  	[tilespmem:v3+s13+$0x0] =	vst.idx.msk $0xffff, v1  }
0x158: {  	[tilespmem:v4+s13+$0x0] =	vst.idx.msk $0xffff, v2  }
0x159: {  	[tilespmem:$0x1F7C0] =	vst v3;
	v3 =	vadd.s32 $0x41, v0;
	v1 =	vld [tilespmem:$0x6C20]  }
0x15a: {  	[tilespmem:$0x1F7D0] =	vst v4;
	v4 =	vadd.s32 $0x8C1, v0;
	v2 =	vld [tilespmem:$0x6C30];
	_ =	sdelay $0x3  }
0x15b: {  	[tilespmem:v3+s13+$0x0] =	vst.idx.msk $0xffff, v1  }
0x15c: {  	[tilespmem:v4+s13+$0x0] =	vst.idx.msk $0xffff, v2  }
0x15d: {  	[tilespmem:$0x1F7E0] =	vst v3;
	v3 =	vadd.s32 $0x42, v0;
	v1 =	vld [tilespmem:$0x6C40]  }
0x15e: {  	[tilespmem:$0x1F7F0] =	vst v4;
	v4 =	vadd.s32 $0x8C2, v0;
	v2 =	vld [tilespmem:$0x6C50];
	_ =	sdelay $0x3  }
0x15f: {  	[tilespmem:v3+s13+$0x0] =	vst.idx.msk $0xffff, v1  }
0x160: {  	[tilespmem:v4+s13+$0x0] =	vst.idx.msk $0xffff, v2  }
0x161: {  	[tilespmem:$0x1F800] =	vst v3;
	v3 =	vadd.s32 $0x43, v0;
	v1 =	vld [tilespmem:$0x6C60]  }
0x162: {  	[tilespmem:$0x1F810] =	vst v4;
	v4 =	vadd.s32 $0x8C3, v0;
	v2 =	vld [tilespmem:$0x6C70];
	_ =	sdelay $0x3  }
0x163: {  	[tilespmem:v3+s13+$0x0] =	vst.idx.msk $0xffff, v1  }
0x164: {  	[tilespmem:v4+s13+$0x0] =	vst.idx.msk $0xffff, v2  }
0x165: {  	[tilespmem:$0x1F820] =	vst v3;
	v3 =	vadd.s32 $0x44, v0;
	v1 =	vld [tilespmem:$0x6C80]  }
0x166: {  	[tilespmem:$0x1F830] =	vst v4;
	v4 =	vadd.s32 $0x8C4, v0;
	v2 =	vld [tilespmem:$0x6C90];
	_ =	sdelay $0x3  }
0x167: {  	[tilespmem:v3+s13+$0x0] =	vst.idx.msk $0xffff, v1  }
0x168: {  	[tilespmem:v4+s13+$0x0] =	vst.idx.msk $0xffff, v2  }
0x169: {  	[tilespmem:$0x1F840] =	vst v3;
	v3 =	vadd.s32 $0x45, v0;
	v1 =	vld [tilespmem:$0x6CA0]  }
0x16a: {  	[tilespmem:$0x1F850] =	vst v4;
	v4 =	vadd.s32 $0x8C5, v0;
	v2 =	vld [tilespmem:$0x6CB0];
	_ =	sdelay $0x3  }
0x16b: {  	[tilespmem:v3+s13+$0x0] =	vst.idx.msk $0xffff, v1  }
0x16c: {  	[tilespmem:v4+s13+$0x0] =	vst.idx.msk $0xffff, v2  }
0x16d: {  	[tilespmem:$0x1F860] =	vst v3;
	v3 =	vadd.s32 $0x46, v0;
	v1 =	vld [tilespmem:$0x6CC0]  }
0x16e: {  	[tilespmem:$0x1F870] =	vst v4;
	v4 =	vadd.s32 $0x8C6, v0;
	v2 =	vld [tilespmem:$0x6CD0];
	_ =	sdelay $0x3  }
0x16f: {  	[tilespmem:v3+s13+$0x0] =	vst.idx.msk $0xffff, v1  }
0x170: {  	[tilespmem:v4+s13+$0x0] =	vst.idx.msk $0xffff, v2  }
0x171: {  	[tilespmem:$0x1F880] =	vst v3;
	v3 =	vadd.s32 $0x47, v0;
	v1 =	vld [tilespmem:$0x6CE0]  }
0x172: {  	[tilespmem:$0x1F890] =	vst v4;
	v4 =	vadd.s32 $0x8C7, v0;
	v2 =	vld [tilespmem:$0x6CF0];
	_ =	sdelay $0x3  }
0x173: {  	[tilespmem:v3+s13+$0x0] =	vst.idx.msk $0xffff, v1  }
0x174: {  	[tilespmem:v4+s13+$0x0] =	vst.idx.msk $0xffff, v2  }
0x175: {  	[tilespmem:$0x1F8A0] =	vst v3;
	v3 =	vadd.s32 $0x48, v0;
	v1 =	vld [tilespmem:$0x6D00]  }
0x176: {  	[tilespmem:$0x1F8B0] =	vst v4;
	v4 =	vadd.s32 $0x8C8, v0;
	v2 =	vld [tilespmem:$0x6D10];
	_ =	sdelay $0x3  }
0x177: {  	[tilespmem:v3+s13+$0x0] =	vst.idx.msk $0xffff, v1  }
0x178: {  	[tilespmem:v4+s13+$0x0] =	vst.idx.msk $0xffff, v2  }
0x179: {  	[tilespmem:$0x1F8C0] =	vst v3;
	v3 =	vadd.s32 $0x49, v0;
	v1 =	vld [tilespmem:$0x6D20]  }
0x17a: {  	[tilespmem:$0x1F8D0] =	vst v4;
	v4 =	vadd.s32 $0x8C9, v0;
	v2 =	vld [tilespmem:$0x6D30];
	_ =	sdelay $0x3  }
0x17b: {  	[tilespmem:v3+s13+$0x0] =	vst.idx.msk $0xffff, v1  }
0x17c: {  	[tilespmem:v4+s13+$0x0] =	vst.idx.msk $0xffff, v2  }
0x17d: {  	[tilespmem:$0x1F8E0] =	vst v3;
	v3 =	vadd.s32 $0x4A, v0;
	v1 =	vld [tilespmem:$0x6D40]  }
0x17e: {  	[tilespmem:$0x1F8F0] =	vst v4;
	v4 =	vadd.s32 $0x8CA, v0;
	v2 =	vld [tilespmem:$0x6D50];
	_ =	sdelay $0x3  }
0x17f: {  	[tilespmem:v3+s13+$0x0] =	vst.idx.msk $0xffff, v1  }
0x180: {  	[tilespmem:v4+s13+$0x0] =	vst.idx.msk $0xffff, v2  }
0x181: {  	[tilespmem:$0x1F900] =	vst v3;
	v3 =	vadd.s32 $0x4B, v0;
	v1 =	vld [tilespmem:$0x6D60]  }
0x182: {  	[tilespmem:$0x1F910] =	vst v4;
	v4 =	vadd.s32 $0x8CB, v0;
	v2 =	vld [tilespmem:$0x6D70];
	_ =	sdelay $0x3  }
0x183: {  	[tilespmem:v3+s13+$0x0] =	vst.idx.msk $0xffff, v1  }
0x184: {  	[tilespmem:v4+s13+$0x0] =	vst.idx.msk $0xffff, v2  }
0x185: {  	[tilespmem:$0x1F920] =	vst v3;
	v3 =	vadd.s32 $0x4C, v0;
	v1 =	vld [tilespmem:$0x6D80]  }
0x186: {  	[tilespmem:$0x1F930] =	vst v4;
	v4 =	vadd.s32 $0x8CC, v0;
	v2 =	vld [tilespmem:$0x6D90];
	_ =	sdelay $0x3  }
0x187: {  	[tilespmem:v3+s13+$0x0] =	vst.idx.msk $0xffff, v1  }
0x188: {  	[tilespmem:v4+s13+$0x0] =	vst.idx.msk $0xffff, v2  }
0x189: {  	[tilespmem:$0x1F940] =	vst v3;
	v3 =	vadd.s32 $0x4D, v0;
	v1 =	vld [tilespmem:$0x6DA0]  }
0x18a: {  	[tilespmem:$0x1F950] =	vst v4;
	v4 =	vadd.s32 $0x8CD, v0;
	v2 =	vld [tilespmem:$0x6DB0];
	_ =	sdelay $0x3  }
0x18b: {  	[tilespmem:v3+s13+$0x0] =	vst.idx.msk $0xffff, v1  }
0x18c: {  	[tilespmem:v4+s13+$0x0] =	vst.idx.msk $0xffff, v2  }
0x18d: {  	[tilespmem:$0x1F960] =	vst v3;
	v3 =	vadd.s32 $0x4E, v0;
	v1 =	vld [tilespmem:$0x6DC0]  }
0x18e: {  	[tilespmem:$0x1F970] =	vst v4;
	v4 =	vadd.s32 $0x8CE, v0;
	v2 =	vld [tilespmem:$0x6DD0];
	_ =	sdelay $0x3  }
0x18f: {  	[tilespmem:v3+s13+$0x0] =	vst.idx.msk $0xffff, v1  }
0x190: {  	[tilespmem:v4+s13+$0x0] =	vst.idx.msk $0xffff, v2  }
0x191: {  	[tilespmem:$0x1F980] =	vst v3;
	v3 =	vadd.s32 $0x4F, v0;
	v1 =	vld [tilespmem:$0x6DE0]  }
0x192: {  	[tilespmem:$0x1F990] =	vst v4;
	v4 =	vadd.s32 $0x8CF, v0;
	v2 =	vld [tilespmem:$0x6DF0];
	_ =	sdelay $0x3  }
0x193: {  	[tilespmem:v3+s13+$0x0] =	vst.idx.msk $0xffff, v1  }
0x194: {  	[tilespmem:v4+s13+$0x0] =	vst.idx.msk $0xffff, v2  }
0x195: {  	[tilespmem:$0x1F9A0] =	vst v3;
	v3 =	vadd.s32 $0x50, v0;
	v1 =	vld [tilespmem:$0x6E00]  }
0x196: {  	[tilespmem:$0x1F9B0] =	vst v4;
	v4 =	vadd.s32 $0x8D0, v0;
	v2 =	vld [tilespmem:$0x6E10];
	_ =	sdelay $0x3  }
0x197: {  	[tilespmem:v3+s13+$0x0] =	vst.idx.msk $0xffff, v1  }
0x198: {  	[tilespmem:v4+s13+$0x0] =	vst.idx.msk $0xffff, v2  }
0x199: {  	[tilespmem:$0x1F9C0] =	vst v3;
	v3 =	vadd.s32 $0x51, v0;
	v1 =	vld [tilespmem:$0x6E20]  }
0x19a: {  	[tilespmem:$0x1F9D0] =	vst v4;
	v4 =	vadd.s32 $0x8D1, v0;
	v2 =	vld [tilespmem:$0x6E30];
	_ =	sdelay $0x3  }
0x19b: {  	[tilespmem:v3+s13+$0x0] =	vst.idx.msk $0xffff, v1  }
0x19c: {  	[tilespmem:v4+s13+$0x0] =	vst.idx.msk $0xffff, v2  }
0x19d: {  	[tilespmem:$0x1F9E0] =	vst v3;
	v3 =	vadd.s32 $0x52, v0;
	v1 =	vld [tilespmem:$0x6E40]  }
0x19e: {  	[tilespmem:$0x1F9F0] =	vst v4;
	v4 =	vadd.s32 $0x8D2, v0;
	v2 =	vld [tilespmem:$0x6E50];
	_ =	sdelay $0x3  }
0x19f: {  	[tilespmem:v3+s13+$0x0] =	vst.idx.msk $0xffff, v1  }
0x1a0: {  	[tilespmem:v4+s13+$0x0] =	vst.idx.msk $0xffff, v2  }
0x1a1: {  	[tilespmem:$0x1FA00] =	vst v3;
	v3 =	vadd.s32 $0x53, v0;
	v1 =	vld [tilespmem:$0x6E60]  }
0x1a2: {  	[tilespmem:$0x1FA10] =	vst v4;
	v4 =	vadd.s32 $0x8D3, v0;
	v2 =	vld [tilespmem:$0x6E70];
	_ =	sdelay $0x3  }
0x1a3: {  	[tilespmem:v3+s13+$0x0] =	vst.idx.msk $0xffff, v1  }
0x1a4: {  	[tilespmem:v4+s13+$0x0] =	vst.idx.msk $0xffff, v2  }
0x1a5: {  	[tilespmem:$0x1FA20] =	vst v3;
	v3 =	vadd.s32 $0x54, v0;
	v1 =	vld [tilespmem:$0x6E80]  }
0x1a6: {  	[tilespmem:$0x1FA30] =	vst v4;
	v4 =	vadd.s32 $0x8D4, v0;
	v2 =	vld [tilespmem:$0x6E90];
	_ =	sdelay $0x3  }
0x1a7: {  	[tilespmem:v3+s13+$0x0] =	vst.idx.msk $0xffff, v1  }
0x1a8: {  	[tilespmem:v4+s13+$0x0] =	vst.idx.msk $0xffff, v2  }
0x1a9: {  	[tilespmem:$0x1FA40] =	vst v3;
	v3 =	vadd.s32 $0x55, v0;
	v1 =	vld [tilespmem:$0x6EA0]  }
0x1aa: {  	[tilespmem:$0x1FA50] =	vst v4;
	v4 =	vadd.s32 $0x8D5, v0;
	v2 =	vld [tilespmem:$0x6EB0];
	_ =	sdelay $0x3  }
0x1ab: {  	[tilespmem:v3+s13+$0x0] =	vst.idx.msk $0xffff, v1  }
0x1ac: {  	[tilespmem:v4+s13+$0x0] =	vst.idx.msk $0xffff, v2  }
0x1ad: {  	[tilespmem:$0x1FA60] =	vst v3;
	v3 =	vadd.s32 $0x56, v0;
	v1 =	vld [tilespmem:$0x6EC0]  }
0x1ae: {  	[tilespmem:$0x1FA70] =	vst v4;
	v4 =	vadd.s32 $0x8D6, v0;
	v2 =	vld [tilespmem:$0x6ED0];
	_ =	sdelay $0x3  }
0x1af: {  	[tilespmem:v3+s13+$0x0] =	vst.idx.msk $0xffff, v1  }
0x1b0: {  	[tilespmem:v4+s13+$0x0] =	vst.idx.msk $0xffff, v2  }
0x1b1: {  	[tilespmem:$0x1FA80] =	vst v3;
	v3 =	vadd.s32 $0x57, v0;
	v1 =	vld [tilespmem:$0x6EE0]  }
0x1b2: {  	[tilespmem:$0x1FA90] =	vst v4;
	v4 =	vadd.s32 $0x8D7, v0;
	v2 =	vld [tilespmem:$0x6EF0];
	_ =	sdelay $0x3  }
0x1b3: {  	[tilespmem:v3+s13+$0x0] =	vst.idx.msk $0xffff, v1  }
0x1b4: {  	[tilespmem:v4+s13+$0x0] =	vst.idx.msk $0xffff, v2  }
0x1b5: {  	[tilespmem:$0x1FAA0] =	vst v3;
	v3 =	vadd.s32 $0x58, v0;
	v1 =	vld [tilespmem:$0x6F00]  }
0x1b6: {  	[tilespmem:$0x1FAB0] =	vst v4;
	v4 =	vadd.s32 $0x8D8, v0;
	v2 =	vld [tilespmem:$0x6F10];
	_ =	sdelay $0x3  }
0x1b7: {  	[tilespmem:v3+s13+$0x0] =	vst.idx.msk $0xffff, v1  }
0x1b8: {  	[tilespmem:v4+s13+$0x0] =	vst.idx.msk $0xffff, v2  }
0x1b9: {  	[tilespmem:$0x1FAC0] =	vst v3;
	v3 =	vadd.s32 $0x59, v0;
	v1 =	vld [tilespmem:$0x6F20]  }
0x1ba: {  	[tilespmem:$0x1FAD0] =	vst v4;
	v4 =	vadd.s32 $0x8D9, v0;
	v2 =	vld [tilespmem:$0x6F30];
	_ =	sdelay $0x3  }
0x1bb: {  	[tilespmem:v3+s13+$0x0] =	vst.idx.msk $0xffff, v1  }
0x1bc: {  	[tilespmem:v4+s13+$0x0] =	vst.idx.msk $0xffff, v2  }
0x1bd: {  	[tilespmem:$0x1FAE0] =	vst v3;
	v3 =	vadd.s32 $0x5A, v0;
	v1 =	vld [tilespmem:$0x6F40]  }
0x1be: {  	[tilespmem:$0x1FAF0] =	vst v4;
	v4 =	vadd.s32 $0x8DA, v0;
	v2 =	vld [tilespmem:$0x6F50];
	_ =	sdelay $0x3  }
0x1bf: {  	[tilespmem:v3+s13+$0x0] =	vst.idx.msk $0xffff, v1  }
0x1c0: {  	[tilespmem:v4+s13+$0x0] =	vst.idx.msk $0xffff, v2  }
0x1c1: {  	[tilespmem:$0x1FB00] =	vst v3;
	v3 =	vadd.s32 $0x5B, v0;
	v1 =	vld [tilespmem:$0x6F60]  }
0x1c2: {  	[tilespmem:$0x1FB10] =	vst v4;
	v4 =	vadd.s32 $0x8DB, v0;
	v2 =	vld [tilespmem:$0x6F70];
	_ =	sdelay $0x3  }
0x1c3: {  	[tilespmem:v3+s13+$0x0] =	vst.idx.msk $0xffff, v1  }
0x1c4: {  	[tilespmem:v4+s13+$0x0] =	vst.idx.msk $0xffff, v2  }
0x1c5: {  	[tilespmem:$0x1FB20] =	vst v3;
	v3 =	vadd.s32 $0x5C, v0;
	v1 =	vld [tilespmem:$0x6F80]  }
0x1c6: {  	[tilespmem:$0x1FB30] =	vst v4;
	v4 =	vadd.s32 $0x8DC, v0;
	v2 =	vld [tilespmem:$0x6F90];
	_ =	sdelay $0x3  }
0x1c7: {  	[tilespmem:v3+s13+$0x0] =	vst.idx.msk $0xffff, v1  }
0x1c8: {  	[tilespmem:v4+s13+$0x0] =	vst.idx.msk $0xffff, v2  }
0x1c9: {  	[tilespmem:$0x1FB40] =	vst v3;
	v3 =	vadd.s32 $0x5D, v0;
	v1 =	vld [tilespmem:$0x6FA0]  }
0x1ca: {  	[tilespmem:$0x1FB50] =	vst v4;
	v4 =	vadd.s32 $0x8DD, v0;
	v2 =	vld [tilespmem:$0x6FB0];
	_ =	sdelay $0x3  }
0x1cb: {  	[tilespmem:v3+s13+$0x0] =	vst.idx.msk $0xffff, v1  }
0x1cc: {  	[tilespmem:v4+s13+$0x0] =	vst.idx.msk $0xffff, v2  }
0x1cd: {  	[tilespmem:$0x1FB60] =	vst v3;
	v3 =	vadd.s32 $0x5E, v0;
	v1 =	vld [tilespmem:$0x6FC0]  }
0x1ce: {  	[tilespmem:$0x1FB70] =	vst v4;
	v4 =	vadd.s32 $0x8DE, v0;
	v2 =	vld [tilespmem:$0x6FD0];
	_ =	sdelay $0x3  }
0x1cf: {  	[tilespmem:v3+s13+$0x0] =	vst.idx.msk $0xffff, v1  }
0x1d0: {  	[tilespmem:v4+s13+$0x0] =	vst.idx.msk $0xffff, v2  }
0x1d1: {  	[tilespmem:$0x1FB80] =	vst v3;
	v3 =	vadd.s32 $0x5F, v0;
	v1 =	vld [tilespmem:$0x6FE0]  }
0x1d2: {  	[tilespmem:$0x1FB90] =	vst v4;
	v4 =	vadd.s32 $0x8DF, v0;
	v2 =	vld [tilespmem:$0x6FF0];
	_ =	sdelay $0x3  }
0x1d3: {  	[tilespmem:v3+s13+$0x0] =	vst.idx.msk $0xffff, v1  }
0x1d4: {  	[tilespmem:v4+s13+$0x0] =	vst.idx.msk $0xffff, v2  }
0x1d5: {  	[tilespmem:$0x1FBA0] =	vst v3;
	v3 =	vadd.s32 $0x60, v0;
	v1 =	vld [tilespmem:$0x7000]  }
0x1d6: {  	[tilespmem:$0x1FBB0] =	vst v4;
	v4 =	vadd.s32 $0x8E0, v0;
	v2 =	vld [tilespmem:$0x7010];
	_ =	sdelay $0x3  }
0x1d7: {  	[tilespmem:v3+s13+$0x0] =	vst.idx.msk $0xffff, v1  }
0x1d8: {  	[tilespmem:v4+s13+$0x0] =	vst.idx.msk $0xffff, v2  }
0x1d9: {  	[tilespmem:$0x1FBC0] =	vst v3;
	v3 =	vadd.s32 $0x61, v0;
	v1 =	vld [tilespmem:$0x7020]  }
0x1da: {  	[tilespmem:$0x1FBD0] =	vst v4;
	v4 =	vadd.s32 $0x8E1, v0;
	v2 =	vld [tilespmem:$0x7030];
	_ =	sdelay $0x3  }
0x1db: {  	[tilespmem:v3+s13+$0x0] =	vst.idx.msk $0xffff, v1  }
0x1dc: {  	[tilespmem:v4+s13+$0x0] =	vst.idx.msk $0xffff, v2  }
0x1dd: {  	[tilespmem:$0x1FBE0] =	vst v3;
	v3 =	vadd.s32 $0x62, v0;
	v1 =	vld [tilespmem:$0x7040]  }
0x1de: {  	[tilespmem:$0x1FBF0] =	vst v4;
	v4 =	vadd.s32 $0x8E2, v0;
	v2 =	vld [tilespmem:$0x7050];
	_ =	sdelay $0x3  }
0x1df: {  	[tilespmem:v3+s13+$0x0] =	vst.idx.msk $0xffff, v1  }
0x1e0: {  	[tilespmem:v4+s13+$0x0] =	vst.idx.msk $0xffff, v2  }
0x1e1: {  	[tilespmem:$0x1FC00] =	vst v3;
	v3 =	vadd.s32 $0x63, v0;
	v1 =	vld [tilespmem:$0x7060]  }
0x1e2: {  	[tilespmem:$0x1FC10] =	vst v4;
	v4 =	vadd.s32 $0x8E3, v0;
	v2 =	vld [tilespmem:$0x7070];
	_ =	sdelay $0x3  }
0x1e3: {  	[tilespmem:v3+s13+$0x0] =	vst.idx.msk $0xffff, v1  }
0x1e4: {  	[tilespmem:v4+s13+$0x0] =	vst.idx.msk $0xffff, v2  }
0x1e5: {  	[tilespmem:$0x1FC20] =	vst v3;
	v3 =	vadd.s32 $0x64, v0;
	v1 =	vld [tilespmem:$0x7080]  }
0x1e6: {  	[tilespmem:$0x1FC30] =	vst v4;
	v4 =	vadd.s32 $0x8E4, v0;
	v2 =	vld [tilespmem:$0x7090];
	_ =	sdelay $0x3  }
0x1e7: {  	[tilespmem:v3+s13+$0x0] =	vst.idx.msk $0xffff, v1  }
0x1e8: {  	[tilespmem:v4+s13+$0x0] =	vst.idx.msk $0xffff, v2  }
0x1e9: {  	[tilespmem:$0x1FC40] =	vst v3;
	v3 =	vadd.s32 $0x65, v0;
	v1 =	vld [tilespmem:$0x70A0]  }
0x1ea: {  	[tilespmem:$0x1FC50] =	vst v4;
	v4 =	vadd.s32 $0x8E5, v0;
	v2 =	vld [tilespmem:$0x70B0];
	_ =	sdelay $0x1  }
0x1eb: {  	[tilespmem:$0x1FC60] =	vst v3  }
0x1ec: {  	[tilespmem:$0x1FC70] =	vst v4  }
0x1ed: {  	[tilespmem:v3+s13+$0x0] =	vst.idx.msk $0xffff, v1  }
0x1ee: {  	[tilespmem:v4+s13+$0x0] =	vst.idx.msk $0xffff, v2  }
0x1ef: {  	v3 =	vadd.s32 $0x66, v0;
	v1 =	vld [tilespmem:$0x70C0]  }
0x1f0: {  	v4 =	vadd.s32 $0x8E6, v0;
	v2 =	vld [tilespmem:$0x70D0];
	_ =	sdelay $0x3  }
0x1f1: {  	[tilespmem:v3+s13+$0x0] =	vst.idx.msk $0xffff, v1  }
0x1f2: {  	[tilespmem:v4+s13+$0x0] =	vst.idx.msk $0xffff, v2  }
0x1f3: {  	[tilespmem:$0x1FC80] =	vst v3;
	v3 =	vadd.s32 $0x67, v0;
	v1 =	vld [tilespmem:$0x70E0]  }
0x1f4: {  	[tilespmem:$0x1FC90] =	vst v4;
	v4 =	vadd.s32 $0x8E7, v0;
	v2 =	vld [tilespmem:$0x70F0];
	_ =	sdelay $0x3  }
0x1f5: {  	[tilespmem:v3+s13+$0x0] =	vst.idx.msk $0xffff, v1  }
0x1f6: {  	[tilespmem:v4+s13+$0x0] =	vst.idx.msk $0xffff, v2  }
0x1f7: {  	[tilespmem:$0x1FCA0] =	vst v3;
	v3 =	vadd.s32 $0x68, v0;
	v1 =	vld [tilespmem:$0x7100]  }
0x1f8: {  	[tilespmem:$0x1FCB0] =	vst v4;
	v4 =	vadd.s32 $0x8E8, v0;
	v2 =	vld [tilespmem:$0x7110];
	_ =	sdelay $0x3  }
0x1f9: {  	[tilespmem:v3+s13+$0x0] =	vst.idx.msk $0xffff, v1  }
0x1fa: {  	[tilespmem:v4+s13+$0x0] =	vst.idx.msk $0xffff, v2  }
0x1fb: {  	[tilespmem:$0x1FCC0] =	vst v3;
	v3 =	vadd.s32 $0x69, v0;
	v1 =	vld [tilespmem:$0x7120]  }
0x1fc: {  	[tilespmem:$0x1FCD0] =	vst v4;
	v4 =	vadd.s32 $0x8E9, v0;
	v2 =	vld [tilespmem:$0x7130];
	_ =	sdelay $0x3  }
0x1fd: {  	[tilespmem:v3+s13+$0x0] =	vst.idx.msk $0xffff, v1  }
0x1fe: {  	[tilespmem:v4+s13+$0x0] =	vst.idx.msk $0xffff, v2  }
0x1ff: {  	[tilespmem:$0x1FCE0] =	vst v3;
	v3 =	vadd.s32 $0x6A, v0;
	v1 =	vld [tilespmem:$0x7140]  }
0x200: {  	[tilespmem:$0x1FCF0] =	vst v4;
	v4 =	vadd.s32 $0x8EA, v0;
	v2 =	vld [tilespmem:$0x7150];
	_ =	sdelay $0x3  }
0x201: {  	[tilespmem:v3+s13+$0x0] =	vst.idx.msk $0xffff, v1  }
0x202: {  	[tilespmem:v4+s13+$0x0] =	vst.idx.msk $0xffff, v2  }
0x203: {  	[tilespmem:$0x1FD00] =	vst v3;
	v3 =	vadd.s32 $0x6B, v0;
	v1 =	vld [tilespmem:$0x7160]  }
0x204: {  	[tilespmem:$0x1FD10] =	vst v4;
	v4 =	vadd.s32 $0x8EB, v0;
	v2 =	vld [tilespmem:$0x7170];
	_ =	sdelay $0x3  }
0x205: {  	[tilespmem:v3+s13+$0x0] =	vst.idx.msk $0xffff, v1  }
0x206: {  	[tilespmem:v4+s13+$0x0] =	vst.idx.msk $0xffff, v2  }
0x207: {  	[tilespmem:$0x1FD20] =	vst v3;
	v3 =	vadd.s32 $0x6C, v0;
	v1 =	vld [tilespmem:$0x7180]  }
0x208: {  	[tilespmem:$0x1FD30] =	vst v4;
	v4 =	vadd.s32 $0x8EC, v0;
	v2 =	vld [tilespmem:$0x7190];
	_ =	sdelay $0x3  }
0x209: {  	[tilespmem:v3+s13+$0x0] =	vst.idx.msk $0xffff, v1  }
0x20a: {  	[tilespmem:v4+s13+$0x0] =	vst.idx.msk $0xffff, v2  }
0x20b: {  	[tilespmem:$0x1FD40] =	vst v3;
	v3 =	vadd.s32 $0x6D, v0;
	v1 =	vld [tilespmem:$0x71A0]  }
0x20c: {  	[tilespmem:$0x1FD50] =	vst v4;
	v4 =	vadd.s32 $0x8ED, v0;
	v2 =	vld [tilespmem:$0x71B0];
	_ =	sdelay $0x3  }
0x20d: {  	[tilespmem:v3+s13+$0x0] =	vst.idx.msk $0xffff, v1  }
0x20e: {  	[tilespmem:v4+s13+$0x0] =	vst.idx.msk $0xffff, v2  }
0x20f: {  	[tilespmem:$0x1FD60] =	vst v3;
	v3 =	vadd.s32 $0x6E, v0;
	v1 =	vld [tilespmem:$0x71C0]  }
0x210: {  	[tilespmem:$0x1FD70] =	vst v4;
	v4 =	vadd.s32 $0x8EE, v0;
	v2 =	vld [tilespmem:$0x71D0];
	_ =	sdelay $0x3  }
0x211: {  	[tilespmem:v3+s13+$0x0] =	vst.idx.msk $0xffff, v1  }
0x212: {  	[tilespmem:v4+s13+$0x0] =	vst.idx.msk $0xffff, v2  }
0x213: {  	[tilespmem:$0x1FD80] =	vst v3;
	v3 =	vadd.s32 $0x6F, v0;
	v1 =	vld [tilespmem:$0x71E0]  }
0x214: {  	[tilespmem:$0x1FD90] =	vst v4;
	v4 =	vadd.s32 $0x8EF, v0;
	v2 =	vld [tilespmem:$0x71F0];
	_ =	sdelay $0x3  }
0x215: {  	[tilespmem:v3+s13+$0x0] =	vst.idx.msk $0xffff, v1  }
0x216: {  	[tilespmem:v4+s13+$0x0] =	vst.idx.msk $0xffff, v2  }
0x217: {  	[tilespmem:$0x1FDA0] =	vst v3;
	v3 =	vadd.s32 $0x70, v0;
	v1 =	vld [tilespmem:$0x7200]  }
0x218: {  	[tilespmem:$0x1FDB0] =	vst v4;
	v4 =	vadd.s32 $0x8F0, v0;
	v2 =	vld [tilespmem:$0x7210];
	_ =	sdelay $0x3  }
0x219: {  	[tilespmem:v3+s13+$0x0] =	vst.idx.msk $0xffff, v1  }
0x21a: {  	[tilespmem:v4+s13+$0x0] =	vst.idx.msk $0xffff, v2  }
0x21b: {  	[tilespmem:$0x1FDC0] =	vst v3;
	v3 =	vadd.s32 $0x71, v0;
	v1 =	vld [tilespmem:$0x7220]  }
0x21c: {  	[tilespmem:$0x1FDD0] =	vst v4;
	v4 =	vadd.s32 $0x8F1, v0;
	v2 =	vld [tilespmem:$0x7230];
	_ =	sdelay $0x3  }
0x21d: {  	[tilespmem:v3+s13+$0x0] =	vst.idx.msk $0xffff, v1  }
0x21e: {  	[tilespmem:v4+s13+$0x0] =	vst.idx.msk $0xffff, v2  }
0x21f: {  	[tilespmem:$0x1FDE0] =	vst v3;
	v3 =	vadd.s32 $0x72, v0;
	v1 =	vld [tilespmem:$0x7240]  }
0x220: {  	[tilespmem:$0x1FDF0] =	vst v4;
	v4 =	vadd.s32 $0x8F2, v0;
	v2 =	vld [tilespmem:$0x7250];
	_ =	sdelay $0x3  }
0x221: {  	[tilespmem:v3+s13+$0x0] =	vst.idx.msk $0xffff, v1  }
0x222: {  	[tilespmem:v4+s13+$0x0] =	vst.idx.msk $0xffff, v2  }
0x223: {  	[tilespmem:$0x1FE00] =	vst v3;
	v3 =	vadd.s32 $0x73, v0;
	v1 =	vld [tilespmem:$0x7260]  }
0x224: {  	[tilespmem:$0x1FE10] =	vst v4;
	v4 =	vadd.s32 $0x8F3, v0;
	v2 =	vld [tilespmem:$0x7270];
	_ =	sdelay $0x3  }
0x225: {  	[tilespmem:v3+s13+$0x0] =	vst.idx.msk $0xffff, v1  }
0x226: {  	[tilespmem:v4+s13+$0x0] =	vst.idx.msk $0xffff, v2  }
0x227: {  	[tilespmem:$0x1FE20] =	vst v3;
	v3 =	vadd.s32 $0x74, v0;
	v1 =	vld [tilespmem:$0x7280]  }
0x228: {  	[tilespmem:$0x1FE30] =	vst v4;
	v4 =	vadd.s32 $0x8F4, v0;
	v2 =	vld [tilespmem:$0x7290];
	_ =	sdelay $0x3  }
0x229: {  	[tilespmem:v3+s13+$0x0] =	vst.idx.msk $0xffff, v1  }
0x22a: {  	[tilespmem:v4+s13+$0x0] =	vst.idx.msk $0xffff, v2  }
0x22b: {  	[tilespmem:$0x1FE40] =	vst v3;
	v3 =	vadd.s32 $0x75, v0;
	v1 =	vld [tilespmem:$0x72A0]  }
0x22c: {  	[tilespmem:$0x1FE50] =	vst v4;
	v4 =	vadd.s32 $0x8F5, v0;
	v2 =	vld [tilespmem:$0x72B0];
	_ =	sdelay $0x3  }
0x22d: {  	[tilespmem:v3+s13+$0x0] =	vst.idx.msk $0xffff, v1  }
0x22e: {  	[tilespmem:v4+s13+$0x0] =	vst.idx.msk $0xffff, v2  }
0x22f: {  	[tilespmem:$0x1FE60] =	vst v3;
	v3 =	vadd.s32 $0x76, v0;
	v1 =	vld [tilespmem:$0x72C0]  }
0x230: {  	[tilespmem:$0x1FE70] =	vst v4;
	v4 =	vadd.s32 $0x8F6, v0;
	v2 =	vld [tilespmem:$0x72D0];
	_ =	sdelay $0x3  }
0x231: {  	[tilespmem:v3+s13+$0x0] =	vst.idx.msk $0xffff, v1  }
0x232: {  	[tilespmem:v4+s13+$0x0] =	vst.idx.msk $0xffff, v2  }
0x233: {  	[tilespmem:$0x1FE80] =	vst v3;
	v3 =	vadd.s32 $0x77, v0;
	v1 =	vld [tilespmem:$0x72E0]  }
0x234: {  	[tilespmem:$0x1FE90] =	vst v4;
	v4 =	vadd.s32 $0x8F7, v0;
	v2 =	vld [tilespmem:$0x72F0];
	_ =	sdelay $0x3  }
0x235: {  	[tilespmem:v3+s13+$0x0] =	vst.idx.msk $0xffff, v1  }
0x236: {  	[tilespmem:v4+s13+$0x0] =	vst.idx.msk $0xffff, v2  }
0x237: {  	[tilespmem:$0x1FEA0] =	vst v3;
	v3 =	vadd.s32 $0x78, v0;
	v1 =	vld [tilespmem:$0x7300]  }
0x238: {  	[tilespmem:$0x1FEB0] =	vst v4;
	v4 =	vadd.s32 $0x8F8, v0;
	v2 =	vld [tilespmem:$0x7310];
	_ =	sdelay $0x3  }
0x239: {  	[tilespmem:v3+s13+$0x0] =	vst.idx.msk $0xffff, v1  }
0x23a: {  	[tilespmem:v4+s13+$0x0] =	vst.idx.msk $0xffff, v2  }
0x23b: {  	[tilespmem:$0x1FEC0] =	vst v3;
	v3 =	vadd.s32 $0x79, v0;
	v1 =	vld [tilespmem:$0x7320]  }
0x23c: {  	[tilespmem:$0x1FED0] =	vst v4;
	v4 =	vadd.s32 $0x8F9, v0;
	v2 =	vld [tilespmem:$0x7330];
	_ =	sdelay $0x3  }
0x23d: {  	[tilespmem:v3+s13+$0x0] =	vst.idx.msk $0xffff, v1  }
0x23e: {  	[tilespmem:v4+s13+$0x0] =	vst.idx.msk $0xffff, v2  }
0x23f: {  	[tilespmem:$0x1FEE0] =	vst v3;
	v3 =	vadd.s32 $0x7A, v0;
	v1 =	vld [tilespmem:$0x7340]  }
0x240: {  	[tilespmem:$0x1FEF0] =	vst v4;
	v4 =	vadd.s32 $0x8FA, v0;
	v2 =	vld [tilespmem:$0x7350];
	_ =	sdelay $0x3  }
0x241: {  	[tilespmem:v3+s13+$0x0] =	vst.idx.msk $0xffff, v1  }
0x242: {  	[tilespmem:v4+s13+$0x0] =	vst.idx.msk $0xffff, v2  }
0x243: {  	[tilespmem:$0x1FF00] =	vst v3;
	v3 =	vadd.s32 $0x7B, v0;
	v1 =	vld [tilespmem:$0x7360]  }
0x244: {  	[tilespmem:$0x1FF10] =	vst v4;
	v4 =	vadd.s32 $0x8FB, v0;
	v2 =	vld [tilespmem:$0x7370];
	_ =	sdelay $0x3  }
0x245: {  	[tilespmem:v3+s13+$0x0] =	vst.idx.msk $0xffff, v1  }
0x246: {  	[tilespmem:v4+s13+$0x0] =	vst.idx.msk $0xffff, v2  }
0x247: {  	[tilespmem:$0x1FF20] =	vst v3;
	v3 =	vadd.s32 $0x7C, v0;
	v1 =	vld [tilespmem:$0x7380]  }
0x248: {  	[tilespmem:$0x1FF30] =	vst v4;
	v4 =	vadd.s32 $0x8FC, v0;
	v2 =	vld [tilespmem:$0x7390];
	_ =	sdelay $0x3  }
0x249: {  	[tilespmem:v3+s13+$0x0] =	vst.idx.msk $0xffff, v1  }
0x24a: {  	[tilespmem:v4+s13+$0x0] =	vst.idx.msk $0xffff, v2  }
0x24b: {  	[tilespmem:$0x1FF40] =	vst v3;
	v3 =	vadd.s32 $0x7D, v0;
	v1 =	vld [tilespmem:$0x73A0]  }
0x24c: {  	[tilespmem:$0x1FF50] =	vst v4;
	v4 =	vadd.s32 $0x8FD, v0;
	v2 =	vld [tilespmem:$0x73B0];
	_ =	sdelay $0x3  }
0x24d: {  	[tilespmem:v3+s13+$0x0] =	vst.idx.msk $0xffff, v1  }
0x24e: {  	[tilespmem:v4+s13+$0x0] =	vst.idx.msk $0xffff, v2  }
0x24f: {  	[tilespmem:$0x1FF70] =	vst v4;
	v4 =	vadd.s32 $0x7E, v0;
	v2 =	vld [tilespmem:$0x73C0]  }
0x250: {  	[tilespmem:$0x1FF60] =	vst v3;
	v1 =	vadd.s32 $0x8FE, v0;
	v3 =	vld [tilespmem:$0x73D0];
	_ =	sdelay $0x2  }
0x251: {  	[tilespmem:$0x1FF90] =	vst v1  }
0x252: {  	[tilespmem:v4+s13+$0x0] =	vst.idx.msk $0xffff, v2  }
0x253: {  	[tilespmem:v1+s13+$0x0] =	vst.idx.msk $0xffff, v3  }
0x254: {  	[tilespmem:$0x1FF80] =	vst v4;
	v1 =	vadd.s32 $0x7F, v0;
	v4 =	vld [tilespmem:$0x73E0]  }
0x255: {  	v3 =	vadd.s32 $0x8FF, v0;
	v2 =	vld [tilespmem:$0x73F0]  }
0x256: {  	p1 =	seq.s32 s21, $0x6300  }
0x257: {  	s31 =	sand.u32 $0x3F0000, s20;
	s28 =	sand.u32 $0x100, s21;
	s22 =	sadd.s32 @!p1 $0xFFFFFE00, s19  }
0x258: {  	s23 =	sxor.u32 @!p1 $0xFFFFFFFF, s21;
	s25 =	simm.s32 @!p1 $0x6400;
	s22 =	sand.u32 @!p1 $0x3F800, s22  }
0x259: {  	s23 =	sand.u32 @!p1 $0x100, s23;
	s22 =	sshrl.u32 @!p1 s22, $0x2;
	s24 =	rddreg [dreg:$0x4];
	[tilespmem:v1+s13+$0x0] =	vst.idx.msk $0xffff, v4  }
0x25a: {  	s22 =	sor.u32 @!p1 s23, s22;
	s23 =	simm.s32 @!p1 $0x80;
	s26 =	rddreg [dreg:$0x3];
	[tilespmem:v3+s13+$0x0] =	vst.idx.msk $0xffff, v2  }
0x25b: {  	[tilespmem:s25], [sflag:$0x1] =	stream.indirect.gather @!p1 [hbm4b:s3+s23], $0x20, s22, s23, $0xb8;
	[tilespmem:$0xA600] =	vst v63  }
0x25c: {  	s24 =	sor.u32 s28, s24;
	s22 =	sadd.s32 s26, s31  }
0x25d: {  	s29 =	rddreg [dreg:$0x5];
	s22 =	sadd.s32 s24, s22  }
0x25e: {  	[hbm4b:s22+s2] =	stream.linear.scatter [tilespmem:s13], [sflag:$0x3], $0x80, $0x38;
	[tilespmem:$0xA600] =	vst v63  }
0x25f: {  	s31 =	rddreg [dreg:$0x6];
	s30 =	sadd.s32 $0x10, s22  }
0x260: {  	[hbm4b:s30+s2] =	stream.linear.scatter [tilespmem:s29], [sflag:$0x3], $0x80, $0x38;
	[tilespmem:$0xA600] =	vst v63  }
0x261: {  	s28 =	sadd.s32 $0x20, s22;
	s29 =	rddreg [dreg:$0x7]  }
0x262: {  	[hbm4b:s28+s2] =	stream.linear.scatter [tilespmem:s31], [sflag:$0x3], $0x80, $0x38;
	[tilespmem:$0xA600] =	vst v63  }
0x263: {  	s30 =	sadd.s32 $0x30, s22;
	s31 =	rddreg [dreg:$0x8]  }
0x264: {  	[hbm4b:s30+s2] =	stream.linear.scatter [tilespmem:s29], [sflag:$0x3], $0x80, $0x38;
	[tilespmem:$0xA600] =	vst v63  }
0x265: {  	s28 =	sadd.s32 $0x40, s22;
	s29 =	rddreg [dreg:$0x9]  }
0x266: {  	[hbm4b:s28+s2] =	stream.linear.scatter [tilespmem:s31], [sflag:$0x3], $0x80, $0x38;
	[tilespmem:$0xA600] =	vst v63  }
0x267: {  	s30 =	sadd.s32 $0x50, s22;
	s31 =	rddreg [dreg:$0xa]  }
0x268: {  	[hbm4b:s30+s2] =	stream.linear.scatter [tilespmem:s29], [sflag:$0x3], $0x80, $0x38;
	[tilespmem:$0xA600] =	vst v63  }
0x269: {  	s28 =	sadd.s32 $0x60, s22;
	s29 =	rddreg [dreg:$0xb]  }
0x26a: {  	[hbm4b:s28+s2] =	stream.linear.scatter [tilespmem:s31], [sflag:$0x3], $0x80, $0x38;
	[tilespmem:$0xA600] =	vst v63  }
0x26b: {  	s30 =	sadd.s32 $0x70, s22;
	s31 =	rddreg [dreg:$0xc]  }
0x26c: {  	[hbm4b:s30+s2] =	stream.linear.scatter [tilespmem:s29], [sflag:$0x3], $0x80, $0x38;
	[tilespmem:$0xA600] =	vst v63  }
0x26d: {  	s28 =	sadd.s32 $0x4000, s22;
	s29 =	rddreg [dreg:$0xd]  }
0x26e: {  	[hbm4b:s28+s2] =	stream.linear.scatter [tilespmem:s31], [sflag:$0x3], $0x80, $0x38;
	[tilespmem:$0xA600] =	vst v63  }
0x26f: {  	s30 =	sadd.s32 $0x4010, s22;
	s31 =	rddreg [dreg:$0xe]  }
0x270: {  	[hbm4b:s30+s2] =	stream.linear.scatter [tilespmem:s29], [sflag:$0x3], $0x80, $0x38;
	[tilespmem:$0xA600] =	vst v63  }
0x271: {  	s28 =	sadd.s32 $0x4020, s22;
	s29 =	rddreg [dreg:$0xf]  }
0x272: {  	[hbm4b:s28+s2] =	stream.linear.scatter [tilespmem:s31], [sflag:$0x3], $0x80, $0x38;
	[tilespmem:$0xA600] =	vst v63  }
0x273: {  	s30 =	sadd.s32 $0x4030, s22;
	s31 =	rddreg [dreg:$0x10]  }
0x274: {  	[hbm4b:s30+s2] =	stream.linear.scatter [tilespmem:s29], [sflag:$0x3], $0x80, $0x38;
	[tilespmem:$0xA600] =	vst v63  }
0x275: {  	s28 =	sadd.s32 $0x4040, s22;
	s29 =	rddreg [dreg:$0x11]  }
0x276: {  	[hbm4b:s28+s2] =	stream.linear.scatter [tilespmem:s31], [sflag:$0x3], $0x80, $0x38;
	[tilespmem:$0xA600] =	vst v63  }
0x277: {  	s30 =	sadd.s32 $0x4050, s22;
	s31 =	rddreg [dreg:$0x12]  }
0x278: {  	[hbm4b:s30+s2] =	stream.linear.scatter [tilespmem:s29], [sflag:$0x3], $0x80, $0x38;
	[tilespmem:$0xA600] =	vst v63  }
0x279: {  	s28 =	sadd.s32 $0x4060, s22;
	s29 =	rddreg [dreg:$0x13]  }
0x27a: {  	[hbm4b:s28+s2] =	stream.linear.scatter [tilespmem:s31], [sflag:$0x3], $0x80, $0x38;
	[tilespmem:$0xA600] =	vst v63  }
0x27b: {  	s30 =	sadd.s32 $0x4070, s22;
	s31 =	rddreg [dreg:$0x14]  }
0x27c: {  	[hbm4b:s30+s2] =	stream.linear.scatter [tilespmem:s29], [sflag:$0x3], $0x80, $0x38;
	[tilespmem:$0xA600] =	vst v63  }
0x27d: {  	s28 =	sadd.s32 $0x8000, s22;
	s29 =	rddreg [dreg:$0x15]  }
0x27e: {  	[hbm4b:s28+s2] =	stream.linear.scatter [tilespmem:s31], [sflag:$0x3], $0x80, $0x38;
	[tilespmem:$0xA600] =	vst v63  }
0x27f: {  	s30 =	sadd.s32 $0x8010, s22;
	s31 =	rddreg [dreg:$0x16]  }
0x280: {  	[hbm4b:s30+s2] =	stream.linear.scatter [tilespmem:s29], [sflag:$0x3], $0x80, $0x38;
	[tilespmem:$0xA600] =	vst v63  }
0x281: {  	s28 =	sadd.s32 $0x8020, s22;
	s29 =	rddreg [dreg:$0x17]  }
0x282: {  	[hbm4b:s28+s2] =	stream.linear.scatter [tilespmem:s31], [sflag:$0x3], $0x80, $0x38;
	[tilespmem:$0xA600] =	vst v63  }
0x283: {  	s30 =	sadd.s32 $0x8030, s22;
	s31 =	rddreg [dreg:$0x18]  }
0x284: {  	[hbm4b:s30+s2] =	stream.linear.scatter [tilespmem:s29], [sflag:$0x3], $0x80, $0x38;
	[tilespmem:$0xA600] =	vst v63  }
0x285: {  	s28 =	sadd.s32 $0x8040, s22;
	s29 =	rddreg [dreg:$0x19]  }
0x286: {  	[hbm4b:s28+s2] =	stream.linear.scatter [tilespmem:s31], [sflag:$0x3], $0x80, $0x38;
	[tilespmem:$0xA600] =	vst v63  }
0x287: {  	s30 =	sadd.s32 $0x8050, s22;
	s31 =	rddreg [dreg:$0x1a]  }
0x288: {  	[hbm4b:s30+s2] =	stream.linear.scatter [tilespmem:s29], [sflag:$0x3], $0x80, $0x38;
	[tilespmem:$0xA600] =	vst v63  }
0x289: {  	s28 =	sadd.s32 $0x8060, s22;
	s29 =	rddreg [dreg:$0x1b]  }
0x28a: {  	[hbm4b:s28+s2] =	stream.linear.scatter [tilespmem:s31], [sflag:$0x3], $0x80, $0x38;
	[tilespmem:$0xA600] =	vst v63  }
0x28b: {  	s30 =	sadd.s32 $0x8070, s22;
	s31 =	rddreg [dreg:$0x1c]  }
0x28c: {  	[hbm4b:s30+s2] =	stream.linear.scatter [tilespmem:s29], [sflag:$0x3], $0x80, $0x38;
	[tilespmem:$0xA600] =	vst v63  }
0x28d: {  	s28 =	sadd.s32 $0xC000, s22;
	s29 =	rddreg [dreg:$0x1d]  }
0x28e: {  	[hbm4b:s28+s2] =	stream.linear.scatter [tilespmem:s31], [sflag:$0x3], $0x80, $0x38;
	[tilespmem:$0xA600] =	vst v63  }
0x28f: {  	s30 =	sadd.s32 $0xC010, s22;
	s31 =	rddreg [dreg:$0x1e]  }
0x290: {  	[hbm4b:s30+s2] =	stream.linear.scatter [tilespmem:s29], [sflag:$0x3], $0x80, $0x38;
	[tilespmem:$0xA600] =	vst v63  }
0x291: {  	s28 =	sadd.s32 $0xC020, s22;
	s29 =	rddreg [dreg:$0x1f]  }
0x292: {  	[hbm4b:s28+s2] =	stream.linear.scatter [tilespmem:s31], [sflag:$0x3], $0x80, $0x38;
	[tilespmem:$0xA600] =	vst v63  }
0x293: {  	s30 =	sadd.s32 $0xC030, s22;
	s31 =	sld [smem:$0x7DB]  }
0x294: {  	[hbm4b:s30+s2] =	stream.linear.scatter [tilespmem:s29], [sflag:$0x3], $0x80, $0x38;
	[tilespmem:$0xA600] =	vst v63  }
0x295: {  	s28 =	sadd.s32 $0xC040, s22;
	s29 =	sld [smem:$0x7DC]  }
0x296: {  	[hbm4b:s28+s2] =	stream.linear.scatter [tilespmem:s31], [sflag:$0x3], $0x80, $0x38;
	[tilespmem:$0xA600] =	vst v63  }
0x297: {  	s30 =	sadd.s32 $0xC050, s22;
	s31 =	sld [smem:$0x7DD]  }
0x298: {  	[hbm4b:s30+s2] =	stream.linear.scatter [tilespmem:s29], [sflag:$0x3], $0x80, $0x38;
	[tilespmem:$0xA600] =	vst v63  }
0x299: {  	[tilespmem:$0x1FFA0] =	vst v1;
	s25 =	sadd.s32 $0xC060, s22;
	s28 =	sld [smem:$0x7DE]  }
0x29a: {  	[hbm4b:s25+s2] =	stream.linear.scatter [tilespmem:s31], [sflag:$0x3], $0x80, $0x38;
	[tilespmem:$0xA600] =	vst v63  }
0x29b: {  	[tilespmem:$0x1FFB0] =	vst v3;
	s29 =	sadd.s32 $0xC070, s22  }
0x29c: {  	[hbm4b:s29+s2] =	stream.linear.scatter [tilespmem:s28], [sflag:$0x3], $0x80, $0x38;
	[tilespmem:$0xA600] =	vst v63  }
0x29d: {  	_ =	swait.ge [sflag:s14], $0x1000  }
0x29e: {  	[sflag:s14] =	ssyncset.done $0x0  }
0x29f: {  	s24 =	simm.s32 @!p0 $0x4;
	[sflag:s14] =	ssyncadd.s32 $0xFFFFF000  }
0x2a0: {  	_ =	swait.ge @!p0 [sflag:s24], $0x1000  }
0x2a1: {  	[sflag:s24] =	ssyncset.done @!p0 $0x0  }
0x2a2: {  	[sflag:s24] =	ssyncadd.s32 @!p0 $0xFFFFF000  }
0x2a3: {  	v1 =	vld [tilespmem:$0x7400];
	_ =	sdelay $0x3  }
0x2a4: {  	v2 =	vld [tilespmem:$0x7410]  }
0x2a5: {  	[tilespmem:v0+s15+$0x0] =	vst.idx.msk $0xffff, v1;
	v1 =	vld [tilespmem:$0x1FFE0];
	_ =	sdelay $0x5  }
0x2a6: {  	v3 =	vld [tilespmem:$0x1FFF0];
	_ =	sdelay $0x1  }
0x2a7: {  	[tilespmem:v1+s15+$0x0] =	vst.idx.msk $0xffff, v2  }
0x2a8: {  	v1 =	vld [tilespmem:$0x7420]  }
0x2a9: {  	v2 =	vld [tilespmem:$0x7430];
	_ =	sdelay $0x3  }
0x2aa: {  	[tilespmem:v3+s15+$0x0] =	vst.idx.msk $0xffff, v1  }
0x2ab: {  	[tilespmem:v5+s15+$0x0] =	vst.idx.msk $0xffff, v2  }
0x2ac: {  	v1 =	vld [tilespmem:$0x7440]  }
0x2ad: {  	v2 =	vld [tilespmem:$0x7450];
	_ =	sdelay $0x3  }
0x2ae: {  	[tilespmem:v6+s15+$0x0] =	vst.idx.msk $0xffff, v1  }
0x2af: {  	[tilespmem:v7+s15+$0x0] =	vst.idx.msk $0xffff, v2  }
0x2b0: {  	v1 =	vld [tilespmem:$0x7460]  }
0x2b1: {  	v2 =	vld [tilespmem:$0x7470];
	_ =	sdelay $0x3  }
0x2b2: {  	[tilespmem:v8+s15+$0x0] =	vst.idx.msk $0xffff, v1  }
0x2b3: {  	[tilespmem:v9+s15+$0x0] =	vst.idx.msk $0xffff, v2  }
0x2b4: {  	v1 =	vld [tilespmem:$0x7480]  }
0x2b5: {  	v2 =	vld [tilespmem:$0x7490];
	_ =	sdelay $0x3  }
0x2b6: {  	[tilespmem:v10+s15+$0x0] =	vst.idx.msk $0xffff, v1  }
0x2b7: {  	[tilespmem:v11+s15+$0x0] =	vst.idx.msk $0xffff, v2  }
0x2b8: {  	v1 =	vld [tilespmem:$0x74A0]  }
0x2b9: {  	v2 =	vld [tilespmem:$0x74B0];
	_ =	sdelay $0x3  }
0x2ba: {  	[tilespmem:v12+s15+$0x0] =	vst.idx.msk $0xffff, v1  }
0x2bb: {  	[tilespmem:v13+s15+$0x0] =	vst.idx.msk $0xffff, v2  }
0x2bc: {  	v1 =	vld [tilespmem:$0x74C0]  }
0x2bd: {  	v2 =	vld [tilespmem:$0x74D0];
	_ =	sdelay $0x3  }
0x2be: {  	[tilespmem:v14+s15+$0x0] =	vst.idx.msk $0xffff, v1  }
0x2bf: {  	[tilespmem:v15+s15+$0x0] =	vst.idx.msk $0xffff, v2  }
0x2c0: {  	v1 =	vld [tilespmem:$0x74E0]  }
0x2c1: {  	v2 =	vld [tilespmem:$0x74F0];
	_ =	sdelay $0x3  }
0x2c2: {  	[tilespmem:v16+s15+$0x0] =	vst.idx.msk $0xffff, v1  }
0x2c3: {  	[tilespmem:v17+s15+$0x0] =	vst.idx.msk $0xffff, v2  }
0x2c4: {  	v1 =	vld [tilespmem:$0x7500]  }
0x2c5: {  	v2 =	vld [tilespmem:$0x7510];
	_ =	sdelay $0x3  }
0x2c6: {  	[tilespmem:v18+s15+$0x0] =	vst.idx.msk $0xffff, v1  }
0x2c7: {  	[tilespmem:v19+s15+$0x0] =	vst.idx.msk $0xffff, v2  }
0x2c8: {  	v1 =	vld [tilespmem:$0x7520]  }
0x2c9: {  	v2 =	vld [tilespmem:$0x7530];
	_ =	sdelay $0x3  }
0x2ca: {  	[tilespmem:v20+s15+$0x0] =	vst.idx.msk $0xffff, v1  }
0x2cb: {  	[tilespmem:v21+s15+$0x0] =	vst.idx.msk $0xffff, v2  }
0x2cc: {  	v1 =	vld [tilespmem:$0x7540]  }
0x2cd: {  	v2 =	vld [tilespmem:$0x7550];
	_ =	sdelay $0x3  }
0x2ce: {  	[tilespmem:v22+s15+$0x0] =	vst.idx.msk $0xffff, v1  }
0x2cf: {  	[tilespmem:v23+s15+$0x0] =	vst.idx.msk $0xffff, v2  }
0x2d0: {  	v1 =	vld [tilespmem:$0x7560]  }
0x2d1: {  	v2 =	vld [tilespmem:$0x7570];
	_ =	sdelay $0x3  }
0x2d2: {  	[tilespmem:v24+s15+$0x0] =	vst.idx.msk $0xffff, v1  }
0x2d3: {  	[tilespmem:v25+s15+$0x0] =	vst.idx.msk $0xffff, v2  }
0x2d4: {  	v1 =	vld [tilespmem:$0x7580]  }
0x2d5: {  	v2 =	vld [tilespmem:$0x7590];
	_ =	sdelay $0x3  }
0x2d6: {  	[tilespmem:v26+s15+$0x0] =	vst.idx.msk $0xffff, v1  }
0x2d7: {  	[tilespmem:v27+s15+$0x0] =	vst.idx.msk $0xffff, v2  }
0x2d8: {  	v1 =	vld [tilespmem:$0x75A0]  }
0x2d9: {  	v2 =	vld [tilespmem:$0x75B0];
	_ =	sdelay $0x3  }
0x2da: {  	[tilespmem:v28+s15+$0x0] =	vst.idx.msk $0xffff, v1  }
0x2db: {  	[tilespmem:v29+s15+$0x0] =	vst.idx.msk $0xffff, v2  }
0x2dc: {  	v1 =	vld [tilespmem:$0x75C0]  }
0x2dd: {  	v2 =	vld [tilespmem:$0x75D0];
	_ =	sdelay $0x3  }
0x2de: {  	[tilespmem:v30+s15+$0x0] =	vst.idx.msk $0xffff, v1  }
0x2df: {  	[tilespmem:v31+s15+$0x0] =	vst.idx.msk $0xffff, v2  }
0x2e0: {  	v1 =	vld [tilespmem:$0x75E0]  }
0x2e1: {  	v2 =	vld [tilespmem:$0x75F0];
	_ =	sdelay $0x3  }
0x2e2: {  	[tilespmem:v32+s15+$0x0] =	vst.idx.msk $0xffff, v1  }
0x2e3: {  	[tilespmem:v33+s15+$0x0] =	vst.idx.msk $0xffff, v2  }
0x2e4: {  	v1 =	vld [tilespmem:$0x7600]  }
0x2e5: {  	v2 =	vld [tilespmem:$0x7610];
	_ =	sdelay $0x3  }
0x2e6: {  	[tilespmem:v34+s15+$0x0] =	vst.idx.msk $0xffff, v1  }
0x2e7: {  	[tilespmem:v35+s15+$0x0] =	vst.idx.msk $0xffff, v2  }
0x2e8: {  	v1 =	vld [tilespmem:$0x7620]  }
0x2e9: {  	v2 =	vld [tilespmem:$0x7630];
	_ =	sdelay $0x3  }
0x2ea: {  	[tilespmem:v36+s15+$0x0] =	vst.idx.msk $0xffff, v1  }
0x2eb: {  	[tilespmem:v37+s15+$0x0] =	vst.idx.msk $0xffff, v2  }
0x2ec: {  	v1 =	vld [tilespmem:$0x7640]  }
0x2ed: {  	v2 =	vld [tilespmem:$0x7650];
	_ =	sdelay $0x3  }
0x2ee: {  	[tilespmem:v38+s15+$0x0] =	vst.idx.msk $0xffff, v1  }
0x2ef: {  	[tilespmem:v39+s15+$0x0] =	vst.idx.msk $0xffff, v2  }
0x2f0: {  	v1 =	vld [tilespmem:$0x7660]  }
0x2f1: {  	v2 =	vld [tilespmem:$0x7670];
	_ =	sdelay $0x3  }
0x2f2: {  	[tilespmem:v40+s15+$0x0] =	vst.idx.msk $0xffff, v1  }
0x2f3: {  	[tilespmem:v41+s15+$0x0] =	vst.idx.msk $0xffff, v2  }
0x2f4: {  	v1 =	vld [tilespmem:$0x7680]  }
0x2f5: {  	v2 =	vld [tilespmem:$0x7690];
	_ =	sdelay $0x3  }
0x2f6: {  	[tilespmem:v42+s15+$0x0] =	vst.idx.msk $0xffff, v1  }
0x2f7: {  	[tilespmem:v43+s15+$0x0] =	vst.idx.msk $0xffff, v2  }
0x2f8: {  	v1 =	vld [tilespmem:$0x76A0]  }
0x2f9: {  	v2 =	vld [tilespmem:$0x76B0];
	_ =	sdelay $0x3  }
0x2fa: {  	[tilespmem:v44+s15+$0x0] =	vst.idx.msk $0xffff, v1  }
0x2fb: {  	[tilespmem:v45+s15+$0x0] =	vst.idx.msk $0xffff, v2  }
0x2fc: {  	v1 =	vld [tilespmem:$0x76C0]  }
0x2fd: {  	v2 =	vld [tilespmem:$0x76D0];
	_ =	sdelay $0x3  }
0x2fe: {  	[tilespmem:v46+s15+$0x0] =	vst.idx.msk $0xffff, v1  }
0x2ff: {  	[tilespmem:v47+s15+$0x0] =	vst.idx.msk $0xffff, v2  }
0x300: {  	v1 =	vld [tilespmem:$0x76E0]  }
0x301: {  	v2 =	vld [tilespmem:$0x76F0];
	_ =	sdelay $0x3  }
0x302: {  	[tilespmem:v48+s15+$0x0] =	vst.idx.msk $0xffff, v1  }
0x303: {  	[tilespmem:v49+s15+$0x0] =	vst.idx.msk $0xffff, v2  }
0x304: {  	v1 =	vld [tilespmem:$0x7700]  }
0x305: {  	v2 =	vld [tilespmem:$0x7710];
	_ =	sdelay $0x3  }
0x306: {  	[tilespmem:v50+s15+$0x0] =	vst.idx.msk $0xffff, v1  }
0x307: {  	[tilespmem:v51+s15+$0x0] =	vst.idx.msk $0xffff, v2  }
0x308: {  	v1 =	vld [tilespmem:$0x7720]  }
0x309: {  	v2 =	vld [tilespmem:$0x7730];
	_ =	sdelay $0x3  }
0x30a: {  	[tilespmem:v52+s15+$0x0] =	vst.idx.msk $0xffff, v1  }
0x30b: {  	[tilespmem:v53+s15+$0x0] =	vst.idx.msk $0xffff, v2  }
0x30c: {  	v1 =	vld [tilespmem:$0x7740]  }
0x30d: {  	v2 =	vld [tilespmem:$0x7750];
	_ =	sdelay $0x3  }
0x30e: {  	[tilespmem:v54+s15+$0x0] =	vst.idx.msk $0xffff, v1  }
0x30f: {  	[tilespmem:v55+s15+$0x0] =	vst.idx.msk $0xffff, v2  }
0x310: {  	v1 =	vld [tilespmem:$0x7760]  }
0x311: {  	v2 =	vld [tilespmem:$0x7770];
	_ =	sdelay $0x3  }
0x312: {  	[tilespmem:v56+s15+$0x0] =	vst.idx.msk $0xffff, v1  }
0x313: {  	[tilespmem:v57+s15+$0x0] =	vst.idx.msk $0xffff, v2  }
0x314: {  	v1 =	vld [tilespmem:$0x7780]  }
0x315: {  	v2 =	vld [tilespmem:$0x7790];
	_ =	sdelay $0x3  }
0x316: {  	[tilespmem:v58+s15+$0x0] =	vst.idx.msk $0xffff, v1  }
0x317: {  	[tilespmem:v59+s15+$0x0] =	vst.idx.msk $0xffff, v2  }
0x318: {  	v1 =	vld [tilespmem:$0x77A0]  }
0x319: {  	v2 =	vld [tilespmem:$0x77B0];
	_ =	sdelay $0x3  }
0x31a: {  	[tilespmem:v60+s15+$0x0] =	vst.idx.msk $0xffff, v1  }
0x31b: {  	[tilespmem:v61+s15+$0x0] =	vst.idx.msk $0xffff, v2  }
0x31c: {  	v1 =	vld [tilespmem:$0x77C0]  }
0x31d: {  	v2 =	vld [tilespmem:$0x77D0];
	_ =	sdelay $0x2  }
0x31e: {  	v3 =	vld [tilespmem:$0x1FFC0]  }
0x31f: {  	[tilespmem:v62+s15+$0x0] =	vst.idx.msk $0xffff, v1  }
0x320: {  	[tilespmem:v63+s15+$0x0] =	vst.idx.msk $0xffff, v2  }
0x321: {  	v1 =	vld [tilespmem:$0x77E0];
	_ =	sdelay $0x3  }
0x322: {  	v2 =	vld [tilespmem:$0x77F0]  }
0x323: {  	[tilespmem:v3+s15+$0x0] =	vst.idx.msk $0xffff, v1;
	v1 =	vld [tilespmem:$0x1FFD0];
	_ =	sdelay $0x5  }
0x324: {  	v3 =	vld [tilespmem:$0x1F3C0];
	_ =	sdelay $0x1  }
0x325: {  	[tilespmem:v1+s15+$0x0] =	vst.idx.msk $0xffff, v2  }
0x326: {  	v1 =	vld [tilespmem:$0x7800];
	_ =	sdelay $0x3  }
0x327: {  	v2 =	vld [tilespmem:$0x7810]  }
0x328: {  	[tilespmem:v3+s15+$0x0] =	vst.idx.msk $0xffff, v1;
	v1 =	vld [tilespmem:$0x1F3D0];
	_ =	sdelay $0x5  }
0x329: {  	v3 =	vld [tilespmem:$0x1F3E0];
	_ =	sdelay $0x1  }
0x32a: {  	[tilespmem:v1+s15+$0x0] =	vst.idx.msk $0xffff, v2  }
0x32b: {  	v1 =	vld [tilespmem:$0x7820];
	_ =	sdelay $0x3  }
0x32c: {  	v2 =	vld [tilespmem:$0x7830]  }
0x32d: {  	[tilespmem:v3+s15+$0x0] =	vst.idx.msk $0xffff, v1;
	v1 =	vld [tilespmem:$0x1F3F0];
	_ =	sdelay $0x5  }
0x32e: {  	v3 =	vld [tilespmem:$0x1F400];
	_ =	sdelay $0x1  }
0x32f: {  	[tilespmem:v1+s15+$0x0] =	vst.idx.msk $0xffff, v2  }
0x330: {  	v1 =	vld [tilespmem:$0x7840];
	_ =	sdelay $0x3  }
0x331: {  	v2 =	vld [tilespmem:$0x7850]  }
0x332: {  	[tilespmem:v3+s15+$0x0] =	vst.idx.msk $0xffff, v1;
	v1 =	vld [tilespmem:$0x1F410];
	_ =	sdelay $0x5  }
0x333: {  	v3 =	vld [tilespmem:$0x1F420];
	_ =	sdelay $0x1  }
0x334: {  	[tilespmem:v1+s15+$0x0] =	vst.idx.msk $0xffff, v2  }
0x335: {  	v1 =	vld [tilespmem:$0x7860];
	_ =	sdelay $0x3  }
0x336: {  	v2 =	vld [tilespmem:$0x7870]  }
0x337: {  	[tilespmem:v3+s15+$0x0] =	vst.idx.msk $0xffff, v1;
	v1 =	vld [tilespmem:$0x1F430];
	_ =	sdelay $0x5  }
0x338: {  	v3 =	vld [tilespmem:$0x1F440];
	_ =	sdelay $0x1  }
0x339: {  	[tilespmem:v1+s15+$0x0] =	vst.idx.msk $0xffff, v2  }
0x33a: {  	v1 =	vld [tilespmem:$0x7880];
	_ =	sdelay $0x3  }
0x33b: {  	v2 =	vld [tilespmem:$0x7890]  }
0x33c: {  	[tilespmem:v3+s15+$0x0] =	vst.idx.msk $0xffff, v1;
	v1 =	vld [tilespmem:$0x1F450];
	_ =	sdelay $0x5  }
0x33d: {  	v3 =	vld [tilespmem:$0x1F460];
	_ =	sdelay $0x1  }
0x33e: {  	[tilespmem:v1+s15+$0x0] =	vst.idx.msk $0xffff, v2  }
0x33f: {  	v1 =	vld [tilespmem:$0x78A0];
	_ =	sdelay $0x3  }
0x340: {  	v2 =	vld [tilespmem:$0x78B0]  }
0x341: {  	[tilespmem:v3+s15+$0x0] =	vst.idx.msk $0xffff, v1;
	v1 =	vld [tilespmem:$0x1F470];
	_ =	sdelay $0x5  }
0x342: {  	v3 =	vld [tilespmem:$0x1F480];
	_ =	sdelay $0x1  }
0x343: {  	[tilespmem:v1+s15+$0x0] =	vst.idx.msk $0xffff, v2  }
0x344: {  	v1 =	vld [tilespmem:$0x78C0];
	_ =	sdelay $0x3  }
0x345: {  	v2 =	vld [tilespmem:$0x78D0]  }
0x346: {  	[tilespmem:v3+s15+$0x0] =	vst.idx.msk $0xffff, v1;
	v1 =	vld [tilespmem:$0x1F490];
	_ =	sdelay $0x5  }
0x347: {  	v3 =	vld [tilespmem:$0x1F4A0];
	_ =	sdelay $0x1  }
0x348: {  	[tilespmem:v1+s15+$0x0] =	vst.idx.msk $0xffff, v2  }
0x349: {  	v1 =	vld [tilespmem:$0x78E0];
	_ =	sdelay $0x3  }
0x34a: {  	v2 =	vld [tilespmem:$0x78F0]  }
0x34b: {  	[tilespmem:v3+s15+$0x0] =	vst.idx.msk $0xffff, v1;
	v1 =	vld [tilespmem:$0x1F4B0];
	_ =	sdelay $0x5  }
0x34c: {  	v3 =	vld [tilespmem:$0x1F4C0];
	_ =	sdelay $0x1  }
0x34d: {  	[tilespmem:v1+s15+$0x0] =	vst.idx.msk $0xffff, v2  }
0x34e: {  	v1 =	vld [tilespmem:$0x7900];
	_ =	sdelay $0x3  }
0x34f: {  	v2 =	vld [tilespmem:$0x7910]  }
0x350: {  	[tilespmem:v3+s15+$0x0] =	vst.idx.msk $0xffff, v1;
	v1 =	vld [tilespmem:$0x1F4D0];
	_ =	sdelay $0x5  }
0x351: {  	v3 =	vld [tilespmem:$0x1F4E0];
	_ =	sdelay $0x1  }
0x352: {  	[tilespmem:v1+s15+$0x0] =	vst.idx.msk $0xffff, v2  }
0x353: {  	v1 =	vld [tilespmem:$0x7920];
	_ =	sdelay $0x3  }
0x354: {  	v2 =	vld [tilespmem:$0x7930]  }
0x355: {  	[tilespmem:v3+s15+$0x0] =	vst.idx.msk $0xffff, v1;
	v1 =	vld [tilespmem:$0x1F4F0];
	_ =	sdelay $0x5  }
0x356: {  	v3 =	vld [tilespmem:$0x1F500];
	_ =	sdelay $0x1  }
0x357: {  	[tilespmem:v1+s15+$0x0] =	vst.idx.msk $0xffff, v2  }
0x358: {  	v1 =	vld [tilespmem:$0x7940];
	_ =	sdelay $0x3  }
0x359: {  	v2 =	vld [tilespmem:$0x7950]  }
0x35a: {  	[tilespmem:v3+s15+$0x0] =	vst.idx.msk $0xffff, v1;
	v1 =	vld [tilespmem:$0x1F510];
	_ =	sdelay $0x5  }
0x35b: {  	v3 =	vld [tilespmem:$0x1F520];
	_ =	sdelay $0x1  }
0x35c: {  	[tilespmem:v1+s15+$0x0] =	vst.idx.msk $0xffff, v2  }
0x35d: {  	v1 =	vld [tilespmem:$0x7960];
	_ =	sdelay $0x3  }
0x35e: {  	v2 =	vld [tilespmem:$0x7970]  }
0x35f: {  	[tilespmem:v3+s15+$0x0] =	vst.idx.msk $0xffff, v1;
	v1 =	vld [tilespmem:$0x1F530];
	_ =	sdelay $0x5  }
0x360: {  	v3 =	vld [tilespmem:$0x1F540];
	_ =	sdelay $0x1  }
0x361: {  	[tilespmem:v1+s15+$0x0] =	vst.idx.msk $0xffff, v2  }
0x362: {  	v1 =	vld [tilespmem:$0x7980];
	_ =	sdelay $0x3  }
0x363: {  	v2 =	vld [tilespmem:$0x7990]  }
0x364: {  	[tilespmem:v3+s15+$0x0] =	vst.idx.msk $0xffff, v1;
	v1 =	vld [tilespmem:$0x1F550];
	_ =	sdelay $0x5  }
0x365: {  	v3 =	vld [tilespmem:$0x1F560];
	_ =	sdelay $0x1  }
0x366: {  	[tilespmem:v1+s15+$0x0] =	vst.idx.msk $0xffff, v2  }
0x367: {  	v1 =	vld [tilespmem:$0x79A0];
	_ =	sdelay $0x3  }
0x368: {  	v2 =	vld [tilespmem:$0x79B0]  }
0x369: {  	[tilespmem:v3+s15+$0x0] =	vst.idx.msk $0xffff, v1;
	v1 =	vld [tilespmem:$0x1F570];
	_ =	sdelay $0x5  }
0x36a: {  	v3 =	vld [tilespmem:$0x1F580];
	_ =	sdelay $0x1  }
0x36b: {  	[tilespmem:v1+s15+$0x0] =	vst.idx.msk $0xffff, v2  }
0x36c: {  	v1 =	vld [tilespmem:$0x79C0];
	_ =	sdelay $0x3  }
0x36d: {  	v2 =	vld [tilespmem:$0x79D0]  }
0x36e: {  	[tilespmem:v3+s15+$0x0] =	vst.idx.msk $0xffff, v1;
	v1 =	vld [tilespmem:$0x1F590];
	_ =	sdelay $0x5  }
0x36f: {  	v3 =	vld [tilespmem:$0x1F5A0];
	_ =	sdelay $0x1  }
0x370: {  	[tilespmem:v1+s15+$0x0] =	vst.idx.msk $0xffff, v2  }
0x371: {  	v1 =	vld [tilespmem:$0x79E0];
	_ =	sdelay $0x3  }
0x372: {  	v2 =	vld [tilespmem:$0x79F0]  }
0x373: {  	[tilespmem:v3+s15+$0x0] =	vst.idx.msk $0xffff, v1;
	v1 =	vld [tilespmem:$0x1F5B0];
	_ =	sdelay $0x5  }
0x374: {  	v3 =	vld [tilespmem:$0x1F5C0];
	_ =	sdelay $0x1  }
0x375: {  	[tilespmem:v1+s15+$0x0] =	vst.idx.msk $0xffff, v2  }
0x376: {  	v1 =	vld [tilespmem:$0x7A00];
	_ =	sdelay $0x3  }
0x377: {  	v2 =	vld [tilespmem:$0x7A10]  }
0x378: {  	[tilespmem:v3+s15+$0x0] =	vst.idx.msk $0xffff, v1;
	v1 =	vld [tilespmem:$0x1F5D0];
	_ =	sdelay $0x5  }
0x379: {  	v3 =	vld [tilespmem:$0x1F5E0];
	_ =	sdelay $0x1  }
0x37a: {  	[tilespmem:v1+s15+$0x0] =	vst.idx.msk $0xffff, v2  }
0x37b: {  	v1 =	vld [tilespmem:$0x7A20];
	_ =	sdelay $0x3  }
0x37c: {  	v2 =	vld [tilespmem:$0x7A30]  }
0x37d: {  	[tilespmem:v3+s15+$0x0] =	vst.idx.msk $0xffff, v1;
	v1 =	vld [tilespmem:$0x1F5F0];
	_ =	sdelay $0x5  }
0x37e: {  	v3 =	vld [tilespmem:$0x1F600];
	_ =	sdelay $0x1  }
0x37f: {  	[tilespmem:v1+s15+$0x0] =	vst.idx.msk $0xffff, v2  }
0x380: {  	v1 =	vld [tilespmem:$0x7A40];
	_ =	sdelay $0x3  }
0x381: {  	v2 =	vld [tilespmem:$0x7A50]  }
0x382: {  	[tilespmem:v3+s15+$0x0] =	vst.idx.msk $0xffff, v1;
	v1 =	vld [tilespmem:$0x1F610];
	_ =	sdelay $0x5  }
0x383: {  	v3 =	vld [tilespmem:$0x1F620];
	_ =	sdelay $0x1  }
0x384: {  	[tilespmem:v1+s15+$0x0] =	vst.idx.msk $0xffff, v2  }
0x385: {  	v1 =	vld [tilespmem:$0x7A60];
	_ =	sdelay $0x3  }
0x386: {  	v2 =	vld [tilespmem:$0x7A70]  }
0x387: {  	[tilespmem:v3+s15+$0x0] =	vst.idx.msk $0xffff, v1;
	v1 =	vld [tilespmem:$0x1F630];
	_ =	sdelay $0x5  }
0x388: {  	v3 =	vld [tilespmem:$0x1F640];
	_ =	sdelay $0x1  }
0x389: {  	[tilespmem:v1+s15+$0x0] =	vst.idx.msk $0xffff, v2  }
0x38a: {  	v1 =	vld [tilespmem:$0x7A80];
	_ =	sdelay $0x3  }
0x38b: {  	v2 =	vld [tilespmem:$0x7A90]  }
0x38c: {  	[tilespmem:v3+s15+$0x0] =	vst.idx.msk $0xffff, v1;
	v1 =	vld [tilespmem:$0x1F650];
	_ =	sdelay $0x5  }
0x38d: {  	v3 =	vld [tilespmem:$0x1F660];
	_ =	sdelay $0x1  }
0x38e: {  	[tilespmem:v1+s15+$0x0] =	vst.idx.msk $0xffff, v2  }
0x38f: {  	v1 =	vld [tilespmem:$0x7AA0];
	_ =	sdelay $0x3  }
0x390: {  	v2 =	vld [tilespmem:$0x7AB0]  }
0x391: {  	[tilespmem:v3+s15+$0x0] =	vst.idx.msk $0xffff, v1;
	v1 =	vld [tilespmem:$0x1F670];
	_ =	sdelay $0x5  }
0x392: {  	v3 =	vld [tilespmem:$0x1F680];
	_ =	sdelay $0x1  }
0x393: {  	[tilespmem:v1+s15+$0x0] =	vst.idx.msk $0xffff, v2  }
0x394: {  	v1 =	vld [tilespmem:$0x7AC0];
	_ =	sdelay $0x3  }
0x395: {  	v2 =	vld [tilespmem:$0x7AD0]  }
0x396: {  	[tilespmem:v3+s15+$0x0] =	vst.idx.msk $0xffff, v1;
	v1 =	vld [tilespmem:$0x1F690];
	_ =	sdelay $0x5  }
0x397: {  	v3 =	vld [tilespmem:$0x1F6A0];
	_ =	sdelay $0x1  }
0x398: {  	[tilespmem:v1+s15+$0x0] =	vst.idx.msk $0xffff, v2  }
0x399: {  	v1 =	vld [tilespmem:$0x7AE0];
	_ =	sdelay $0x4  }
0x39a: {  	v2 =	vld [tilespmem:$0x7AF0];
	[tilespmem:v3+s15+$0x0] =	vst.idx.msk $0xffff, v1  }
0x39b: {  	v1 =	vld [tilespmem:$0x1F6B0];
	_ =	sdelay $0x5  }
0x39c: {  	v3 =	vld [tilespmem:$0x1F6C0];
	_ =	sdelay $0x1  }
0x39d: {  	[tilespmem:v1+s15+$0x0] =	vst.idx.msk $0xffff, v2  }
0x39e: {  	v1 =	vld [tilespmem:$0x7B00];
	_ =	sdelay $0x3  }
0x39f: {  	v2 =	vld [tilespmem:$0x7B10]  }
0x3a0: {  	[tilespmem:v3+s15+$0x0] =	vst.idx.msk $0xffff, v1;
	v1 =	vld [tilespmem:$0x1F6D0];
	_ =	sdelay $0x5  }
0x3a1: {  	v3 =	vld [tilespmem:$0x1F6E0];
	_ =	sdelay $0x1  }
0x3a2: {  	[tilespmem:v1+s15+$0x0] =	vst.idx.msk $0xffff, v2  }
0x3a3: {  	v1 =	vld [tilespmem:$0x7B20];
	_ =	sdelay $0x3  }
0x3a4: {  	v2 =	vld [tilespmem:$0x7B30]  }
0x3a5: {  	[tilespmem:v3+s15+$0x0] =	vst.idx.msk $0xffff, v1;
	v1 =	vld [tilespmem:$0x1F6F0];
	_ =	sdelay $0x5  }
0x3a6: {  	v3 =	vld [tilespmem:$0x1F700];
	_ =	sdelay $0x1  }
0x3a7: {  	[tilespmem:v1+s15+$0x0] =	vst.idx.msk $0xffff, v2  }
0x3a8: {  	v1 =	vld [tilespmem:$0x7B40];
	_ =	sdelay $0x3  }
0x3a9: {  	v2 =	vld [tilespmem:$0x7B50]  }
0x3aa: {  	[tilespmem:v3+s15+$0x0] =	vst.idx.msk $0xffff, v1;
	v1 =	vld [tilespmem:$0x1F710];
	_ =	sdelay $0x5  }
0x3ab: {  	v3 =	vld [tilespmem:$0x1F720];
	_ =	sdelay $0x1  }
0x3ac: {  	[tilespmem:v1+s15+$0x0] =	vst.idx.msk $0xffff, v2  }
0x3ad: {  	v1 =	vld [tilespmem:$0x7B60];
	_ =	sdelay $0x3  }
0x3ae: {  	v2 =	vld [tilespmem:$0x7B70]  }
0x3af: {  	[tilespmem:v3+s15+$0x0] =	vst.idx.msk $0xffff, v1;
	v1 =	vld [tilespmem:$0x1F730];
	_ =	sdelay $0x5  }
0x3b0: {  	v3 =	vld [tilespmem:$0x1F740];
	_ =	sdelay $0x1  }
0x3b1: {  	[tilespmem:v1+s15+$0x0] =	vst.idx.msk $0xffff, v2  }
0x3b2: {  	v1 =	vld [tilespmem:$0x7B80];
	_ =	sdelay $0x3  }
0x3b3: {  	v2 =	vld [tilespmem:$0x7B90]  }
0x3b4: {  	[tilespmem:v3+s15+$0x0] =	vst.idx.msk $0xffff, v1;
	v1 =	vld [tilespmem:$0x1F750];
	_ =	sdelay $0x5  }
0x3b5: {  	v3 =	vld [tilespmem:$0x1F760];
	_ =	sdelay $0x1  }
0x3b6: {  	[tilespmem:v1+s15+$0x0] =	vst.idx.msk $0xffff, v2  }
0x3b7: {  	v1 =	vld [tilespmem:$0x7BA0];
	_ =	sdelay $0x3  }
0x3b8: {  	v2 =	vld [tilespmem:$0x7BB0]  }
0x3b9: {  	[tilespmem:v3+s15+$0x0] =	vst.idx.msk $0xffff, v1;
	v1 =	vld [tilespmem:$0x1F770];
	_ =	sdelay $0x5  }
0x3ba: {  	v3 =	vld [tilespmem:$0x1F780];
	_ =	sdelay $0x1  }
0x3bb: {  	[tilespmem:v1+s15+$0x0] =	vst.idx.msk $0xffff, v2  }
0x3bc: {  	v1 =	vld [tilespmem:$0x7BC0];
	_ =	sdelay $0x3  }
0x3bd: {  	v2 =	vld [tilespmem:$0x7BD0]  }
0x3be: {  	[tilespmem:v3+s15+$0x0] =	vst.idx.msk $0xffff, v1;
	v1 =	vld [tilespmem:$0x1F790];
	_ =	sdelay $0x5  }
0x3bf: {  	v3 =	vld [tilespmem:$0x1F7A0];
	_ =	sdelay $0x1  }
0x3c0: {  	[tilespmem:v1+s15+$0x0] =	vst.idx.msk $0xffff, v2  }
0x3c1: {  	v1 =	vld [tilespmem:$0x7BE0];
	_ =	sdelay $0x3  }
0x3c2: {  	v2 =	vld [tilespmem:$0x7BF0]  }
0x3c3: {  	[tilespmem:v3+s15+$0x0] =	vst.idx.msk $0xffff, v1;
	v1 =	vld [tilespmem:$0x1F7B0];
	_ =	sdelay $0x5  }
0x3c4: {  	v3 =	vld [tilespmem:$0x1F7C0];
	_ =	sdelay $0x1  }
0x3c5: {  	[tilespmem:v1+s15+$0x0] =	vst.idx.msk $0xffff, v2  }
0x3c6: {  	v1 =	vld [tilespmem:$0x7C00];
	_ =	sdelay $0x3  }
0x3c7: {  	v2 =	vld [tilespmem:$0x7C10]  }
0x3c8: {  	[tilespmem:v3+s15+$0x0] =	vst.idx.msk $0xffff, v1;
	v1 =	vld [tilespmem:$0x1F7D0];
	_ =	sdelay $0x5  }
0x3c9: {  	v3 =	vld [tilespmem:$0x1F7E0];
	_ =	sdelay $0x1  }
0x3ca: {  	[tilespmem:v1+s15+$0x0] =	vst.idx.msk $0xffff, v2  }
0x3cb: {  	v1 =	vld [tilespmem:$0x7C20];
	_ =	sdelay $0x3  }
0x3cc: {  	v2 =	vld [tilespmem:$0x7C30]  }
0x3cd: {  	[tilespmem:v3+s15+$0x0] =	vst.idx.msk $0xffff, v1;
	v1 =	vld [tilespmem:$0x1F7F0];
	_ =	sdelay $0x5  }
0x3ce: {  	v3 =	vld [tilespmem:$0x1F800];
	_ =	sdelay $0x1  }
0x3cf: {  	[tilespmem:v1+s15+$0x0] =	vst.idx.msk $0xffff, v2  }
0x3d0: {  	v1 =	vld [tilespmem:$0x7C40];
	_ =	sdelay $0x3  }
0x3d1: {  	v2 =	vld [tilespmem:$0x7C50]  }
0x3d2: {  	[tilespmem:v3+s15+$0x0] =	vst.idx.msk $0xffff, v1;
	v1 =	vld [tilespmem:$0x1F810];
	_ =	sdelay $0x5  }
0x3d3: {  	v3 =	vld [tilespmem:$0x1F820];
	_ =	sdelay $0x1  }
0x3d4: {  	[tilespmem:v1+s15+$0x0] =	vst.idx.msk $0xffff, v2  }
0x3d5: {  	v1 =	vld [tilespmem:$0x7C60];
	_ =	sdelay $0x3  }
0x3d6: {  	v2 =	vld [tilespmem:$0x7C70]  }
0x3d7: {  	[tilespmem:v3+s15+$0x0] =	vst.idx.msk $0xffff, v1;
	v1 =	vld [tilespmem:$0x1F830];
	_ =	sdelay $0x5  }
0x3d8: {  	v3 =	vld [tilespmem:$0x1F840];
	_ =	sdelay $0x1  }
0x3d9: {  	[tilespmem:v1+s15+$0x0] =	vst.idx.msk $0xffff, v2  }
0x3da: {  	v1 =	vld [tilespmem:$0x7C80];
	_ =	sdelay $0x3  }
0x3db: {  	v2 =	vld [tilespmem:$0x7C90]  }
0x3dc: {  	[tilespmem:v3+s15+$0x0] =	vst.idx.msk $0xffff, v1;
	v1 =	vld [tilespmem:$0x1F850];
	_ =	sdelay $0x5  }
0x3dd: {  	v3 =	vld [tilespmem:$0x1F860];
	_ =	sdelay $0x1  }
0x3de: {  	[tilespmem:v1+s15+$0x0] =	vst.idx.msk $0xffff, v2  }
0x3df: {  	v1 =	vld [tilespmem:$0x7CA0];
	_ =	sdelay $0x3  }
0x3e0: {  	v2 =	vld [tilespmem:$0x7CB0]  }
0x3e1: {  	[tilespmem:v3+s15+$0x0] =	vst.idx.msk $0xffff, v1;
	v1 =	vld [tilespmem:$0x1F870];
	_ =	sdelay $0x5  }
0x3e2: {  	v3 =	vld [tilespmem:$0x1F880];
	_ =	sdelay $0x1  }
0x3e3: {  	[tilespmem:v1+s15+$0x0] =	vst.idx.msk $0xffff, v2  }
0x3e4: {  	v1 =	vld [tilespmem:$0x7CC0];
	_ =	sdelay $0x3  }
0x3e5: {  	v2 =	vld [tilespmem:$0x7CD0]  }
0x3e6: {  	[tilespmem:v3+s15+$0x0] =	vst.idx.msk $0xffff, v1;
	v1 =	vld [tilespmem:$0x1F890];
	_ =	sdelay $0x5  }
0x3e7: {  	v3 =	vld [tilespmem:$0x1F8A0];
	_ =	sdelay $0x1  }
0x3e8: {  	[tilespmem:v1+s15+$0x0] =	vst.idx.msk $0xffff, v2  }
0x3e9: {  	v1 =	vld [tilespmem:$0x7CE0];
	_ =	sdelay $0x3  }
0x3ea: {  	v2 =	vld [tilespmem:$0x7CF0]  }
0x3eb: {  	[tilespmem:v3+s15+$0x0] =	vst.idx.msk $0xffff, v1;
	v1 =	vld [tilespmem:$0x1F8B0];
	_ =	sdelay $0x5  }
0x3ec: {  	v3 =	vld [tilespmem:$0x1F8C0];
	_ =	sdelay $0x1  }
0x3ed: {  	[tilespmem:v1+s15+$0x0] =	vst.idx.msk $0xffff, v2  }
0x3ee: {  	v1 =	vld [tilespmem:$0x7D00];
	_ =	sdelay $0x3  }
0x3ef: {  	v2 =	vld [tilespmem:$0x7D10]  }
0x3f0: {  	[tilespmem:v3+s15+$0x0] =	vst.idx.msk $0xffff, v1;
	v1 =	vld [tilespmem:$0x1F8D0];
	_ =	sdelay $0x5  }
0x3f1: {  	v3 =	vld [tilespmem:$0x1F8E0];
	_ =	sdelay $0x1  }
0x3f2: {  	[tilespmem:v1+s15+$0x0] =	vst.idx.msk $0xffff, v2  }
0x3f3: {  	v1 =	vld [tilespmem:$0x7D20];
	_ =	sdelay $0x3  }
0x3f4: {  	v2 =	vld [tilespmem:$0x7D30]  }
0x3f5: {  	[tilespmem:v3+s15+$0x0] =	vst.idx.msk $0xffff, v1;
	v1 =	vld [tilespmem:$0x1F8F0];
	_ =	sdelay $0x5  }
0x3f6: {  	v3 =	vld [tilespmem:$0x1F900];
	_ =	sdelay $0x1  }
0x3f7: {  	[tilespmem:v1+s15+$0x0] =	vst.idx.msk $0xffff, v2  }
0x3f8: {  	v1 =	vld [tilespmem:$0x7D40];
	_ =	sdelay $0x3  }
0x3f9: {  	v2 =	vld [tilespmem:$0x7D50]  }
0x3fa: {  	[tilespmem:v3+s15+$0x0] =	vst.idx.msk $0xffff, v1;
	v1 =	vld [tilespmem:$0x1F910];
	_ =	sdelay $0x5  }
0x3fb: {  	v3 =	vld [tilespmem:$0x1F920];
	_ =	sdelay $0x1  }
0x3fc: {  	[tilespmem:v1+s15+$0x0] =	vst.idx.msk $0xffff, v2  }
0x3fd: {  	v1 =	vld [tilespmem:$0x7D60];
	_ =	sdelay $0x3  }
0x3fe: {  	v2 =	vld [tilespmem:$0x7D70]  }
0x3ff: {  	[tilespmem:v3+s15+$0x0] =	vst.idx.msk $0xffff, v1;
	v1 =	vld [tilespmem:$0x1F930];
	_ =	sdelay $0x5  }
0x400: {  	v3 =	vld [tilespmem:$0x1F940];
	_ =	sdelay $0x1  }
0x401: {  	[tilespmem:v1+s15+$0x0] =	vst.idx.msk $0xffff, v2  }
0x402: {  	v1 =	vld [tilespmem:$0x7D80];
	_ =	sdelay $0x3  }
0x403: {  	v2 =	vld [tilespmem:$0x7D90]  }
0x404: {  	[tilespmem:v3+s15+$0x0] =	vst.idx.msk $0xffff, v1;
	v1 =	vld [tilespmem:$0x1F950];
	_ =	sdelay $0x5  }
0x405: {  	v3 =	vld [tilespmem:$0x1F960];
	_ =	sdelay $0x1  }
0x406: {  	[tilespmem:v1+s15+$0x0] =	vst.idx.msk $0xffff, v2  }
0x407: {  	v1 =	vld [tilespmem:$0x7DA0];
	_ =	sdelay $0x3  }
0x408: {  	v2 =	vld [tilespmem:$0x7DB0]  }
0x409: {  	[tilespmem:v3+s15+$0x0] =	vst.idx.msk $0xffff, v1;
	v1 =	vld [tilespmem:$0x1F970];
	_ =	sdelay $0x5  }
0x40a: {  	v3 =	vld [tilespmem:$0x1F980];
	_ =	sdelay $0x1  }
0x40b: {  	[tilespmem:v1+s15+$0x0] =	vst.idx.msk $0xffff, v2  }
0x40c: {  	v1 =	vld [tilespmem:$0x7DC0];
	_ =	sdelay $0x3  }
0x40d: {  	v2 =	vld [tilespmem:$0x7DD0]  }
0x40e: {  	[tilespmem:v3+s15+$0x0] =	vst.idx.msk $0xffff, v1;
	v1 =	vld [tilespmem:$0x1F990];
	_ =	sdelay $0x5  }
0x40f: {  	v3 =	vld [tilespmem:$0x1F9A0];
	_ =	sdelay $0x1  }
0x410: {  	[tilespmem:v1+s15+$0x0] =	vst.idx.msk $0xffff, v2  }
0x411: {  	v1 =	vld [tilespmem:$0x7DE0];
	_ =	sdelay $0x3  }
0x412: {  	v2 =	vld [tilespmem:$0x7DF0]  }
0x413: {  	[tilespmem:v3+s15+$0x0] =	vst.idx.msk $0xffff, v1;
	v1 =	vld [tilespmem:$0x1F9B0];
	_ =	sdelay $0x5  }
0x414: {  	v3 =	vld [tilespmem:$0x1F9C0];
	_ =	sdelay $0x1  }
0x415: {  	[tilespmem:v1+s15+$0x0] =	vst.idx.msk $0xffff, v2  }
0x416: {  	v1 =	vld [tilespmem:$0x7E00];
	_ =	sdelay $0x3  }
0x417: {  	v2 =	vld [tilespmem:$0x7E10]  }
0x418: {  	[tilespmem:v3+s15+$0x0] =	vst.idx.msk $0xffff, v1;
	v1 =	vld [tilespmem:$0x1F9D0];
	_ =	sdelay $0x5  }
0x419: {  	v3 =	vld [tilespmem:$0x1F9E0];
	_ =	sdelay $0x1  }
0x41a: {  	[tilespmem:v1+s15+$0x0] =	vst.idx.msk $0xffff, v2  }
0x41b: {  	v1 =	vld [tilespmem:$0x7E20];
	_ =	sdelay $0x3  }
0x41c: {  	v2 =	vld [tilespmem:$0x7E30]  }
0x41d: {  	[tilespmem:v3+s15+$0x0] =	vst.idx.msk $0xffff, v1;
	v1 =	vld [tilespmem:$0x1F9F0];
	_ =	sdelay $0x5  }
0x41e: {  	v3 =	vld [tilespmem:$0x1FA00];
	_ =	sdelay $0x1  }
0x41f: {  	[tilespmem:v1+s15+$0x0] =	vst.idx.msk $0xffff, v2  }
0x420: {  	v1 =	vld [tilespmem:$0x7E40];
	_ =	sdelay $0x3  }
0x421: {  	v2 =	vld [tilespmem:$0x7E50]  }
0x422: {  	[tilespmem:v3+s15+$0x0] =	vst.idx.msk $0xffff, v1;
	v1 =	vld [tilespmem:$0x1FA10];
	_ =	sdelay $0x5  }
0x423: {  	v3 =	vld [tilespmem:$0x1FA20];
	_ =	sdelay $0x1  }
0x424: {  	[tilespmem:v1+s15+$0x0] =	vst.idx.msk $0xffff, v2  }
0x425: {  	v1 =	vld [tilespmem:$0x7E60];
	_ =	sdelay $0x3  }
0x426: {  	v2 =	vld [tilespmem:$0x7E70]  }
0x427: {  	[tilespmem:v3+s15+$0x0] =	vst.idx.msk $0xffff, v1;
	v1 =	vld [tilespmem:$0x1FA30];
	_ =	sdelay $0x5  }
0x428: {  	v3 =	vld [tilespmem:$0x1FA40];
	_ =	sdelay $0x1  }
0x429: {  	[tilespmem:v1+s15+$0x0] =	vst.idx.msk $0xffff, v2  }
0x42a: {  	v1 =	vld [tilespmem:$0x7E80];
	_ =	sdelay $0x3  }
0x42b: {  	v2 =	vld [tilespmem:$0x7E90]  }
0x42c: {  	[tilespmem:v3+s15+$0x0] =	vst.idx.msk $0xffff, v1;
	v1 =	vld [tilespmem:$0x1FA50];
	_ =	sdelay $0x5  }
0x42d: {  	v3 =	vld [tilespmem:$0x1FA60];
	_ =	sdelay $0x1  }
0x42e: {  	[tilespmem:v1+s15+$0x0] =	vst.idx.msk $0xffff, v2  }
0x42f: {  	v1 =	vld [tilespmem:$0x7EA0];
	_ =	sdelay $0x3  }
0x430: {  	v2 =	vld [tilespmem:$0x7EB0]  }
0x431: {  	[tilespmem:v3+s15+$0x0] =	vst.idx.msk $0xffff, v1;
	v1 =	vld [tilespmem:$0x1FA70];
	_ =	sdelay $0x5  }
0x432: {  	v3 =	vld [tilespmem:$0x1FA80];
	_ =	sdelay $0x1  }
0x433: {  	[tilespmem:v1+s15+$0x0] =	vst.idx.msk $0xffff, v2  }
0x434: {  	v1 =	vld [tilespmem:$0x7EC0];
	_ =	sdelay $0x3  }
0x435: {  	v2 =	vld [tilespmem:$0x7ED0]  }
0x436: {  	[tilespmem:v3+s15+$0x0] =	vst.idx.msk $0xffff, v1;
	v1 =	vld [tilespmem:$0x1FA90];
	_ =	sdelay $0x5  }
0x437: {  	v3 =	vld [tilespmem:$0x1FAA0];
	_ =	sdelay $0x1  }
0x438: {  	[tilespmem:v1+s15+$0x0] =	vst.idx.msk $0xffff, v2  }
0x439: {  	v1 =	vld [tilespmem:$0x7EE0];
	_ =	sdelay $0x3  }
0x43a: {  	v2 =	vld [tilespmem:$0x7EF0]  }
0x43b: {  	[tilespmem:v3+s15+$0x0] =	vst.idx.msk $0xffff, v1;
	v1 =	vld [tilespmem:$0x1FAB0];
	_ =	sdelay $0x5  }
0x43c: {  	v3 =	vld [tilespmem:$0x1FAC0];
	_ =	sdelay $0x1  }
0x43d: {  	[tilespmem:v1+s15+$0x0] =	vst.idx.msk $0xffff, v2  }
0x43e: {  	v1 =	vld [tilespmem:$0x7F00];
	_ =	sdelay $0x3  }
0x43f: {  	v2 =	vld [tilespmem:$0x7F10]  }
0x440: {  	[tilespmem:v3+s15+$0x0] =	vst.idx.msk $0xffff, v1;
	v1 =	vld [tilespmem:$0x1FAD0];
	_ =	sdelay $0x5  }
0x441: {  	v3 =	vld [tilespmem:$0x1FAE0];
	_ =	sdelay $0x1  }
0x442: {  	[tilespmem:v1+s15+$0x0] =	vst.idx.msk $0xffff, v2  }
0x443: {  	v1 =	vld [tilespmem:$0x7F20];
	_ =	sdelay $0x3  }
0x444: {  	v2 =	vld [tilespmem:$0x7F30]  }
0x445: {  	[tilespmem:v3+s15+$0x0] =	vst.idx.msk $0xffff, v1;
	v1 =	vld [tilespmem:$0x1FAF0];
	_ =	sdelay $0x5  }
0x446: {  	v3 =	vld [tilespmem:$0x1FB00];
	_ =	sdelay $0x1  }
0x447: {  	[tilespmem:v1+s15+$0x0] =	vst.idx.msk $0xffff, v2  }
0x448: {  	v1 =	vld [tilespmem:$0x7F40];
	_ =	sdelay $0x3  }
0x449: {  	v2 =	vld [tilespmem:$0x7F50]  }
0x44a: {  	[tilespmem:v3+s15+$0x0] =	vst.idx.msk $0xffff, v1;
	v1 =	vld [tilespmem:$0x1FB10];
	_ =	sdelay $0x5  }
0x44b: {  	v3 =	vld [tilespmem:$0x1FB20];
	_ =	sdelay $0x1  }
0x44c: {  	[tilespmem:v1+s15+$0x0] =	vst.idx.msk $0xffff, v2  }
0x44d: {  	v1 =	vld [tilespmem:$0x7F60];
	_ =	sdelay $0x3  }
0x44e: {  	v2 =	vld [tilespmem:$0x7F70]  }
0x44f: {  	[tilespmem:v3+s15+$0x0] =	vst.idx.msk $0xffff, v1;
	v1 =	vld [tilespmem:$0x1FB30];
	_ =	sdelay $0x5  }
0x450: {  	v3 =	vld [tilespmem:$0x1FB40];
	_ =	sdelay $0x1  }
0x451: {  	[tilespmem:v1+s15+$0x0] =	vst.idx.msk $0xffff, v2  }
0x452: {  	v1 =	vld [tilespmem:$0x7F80];
	_ =	sdelay $0x3  }
0x453: {  	v2 =	vld [tilespmem:$0x7F90]  }
0x454: {  	[tilespmem:v3+s15+$0x0] =	vst.idx.msk $0xffff, v1;
	v1 =	vld [tilespmem:$0x1FB50];
	_ =	sdelay $0x5  }
0x455: {  	v3 =	vld [tilespmem:$0x1FB60];
	_ =	sdelay $0x1  }
0x456: {  	[tilespmem:v1+s15+$0x0] =	vst.idx.msk $0xffff, v2  }
0x457: {  	v1 =	vld [tilespmem:$0x7FA0];
	_ =	sdelay $0x3  }
0x458: {  	v2 =	vld [tilespmem:$0x7FB0]  }
0x459: {  	[tilespmem:v3+s15+$0x0] =	vst.idx.msk $0xffff, v1;
	v1 =	vld [tilespmem:$0x1FB70];
	_ =	sdelay $0x5  }
0x45a: {  	v3 =	vld [tilespmem:$0x1FB80];
	_ =	sdelay $0x1  }
0x45b: {  	[tilespmem:v1+s15+$0x0] =	vst.idx.msk $0xffff, v2  }
0x45c: {  	v1 =	vld [tilespmem:$0x7FC0];
	_ =	sdelay $0x3  }
0x45d: {  	v2 =	vld [tilespmem:$0x7FD0]  }
0x45e: {  	[tilespmem:v3+s15+$0x0] =	vst.idx.msk $0xffff, v1;
	v1 =	vld [tilespmem:$0x1FB90];
	_ =	sdelay $0x5  }
0x45f: {  	v3 =	vld [tilespmem:$0x1FBA0];
	_ =	sdelay $0x1  }
0x460: {  	[tilespmem:v1+s15+$0x0] =	vst.idx.msk $0xffff, v2  }
0x461: {  	v1 =	vld [tilespmem:$0x7FE0];
	_ =	sdelay $0x3  }
0x462: {  	v2 =	vld [tilespmem:$0x7FF0]  }
0x463: {  	[tilespmem:v3+s15+$0x0] =	vst.idx.msk $0xffff, v1;
	v1 =	vld [tilespmem:$0x1FBB0];
	_ =	sdelay $0x5  }
0x464: {  	v3 =	vld [tilespmem:$0x1FBC0];
	_ =	sdelay $0x1  }
0x465: {  	[tilespmem:v1+s15+$0x0] =	vst.idx.msk $0xffff, v2  }
0x466: {  	v1 =	vld [tilespmem:$0x8000];
	_ =	sdelay $0x3  }
0x467: {  	v2 =	vld [tilespmem:$0x8010]  }
0x468: {  	[tilespmem:v3+s15+$0x0] =	vst.idx.msk $0xffff, v1;
	v1 =	vld [tilespmem:$0x1FBD0];
	_ =	sdelay $0x5  }
0x469: {  	v3 =	vld [tilespmem:$0x1FBE0];
	_ =	sdelay $0x1  }
0x46a: {  	[tilespmem:v1+s15+$0x0] =	vst.idx.msk $0xffff, v2  }
0x46b: {  	v1 =	vld [tilespmem:$0x8020];
	_ =	sdelay $0x3  }
0x46c: {  	v2 =	vld [tilespmem:$0x8030]  }
0x46d: {  	[tilespmem:v3+s15+$0x0] =	vst.idx.msk $0xffff, v1;
	v1 =	vld [tilespmem:$0x1FBF0];
	_ =	sdelay $0x5  }
0x46e: {  	v3 =	vld [tilespmem:$0x1FC00];
	_ =	sdelay $0x1  }
0x46f: {  	[tilespmem:v1+s15+$0x0] =	vst.idx.msk $0xffff, v2  }
0x470: {  	v1 =	vld [tilespmem:$0x8040];
	_ =	sdelay $0x3  }
0x471: {  	v2 =	vld [tilespmem:$0x8050]  }
0x472: {  	[tilespmem:v3+s15+$0x0] =	vst.idx.msk $0xffff, v1;
	v1 =	vld [tilespmem:$0x1FC10];
	_ =	sdelay $0x5  }
0x473: {  	v3 =	vld [tilespmem:$0x1FC20];
	_ =	sdelay $0x1  }
0x474: {  	[tilespmem:v1+s15+$0x0] =	vst.idx.msk $0xffff, v2  }
0x475: {  	v1 =	vld [tilespmem:$0x8060];
	_ =	sdelay $0x3  }
0x476: {  	v2 =	vld [tilespmem:$0x8070]  }
0x477: {  	[tilespmem:v3+s15+$0x0] =	vst.idx.msk $0xffff, v1;
	v1 =	vld [tilespmem:$0x1FC30];
	_ =	sdelay $0x5  }
0x478: {  	v3 =	vld [tilespmem:$0x1FC40];
	_ =	sdelay $0x1  }
0x479: {  	[tilespmem:v1+s15+$0x0] =	vst.idx.msk $0xffff, v2  }
0x47a: {  	v1 =	vld [tilespmem:$0x8080];
	_ =	sdelay $0x3  }
0x47b: {  	v2 =	vld [tilespmem:$0x8090]  }
0x47c: {  	[tilespmem:v3+s15+$0x0] =	vst.idx.msk $0xffff, v1;
	v1 =	vld [tilespmem:$0x1FC50];
	_ =	sdelay $0x5  }
0x47d: {  	v3 =	vld [tilespmem:$0x1FC60];
	_ =	sdelay $0x1  }
0x47e: {  	[tilespmem:v1+s15+$0x0] =	vst.idx.msk $0xffff, v2  }
0x47f: {  	v1 =	vld [tilespmem:$0x80A0];
	_ =	sdelay $0x3  }
0x480: {  	v2 =	vld [tilespmem:$0x80B0]  }
0x481: {  	[tilespmem:v3+s15+$0x0] =	vst.idx.msk $0xffff, v1;
	v1 =	vld [tilespmem:$0x1FC70];
	_ =	sdelay $0x5  }
0x482: {  	v3 =	vld [tilespmem:$0x1FC80];
	_ =	sdelay $0x1  }
0x483: {  	[tilespmem:v1+s15+$0x0] =	vst.idx.msk $0xffff, v2  }
0x484: {  	v1 =	vld [tilespmem:$0x80C0];
	_ =	sdelay $0x3  }
0x485: {  	v2 =	vld [tilespmem:$0x80D0]  }
0x486: {  	[tilespmem:v3+s15+$0x0] =	vst.idx.msk $0xffff, v1;
	v1 =	vld [tilespmem:$0x1FC90];
	_ =	sdelay $0x5  }
0x487: {  	v3 =	vld [tilespmem:$0x1FCA0];
	_ =	sdelay $0x1  }
0x488: {  	[tilespmem:v1+s15+$0x0] =	vst.idx.msk $0xffff, v2  }
0x489: {  	v1 =	vld [tilespmem:$0x80E0];
	_ =	sdelay $0x3  }
0x48a: {  	v2 =	vld [tilespmem:$0x80F0]  }
0x48b: {  	[tilespmem:v3+s15+$0x0] =	vst.idx.msk $0xffff, v1;
	v1 =	vld [tilespmem:$0x1FCB0];
	_ =	sdelay $0x5  }
0x48c: {  	v3 =	vld [tilespmem:$0x1FCC0];
	_ =	sdelay $0x1  }
0x48d: {  	[tilespmem:v1+s15+$0x0] =	vst.idx.msk $0xffff, v2  }
0x48e: {  	v1 =	vld [tilespmem:$0x8100];
	_ =	sdelay $0x3  }
0x48f: {  	v2 =	vld [tilespmem:$0x8110]  }
0x490: {  	[tilespmem:v3+s15+$0x0] =	vst.idx.msk $0xffff, v1;
	v1 =	vld [tilespmem:$0x1FCD0];
	_ =	sdelay $0x5  }
0x491: {  	v3 =	vld [tilespmem:$0x1FCE0];
	_ =	sdelay $0x1  }
0x492: {  	[tilespmem:v1+s15+$0x0] =	vst.idx.msk $0xffff, v2  }
0x493: {  	v1 =	vld [tilespmem:$0x8120];
	_ =	sdelay $0x3  }
0x494: {  	v2 =	vld [tilespmem:$0x8130]  }
0x495: {  	[tilespmem:v3+s15+$0x0] =	vst.idx.msk $0xffff, v1;
	v1 =	vld [tilespmem:$0x1FCF0];
	_ =	sdelay $0x5  }
0x496: {  	v3 =	vld [tilespmem:$0x1FD00];
	_ =	sdelay $0x1  }
0x497: {  	[tilespmem:v1+s15+$0x0] =	vst.idx.msk $0xffff, v2  }
0x498: {  	v1 =	vld [tilespmem:$0x8140];
	_ =	sdelay $0x3  }
0x499: {  	v2 =	vld [tilespmem:$0x8150]  }
0x49a: {  	[tilespmem:v3+s15+$0x0] =	vst.idx.msk $0xffff, v1;
	v1 =	vld [tilespmem:$0x1FD10];
	_ =	sdelay $0x5  }
0x49b: {  	v3 =	vld [tilespmem:$0x1FD20];
	_ =	sdelay $0x1  }
0x49c: {  	[tilespmem:v1+s15+$0x0] =	vst.idx.msk $0xffff, v2  }
0x49d: {  	v1 =	vld [tilespmem:$0x8160];
	_ =	sdelay $0x3  }
0x49e: {  	v2 =	vld [tilespmem:$0x8170]  }
0x49f: {  	[tilespmem:v3+s15+$0x0] =	vst.idx.msk $0xffff, v1;
	v1 =	vld [tilespmem:$0x1FD30];
	_ =	sdelay $0x5  }
0x4a0: {  	v3 =	vld [tilespmem:$0x1FD40];
	_ =	sdelay $0x1  }
0x4a1: {  	[tilespmem:v1+s15+$0x0] =	vst.idx.msk $0xffff, v2  }
0x4a2: {  	v1 =	vld [tilespmem:$0x8180];
	_ =	sdelay $0x3  }
0x4a3: {  	v2 =	vld [tilespmem:$0x8190]  }
0x4a4: {  	[tilespmem:v3+s15+$0x0] =	vst.idx.msk $0xffff, v1;
	v1 =	vld [tilespmem:$0x1FD50];
	_ =	sdelay $0x5  }
0x4a5: {  	v3 =	vld [tilespmem:$0x1FD60];
	_ =	sdelay $0x1  }
0x4a6: {  	[tilespmem:v1+s15+$0x0] =	vst.idx.msk $0xffff, v2  }
0x4a7: {  	v1 =	vld [tilespmem:$0x81A0];
	_ =	sdelay $0x3  }
0x4a8: {  	v2 =	vld [tilespmem:$0x81B0]  }
0x4a9: {  	[tilespmem:v3+s15+$0x0] =	vst.idx.msk $0xffff, v1;
	v1 =	vld [tilespmem:$0x1FD70];
	_ =	sdelay $0x5  }
0x4aa: {  	v3 =	vld [tilespmem:$0x1FD80];
	_ =	sdelay $0x1  }
0x4ab: {  	[tilespmem:v1+s15+$0x0] =	vst.idx.msk $0xffff, v2  }
0x4ac: {  	v1 =	vld [tilespmem:$0x81C0];
	_ =	sdelay $0x3  }
0x4ad: {  	v2 =	vld [tilespmem:$0x81D0]  }
0x4ae: {  	[tilespmem:v3+s15+$0x0] =	vst.idx.msk $0xffff, v1;
	v1 =	vld [tilespmem:$0x1FD90];
	_ =	sdelay $0x5  }
0x4af: {  	v3 =	vld [tilespmem:$0x1FDA0];
	_ =	sdelay $0x1  }
0x4b0: {  	[tilespmem:v1+s15+$0x0] =	vst.idx.msk $0xffff, v2  }
0x4b1: {  	v1 =	vld [tilespmem:$0x81E0];
	_ =	sdelay $0x3  }
0x4b2: {  	v2 =	vld [tilespmem:$0x81F0]  }
0x4b3: {  	[tilespmem:v3+s15+$0x0] =	vst.idx.msk $0xffff, v1;
	v1 =	vld [tilespmem:$0x1FDB0];
	_ =	sdelay $0x5  }
0x4b4: {  	v3 =	vld [tilespmem:$0x1FDC0];
	_ =	sdelay $0x1  }
0x4b5: {  	[tilespmem:v1+s15+$0x0] =	vst.idx.msk $0xffff, v2  }
0x4b6: {  	v1 =	vld [tilespmem:$0x8200];
	_ =	sdelay $0x3  }
0x4b7: {  	v2 =	vld [tilespmem:$0x8210]  }
0x4b8: {  	[tilespmem:v3+s15+$0x0] =	vst.idx.msk $0xffff, v1;
	v1 =	vld [tilespmem:$0x1FDD0];
	_ =	sdelay $0x5  }
0x4b9: {  	v3 =	vld [tilespmem:$0x1FDE0];
	_ =	sdelay $0x1  }
0x4ba: {  	[tilespmem:v1+s15+$0x0] =	vst.idx.msk $0xffff, v2  }
0x4bb: {  	v1 =	vld [tilespmem:$0x8220];
	_ =	sdelay $0x3  }
0x4bc: {  	v2 =	vld [tilespmem:$0x8230]  }
0x4bd: {  	[tilespmem:v3+s15+$0x0] =	vst.idx.msk $0xffff, v1;
	v1 =	vld [tilespmem:$0x1FDF0];
	_ =	sdelay $0x5  }
0x4be: {  	v3 =	vld [tilespmem:$0x1FE00];
	_ =	sdelay $0x1  }
0x4bf: {  	[tilespmem:v1+s15+$0x0] =	vst.idx.msk $0xffff, v2  }
0x4c0: {  	v1 =	vld [tilespmem:$0x8240];
	_ =	sdelay $0x3  }
0x4c1: {  	v2 =	vld [tilespmem:$0x8250]  }
0x4c2: {  	[tilespmem:v3+s15+$0x0] =	vst.idx.msk $0xffff, v1;
	v1 =	vld [tilespmem:$0x1FE10];
	_ =	sdelay $0x5  }
0x4c3: {  	v3 =	vld [tilespmem:$0x1FE20];
	_ =	sdelay $0x1  }
0x4c4: {  	[tilespmem:v1+s15+$0x0] =	vst.idx.msk $0xffff, v2  }
0x4c5: {  	v1 =	vld [tilespmem:$0x8260];
	_ =	sdelay $0x3  }
0x4c6: {  	v2 =	vld [tilespmem:$0x8270]  }
0x4c7: {  	[tilespmem:v3+s15+$0x0] =	vst.idx.msk $0xffff, v1;
	v1 =	vld [tilespmem:$0x1FE30];
	_ =	sdelay $0x5  }
0x4c8: {  	v3 =	vld [tilespmem:$0x1FE40];
	_ =	sdelay $0x1  }
0x4c9: {  	[tilespmem:v1+s15+$0x0] =	vst.idx.msk $0xffff, v2  }
0x4ca: {  	v1 =	vld [tilespmem:$0x8280];
	_ =	sdelay $0x3  }
0x4cb: {  	v2 =	vld [tilespmem:$0x8290]  }
0x4cc: {  	[tilespmem:v3+s15+$0x0] =	vst.idx.msk $0xffff, v1;
	v1 =	vld [tilespmem:$0x1FE50];
	_ =	sdelay $0x5  }
0x4cd: {  	v3 =	vld [tilespmem:$0x1FE60];
	_ =	sdelay $0x1  }
0x4ce: {  	[tilespmem:v1+s15+$0x0] =	vst.idx.msk $0xffff, v2  }
0x4cf: {  	v1 =	vld [tilespmem:$0x82A0];
	_ =	sdelay $0x3  }
0x4d0: {  	v2 =	vld [tilespmem:$0x82B0]  }
0x4d1: {  	[tilespmem:v3+s15+$0x0] =	vst.idx.msk $0xffff, v1;
	v1 =	vld [tilespmem:$0x1FE70];
	_ =	sdelay $0x5  }
0x4d2: {  	v3 =	vld [tilespmem:$0x1FE80];
	_ =	sdelay $0x1  }
0x4d3: {  	[tilespmem:v1+s15+$0x0] =	vst.idx.msk $0xffff, v2  }
0x4d4: {  	v1 =	vld [tilespmem:$0x82C0];
	_ =	sdelay $0x3  }
0x4d5: {  	v2 =	vld [tilespmem:$0x82D0]  }
0x4d6: {  	[tilespmem:v3+s15+$0x0] =	vst.idx.msk $0xffff, v1;
	v1 =	vld [tilespmem:$0x1FE90];
	_ =	sdelay $0x5  }
0x4d7: {  	v3 =	vld [tilespmem:$0x1FEA0];
	_ =	sdelay $0x1  }
0x4d8: {  	[tilespmem:v1+s15+$0x0] =	vst.idx.msk $0xffff, v2  }
0x4d9: {  	v1 =	vld [tilespmem:$0x82E0];
	_ =	sdelay $0x3  }
0x4da: {  	v2 =	vld [tilespmem:$0x82F0]  }
0x4db: {  	[tilespmem:v3+s15+$0x0] =	vst.idx.msk $0xffff, v1;
	v1 =	vld [tilespmem:$0x1FEB0];
	_ =	sdelay $0x5  }
0x4dc: {  	v3 =	vld [tilespmem:$0x1FEC0];
	_ =	sdelay $0x1  }
0x4dd: {  	[tilespmem:v1+s15+$0x0] =	vst.idx.msk $0xffff, v2  }
0x4de: {  	v1 =	vld [tilespmem:$0x8300];
	_ =	sdelay $0x3  }
0x4df: {  	v2 =	vld [tilespmem:$0x8310]  }
0x4e0: {  	[tilespmem:v3+s15+$0x0] =	vst.idx.msk $0xffff, v1;
	v1 =	vld [tilespmem:$0x1FED0];
	_ =	sdelay $0x5  }
0x4e1: {  	v3 =	vld [tilespmem:$0x1FEE0];
	_ =	sdelay $0x1  }
0x4e2: {  	[tilespmem:v1+s15+$0x0] =	vst.idx.msk $0xffff, v2  }
0x4e3: {  	v1 =	vld [tilespmem:$0x8320];
	_ =	sdelay $0x3  }
0x4e4: {  	v2 =	vld [tilespmem:$0x8330]  }
0x4e5: {  	[tilespmem:v3+s15+$0x0] =	vst.idx.msk $0xffff, v1;
	v1 =	vld [tilespmem:$0x1FEF0];
	_ =	sdelay $0x5  }
0x4e6: {  	v3 =	vld [tilespmem:$0x1FF00];
	_ =	sdelay $0x1  }
0x4e7: {  	[tilespmem:v1+s15+$0x0] =	vst.idx.msk $0xffff, v2  }
0x4e8: {  	v1 =	vld [tilespmem:$0x8340];
	_ =	sdelay $0x3  }
0x4e9: {  	v2 =	vld [tilespmem:$0x8350]  }
0x4ea: {  	[tilespmem:v3+s15+$0x0] =	vst.idx.msk $0xffff, v1;
	v1 =	vld [tilespmem:$0x1FF10];
	_ =	sdelay $0x5  }
0x4eb: {  	v3 =	vld [tilespmem:$0x1FF20];
	_ =	sdelay $0x1  }
0x4ec: {  	[tilespmem:v1+s15+$0x0] =	vst.idx.msk $0xffff, v2  }
0x4ed: {  	v1 =	vld [tilespmem:$0x8360];
	_ =	sdelay $0x3  }
0x4ee: {  	v2 =	vld [tilespmem:$0x8370]  }
0x4ef: {  	[tilespmem:v3+s15+$0x0] =	vst.idx.msk $0xffff, v1;
	v1 =	vld [tilespmem:$0x1FF30];
	_ =	sdelay $0x5  }
0x4f0: {  	v3 =	vld [tilespmem:$0x1FF40];
	_ =	sdelay $0x1  }
0x4f1: {  	[tilespmem:v1+s15+$0x0] =	vst.idx.msk $0xffff, v2  }
0x4f2: {  	v1 =	vld [tilespmem:$0x8380];
	_ =	sdelay $0x3  }
0x4f3: {  	v2 =	vld [tilespmem:$0x8390]  }
0x4f4: {  	[tilespmem:v3+s15+$0x0] =	vst.idx.msk $0xffff, v1;
	v1 =	vld [tilespmem:$0x1FF50];
	_ =	sdelay $0x5  }
0x4f5: {  	v3 =	vld [tilespmem:$0x1FF60];
	_ =	sdelay $0x1  }
0x4f6: {  	[tilespmem:v1+s15+$0x0] =	vst.idx.msk $0xffff, v2  }
0x4f7: {  	v1 =	vld [tilespmem:$0x83A0];
	_ =	sdelay $0x3  }
0x4f8: {  	v2 =	vld [tilespmem:$0x83B0]  }
0x4f9: {  	[tilespmem:v3+s15+$0x0] =	vst.idx.msk $0xffff, v1;
	v1 =	vld [tilespmem:$0x1FF70];
	_ =	sdelay $0x5  }
0x4fa: {  	v3 =	vld [tilespmem:$0x1FF80];
	_ =	sdelay $0x1  }
0x4fb: {  	[tilespmem:v1+s15+$0x0] =	vst.idx.msk $0xffff, v2  }
0x4fc: {  	v1 =	vld [tilespmem:$0x83C0];
	_ =	sdelay $0x3  }
0x4fd: {  	v2 =	vld [tilespmem:$0x83D0]  }
0x4fe: {  	[tilespmem:v3+s15+$0x0] =	vst.idx.msk $0xffff, v1;
	v1 =	vld [tilespmem:$0x1FF90];
	_ =	sdelay $0x5  }
0x4ff: {  	v3 =	vld [tilespmem:$0x1FFA0];
	_ =	sdelay $0x1  }
0x500: {  	[tilespmem:v1+s15+$0x0] =	vst.idx.msk $0xffff, v2  }
0x501: {  	v1 =	vld [tilespmem:$0x83E0];
	_ =	sdelay $0x3  }
0x502: {  	v2 =	vld [tilespmem:$0x83F0]  }
0x503: {  	[tilespmem:v3+s15+$0x0] =	vst.idx.msk $0xffff, v1;
	v1 =	vld [tilespmem:$0x1FFB0];
	_ =	sdelay $0x5  }
0x504: {  	s25 =	sand.u32 @!p1 $0x3F800, s19;
	s24 =	sadd.s32 @!p1 $0x180, s21  }
0x505: {  	s25 =	sshrl.u32 @!p1 s25, $0x2;
	s24 =	sand.u32 @!p1 $0x180, s24  }
0x506: {  	s24 =	sor.u32 @!p1 s24, s25;
	s25 =	simm.s32 @!p1 $0x7400;
	[tilespmem:v1+s15+$0x0] =	vst.idx.msk $0xffff, v2  }
0x507: {  	[tilespmem:s25], [sflag:$0x2] =	stream.indirect.gather @!p1 [hbm4b:s3+s23], $0x20, s24, s23, $0xb8;
	[tilespmem:$0xA600] =	vst v63  }
0x508: {  	s30 =	sadd.s32 $0x80, s22;
	s31 =	sld [smem:$0x7DF]  }
0x509: {  	[hbm4b:s30+s2] =	stream.linear.scatter [tilespmem:s15], [sflag:$0x4], $0x80, $0x38;
	[tilespmem:$0xA600] =	vst v63  }
0x50a: {  	s26 =	sld [smem:$0x7E0];
	s25 =	sadd.s32 $0x90, s22  }
0x50b: {  	[hbm4b:s25+s2] =	stream.linear.scatter [tilespmem:s31], [sflag:$0x4], $0x80, $0x38;
	[tilespmem:$0xA600] =	vst v63  }
0x50c: {  	s28 =	sadd.s32 $0xA0, s22;
	s29 =	sld [smem:$0x7E1]  }
0x50d: {  	[hbm4b:s28+s2] =	stream.linear.scatter [tilespmem:s26], [sflag:$0x4], $0x80, $0x38;
	[tilespmem:$0xA600] =	vst v63  }
0x50e: {  	s30 =	sadd.s32 $0xB0, s22;
	s31 =	sld [smem:$0x7E2]  }
0x50f: {  	[hbm4b:s30+s2] =	stream.linear.scatter [tilespmem:s29], [sflag:$0x4], $0x80, $0x38;
	[tilespmem:$0xA600] =	vst v63  }
0x510: {  	s24 =	sadd.s32 $0xC0, s22;
	s26 =	sld [smem:$0x7E3]  }
0x511: {  	[hbm4b:s24+s2] =	stream.linear.scatter [tilespmem:s31], [sflag:$0x4], $0x80, $0x38;
	[tilespmem:$0xA600] =	vst v63  }
0x512: {  	s28 =	sadd.s32 $0xD0, s22;
	s29 =	sld [smem:$0x7E4]  }
0x513: {  	[hbm4b:s28+s2] =	stream.linear.scatter [tilespmem:s26], [sflag:$0x4], $0x80, $0x38;
	[tilespmem:$0xA600] =	vst v63  }
0x514: {  	s30 =	sadd.s32 $0xE0, s22;
	s31 =	sld [smem:$0x7E5]  }
0x515: {  	[hbm4b:s30+s2] =	stream.linear.scatter [tilespmem:s29], [sflag:$0x4], $0x80, $0x38;
	[tilespmem:$0xA600] =	vst v63  }
0x516: {  	s25 =	sadd.s32 $0xF0, s22;
	s26 =	sld [smem:$0x7E6]  }
0x517: {  	[hbm4b:s25+s2] =	stream.linear.scatter [tilespmem:s31], [sflag:$0x4], $0x80, $0x38;
	[tilespmem:$0xA600] =	vst v63  }
0x518: {  	s28 =	sadd.s32 $0x4080, s22;
	s29 =	sld [smem:$0x7E7]  }
0x519: {  	[hbm4b:s28+s2] =	stream.linear.scatter [tilespmem:s26], [sflag:$0x4], $0x80, $0x38;
	[tilespmem:$0xA600] =	vst v63  }
0x51a: {  	s30 =	sadd.s32 $0x4090, s22;
	s31 =	sld [smem:$0x7E8]  }
0x51b: {  	[hbm4b:s30+s2] =	stream.linear.scatter [tilespmem:s29], [sflag:$0x4], $0x80, $0x38;
	[tilespmem:$0xA600] =	vst v63  }
0x51c: {  	s24 =	sadd.s32 $0x40A0, s22;
	s26 =	sld [smem:$0x7E9]  }
0x51d: {  	[hbm4b:s24+s2] =	stream.linear.scatter [tilespmem:s31], [sflag:$0x4], $0x80, $0x38;
	[tilespmem:$0xA600] =	vst v63  }
0x51e: {  	s28 =	sadd.s32 $0x40B0, s22;
	s29 =	sld [smem:$0x7EA]  }
0x51f: {  	[hbm4b:s28+s2] =	stream.linear.scatter [tilespmem:s26], [sflag:$0x4], $0x80, $0x38;
	[tilespmem:$0xA600] =	vst v63  }
0x520: {  	s30 =	sadd.s32 $0x40C0, s22;
	s31 =	sld [smem:$0x7EB]  }
0x521: {  	[hbm4b:s30+s2] =	stream.linear.scatter [tilespmem:s29], [sflag:$0x4], $0x80, $0x38;
	[tilespmem:$0xA600] =	vst v63  }
0x522: {  	s25 =	sadd.s32 $0x40D0, s22;
	s26 =	sld [smem:$0x7EC]  }
0x523: {  	[hbm4b:s25+s2] =	stream.linear.scatter [tilespmem:s31], [sflag:$0x4], $0x80, $0x38;
	[tilespmem:$0xA600] =	vst v63  }
0x524: {  	s28 =	sadd.s32 $0x40E0, s22;
	s29 =	sld [smem:$0x7ED]  }
0x525: {  	[hbm4b:s28+s2] =	stream.linear.scatter [tilespmem:s26], [sflag:$0x4], $0x80, $0x38;
	[tilespmem:$0xA600] =	vst v63  }
0x526: {  	s30 =	sadd.s32 $0x40F0, s22;
	s31 =	sld [smem:$0x7EE]  }
0x527: {  	[hbm4b:s30+s2] =	stream.linear.scatter [tilespmem:s29], [sflag:$0x4], $0x80, $0x38;
	[tilespmem:$0xA600] =	vst v63  }
0x528: {  	s24 =	sadd.s32 $0x8080, s22;
	s26 =	sld [smem:$0x7EF]  }
0x529: {  	[hbm4b:s24+s2] =	stream.linear.scatter [tilespmem:s31], [sflag:$0x4], $0x80, $0x38;
	[tilespmem:$0xA600] =	vst v63  }
0x52a: {  	s28 =	sadd.s32 $0x8090, s22;
	s29 =	sld [smem:$0x7F0]  }
0x52b: {  	[hbm4b:s28+s2] =	stream.linear.scatter [tilespmem:s26], [sflag:$0x4], $0x80, $0x38;
	[tilespmem:$0xA600] =	vst v63  }
0x52c: {  	s30 =	sadd.s32 $0x80A0, s22;
	s31 =	sld [smem:$0x7F1]  }
0x52d: {  	[hbm4b:s30+s2] =	stream.linear.scatter [tilespmem:s29], [sflag:$0x4], $0x80, $0x38;
	[tilespmem:$0xA600] =	vst v63  }
0x52e: {  	s25 =	sadd.s32 $0x80B0, s22;
	s26 =	sld [smem:$0x7F2]  }
0x52f: {  	[hbm4b:s25+s2] =	stream.linear.scatter [tilespmem:s31], [sflag:$0x4], $0x80, $0x38;
	[tilespmem:$0xA600] =	vst v63  }
0x530: {  	s28 =	sadd.s32 $0x80C0, s22;
	s29 =	sld [smem:$0x7F3]  }
0x531: {  	[hbm4b:s28+s2] =	stream.linear.scatter [tilespmem:s26], [sflag:$0x4], $0x80, $0x38;
	[tilespmem:$0xA600] =	vst v63  }
0x532: {  	s30 =	sadd.s32 $0x80D0, s22;
	s31 =	sld [smem:$0x7F4]  }
0x533: {  	[hbm4b:s30+s2] =	stream.linear.scatter [tilespmem:s29], [sflag:$0x4], $0x80, $0x38;
	[tilespmem:$0xA600] =	vst v63  }
0x534: {  	s24 =	sadd.s32 $0x80E0, s22;
	s26 =	sld [smem:$0x7F5]  }
0x535: {  	[hbm4b:s24+s2] =	stream.linear.scatter [tilespmem:s31], [sflag:$0x4], $0x80, $0x38;
	[tilespmem:$0xA600] =	vst v63  }
0x536: {  	s28 =	sadd.s32 $0x80F0, s22;
	s29 =	sld [smem:$0x7F6]  }
0x537: {  	[hbm4b:s28+s2] =	stream.linear.scatter [tilespmem:s26], [sflag:$0x4], $0x80, $0x38;
	[tilespmem:$0xA600] =	vst v63  }
0x538: {  	s30 =	sadd.s32 $0xC080, s22;
	s31 =	sld [smem:$0x7F7]  }
0x539: {  	[hbm4b:s30+s2] =	stream.linear.scatter [tilespmem:s29], [sflag:$0x4], $0x80, $0x38;
	[tilespmem:$0xA600] =	vst v63  }
0x53a: {  	s25 =	sadd.s32 $0xC090, s22;
	s26 =	sld [smem:$0x7F8]  }
0x53b: {  	[hbm4b:s25+s2] =	stream.linear.scatter [tilespmem:s31], [sflag:$0x4], $0x80, $0x38;
	[tilespmem:$0xA600] =	vst v63  }
0x53c: {  	s28 =	sadd.s32 $0xC0A0, s22;
	s29 =	sld [smem:$0x7F9]  }
0x53d: {  	[hbm4b:s28+s2] =	stream.linear.scatter [tilespmem:s26], [sflag:$0x4], $0x80, $0x38;
	[tilespmem:$0xA600] =	vst v63  }
0x53e: {  	s30 =	sadd.s32 $0xC0B0, s22;
	s31 =	sld [smem:$0x7FA]  }
0x53f: {  	[hbm4b:s30+s2] =	stream.linear.scatter [tilespmem:s29], [sflag:$0x4], $0x80, $0x38;
	[tilespmem:$0xA600] =	vst v63  }
0x540: {  	s21 =	sadd.s32 $0x100, s21;
	s24 =	sadd.s32 $0xC0C0, s22;
	s26 =	sld [smem:$0x7FB]  }
0x541: {  	[hbm4b:s24+s2] =	stream.linear.scatter [tilespmem:s31], [sflag:$0x4], $0x80, $0x38;
	[tilespmem:$0xA600] =	vst v63  }
0x542: {  	p0 =	sne.s32 s21, $0x6400;
	s28 =	sadd.s32 $0xC0D0, s22;
	s29 =	sld [smem:$0x7FC]  }
0x543: {  	[hbm4b:s28+s2] =	stream.linear.scatter [tilespmem:s26], [sflag:$0x4], $0x80, $0x38;
	[tilespmem:$0xA600] =	vst v63  }
.Ltmp0:
0x544: {  	_ = 	snop;
	(pc) =	sbr.rel @p0 .LBB2_2-.Ltmp0, $4  }
0x545: {  	s30 =	sadd.s32 $0xC0E0, s22;
	s31 =	sld [smem:$0x7FD]  }
0x546: {  	[hbm4b:s30+s2] =	stream.linear.scatter [tilespmem:s29], [sflag:$0x4], $0x80, $0x38;
	[tilespmem:$0xA600] =	vst v63  }
0x547: {  	s20 =	sadd.s32 $0x8000, s20;
	s19 =	sadd.s32 $0x400, s19;
	v4 =	vld [tilespmem:$0x1FFF0];
	s22 =	sadd.s32 $0xC0F0, s22  }
0x548: {  	v3 =	vld [tilespmem:$0x1FFE0];
	[hbm4b:s22+s2] =	stream.linear.scatter [tilespmem:s31], [sflag:$0x4], $0x80, $0x38  }
0x549: {  	s18 =	sadd.s32 $0x1, s18  }
0x54a: {  	_ =	swait.ge [sflag:s16], $0x1000;
	p0 =	sne.s32 s18, s5  }
.Ltmp1:
0x54b: {  	[sflag:s16] =	ssyncset.done $0x0;
	(pc) =	sbr.rel @p0 .LBB2_1-.Ltmp1, $4  }
0x54c: {  	[sflag:s16] =	ssyncadd.s32 $0xFFFFF000  }
0x54d: {  	_ =	swait.ge [sflag:s17], $0x1000  }
0x54e: {  	[sflag:s17] =	ssyncset.done $0x0  }
0x54f: {  	[sflag:s17] =	ssyncadd.s32 $0xFFFFF000  }
0x550: {  	_ =	sfence.sel $0x180000  }
0x551: {  	[bflag:$0x0] =	sbarrier.arrive $0xFFFF  }
0x552: {  	p0 =	sne.s32 s1, $0x0;
	_ =	strace $0x90000047  }
0x553: {  	s0 =	sadd.s32 @!p0 $0x100000, s0;
	[bflag:$0x2] =	sbarrier.arrive $0xFFFF  }
0x554: {  	[sflag:s0] =	ssyncadd.tile.s32 @!p0 $0x1;
	_ =	shalt  }
.Lfunc_end2:
_tile_overlayer_lowered:
.L_overlay_start_2:
0x555: {  	(tag) =	ssettag $0x2  }
0x556: {  	s0 =	rddreg [dreg:$0x0];
	s2 =	stileid.u32  }
0x557: {  	s1 =	rddreg [dreg:$0x1];
	p0 =	sne.s32 s2, $0x0  }
0x558: {  	s3 =	rddreg [dreg:$0x2];
	[bflag:$0x3] =	sbarrier.arrive $0xFFFF;
	s2 =	simm.s32 @!p0 $0x1C05  }
0x559: {  	[timem:s3], [sflag:s2] =	dma.local @!p0 [hbm:s0], s1  }
0x55a: {  	s0 =	simm.s32 @!p0 $0x5  }
0x55b: {  	_ =	swait.ge @!p0 [sflag:s0], s1  }
0x55c: {  	s1 =	ssub.s32 @!p0 $0x0, s1;
	[sflag:s0] =	ssyncset.done @!p0 $0x0  }
0x55d: {  	[sflag:s0] =	ssyncadd.s32 @!p0 s1  }
0x55e: {  	[bflag:$0x3] =	sbarrier.arrive $0xFFFF  }
0x55f: {  	_ =	shalt  }

</sc_bundles>
